<compile_context>
chip_gen: v7x
topology: tpu7x:2x2x1
jax: 0.10.2.dev20260603
libtpu: 0.0.44.dev20260713+nightly
codegen_flags: <defaults>
</compile_context>

<pallas_src>
import functools

import jax
import jax.numpy as jnp
from jax import lax
from jax.experimental import pallas as pl
from jax.experimental.pallas import tpu as pltpu
from jax.experimental.pallas import tpu_sc as plsc

B = 4096
D = 8192
L = 16
NC = 2
NS = 16
NW = NC * NS
BPW = B // NW
NSLOT = 4
UNROLL = 4

_mesh = plsc.VectorSubcoreMesh(core_axis_name="c", subcore_axis_name="s")


def _row_dot(a_ref, w_ref):
    def inner(j, accs):
        base = j * (4 * UNROLL * L)
        new = []
        for q in range(4):
            acc = accs[q]
            for u in range(UNROLL):
                off = base + (q * UNROLL + u) * L
                acc = acc + a_ref[0, pl.ds(off, L)] * w_ref[0, pl.ds(off, L)]
            new.append(acc)
        return tuple(new)

    zeros = jnp.zeros((L,), jnp.float32)
    accs = lax.fori_loop(0, D // (4 * UNROLL * L), inner,
                         (zeros, zeros, zeros, zeros))
    return (accs[0] + accs[1]) + (accs[2] + accs[3])


@functools.partial(
    pl.kernel,
    mesh=_mesh,
    out_type=jax.ShapeDtypeStruct((B,), jnp.float32),
    compiler_params=pltpu.CompilerParams(needs_layout_passes=False),
    scratch_types=[
        pltpu.VMEM((BPW, 1), jnp.int32),
        pltpu.VMEM((BPW, 1), jnp.int32),
        [pltpu.VMEM((1, D), jnp.float32) for _ in range(NSLOT)],
        [pltpu.VMEM((1, D), jnp.float32) for _ in range(NSLOT)],
        pltpu.VMEM((BPW,), jnp.float32),
        pltpu.VMEM((L, L), jnp.float32),
        [pltpu.SemaphoreType.DMA for _ in range(NSLOT)],
        [pltpu.SemaphoreType.DMA for _ in range(NSLOT)],
    ],
)
def _slim_body(user_hbm, item_hbm, a_hbm, w_hbm, out_hbm,
               uidx, iidx, a_bufs, w_bufs, res, acc_buf, sems_a, sems_w):
    wid = lax.axis_index("s") * NC + lax.axis_index("c")
    pltpu.sync_copy(user_hbm.at[pl.ds(wid * BPW, BPW)], uidx)
    pltpu.sync_copy(item_hbm.at[pl.ds(wid * BPW, BPW)], iidx)

    lane_iota = lax.iota(jnp.int32, L)

    def start(e, slot):
        pltpu.async_copy(a_hbm.at[uidx.at[e]], a_bufs[slot], sems_a[slot])
        pltpu.async_copy(w_hbm.at[iidx.at[e]], w_bufs[slot], sems_w[slot])

    def wait(e, slot):
        pltpu.make_async_copy(
            a_hbm.at[uidx.at[e]], a_bufs[slot], sems_a[slot]).wait()
        pltpu.make_async_copy(
            w_hbm.at[iidx.at[e]], w_bufs[slot], sems_w[slot]).wait()

    for s in range(NSLOT):
        start(s, s)

    def group_body(g, carry):
        for c in range(L):
            slot = c % NSLOT
            e = g * L + c
            wait(e, slot)
            acc_buf[c] = _row_dot(a_bufs[slot], w_bufs[slot])

            @pl.when(e + NSLOT < BPW)
            def _():
                start(e + NSLOT, slot)

        totals = jnp.zeros((L,), jnp.float32)
        for c in range(L):
            col_idx = jnp.full((L,), c, jnp.int32)
            totals = totals + plsc.load_gather(acc_buf, [lane_iota, col_idx])
        res[pl.ds(g * L, L)] = totals
        return carry

    lax.fori_loop(0, BPW // L, group_body, 0)
    pltpu.sync_copy(res, out_hbm.at[pl.ds(wid * BPW, BPW)])


def kernel(user, item, A, W):
    user2 = user.astype(jnp.int32).reshape(B, 1)
    item2 = item.astype(jnp.int32).reshape(B, 1)
    return _slim_body(user2, item2, A, W)

# --- scband reference (transcript-rebuilt; emitter-appended) ---
"""Pipeline reference for scband-point-sli-m-5308579578066 (READ-ONLY COPY).

The authoritative reference and input builder live on the scoring server;
editing this copy changes nothing except your own understanding.
"""

import jax, jax.numpy as jnp
import numpy as np

USER_NUM = 10000
ITEM_NUM = 8192
BATCH = 4096


def setup_inputs(seed: int = 0) -> dict:
    key = jax.random.key(seed)
    k1, k2, k3, k4 = jax.random.split(key, 4)
    user = jax.random.randint(k1, (BATCH,), 0, USER_NUM)
    item = jax.random.randint(k2, (BATCH,), 0, ITEM_NUM)
    # Binary user-item interaction matrix A (built from `data` in the torch module;
    # here a sparse-ish random binary matrix with ~2% density).
    A = (jax.random.uniform(k3, (USER_NUM, ITEM_NUM)) < 0.02).astype(jnp.float32)
    # W embedding table init: normal(std=0.01), clamped to >=0, zero diagonal.
    W = jax.random.normal(k4, (ITEM_NUM, ITEM_NUM), dtype=jnp.float32) * 0.01
    W = jnp.clip(W, 0.0, None)
    W = W * (1.0 - jnp.eye(ITEM_NUM, dtype=jnp.float32))
    return {"user": user, "item": item, "A": A, "W": W}


def reference(user, item, A, W):
    # ru = tensor_A[user]  -> row gather from interaction matrix
    ru = jnp.take(A, user, axis=0)
    # wi = self.W(item)    -> embedding lookup (row gather from item-item table)
    wi = jnp.take(W, item, axis=0)
    # pred = (ru * wi).sum(dim=-1)
    pred = jnp.sum(ru * wi, axis=-1)
    return pred

if __name__ == "__main__":
    import jax
    _d = setup_inputs()
    print(jax.jit(kernel)(*tuple(_d.values())))

</pallas_src>

<mosaic_0001>
#map = affine_map<(d0, d1) -> (0, 0)>
#map1 = affine_map<(d0, d1) -> (0)>
module attributes {stable_mosaic.version = 14 : i64} {
  func.func @_slim_body(%arg0: i32, %arg1: i32, %arg2: memref<4096x1xi32, #tpu.memory_space<hbm>>, %arg3: memref<4096x1xi32, #tpu.memory_space<hbm>>, %arg4: memref<10000x8192xf32, #tpu.memory_space<hbm>>, %arg5: memref<8192x8192xf32, #tpu.memory_space<hbm>>, %arg6: memref<4096xf32, #tpu.memory_space<hbm>>, %arg7: memref<128x1xi32, #tpu.memory_space<vmem>>, %arg8: memref<128x1xi32, #tpu.memory_space<vmem>>, %arg9: memref<1x8192xf32, #tpu.memory_space<vmem>>, %arg10: memref<1x8192xf32, #tpu.memory_space<vmem>>, %arg11: memref<1x8192xf32, #tpu.memory_space<vmem>>, %arg12: memref<1x8192xf32, #tpu.memory_space<vmem>>, %arg13: memref<1x8192xf32, #tpu.memory_space<vmem>>, %arg14: memref<1x8192xf32, #tpu.memory_space<vmem>>, %arg15: memref<1x8192xf32, #tpu.memory_space<vmem>>, %arg16: memref<1x8192xf32, #tpu.memory_space<vmem>>, %arg17: memref<128xf32, #tpu.memory_space<vmem>>, %arg18: memref<16x16xf32, #tpu.memory_space<vmem>>, %arg19: memref<!tpu.dma_semaphore, #tpu.memory_space<semaphore_mem>>, %arg20: memref<!tpu.dma_semaphore, #tpu.memory_space<semaphore_mem>>, %arg21: memref<!tpu.dma_semaphore, #tpu.memory_space<semaphore_mem>>, %arg22: memref<!tpu.dma_semaphore, #tpu.memory_space<semaphore_mem>>, %arg23: memref<!tpu.dma_semaphore, #tpu.memory_space<semaphore_mem>>, %arg24: memref<!tpu.dma_semaphore, #tpu.memory_space<semaphore_mem>>, %arg25: memref<!tpu.dma_semaphore, #tpu.memory_space<semaphore_mem>>, %arg26: memref<!tpu.dma_semaphore, #tpu.memory_space<semaphore_mem>>) attributes {dimension_semantics = [#tpu.dimension_semantics<core_parallel>, #tpu.dimension_semantics<subcore_parallel>], iteration_bounds = array<i64: 2, 16>, scalar_prefetch = 0 : i64, scratch_operands = 20 : i64, tpu.core_type = #tpu.core_type<sc_vector_subcore>, window_params = [{transform_indices = #map}, {transform_indices = #map}, {transform_indices = #map}, {transform_indices = #map}, {transform_indices = #map1}]} {
    %mul3A = arith.constant 2 : i32
    %mul3A_0 = arith.muli %arg1, %mul3A : i32
    %add3A = arith.addi %mul3A_0, %arg0 : i32
    %mul3A_1 = arith.constant 128 : i32
    %mul3A_2 = arith.muli %add3A, %mul3A_1 : i32
    "tpu.region"() ({
      %run_scoped3A = tpu.sem_alloc : memref<!tpu.dma_semaphore, #tpu.memory_space<semaphore_mem>>
      %dma_start3A_67 = arith.constant 0 : i32
      %dma_start3A_68 = tpu.memref_slice %arg2[%mul3A_2, %dma_start3A_67] : memref<4096x1xi32, #tpu.memory_space<hbm>> -> memref<128x1xi32, #tpu.memory_space<hbm>>
      %dma_start3A_69 = arith.constant 0 : i32
      %dma_start3A_70 = tpu.memref_slice %arg2[%mul3A_2, %dma_start3A_69] : memref<4096x1xi32, #tpu.memory_space<hbm>> -> memref<128x1xi32, #tpu.memory_space<hbm>>
      tpu.enqueue_dma source(%dma_start3A_70 : memref<128x1xi32, #tpu.memory_space<hbm>>) target(%arg7 : memref<128x1xi32, #tpu.memory_space<vmem>>) target_semaphore(%run_scoped3A : memref<!tpu.dma_semaphore, #tpu.memory_space<semaphore_mem>>)
      %dma_wait3A = arith.constant 0 : i32
      %dma_wait3A_71 = tpu.memref_slice %arg2[%mul3A_2, %dma_wait3A] : memref<4096x1xi32, #tpu.memory_space<hbm>> -> memref<128x1xi32, #tpu.memory_space<hbm>>
      %dma_wait3A_72 = arith.constant 0 : i32
      %dma_wait3A_73 = tpu.memref_slice %arg2[%mul3A_2, %dma_wait3A_72] : memref<4096x1xi32, #tpu.memory_space<hbm>> -> memref<128x1xi32, #tpu.memory_space<hbm>>
      tpu.wait_dma2 semaphore(%run_scoped3A : memref<!tpu.dma_semaphore, #tpu.memory_space<semaphore_mem>>) src(%dma_wait3A_73 : memref<128x1xi32, #tpu.memory_space<hbm>>) dst(%arg7 : memref<128x1xi32, #tpu.memory_space<vmem>>)
      tpu.yield
    }) : () -> ()
    %mul3A_3 = arith.constant 128 : i32
    %mul3A_4 = arith.muli %add3A, %mul3A_3 : i32
    "tpu.region"() ({
      %run_scoped3A = tpu.sem_alloc : memref<!tpu.dma_semaphore, #tpu.memory_space<semaphore_mem>>
      %dma_start3A_67 = arith.constant 0 : i32
      %dma_start3A_68 = tpu.memref_slice %arg3[%mul3A_4, %dma_start3A_67] : memref<4096x1xi32, #tpu.memory_space<hbm>> -> memref<128x1xi32, #tpu.memory_space<hbm>>
      %dma_start3A_69 = arith.constant 0 : i32
      %dma_start3A_70 = tpu.memref_slice %arg3[%mul3A_4, %dma_start3A_69] : memref<4096x1xi32, #tpu.memory_space<hbm>> -> memref<128x1xi32, #tpu.memory_space<hbm>>
      tpu.enqueue_dma source(%dma_start3A_70 : memref<128x1xi32, #tpu.memory_space<hbm>>) target(%arg8 : memref<128x1xi32, #tpu.memory_space<vmem>>) target_semaphore(%run_scoped3A : memref<!tpu.dma_semaphore, #tpu.memory_space<semaphore_mem>>)
      %dma_wait3A = arith.constant 0 : i32
      %dma_wait3A_71 = tpu.memref_slice %arg3[%mul3A_4, %dma_wait3A] : memref<4096x1xi32, #tpu.memory_space<hbm>> -> memref<128x1xi32, #tpu.memory_space<hbm>>
      %dma_wait3A_72 = arith.constant 0 : i32
      %dma_wait3A_73 = tpu.memref_slice %arg3[%mul3A_4, %dma_wait3A_72] : memref<4096x1xi32, #tpu.memory_space<hbm>> -> memref<128x1xi32, #tpu.memory_space<hbm>>
      tpu.wait_dma2 semaphore(%run_scoped3A : memref<!tpu.dma_semaphore, #tpu.memory_space<semaphore_mem>>) src(%dma_wait3A_73 : memref<128x1xi32, #tpu.memory_space<hbm>>) dst(%arg8 : memref<128x1xi32, #tpu.memory_space<vmem>>)
      tpu.yield
    }) : () -> ()
    %iota3A = tpu.iota {dimensions = array<i32: 0>} : vector<16xi32>
    %dma_start3A = arith.constant 0 : i32
    %dma_start3A_5 = arith.constant 0 : i32
    %dma_start3A_6 = tpu.memref_slice %arg7[%dma_start3A, %dma_start3A_5] : memref<128x1xi32, #tpu.memory_space<vmem>> -> memref<1x1xi32, #tpu.memory_space<vmem>>
    %dma_start3A_7 = tpu.memref_squeeze %dma_start3A_6 : memref<1x1xi32, #tpu.memory_space<vmem>> -> memref<1xi32, #tpu.memory_space<vmem>>
    %dma_start3A_8 = arith.constant 0 : i32
    %dma_start3A_9 = arith.constant 0 : i32
    %dma_start3A_10 = tpu.memref_slice %arg4[%dma_start3A_8, %dma_start3A_9] : memref<10000x8192xf32, #tpu.memory_space<hbm>> -> memref<10000x8192xf32, #tpu.memory_space<hbm>>
    tpu.enqueue_indirect_dma source(%dma_start3A_10 : memref<10000x8192xf32, #tpu.memory_space<hbm>>) target(%arg9 : memref<1x8192xf32, #tpu.memory_space<vmem>>) offsets(%dma_start3A_7 : memref<1xi32, #tpu.memory_space<vmem>>) semaphore(%arg19 : memref<!tpu.dma_semaphore, #tpu.memory_space<semaphore_mem>>)
    %dma_start3A_11 = arith.constant 0 : i32
    %dma_start3A_12 = arith.constant 0 : i32
    %dma_start3A_13 = tpu.memref_slice %arg8[%dma_start3A_11, %dma_start3A_12] : memref<128x1xi32, #tpu.memory_space<vmem>> -> memref<1x1xi32, #tpu.memory_space<vmem>>
    %dma_start3A_14 = tpu.memref_squeeze %dma_start3A_13 : memref<1x1xi32, #tpu.memory_space<vmem>> -> memref<1xi32, #tpu.memory_space<vmem>>
    %dma_start3A_15 = arith.constant 0 : i32
    %dma_start3A_16 = arith.constant 0 : i32
    %dma_start3A_17 = tpu.memref_slice %arg5[%dma_start3A_15, %dma_start3A_16] : memref<8192x8192xf32, #tpu.memory_space<hbm>> -> memref<8192x8192xf32, #tpu.memory_space<hbm>>
    tpu.enqueue_indirect_dma source(%dma_start3A_17 : memref<8192x8192xf32, #tpu.memory_space<hbm>>) target(%arg13 : memref<1x8192xf32, #tpu.memory_space<vmem>>) offsets(%dma_start3A_14 : memref<1xi32, #tpu.memory_space<vmem>>) semaphore(%arg23 : memref<!tpu.dma_semaphore, #tpu.memory_space<semaphore_mem>>)
    %dma_start3A_18 = arith.constant 1 : i32
    %dma_start3A_19 = arith.constant 0 : i32
    %dma_start3A_20 = tpu.memref_slice %arg7[%dma_start3A_18, %dma_start3A_19] : memref<128x1xi32, #tpu.memory_space<vmem>> -> memref<1x1xi32, #tpu.memory_space<vmem>>
    %dma_start3A_21 = tpu.memref_squeeze %dma_start3A_20 : memref<1x1xi32, #tpu.memory_space<vmem>> -> memref<1xi32, #tpu.memory_space<vmem>>
    %dma_start3A_22 = arith.constant 0 : i32
    %dma_start3A_23 = arith.constant 0 : i32
    %dma_start3A_24 = tpu.memref_slice %arg4[%dma_start3A_22, %dma_start3A_23] : memref<10000x8192xf32, #tpu.memory_space<hbm>> -> memref<10000x8192xf32, #tpu.memory_space<hbm>>
    tpu.enqueue_indirect_dma source(%dma_start3A_24 : memref<10000x8192xf32, #tpu.memory_space<hbm>>) target(%arg10 : memref<1x8192xf32, #tpu.memory_space<vmem>>) offsets(%dma_start3A_21 : memref<1xi32, #tpu.memory_space<vmem>>) semaphore(%arg20 : memref<!tpu.dma_semaphore, #tpu.memory_space<semaphore_mem>>)
    %dma_start3A_25 = arith.constant 1 : i32
    %dma_start3A_26 = arith.constant 0 : i32
    %dma_start3A_27 = tpu.memref_slice %arg8[%dma_start3A_25, %dma_start3A_26] : memref<128x1xi32, #tpu.memory_space<vmem>> -> memref<1x1xi32, #tpu.memory_space<vmem>>
    %dma_start3A_28 = tpu.memref_squeeze %dma_start3A_27 : memref<1x1xi32, #tpu.memory_space<vmem>> -> memref<1xi32, #tpu.memory_space<vmem>>
    %dma_start3A_29 = arith.constant 0 : i32
    %dma_start3A_30 = arith.constant 0 : i32
    %dma_start3A_31 = tpu.memref_slice %arg5[%dma_start3A_29, %dma_start3A_30] : memref<8192x8192xf32, #tpu.memory_space<hbm>> -> memref<8192x8192xf32, #tpu.memory_space<hbm>>
    tpu.enqueue_indirect_dma source(%dma_start3A_31 : memref<8192x8192xf32, #tpu.memory_space<hbm>>) target(%arg14 : memref<1x8192xf32, #tpu.memory_space<vmem>>) offsets(%dma_start3A_28 : memref<1xi32, #tpu.memory_space<vmem>>) semaphore(%arg24 : memref<!tpu.dma_semaphore, #tpu.memory_space<semaphore_mem>>)
    %dma_start3A_32 = arith.constant 2 : i32
    %dma_start3A_33 = arith.constant 0 : i32
    %dma_start3A_34 = tpu.memref_slice %arg7[%dma_start3A_32, %dma_start3A_33] : memref<128x1xi32, #tpu.memory_space<vmem>> -> memref<1x1xi32, #tpu.memory_space<vmem>>
    %dma_start3A_35 = tpu.memref_squeeze %dma_start3A_34 : memref<1x1xi32, #tpu.memory_space<vmem>> -> memref<1xi32, #tpu.memory_space<vmem>>
    %dma_start3A_36 = arith.constant 0 : i32
    %dma_start3A_37 = arith.constant 0 : i32
    %dma_start3A_38 = tpu.memref_slice %arg4[%dma_start3A_36, %dma_start3A_37] : memref<10000x8192xf32, #tpu.memory_space<hbm>> -> memref<10000x8192xf32, #tpu.memory_space<hbm>>
    tpu.enqueue_indirect_dma source(%dma_start3A_38 : memref<10000x8192xf32, #tpu.memory_space<hbm>>) target(%arg11 : memref<1x8192xf32, #tpu.memory_space<vmem>>) offsets(%dma_start3A_35 : memref<1xi32, #tpu.memory_space<vmem>>) semaphore(%arg21 : memref<!tpu.dma_semaphore, #tpu.memory_space<semaphore_mem>>)
    %dma_start3A_39 = arith.constant 2 : i32
    %dma_start3A_40 = arith.constant 0 : i32
    %dma_start3A_41 = tpu.memref_slice %arg8[%dma_start3A_39, %dma_start3A_40] : memref<128x1xi32, #tpu.memory_space<vmem>> -> memref<1x1xi32, #tpu.memory_space<vmem>>
    %dma_start3A_42 = tpu.memref_squeeze %dma_start3A_41 : memref<1x1xi32, #tpu.memory_space<vmem>> -> memref<1xi32, #tpu.memory_space<vmem>>
    %dma_start3A_43 = arith.constant 0 : i32
    %dma_start3A_44 = arith.constant 0 : i32
    %dma_start3A_45 = tpu.memref_slice %arg5[%dma_start3A_43, %dma_start3A_44] : memref<8192x8192xf32, #tpu.memory_space<hbm>> -> memref<8192x8192xf32, #tpu.memory_space<hbm>>
    tpu.enqueue_indirect_dma source(%dma_start3A_45 : memref<8192x8192xf32, #tpu.memory_space<hbm>>) target(%arg15 : memref<1x8192xf32, #tpu.memory_space<vmem>>) offsets(%dma_start3A_42 : memref<1xi32, #tpu.memory_space<vmem>>) semaphore(%arg25 : memref<!tpu.dma_semaphore, #tpu.memory_space<semaphore_mem>>)
    %dma_start3A_46 = arith.constant 3 : i32
    %dma_start3A_47 = arith.constant 0 : i32
    %dma_start3A_48 = tpu.memref_slice %arg7[%dma_start3A_46, %dma_start3A_47] : memref<128x1xi32, #tpu.memory_space<vmem>> -> memref<1x1xi32, #tpu.memory_space<vmem>>
    %dma_start3A_49 = tpu.memref_squeeze %dma_start3A_48 : memref<1x1xi32, #tpu.memory_space<vmem>> -> memref<1xi32, #tpu.memory_space<vmem>>
    %dma_start3A_50 = arith.constant 0 : i32
    %dma_start3A_51 = arith.constant 0 : i32
    %dma_start3A_52 = tpu.memref_slice %arg4[%dma_start3A_50, %dma_start3A_51] : memref<10000x8192xf32, #tpu.memory_space<hbm>> -> memref<10000x8192xf32, #tpu.memory_space<hbm>>
    tpu.enqueue_indirect_dma source(%dma_start3A_52 : memref<10000x8192xf32, #tpu.memory_space<hbm>>) target(%arg12 : memref<1x8192xf32, #tpu.memory_space<vmem>>) offsets(%dma_start3A_49 : memref<1xi32, #tpu.memory_space<vmem>>) semaphore(%arg22 : memref<!tpu.dma_semaphore, #tpu.memory_space<semaphore_mem>>)
    %dma_start3A_53 = arith.constant 3 : i32
    %dma_start3A_54 = arith.constant 0 : i32
    %dma_start3A_55 = tpu.memref_slice %arg8[%dma_start3A_53, %dma_start3A_54] : memref<128x1xi32, #tpu.memory_space<vmem>> -> memref<1x1xi32, #tpu.memory_space<vmem>>
    %dma_start3A_56 = tpu.memref_squeeze %dma_start3A_55 : memref<1x1xi32, #tpu.memory_space<vmem>> -> memref<1xi32, #tpu.memory_space<vmem>>
    %dma_start3A_57 = arith.constant 0 : i32
    %dma_start3A_58 = arith.constant 0 : i32
    %dma_start3A_59 = tpu.memref_slice %arg5[%dma_start3A_57, %dma_start3A_58] : memref<8192x8192xf32, #tpu.memory_space<hbm>> -> memref<8192x8192xf32, #tpu.memory_space<hbm>>
    tpu.enqueue_indirect_dma source(%dma_start3A_59 : memref<8192x8192xf32, #tpu.memory_space<hbm>>) target(%arg16 : memref<1x8192xf32, #tpu.memory_space<vmem>>) offsets(%dma_start3A_56 : memref<1xi32, #tpu.memory_space<vmem>>) semaphore(%arg26 : memref<!tpu.dma_semaphore, #tpu.memory_space<semaphore_mem>>)
    %scan3A = arith.constant 0 : i32
    %scan3A_60 = arith.constant 0 : i32
    %scan3A_61 = arith.constant 8 : i32
    %scan3A_62 = arith.addi %scan3A_60, %scan3A_61 : i32
    %scan3A_63 = arith.constant 1 : i32
    scf.for %scan3A_67 = %scan3A_60 to %scan3A_62 step %scan3A_63  : i32 {
      %mul3A_68 = arith.constant 16 : i32
      %mul3A_69 = arith.muli %scan3A_67, %mul3A_68 : i32
      %add3A_70 = arith.constant 0 : i32
      %add3A_71 = arith.addi %mul3A_69, %add3A_70 : i32
      %dma_wait3A = arith.constant 0 : i32
      %dma_wait3A_72 = tpu.memref_slice %arg7[%add3A_71, %dma_wait3A] : memref<128x1xi32, #tpu.memory_space<vmem>> -> memref<1x1xi32, #tpu.memory_space<vmem>>
      %dma_wait3A_73 = tpu.memref_squeeze %dma_wait3A_72 : memref<1x1xi32, #tpu.memory_space<vmem>> -> memref<1xi32, #tpu.memory_space<vmem>>
      %dma_wait3A_74 = arith.constant 0 : i32
      %dma_wait3A_75 = arith.constant 0 : i32
      %dma_wait3A_76 = tpu.memref_slice %arg4[%dma_wait3A_74, %dma_wait3A_75] : memref<10000x8192xf32, #tpu.memory_space<hbm>> -> memref<10000x8192xf32, #tpu.memory_space<hbm>>
      tpu.wait_indirect_dma semaphore(%arg19 : memref<!tpu.dma_semaphore, #tpu.memory_space<semaphore_mem>>) src(%dma_wait3A_76 : memref<10000x8192xf32, #tpu.memory_space<hbm>>) dst(%arg9 : memref<1x8192xf32, #tpu.memory_space<vmem>>)
      %dma_wait3A_77 = arith.constant 0 : i32
      %dma_wait3A_78 = tpu.memref_slice %arg8[%add3A_71, %dma_wait3A_77] : memref<128x1xi32, #tpu.memory_space<vmem>> -> memref<1x1xi32, #tpu.memory_space<vmem>>
      %dma_wait3A_79 = tpu.memref_squeeze %dma_wait3A_78 : memref<1x1xi32, #tpu.memory_space<vmem>> -> memref<1xi32, #tpu.memory_space<vmem>>
      %dma_wait3A_80 = arith.constant 0 : i32
      %dma_wait3A_81 = arith.constant 0 : i32
      %dma_wait3A_82 = tpu.memref_slice %arg5[%dma_wait3A_80, %dma_wait3A_81] : memref<8192x8192xf32, #tpu.memory_space<hbm>> -> memref<8192x8192xf32, #tpu.memory_space<hbm>>
      tpu.wait_indirect_dma semaphore(%arg23 : memref<!tpu.dma_semaphore, #tpu.memory_space<semaphore_mem>>) src(%dma_wait3A_82 : memref<8192x8192xf32, #tpu.memory_space<hbm>>) dst(%arg13 : memref<1x8192xf32, #tpu.memory_space<vmem>>)
      %broadcast_in_dim3A = arith.constant 0.000000e+00 : f32
      %broadcast_in_dim3A_83 = vector.broadcast %broadcast_in_dim3A : f32 to vector<16xf32>
      %scan3A_84 = arith.constant 0 : i32
      %scan3A_85 = arith.constant 32 : i32
      %scan3A_86 = arith.addi %scan3A_84, %scan3A_85 : i32
      %scan3A_87 = arith.constant 1 : i32
      %scan3A_88:4 = scf.for %scan3A_739 = %scan3A_84 to %scan3A_86 step %scan3A_87 iter_args(%scan3A_740 = %broadcast_in_dim3A_83, %scan3A_741 = %broadcast_in_dim3A_83, %scan3A_742 = %broadcast_in_dim3A_83, %scan3A_743 = %broadcast_in_dim3A_83) -> (vector<16xf32>, vector<16xf32>, vector<16xf32>, vector<16xf32>)  : i32 {
        %mul3A_744 = arith.constant 256 : i32
        %mul3A_745 = arith.muli %scan3A_739, %mul3A_744 : i32
        %add3A_746 = arith.constant 0 : i32
        %add3A_747 = arith.addi %mul3A_745, %add3A_746 : i32
        %get3A = arith.constant 0 : i32
        %get3A_748 = arith.index_cast %get3A : i32 to index
        %get3A_749 = arith.index_cast %add3A_747 : i32 to index
        %get3A_750 = tpu.vector_load %arg9[%get3A_748, %get3A_749] {strides = array<i32>} : memref<1x8192xf32, #tpu.memory_space<vmem>>, vector<16xf32>,
        %get3A_751 = arith.constant 0 : i32
        %get3A_752 = arith.index_cast %get3A_751 : i32 to index
        %get3A_753 = arith.index_cast %add3A_747 : i32 to index
        %get3A_754 = tpu.vector_load %arg13[%get3A_752, %get3A_753] {strides = array<i32>} : memref<1x8192xf32, #tpu.memory_space<vmem>>, vector<16xf32>,
        %mul3A_755 = arith.mulf %get3A_750, %get3A_754 : vector<16xf32>
        %add3A_756 = arith.addf %scan3A_740, %mul3A_755 : vector<16xf32>
        %add3A_757 = arith.constant 16 : i32
        %add3A_758 = arith.addi %mul3A_745, %add3A_757 : i32
        %get3A_759 = arith.constant 0 : i32
        %get3A_760 = arith.index_cast %get3A_759 : i32 to index
        %get3A_761 = arith.index_cast %add3A_758 : i32 to index
        %get3A_762 = tpu.vector_load %arg9[%get3A_760, %get3A_761] {strides = array<i32>} : memref<1x8192xf32, #tpu.memory_space<vmem>>, vector<16xf32>,
        %get3A_763 = arith.constant 0 : i32
        %get3A_764 = arith.index_cast %get3A_763 : i32 to index
        %get3A_765 = arith.index_cast %add3A_758 : i32 to index
        %get3A_766 = tpu.vector_load %arg13[%get3A_764, %get3A_765] {strides = array<i32>} : memref<1x8192xf32, #tpu.memory_space<vmem>>, vector<16xf32>,
        %mul3A_767 = arith.mulf %get3A_762, %get3A_766 : vector<16xf32>
        %add3A_768 = arith.addf %add3A_756, %mul3A_767 : vector<16xf32>
        %add3A_769 = arith.constant 32 : i32
        %add3A_770 = arith.addi %mul3A_745, %add3A_769 : i32
        %get3A_771 = arith.constant 0 : i32
        %get3A_772 = arith.index_cast %get3A_771 : i32 to index
        %get3A_773 = arith.index_cast %add3A_770 : i32 to index
        %get3A_774 = tpu.vector_load %arg9[%get3A_772, %get3A_773] {strides = array<i32>} : memref<1x8192xf32, #tpu.memory_space<vmem>>, vector<16xf32>,
        %get3A_775 = arith.constant 0 : i32
        %get3A_776 = arith.index_cast %get3A_775 : i32 to index
        %get3A_777 = arith.index_cast %add3A_770 : i32 to index
        %get3A_778 = tpu.vector_load %arg13[%get3A_776, %get3A_777] {strides = array<i32>} : memref<1x8192xf32, #tpu.memory_space<vmem>>, vector<16xf32>,
        %mul3A_779 = arith.mulf %get3A_774, %get3A_778 : vector<16xf32>
        %add3A_780 = arith.addf %add3A_768, %mul3A_779 : vector<16xf32>
        %add3A_781 = arith.constant 48 : i32
        %add3A_782 = arith.addi %mul3A_745, %add3A_781 : i32
        %get3A_783 = arith.constant 0 : i32
        %get3A_784 = arith.index_cast %get3A_783 : i32 to index
        %get3A_785 = arith.index_cast %add3A_782 : i32 to index
        %get3A_786 = tpu.vector_load %arg9[%get3A_784, %get3A_785] {strides = array<i32>} : memref<1x8192xf32, #tpu.memory_space<vmem>>, vector<16xf32>,
        %get3A_787 = arith.constant 0 : i32
        %get3A_788 = arith.index_cast %get3A_787 : i32 to index
        %get3A_789 = arith.index_cast %add3A_782 : i32 to index
        %get3A_790 = tpu.vector_load %arg13[%get3A_788, %get3A_789] {strides = array<i32>} : memref<1x8192xf32, #tpu.memory_space<vmem>>, vector<16xf32>,
        %mul3A_791 = arith.mulf %get3A_786, %get3A_790 : vector<16xf32>
        %add3A_792 = arith.addf %add3A_780, %mul3A_791 : vector<16xf32>
        %add3A_793 = arith.constant 64 : i32
        %add3A_794 = arith.addi %mul3A_745, %add3A_793 : i32
        %get3A_795 = arith.constant 0 : i32
        %get3A_796 = arith.index_cast %get3A_795 : i32 to index
        %get3A_797 = arith.index_cast %add3A_794 : i32 to index
        %get3A_798 = tpu.vector_load %arg9[%get3A_796, %get3A_797] {strides = array<i32>} : memref<1x8192xf32, #tpu.memory_space<vmem>>, vector<16xf32>,
        %get3A_799 = arith.constant 0 : i32
        %get3A_800 = arith.index_cast %get3A_799 : i32 to index
        %get3A_801 = arith.index_cast %add3A_794 : i32 to index
        %get3A_802 = tpu.vector_load %arg13[%get3A_800, %get3A_801] {strides = array<i32>} : memref<1x8192xf32, #tpu.memory_space<vmem>>, vector<16xf32>,
        %mul3A_803 = arith.mulf %get3A_798, %get3A_802 : vector<16xf32>
        %add3A_804 = arith.addf %scan3A_741, %mul3A_803 : vector<16xf32>
        %add3A_805 = arith.constant 80 : i32
        %add3A_806 = arith.addi %mul3A_745, %add3A_805 : i32
        %get3A_807 = arith.constant 0 : i32
        %get3A_808 = arith.index_cast %get3A_807 : i32 to index
        %get3A_809 = arith.index_cast %add3A_806 : i32 to index
        %get3A_810 = tpu.vector_load %arg9[%get3A_808, %get3A_809] {strides = array<i32>} : memref<1x8192xf32, #tpu.memory_space<vmem>>, vector<16xf32>,
        %get3A_811 = arith.constant 0 : i32
        %get3A_812 = arith.index_cast %get3A_811 : i32 to index
        %get3A_813 = arith.index_cast %add3A_806 : i32 to index
        %get3A_814 = tpu.vector_load %arg13[%get3A_812, %get3A_813] {strides = array<i32>} : memref<1x8192xf32, #tpu.memory_space<vmem>>, vector<16xf32>,
        %mul3A_815 = arith.mulf %get3A_810, %get3A_814 : vector<16xf32>
        %add3A_816 = arith.addf %add3A_804, %mul3A_815 : vector<16xf32>
        %add3A_817 = arith.constant 96 : i32
        %add3A_818 = arith.addi %mul3A_745, %add3A_817 : i32
        %get3A_819 = arith.constant 0 : i32
        %get3A_820 = arith.index_cast %get3A_819 : i32 to index
        %get3A_821 = arith.index_cast %add3A_818 : i32 to index
        %get3A_822 = tpu.vector_load %arg9[%get3A_820, %get3A_821] {strides = array<i32>} : memref<1x8192xf32, #tpu.memory_space<vmem>>, vector<16xf32>,
        %get3A_823 = arith.constant 0 : i32
        %get3A_824 = arith.index_cast %get3A_823 : i32 to index
        %get3A_825 = arith.index_cast %add3A_818 : i32 to index
        %get3A_826 = tpu.vector_load %arg13[%get3A_824, %get3A_825] {strides = array<i32>} : memref<1x8192xf32, #tpu.memory_space<vmem>>, vector<16xf32>,
        %mul3A_827 = arith.mulf %get3A_822, %get3A_826 : vector<16xf32>
        %add3A_828 = arith.addf %add3A_816, %mul3A_827 : vector<16xf32>
        %add3A_829 = arith.constant 112 : i32
        %add3A_830 = arith.addi %mul3A_745, %add3A_829 : i32
        %get3A_831 = arith.constant 0 : i32
        %get3A_832 = arith.index_cast %get3A_831 : i32 to index
        %get3A_833 = arith.index_cast %add3A_830 : i32 to index
        %get3A_834 = tpu.vector_load %arg9[%get3A_832, %get3A_833] {strides = array<i32>} : memref<1x8192xf32, #tpu.memory_space<vmem>>, vector<16xf32>,
        %get3A_835 = arith.constant 0 : i32
        %get3A_836 = arith.index_cast %get3A_835 : i32 to index
        %get3A_837 = arith.index_cast %add3A_830 : i32 to index
        %get3A_838 = tpu.vector_load %arg13[%get3A_836, %get3A_837] {strides = array<i32>} : memref<1x8192xf32, #tpu.memory_space<vmem>>, vector<16xf32>,
        %mul3A_839 = arith.mulf %get3A_834, %get3A_838 : vector<16xf32>
        %add3A_840 = arith.addf %add3A_828, %mul3A_839 : vector<16xf32>
        %add3A_841 = arith.constant 128 : i32
        %add3A_842 = arith.addi %mul3A_745, %add3A_841 : i32
        %get3A_843 = arith.constant 0 : i32
        %get3A_844 = arith.index_cast %get3A_843 : i32 to index
        %get3A_845 = arith.index_cast %add3A_842 : i32 to index
        %get3A_846 = tpu.vector_load %arg9[%get3A_844, %get3A_845] {strides = array<i32>} : memref<1x8192xf32, #tpu.memory_space<vmem>>, vector<16xf32>,
        %get3A_847 = arith.constant 0 : i32
        %get3A_848 = arith.index_cast %get3A_847 : i32 to index
        %get3A_849 = arith.index_cast %add3A_842 : i32 to index
        %get3A_850 = tpu.vector_load %arg13[%get3A_848, %get3A_849] {strides = array<i32>} : memref<1x8192xf32, #tpu.memory_space<vmem>>, vector<16xf32>,
        %mul3A_851 = arith.mulf %get3A_846, %get3A_850 : vector<16xf32>
        %add3A_852 = arith.addf %scan3A_742, %mul3A_851 : vector<16xf32>
        %add3A_853 = arith.constant 144 : i32
        %add3A_854 = arith.addi %mul3A_745, %add3A_853 : i32
        %get3A_855 = arith.constant 0 : i32
        %get3A_856 = arith.index_cast %get3A_855 : i32 to index
        %get3A_857 = arith.index_cast %add3A_854 : i32 to index
        %get3A_858 = tpu.vector_load %arg9[%get3A_856, %get3A_857] {strides = array<i32>} : memref<1x8192xf32, #tpu.memory_space<vmem>>, vector<16xf32>,
        %get3A_859 = arith.constant 0 : i32
        %get3A_860 = arith.index_cast %get3A_859 : i32 to index
        %get3A_861 = arith.index_cast %add3A_854 : i32 to index
        %get3A_862 = tpu.vector_load %arg13[%get3A_860, %get3A_861] {strides = array<i32>} : memref<1x8192xf32, #tpu.memory_space<vmem>>, vector<16xf32>,
        %mul3A_863 = arith.mulf %get3A_858, %get3A_862 : vector<16xf32>
        %add3A_864 = arith.addf %add3A_852, %mul3A_863 : vector<16xf32>
        %add3A_865 = arith.constant 160 : i32
        %add3A_866 = arith.addi %mul3A_745, %add3A_865 : i32
        %get3A_867 = arith.constant 0 : i32
        %get3A_868 = arith.index_cast %get3A_867 : i32 to index
        %get3A_869 = arith.index_cast %add3A_866 : i32 to index
        %get3A_870 = tpu.vector_load %arg9[%get3A_868, %get3A_869] {strides = array<i32>} : memref<1x8192xf32, #tpu.memory_space<vmem>>, vector<16xf32>,
        %get3A_871 = arith.constant 0 : i32
        %get3A_872 = arith.index_cast %get3A_871 : i32 to index
        %get3A_873 = arith.index_cast %add3A_866 : i32 to index
        %get3A_874 = tpu.vector_load %arg13[%get3A_872, %get3A_873] {strides = array<i32>} : memref<1x8192xf32, #tpu.memory_space<vmem>>, vector<16xf32>,
        %mul3A_875 = arith.mulf %get3A_870, %get3A_874 : vector<16xf32>
        %add3A_876 = arith.addf %add3A_864, %mul3A_875 : vector<16xf32>
        %add3A_877 = arith.constant 176 : i32
        %add3A_878 = arith.addi %mul3A_745, %add3A_877 : i32
        %get3A_879 = arith.constant 0 : i32
        %get3A_880 = arith.index_cast %get3A_879 : i32 to index
        %get3A_881 = arith.index_cast %add3A_878 : i32 to index
        %get3A_882 = tpu.vector_load %arg9[%get3A_880, %get3A_881] {strides = array<i32>} : memref<1x8192xf32, #tpu.memory_space<vmem>>, vector<16xf32>,
        %get3A_883 = arith.constant 0 : i32
        %get3A_884 = arith.index_cast %get3A_883 : i32 to index
        %get3A_885 = arith.index_cast %add3A_878 : i32 to index
        %get3A_886 = tpu.vector_load %arg13[%get3A_884, %get3A_885] {strides = array<i32>} : memref<1x8192xf32, #tpu.memory_space<vmem>>, vector<16xf32>,
        %mul3A_887 = arith.mulf %get3A_882, %get3A_886 : vector<16xf32>
        %add3A_888 = arith.addf %add3A_876, %mul3A_887 : vector<16xf32>
        %add3A_889 = arith.constant 192 : i32
        %add3A_890 = arith.addi %mul3A_745, %add3A_889 : i32
        %get3A_891 = arith.constant 0 : i32
        %get3A_892 = arith.index_cast %get3A_891 : i32 to index
        %get3A_893 = arith.index_cast %add3A_890 : i32 to index
        %get3A_894 = tpu.vector_load %arg9[%get3A_892, %get3A_893] {strides = array<i32>} : memref<1x8192xf32, #tpu.memory_space<vmem>>, vector<16xf32>,
        %get3A_895 = arith.constant 0 : i32
        %get3A_896 = arith.index_cast %get3A_895 : i32 to index
        %get3A_897 = arith.index_cast %add3A_890 : i32 to index
        %get3A_898 = tpu.vector_load %arg13[%get3A_896, %get3A_897] {strides = array<i32>} : memref<1x8192xf32, #tpu.memory_space<vmem>>, vector<16xf32>,
        %mul3A_899 = arith.mulf %get3A_894, %get3A_898 : vector<16xf32>
        %add3A_900 = arith.addf %scan3A_743, %mul3A_899 : vector<16xf32>
        %add3A_901 = arith.constant 208 : i32
        %add3A_902 = arith.addi %mul3A_745, %add3A_901 : i32
        %get3A_903 = arith.constant 0 : i32
        %get3A_904 = arith.index_cast %get3A_903 : i32 to index
        %get3A_905 = arith.index_cast %add3A_902 : i32 to index
        %get3A_906 = tpu.vector_load %arg9[%get3A_904, %get3A_905] {strides = array<i32>} : memref<1x8192xf32, #tpu.memory_space<vmem>>, vector<16xf32>,
        %get3A_907 = arith.constant 0 : i32
        %get3A_908 = arith.index_cast %get3A_907 : i32 to index
        %get3A_909 = arith.index_cast %add3A_902 : i32 to index
        %get3A_910 = tpu.vector_load %arg13[%get3A_908, %get3A_909] {strides = array<i32>} : memref<1x8192xf32, #tpu.memory_space<vmem>>, vector<16xf32>,
        %mul3A_911 = arith.mulf %get3A_906, %get3A_910 : vector<16xf32>
        %add3A_912 = arith.addf %add3A_900, %mul3A_911 : vector<16xf32>
        %add3A_913 = arith.constant 224 : i32
        %add3A_914 = arith.addi %mul3A_745, %add3A_913 : i32
        %get3A_915 = arith.constant 0 : i32
        %get3A_916 = arith.index_cast %get3A_915 : i32 to index
        %get3A_917 = arith.index_cast %add3A_914 : i32 to index
        %get3A_918 = tpu.vector_load %arg9[%get3A_916, %get3A_917] {strides = array<i32>} : memref<1x8192xf32, #tpu.memory_space<vmem>>, vector<16xf32>,
        %get3A_919 = arith.constant 0 : i32
        %get3A_920 = arith.index_cast %get3A_919 : i32 to index
        %get3A_921 = arith.index_cast %add3A_914 : i32 to index
        %get3A_922 = tpu.vector_load %arg13[%get3A_920, %get3A_921] {strides = array<i32>} : memref<1x8192xf32, #tpu.memory_space<vmem>>, vector<16xf32>,
        %mul3A_923 = arith.mulf %get3A_918, %get3A_922 : vector<16xf32>
        %add3A_924 = arith.addf %add3A_912, %mul3A_923 : vector<16xf32>
        %add3A_925 = arith.constant 240 : i32
        %add3A_926 = arith.addi %mul3A_745, %add3A_925 : i32
        %get3A_927 = arith.constant 0 : i32
        %get3A_928 = arith.index_cast %get3A_927 : i32 to index
        %get3A_929 = arith.index_cast %add3A_926 : i32 to index
        %get3A_930 = tpu.vector_load %arg9[%get3A_928, %get3A_929] {strides = array<i32>} : memref<1x8192xf32, #tpu.memory_space<vmem>>, vector<16xf32>,
        %get3A_931 = arith.constant 0 : i32
        %get3A_932 = arith.index_cast %get3A_931 : i32 to index
        %get3A_933 = arith.index_cast %add3A_926 : i32 to index
        %get3A_934 = tpu.vector_load %arg13[%get3A_932, %get3A_933] {strides = array<i32>} : memref<1x8192xf32, #tpu.memory_space<vmem>>, vector<16xf32>,
        %mul3A_935 = arith.mulf %get3A_930, %get3A_934 : vector<16xf32>
        %add3A_936 = arith.addf %add3A_924, %mul3A_935 : vector<16xf32>
        scf.yield %add3A_792, %add3A_840, %add3A_888, %add3A_936 : vector<16xf32>, vector<16xf32>, vector<16xf32>, vector<16xf32>
      }
      %scan3A_89 = arith.constant 32 : i32
      %add3A_90 = arith.addf %scan3A_88#0, %scan3A_88#1 : vector<16xf32>
      %add3A_91 = arith.addf %scan3A_88#2, %scan3A_88#3 : vector<16xf32>
      %add3A_92 = arith.addf %add3A_90, %add3A_91 : vector<16xf32>
      %swap3A = arith.constant 0 : i32
      %swap3A_93 = arith.index_cast %swap3A : i32 to index
      %swap3A_94 = arith.constant 0 : index
      %swap3A_95 = tpu.vector_load %arg18[%swap3A_93, %swap3A_94] {strides = array<i32>} : memref<16x16xf32, #tpu.memory_space<vmem>>, vector<16xf32>,
      tpu.vector_store %arg18[%swap3A_93, %swap3A_94], %add3A_92 {strides = array<i32>} : memref<16x16xf32, #tpu.memory_space<vmem>>, vector<16xf32>,
      %add3A_96 = arith.constant 4 : i32
      %add3A_97 = arith.addi %add3A_71, %add3A_96 : i32
      %lt3A = arith.constant 128 : i32
      %lt3A_98 = arith.cmpi slt, %add3A_97, %lt3A : i32
      %convert_element_type3A = arith.extui %lt3A_98 : i1 to i32
      %cond3A = arith.constant 0 : i32
      %cond3A_99 = arith.cmpi ne, %convert_element_type3A, %cond3A : i32
      scf.if %cond3A_99 {
        %add3A_739 = arith.constant 4 : i32
        %add3A_740 = arith.addi %add3A_71, %add3A_739 : i32
        %dma_start3A_741 = arith.constant 0 : i32
        %dma_start3A_742 = tpu.memref_slice %arg7[%add3A_740, %dma_start3A_741] : memref<128x1xi32, #tpu.memory_space<vmem>> -> memref<1x1xi32, #tpu.memory_space<vmem>>
        %dma_start3A_743 = tpu.memref_squeeze %dma_start3A_742 : memref<1x1xi32, #tpu.memory_space<vmem>> -> memref<1xi32, #tpu.memory_space<vmem>>
        %dma_start3A_744 = arith.constant 0 : i32
        %dma_start3A_745 = arith.constant 0 : i32
        %dma_start3A_746 = tpu.memref_slice %arg4[%dma_start3A_744, %dma_start3A_745] : memref<10000x8192xf32, #tpu.memory_space<hbm>> -> memref<10000x8192xf32, #tpu.memory_space<hbm>>
        tpu.enqueue_indirect_dma source(%dma_start3A_746 : memref<10000x8192xf32, #tpu.memory_space<hbm>>) target(%arg9 : memref<1x8192xf32, #tpu.memory_space<vmem>>) offsets(%dma_start3A_743 : memref<1xi32, #tpu.memory_space<vmem>>) semaphore(%arg19 : memref<!tpu.dma_semaphore, #tpu.memory_space<semaphore_mem>>)
        %dma_start3A_747 = arith.constant 0 : i32
        %dma_start3A_748 = tpu.memref_slice %arg8[%add3A_740, %dma_start3A_747] : memref<128x1xi32, #tpu.memory_space<vmem>> -> memref<1x1xi32, #tpu.memory_space<vmem>>
        %dma_start3A_749 = tpu.memref_squeeze %dma_start3A_748 : memref<1x1xi32, #tpu.memory_space<vmem>> -> memref<1xi32, #tpu.memory_space<vmem>>
        %dma_start3A_750 = arith.constant 0 : i32
        %dma_start3A_751 = arith.constant 0 : i32
        %dma_start3A_752 = tpu.memref_slice %arg5[%dma_start3A_750, %dma_start3A_751] : memref<8192x8192xf32, #tpu.memory_space<hbm>> -> memref<8192x8192xf32, #tpu.memory_space<hbm>>
        tpu.enqueue_indirect_dma source(%dma_start3A_752 : memref<8192x8192xf32, #tpu.memory_space<hbm>>) target(%arg13 : memref<1x8192xf32, #tpu.memory_space<vmem>>) offsets(%dma_start3A_749 : memref<1xi32, #tpu.memory_space<vmem>>) semaphore(%arg23 : memref<!tpu.dma_semaphore, #tpu.memory_space<semaphore_mem>>)
      } else {
      }
      %mul3A_100 = arith.constant 16 : i32
      %mul3A_101 = arith.muli %scan3A_67, %mul3A_100 : i32
      %add3A_102 = arith.constant 1 : i32
      %add3A_103 = arith.addi %mul3A_101, %add3A_102 : i32
      %dma_wait3A_104 = arith.constant 0 : i32
      %dma_wait3A_105 = tpu.memref_slice %arg7[%add3A_103, %dma_wait3A_104] : memref<128x1xi32, #tpu.memory_space<vmem>> -> memref<1x1xi32, #tpu.memory_space<vmem>>
      %dma_wait3A_106 = tpu.memref_squeeze %dma_wait3A_105 : memref<1x1xi32, #tpu.memory_space<vmem>> -> memref<1xi32, #tpu.memory_space<vmem>>
      %dma_wait3A_107 = arith.constant 0 : i32
      %dma_wait3A_108 = arith.constant 0 : i32
      %dma_wait3A_109 = tpu.memref_slice %arg4[%dma_wait3A_107, %dma_wait3A_108] : memref<10000x8192xf32, #tpu.memory_space<hbm>> -> memref<10000x8192xf32, #tpu.memory_space<hbm>>
      tpu.wait_indirect_dma semaphore(%arg20 : memref<!tpu.dma_semaphore, #tpu.memory_space<semaphore_mem>>) src(%dma_wait3A_109 : memref<10000x8192xf32, #tpu.memory_space<hbm>>) dst(%arg10 : memref<1x8192xf32, #tpu.memory_space<vmem>>)
      %dma_wait3A_110 = arith.constant 0 : i32
      %dma_wait3A_111 = tpu.memref_slice %arg8[%add3A_103, %dma_wait3A_110] : memref<128x1xi32, #tpu.memory_space<vmem>> -> memref<1x1xi32, #tpu.memory_space<vmem>>
      %dma_wait3A_112 = tpu.memref_squeeze %dma_wait3A_111 : memref<1x1xi32, #tpu.memory_space<vmem>> -> memref<1xi32, #tpu.memory_space<vmem>>
      %dma_wait3A_113 = arith.constant 0 : i32
      %dma_wait3A_114 = arith.constant 0 : i32
      %dma_wait3A_115 = tpu.memref_slice %arg5[%dma_wait3A_113, %dma_wait3A_114] : memref<8192x8192xf32, #tpu.memory_space<hbm>> -> memref<8192x8192xf32, #tpu.memory_space<hbm>>
      tpu.wait_indirect_dma semaphore(%arg24 : memref<!tpu.dma_semaphore, #tpu.memory_space<semaphore_mem>>) src(%dma_wait3A_115 : memref<8192x8192xf32, #tpu.memory_space<hbm>>) dst(%arg14 : memref<1x8192xf32, #tpu.memory_space<vmem>>)
      %broadcast_in_dim3A_116 = arith.constant 0.000000e+00 : f32
      %broadcast_in_dim3A_117 = vector.broadcast %broadcast_in_dim3A_116 : f32 to vector<16xf32>
      %scan3A_118 = arith.constant 0 : i32
      %scan3A_119 = arith.constant 32 : i32
      %scan3A_120 = arith.addi %scan3A_118, %scan3A_119 : i32
      %scan3A_121 = arith.constant 1 : i32
      %scan3A_122:4 = scf.for %scan3A_739 = %scan3A_118 to %scan3A_120 step %scan3A_121 iter_args(%scan3A_740 = %broadcast_in_dim3A_117, %scan3A_741 = %broadcast_in_dim3A_117, %scan3A_742 = %broadcast_in_dim3A_117, %scan3A_743 = %broadcast_in_dim3A_117) -> (vector<16xf32>, vector<16xf32>, vector<16xf32>, vector<16xf32>)  : i32 {
        %mul3A_744 = arith.constant 256 : i32
        %mul3A_745 = arith.muli %scan3A_739, %mul3A_744 : i32
        %add3A_746 = arith.constant 0 : i32
        %add3A_747 = arith.addi %mul3A_745, %add3A_746 : i32
        %get3A = arith.constant 0 : i32
        %get3A_748 = arith.index_cast %get3A : i32 to index
        %get3A_749 = arith.index_cast %add3A_747 : i32 to index
        %get3A_750 = tpu.vector_load %arg10[%get3A_748, %get3A_749] {strides = array<i32>} : memref<1x8192xf32, #tpu.memory_space<vmem>>, vector<16xf32>,
        %get3A_751 = arith.constant 0 : i32
        %get3A_752 = arith.index_cast %get3A_751 : i32 to index
        %get3A_753 = arith.index_cast %add3A_747 : i32 to index
        %get3A_754 = tpu.vector_load %arg14[%get3A_752, %get3A_753] {strides = array<i32>} : memref<1x8192xf32, #tpu.memory_space<vmem>>, vector<16xf32>,
        %mul3A_755 = arith.mulf %get3A_750, %get3A_754 : vector<16xf32>
        %add3A_756 = arith.addf %scan3A_740, %mul3A_755 : vector<16xf32>
        %add3A_757 = arith.constant 16 : i32
        %add3A_758 = arith.addi %mul3A_745, %add3A_757 : i32
        %get3A_759 = arith.constant 0 : i32
        %get3A_760 = arith.index_cast %get3A_759 : i32 to index
        %get3A_761 = arith.index_cast %add3A_758 : i32 to index
        %get3A_762 = tpu.vector_load %arg10[%get3A_760, %get3A_761] {strides = array<i32>} : memref<1x8192xf32, #tpu.memory_space<vmem>>, vector<16xf32>,
        %get3A_763 = arith.constant 0 : i32
        %get3A_764 = arith.index_cast %get3A_763 : i32 to index
        %get3A_765 = arith.index_cast %add3A_758 : i32 to index
        %get3A_766 = tpu.vector_load %arg14[%get3A_764, %get3A_765] {strides = array<i32>} : memref<1x8192xf32, #tpu.memory_space<vmem>>, vector<16xf32>,
        %mul3A_767 = arith.mulf %get3A_762, %get3A_766 : vector<16xf32>
        %add3A_768 = arith.addf %add3A_756, %mul3A_767 : vector<16xf32>
        %add3A_769 = arith.constant 32 : i32
        %add3A_770 = arith.addi %mul3A_745, %add3A_769 : i32
        %get3A_771 = arith.constant 0 : i32
        %get3A_772 = arith.index_cast %get3A_771 : i32 to index
        %get3A_773 = arith.index_cast %add3A_770 : i32 to index
        %get3A_774 = tpu.vector_load %arg10[%get3A_772, %get3A_773] {strides = array<i32>} : memref<1x8192xf32, #tpu.memory_space<vmem>>, vector<16xf32>,
        %get3A_775 = arith.constant 0 : i32
        %get3A_776 = arith.index_cast %get3A_775 : i32 to index
        %get3A_777 = arith.index_cast %add3A_770 : i32 to index
        %get3A_778 = tpu.vector_load %arg14[%get3A_776, %get3A_777] {strides = array<i32>} : memref<1x8192xf32, #tpu.memory_space<vmem>>, vector<16xf32>,
        %mul3A_779 = arith.mulf %get3A_774, %get3A_778 : vector<16xf32>
        %add3A_780 = arith.addf %add3A_768, %mul3A_779 : vector<16xf32>
        %add3A_781 = arith.constant 48 : i32
        %add3A_782 = arith.addi %mul3A_745, %add3A_781 : i32
        %get3A_783 = arith.constant 0 : i32
        %get3A_784 = arith.index_cast %get3A_783 : i32 to index
        %get3A_785 = arith.index_cast %add3A_782 : i32 to index
        %get3A_786 = tpu.vector_load %arg10[%get3A_784, %get3A_785] {strides = array<i32>} : memref<1x8192xf32, #tpu.memory_space<vmem>>, vector<16xf32>,
        %get3A_787 = arith.constant 0 : i32
        %get3A_788 = arith.index_cast %get3A_787 : i32 to index
        %get3A_789 = arith.index_cast %add3A_782 : i32 to index
        %get3A_790 = tpu.vector_load %arg14[%get3A_788, %get3A_789] {strides = array<i32>} : memref<1x8192xf32, #tpu.memory_space<vmem>>, vector<16xf32>,
        %mul3A_791 = arith.mulf %get3A_786, %get3A_790 : vector<16xf32>
        %add3A_792 = arith.addf %add3A_780, %mul3A_791 : vector<16xf32>
        %add3A_793 = arith.constant 64 : i32
        %add3A_794 = arith.addi %mul3A_745, %add3A_793 : i32
        %get3A_795 = arith.constant 0 : i32
        %get3A_796 = arith.index_cast %get3A_795 : i32 to index
        %get3A_797 = arith.index_cast %add3A_794 : i32 to index
        %get3A_798 = tpu.vector_load %arg10[%get3A_796, %get3A_797] {strides = array<i32>} : memref<1x8192xf32, #tpu.memory_space<vmem>>, vector<16xf32>,
        %get3A_799 = arith.constant 0 : i32
        %get3A_800 = arith.index_cast %get3A_799 : i32 to index
        %get3A_801 = arith.index_cast %add3A_794 : i32 to index
        %get3A_802 = tpu.vector_load %arg14[%get3A_800, %get3A_801] {strides = array<i32>} : memref<1x8192xf32, #tpu.memory_space<vmem>>, vector<16xf32>,
        %mul3A_803 = arith.mulf %get3A_798, %get3A_802 : vector<16xf32>
        %add3A_804 = arith.addf %scan3A_741, %mul3A_803 : vector<16xf32>
        %add3A_805 = arith.constant 80 : i32
        %add3A_806 = arith.addi %mul3A_745, %add3A_805 : i32
        %get3A_807 = arith.constant 0 : i32
        %get3A_808 = arith.index_cast %get3A_807 : i32 to index
        %get3A_809 = arith.index_cast %add3A_806 : i32 to index
        %get3A_810 = tpu.vector_load %arg10[%get3A_808, %get3A_809] {strides = array<i32>} : memref<1x8192xf32, #tpu.memory_space<vmem>>, vector<16xf32>,
        %get3A_811 = arith.constant 0 : i32
        %get3A_812 = arith.index_cast %get3A_811 : i32 to index
        %get3A_813 = arith.index_cast %add3A_806 : i32 to index
        %get3A_814 = tpu.vector_load %arg14[%get3A_812, %get3A_813] {strides = array<i32>} : memref<1x8192xf32, #tpu.memory_space<vmem>>, vector<16xf32>,
        %mul3A_815 = arith.mulf %get3A_810, %get3A_814 : vector<16xf32>
        %add3A_816 = arith.addf %add3A_804, %mul3A_815 : vector<16xf32>
        %add3A_817 = arith.constant 96 : i32
        %add3A_818 = arith.addi %mul3A_745, %add3A_817 : i32
        %get3A_819 = arith.constant 0 : i32
        %get3A_820 = arith.index_cast %get3A_819 : i32 to index
        %get3A_821 = arith.index_cast %add3A_818 : i32 to index
        %get3A_822 = tpu.vector_load %arg10[%get3A_820, %get3A_821] {strides = array<i32>} : memref<1x8192xf32, #tpu.memory_space<vmem>>, vector<16xf32>,
        %get3A_823 = arith.constant 0 : i32
        %get3A_824 = arith.index_cast %get3A_823 : i32 to index
        %get3A_825 = arith.index_cast %add3A_818 : i32 to index
        %get3A_826 = tpu.vector_load %arg14[%get3A_824, %get3A_825] {strides = array<i32>} : memref<1x8192xf32, #tpu.memory_space<vmem>>, vector<16xf32>,
        %mul3A_827 = arith.mulf %get3A_822, %get3A_826 : vector<16xf32>
        %add3A_828 = arith.addf %add3A_816, %mul3A_827 : vector<16xf32>
        %add3A_829 = arith.constant 112 : i32
        %add3A_830 = arith.addi %mul3A_745, %add3A_829 : i32
        %get3A_831 = arith.constant 0 : i32
        %get3A_832 = arith.index_cast %get3A_831 : i32 to index
        %get3A_833 = arith.index_cast %add3A_830 : i32 to index
        %get3A_834 = tpu.vector_load %arg10[%get3A_832, %get3A_833] {strides = array<i32>} : memref<1x8192xf32, #tpu.memory_space<vmem>>, vector<16xf32>,
        %get3A_835 = arith.constant 0 : i32
        %get3A_836 = arith.index_cast %get3A_835 : i32 to index
        %get3A_837 = arith.index_cast %add3A_830 : i32 to index
        %get3A_838 = tpu.vector_load %arg14[%get3A_836, %get3A_837] {strides = array<i32>} : memref<1x8192xf32, #tpu.memory_space<vmem>>, vector<16xf32>,
        %mul3A_839 = arith.mulf %get3A_834, %get3A_838 : vector<16xf32>
        %add3A_840 = arith.addf %add3A_828, %mul3A_839 : vector<16xf32>
        %add3A_841 = arith.constant 128 : i32
        %add3A_842 = arith.addi %mul3A_745, %add3A_841 : i32
        %get3A_843 = arith.constant 0 : i32
        %get3A_844 = arith.index_cast %get3A_843 : i32 to index
        %get3A_845 = arith.index_cast %add3A_842 : i32 to index
        %get3A_846 = tpu.vector_load %arg10[%get3A_844, %get3A_845] {strides = array<i32>} : memref<1x8192xf32, #tpu.memory_space<vmem>>, vector<16xf32>,
        %get3A_847 = arith.constant 0 : i32
        %get3A_848 = arith.index_cast %get3A_847 : i32 to index
        %get3A_849 = arith.index_cast %add3A_842 : i32 to index
        %get3A_850 = tpu.vector_load %arg14[%get3A_848, %get3A_849] {strides = array<i32>} : memref<1x8192xf32, #tpu.memory_space<vmem>>, vector<16xf32>,
        %mul3A_851 = arith.mulf %get3A_846, %get3A_850 : vector<16xf32>
        %add3A_852 = arith.addf %scan3A_742, %mul3A_851 : vector<16xf32>
        %add3A_853 = arith.constant 144 : i32
        %add3A_854 = arith.addi %mul3A_745, %add3A_853 : i32
        %get3A_855 = arith.constant 0 : i32
        %get3A_856 = arith.index_cast %get3A_855 : i32 to index
        %get3A_857 = arith.index_cast %add3A_854 : i32 to index
        %get3A_858 = tpu.vector_load %arg10[%get3A_856, %get3A_857] {strides = array<i32>} : memref<1x8192xf32, #tpu.memory_space<vmem>>, vector<16xf32>,
        %get3A_859 = arith.constant 0 : i32
        %get3A_860 = arith.index_cast %get3A_859 : i32 to index
        %get3A_861 = arith.index_cast %add3A_854 : i32 to index
        %get3A_862 = tpu.vector_load %arg14[%get3A_860, %get3A_861] {strides = array<i32>} : memref<1x8192xf32, #tpu.memory_space<vmem>>, vector<16xf32>,
        %mul3A_863 = arith.mulf %get3A_858, %get3A_862 : vector<16xf32>
        %add3A_864 = arith.addf %add3A_852, %mul3A_863 : vector<16xf32>
        %add3A_865 = arith.constant 160 : i32
        %add3A_866 = arith.addi %mul3A_745, %add3A_865 : i32
        %get3A_867 = arith.constant 0 : i32
        %get3A_868 = arith.index_cast %get3A_867 : i32 to index
        %get3A_869 = arith.index_cast %add3A_866 : i32 to index
        %get3A_870 = tpu.vector_load %arg10[%get3A_868, %get3A_869] {strides = array<i32>} : memref<1x8192xf32, #tpu.memory_space<vmem>>, vector<16xf32>,
        %get3A_871 = arith.constant 0 : i32
        %get3A_872 = arith.index_cast %get3A_871 : i32 to index
        %get3A_873 = arith.index_cast %add3A_866 : i32 to index
        %get3A_874 = tpu.vector_load %arg14[%get3A_872, %get3A_873] {strides = array<i32>} : memref<1x8192xf32, #tpu.memory_space<vmem>>, vector<16xf32>,
        %mul3A_875 = arith.mulf %get3A_870, %get3A_874 : vector<16xf32>
        %add3A_876 = arith.addf %add3A_864, %mul3A_875 : vector<16xf32>
        %add3A_877 = arith.constant 176 : i32
        %add3A_878 = arith.addi %mul3A_745, %add3A_877 : i32
        %get3A_879 = arith.constant 0 : i32
        %get3A_880 = arith.index_cast %get3A_879 : i32 to index
        %get3A_881 = arith.index_cast %add3A_878 : i32 to index
        %get3A_882 = tpu.vector_load %arg10[%get3A_880, %get3A_881] {strides = array<i32>} : memref<1x8192xf32, #tpu.memory_space<vmem>>, vector<16xf32>,
        %get3A_883 = arith.constant 0 : i32
        %get3A_884 = arith.index_cast %get3A_883 : i32 to index
        %get3A_885 = arith.index_cast %add3A_878 : i32 to index
        %get3A_886 = tpu.vector_load %arg14[%get3A_884, %get3A_885] {strides = array<i32>} : memref<1x8192xf32, #tpu.memory_space<vmem>>, vector<16xf32>,
        %mul3A_887 = arith.mulf %get3A_882, %get3A_886 : vector<16xf32>
        %add3A_888 = arith.addf %add3A_876, %mul3A_887 : vector<16xf32>
        %add3A_889 = arith.constant 192 : i32
        %add3A_890 = arith.addi %mul3A_745, %add3A_889 : i32
        %get3A_891 = arith.constant 0 : i32
        %get3A_892 = arith.index_cast %get3A_891 : i32 to index
        %get3A_893 = arith.index_cast %add3A_890 : i32 to index
        %get3A_894 = tpu.vector_load %arg10[%get3A_892, %get3A_893] {strides = array<i32>} : memref<1x8192xf32, #tpu.memory_space<vmem>>, vector<16xf32>,
        %get3A_895 = arith.constant 0 : i32
        %get3A_896 = arith.index_cast %get3A_895 : i32 to index
        %get3A_897 = arith.index_cast %add3A_890 : i32 to index
        %get3A_898 = tpu.vector_load %arg14[%get3A_896, %get3A_897] {strides = array<i32>} : memref<1x8192xf32, #tpu.memory_space<vmem>>, vector<16xf32>,
        %mul3A_899 = arith.mulf %get3A_894, %get3A_898 : vector<16xf32>
        %add3A_900 = arith.addf %scan3A_743, %mul3A_899 : vector<16xf32>
        %add3A_901 = arith.constant 208 : i32
        %add3A_902 = arith.addi %mul3A_745, %add3A_901 : i32
        %get3A_903 = arith.constant 0 : i32
        %get3A_904 = arith.index_cast %get3A_903 : i32 to index
        %get3A_905 = arith.index_cast %add3A_902 : i32 to index
        %get3A_906 = tpu.vector_load %arg10[%get3A_904, %get3A_905] {strides = array<i32>} : memref<1x8192xf32, #tpu.memory_space<vmem>>, vector<16xf32>,
        %get3A_907 = arith.constant 0 : i32
        %get3A_908 = arith.index_cast %get3A_907 : i32 to index
        %get3A_909 = arith.index_cast %add3A_902 : i32 to index
        %get3A_910 = tpu.vector_load %arg14[%get3A_908, %get3A_909] {strides = array<i32>} : memref<1x8192xf32, #tpu.memory_space<vmem>>, vector<16xf32>,
        %mul3A_911 = arith.mulf %get3A_906, %get3A_910 : vector<16xf32>
        %add3A_912 = arith.addf %add3A_900, %mul3A_911 : vector<16xf32>
        %add3A_913 = arith.constant 224 : i32
        %add3A_914 = arith.addi %mul3A_745, %add3A_913 : i32
        %get3A_915 = arith.constant 0 : i32
        %get3A_916 = arith.index_cast %get3A_915 : i32 to index
        %get3A_917 = arith.index_cast %add3A_914 : i32 to index
        %get3A_918 = tpu.vector_load %arg10[%get3A_916, %get3A_917] {strides = array<i32>} : memref<1x8192xf32, #tpu.memory_space<vmem>>, vector<16xf32>,
        %get3A_919 = arith.constant 0 : i32
        %get3A_920 = arith.index_cast %get3A_919 : i32 to index
        %get3A_921 = arith.index_cast %add3A_914 : i32 to index
        %get3A_922 = tpu.vector_load %arg14[%get3A_920, %get3A_921] {strides = array<i32>} : memref<1x8192xf32, #tpu.memory_space<vmem>>, vector<16xf32>,
        %mul3A_923 = arith.mulf %get3A_918, %get3A_922 : vector<16xf32>
        %add3A_924 = arith.addf %add3A_912, %mul3A_923 : vector<16xf32>
        %add3A_925 = arith.constant 240 : i32
        %add3A_926 = arith.addi %mul3A_745, %add3A_925 : i32
        %get3A_927 = arith.constant 0 : i32
        %get3A_928 = arith.index_cast %get3A_927 : i32 to index
        %get3A_929 = arith.index_cast %add3A_926 : i32 to index
        %get3A_930 = tpu.vector_load %arg10[%get3A_928, %get3A_929] {strides = array<i32>} : memref<1x8192xf32, #tpu.memory_space<vmem>>, vector<16xf32>,
        %get3A_931 = arith.constant 0 : i32
        %get3A_932 = arith.index_cast %get3A_931 : i32 to index
        %get3A_933 = arith.index_cast %add3A_926 : i32 to index
        %get3A_934 = tpu.vector_load %arg14[%get3A_932, %get3A_933] {strides = array<i32>} : memref<1x8192xf32, #tpu.memory_space<vmem>>, vector<16xf32>,
        %mul3A_935 = arith.mulf %get3A_930, %get3A_934 : vector<16xf32>
        %add3A_936 = arith.addf %add3A_924, %mul3A_935 : vector<16xf32>
        scf.yield %add3A_792, %add3A_840, %add3A_888, %add3A_936 : vector<16xf32>, vector<16xf32>, vector<16xf32>, vector<16xf32>
      }
      %scan3A_123 = arith.constant 32 : i32
      %add3A_124 = arith.addf %scan3A_122#0, %scan3A_122#1 : vector<16xf32>
      %add3A_125 = arith.addf %scan3A_122#2, %scan3A_122#3 : vector<16xf32>
      %add3A_126 = arith.addf %add3A_124, %add3A_125 : vector<16xf32>
      %swap3A_127 = arith.constant 1 : i32
      %swap3A_128 = arith.index_cast %swap3A_127 : i32 to index
      %swap3A_129 = arith.constant 0 : index
      %swap3A_130 = tpu.vector_load %arg18[%swap3A_128, %swap3A_129] {strides = array<i32>} : memref<16x16xf32, #tpu.memory_space<vmem>>, vector<16xf32>,
      tpu.vector_store %arg18[%swap3A_128, %swap3A_129], %add3A_126 {strides = array<i32>} : memref<16x16xf32, #tpu.memory_space<vmem>>, vector<16xf32>,
      %add3A_131 = arith.constant 4 : i32
      %add3A_132 = arith.addi %add3A_103, %add3A_131 : i32
      %lt3A_133 = arith.constant 128 : i32
      %lt3A_134 = arith.cmpi slt, %add3A_132, %lt3A_133 : i32
      %convert_element_type3A_135 = arith.extui %lt3A_134 : i1 to i32
      %cond3A_136 = arith.constant 0 : i32
      %cond3A_137 = arith.cmpi ne, %convert_element_type3A_135, %cond3A_136 : i32
      scf.if %cond3A_137 {
        %add3A_739 = arith.constant 4 : i32
        %add3A_740 = arith.addi %add3A_103, %add3A_739 : i32
        %dma_start3A_741 = arith.constant 0 : i32
        %dma_start3A_742 = tpu.memref_slice %arg7[%add3A_740, %dma_start3A_741] : memref<128x1xi32, #tpu.memory_space<vmem>> -> memref<1x1xi32, #tpu.memory_space<vmem>>
        %dma_start3A_743 = tpu.memref_squeeze %dma_start3A_742 : memref<1x1xi32, #tpu.memory_space<vmem>> -> memref<1xi32, #tpu.memory_space<vmem>>
        %dma_start3A_744 = arith.constant 0 : i32
        %dma_start3A_745 = arith.constant 0 : i32
        %dma_start3A_746 = tpu.memref_slice %arg4[%dma_start3A_744, %dma_start3A_745] : memref<10000x8192xf32, #tpu.memory_space<hbm>> -> memref<10000x8192xf32, #tpu.memory_space<hbm>>
        tpu.enqueue_indirect_dma source(%dma_start3A_746 : memref<10000x8192xf32, #tpu.memory_space<hbm>>) target(%arg10 : memref<1x8192xf32, #tpu.memory_space<vmem>>) offsets(%dma_start3A_743 : memref<1xi32, #tpu.memory_space<vmem>>) semaphore(%arg20 : memref<!tpu.dma_semaphore, #tpu.memory_space<semaphore_mem>>)
        %dma_start3A_747 = arith.constant 0 : i32
        %dma_start3A_748 = tpu.memref_slice %arg8[%add3A_740, %dma_start3A_747] : memref<128x1xi32, #tpu.memory_space<vmem>> -> memref<1x1xi32, #tpu.memory_space<vmem>>
        %dma_start3A_749 = tpu.memref_squeeze %dma_start3A_748 : memref<1x1xi32, #tpu.memory_space<vmem>> -> memref<1xi32, #tpu.memory_space<vmem>>
        %dma_start3A_750 = arith.constant 0 : i32
        %dma_start3A_751 = arith.constant 0 : i32
        %dma_start3A_752 = tpu.memref_slice %arg5[%dma_start3A_750, %dma_start3A_751] : memref<8192x8192xf32, #tpu.memory_space<hbm>> -> memref<8192x8192xf32, #tpu.memory_space<hbm>>
        tpu.enqueue_indirect_dma source(%dma_start3A_752 : memref<8192x8192xf32, #tpu.memory_space<hbm>>) target(%arg14 : memref<1x8192xf32, #tpu.memory_space<vmem>>) offsets(%dma_start3A_749 : memref<1xi32, #tpu.memory_space<vmem>>) semaphore(%arg24 : memref<!tpu.dma_semaphore, #tpu.memory_space<semaphore_mem>>)
      } else {
      }
      %mul3A_138 = arith.constant 16 : i32
      %mul3A_139 = arith.muli %scan3A_67, %mul3A_138 : i32
      %add3A_140 = arith.constant 2 : i32
      %add3A_141 = arith.addi %mul3A_139, %add3A_140 : i32
      %dma_wait3A_142 = arith.constant 0 : i32
      %dma_wait3A_143 = tpu.memref_slice %arg7[%add3A_141, %dma_wait3A_142] : memref<128x1xi32, #tpu.memory_space<vmem>> -> memref<1x1xi32, #tpu.memory_space<vmem>>
      %dma_wait3A_144 = tpu.memref_squeeze %dma_wait3A_143 : memref<1x1xi32, #tpu.memory_space<vmem>> -> memref<1xi32, #tpu.memory_space<vmem>>
      %dma_wait3A_145 = arith.constant 0 : i32
      %dma_wait3A_146 = arith.constant 0 : i32
      %dma_wait3A_147 = tpu.memref_slice %arg4[%dma_wait3A_145, %dma_wait3A_146] : memref<10000x8192xf32, #tpu.memory_space<hbm>> -> memref<10000x8192xf32, #tpu.memory_space<hbm>>
      tpu.wait_indirect_dma semaphore(%arg21 : memref<!tpu.dma_semaphore, #tpu.memory_space<semaphore_mem>>) src(%dma_wait3A_147 : memref<10000x8192xf32, #tpu.memory_space<hbm>>) dst(%arg11 : memref<1x8192xf32, #tpu.memory_space<vmem>>)
      %dma_wait3A_148 = arith.constant 0 : i32
      %dma_wait3A_149 = tpu.memref_slice %arg8[%add3A_141, %dma_wait3A_148] : memref<128x1xi32, #tpu.memory_space<vmem>> -> memref<1x1xi32, #tpu.memory_space<vmem>>
      %dma_wait3A_150 = tpu.memref_squeeze %dma_wait3A_149 : memref<1x1xi32, #tpu.memory_space<vmem>> -> memref<1xi32, #tpu.memory_space<vmem>>
      %dma_wait3A_151 = arith.constant 0 : i32
      %dma_wait3A_152 = arith.constant 0 : i32
      %dma_wait3A_153 = tpu.memref_slice %arg5[%dma_wait3A_151, %dma_wait3A_152] : memref<8192x8192xf32, #tpu.memory_space<hbm>> -> memref<8192x8192xf32, #tpu.memory_space<hbm>>
      tpu.wait_indirect_dma semaphore(%arg25 : memref<!tpu.dma_semaphore, #tpu.memory_space<semaphore_mem>>) src(%dma_wait3A_153 : memref<8192x8192xf32, #tpu.memory_space<hbm>>) dst(%arg15 : memref<1x8192xf32, #tpu.memory_space<vmem>>)
      %broadcast_in_dim3A_154 = arith.constant 0.000000e+00 : f32
      %broadcast_in_dim3A_155 = vector.broadcast %broadcast_in_dim3A_154 : f32 to vector<16xf32>
      %scan3A_156 = arith.constant 0 : i32
      %scan3A_157 = arith.constant 32 : i32
      %scan3A_158 = arith.addi %scan3A_156, %scan3A_157 : i32
      %scan3A_159 = arith.constant 1 : i32
      %scan3A_160:4 = scf.for %scan3A_739 = %scan3A_156 to %scan3A_158 step %scan3A_159 iter_args(%scan3A_740 = %broadcast_in_dim3A_155, %scan3A_741 = %broadcast_in_dim3A_155, %scan3A_742 = %broadcast_in_dim3A_155, %scan3A_743 = %broadcast_in_dim3A_155) -> (vector<16xf32>, vector<16xf32>, vector<16xf32>, vector<16xf32>)  : i32 {
        %mul3A_744 = arith.constant 256 : i32
        %mul3A_745 = arith.muli %scan3A_739, %mul3A_744 : i32
        %add3A_746 = arith.constant 0 : i32
        %add3A_747 = arith.addi %mul3A_745, %add3A_746 : i32
        %get3A = arith.constant 0 : i32
        %get3A_748 = arith.index_cast %get3A : i32 to index
        %get3A_749 = arith.index_cast %add3A_747 : i32 to index
        %get3A_750 = tpu.vector_load %arg11[%get3A_748, %get3A_749] {strides = array<i32>} : memref<1x8192xf32, #tpu.memory_space<vmem>>, vector<16xf32>,
        %get3A_751 = arith.constant 0 : i32
        %get3A_752 = arith.index_cast %get3A_751 : i32 to index
        %get3A_753 = arith.index_cast %add3A_747 : i32 to index
        %get3A_754 = tpu.vector_load %arg15[%get3A_752, %get3A_753] {strides = array<i32>} : memref<1x8192xf32, #tpu.memory_space<vmem>>, vector<16xf32>,
        %mul3A_755 = arith.mulf %get3A_750, %get3A_754 : vector<16xf32>
        %add3A_756 = arith.addf %scan3A_740, %mul3A_755 : vector<16xf32>
        %add3A_757 = arith.constant 16 : i32
        %add3A_758 = arith.addi %mul3A_745, %add3A_757 : i32
        %get3A_759 = arith.constant 0 : i32
        %get3A_760 = arith.index_cast %get3A_759 : i32 to index
        %get3A_761 = arith.index_cast %add3A_758 : i32 to index
        %get3A_762 = tpu.vector_load %arg11[%get3A_760, %get3A_761] {strides = array<i32>} : memref<1x8192xf32, #tpu.memory_space<vmem>>, vector<16xf32>,
        %get3A_763 = arith.constant 0 : i32
        %get3A_764 = arith.index_cast %get3A_763 : i32 to index
        %get3A_765 = arith.index_cast %add3A_758 : i32 to index
        %get3A_766 = tpu.vector_load %arg15[%get3A_764, %get3A_765] {strides = array<i32>} : memref<1x8192xf32, #tpu.memory_space<vmem>>, vector<16xf32>,
        %mul3A_767 = arith.mulf %get3A_762, %get3A_766 : vector<16xf32>
        %add3A_768 = arith.addf %add3A_756, %mul3A_767 : vector<16xf32>
        %add3A_769 = arith.constant 32 : i32
        %add3A_770 = arith.addi %mul3A_745, %add3A_769 : i32
        %get3A_771 = arith.constant 0 : i32
        %get3A_772 = arith.index_cast %get3A_771 : i32 to index
        %get3A_773 = arith.index_cast %add3A_770 : i32 to index
        %get3A_774 = tpu.vector_load %arg11[%get3A_772, %get3A_773] {strides = array<i32>} : memref<1x8192xf32, #tpu.memory_space<vmem>>, vector<16xf32>,
        %get3A_775 = arith.constant 0 : i32
        %get3A_776 = arith.index_cast %get3A_775 : i32 to index
        %get3A_777 = arith.index_cast %add3A_770 : i32 to index
        %get3A_778 = tpu.vector_load %arg15[%get3A_776, %get3A_777] {strides = array<i32>} : memref<1x8192xf32, #tpu.memory_space<vmem>>, vector<16xf32>,
        %mul3A_779 = arith.mulf %get3A_774, %get3A_778 : vector<16xf32>
        %add3A_780 = arith.addf %add3A_768, %mul3A_779 : vector<16xf32>
        %add3A_781 = arith.constant 48 : i32
        %add3A_782 = arith.addi %mul3A_745, %add3A_781 : i32
        %get3A_783 = arith.constant 0 : i32
        %get3A_784 = arith.index_cast %get3A_783 : i32 to index
        %get3A_785 = arith.index_cast %add3A_782 : i32 to index
        %get3A_786 = tpu.vector_load %arg11[%get3A_784, %get3A_785] {strides = array<i32>} : memref<1x8192xf32, #tpu.memory_space<vmem>>, vector<16xf32>,
        %get3A_787 = arith.constant 0 : i32
        %get3A_788 = arith.index_cast %get3A_787 : i32 to index
        %get3A_789 = arith.index_cast %add3A_782 : i32 to index
        %get3A_790 = tpu.vector_load %arg15[%get3A_788, %get3A_789] {strides = array<i32>} : memref<1x8192xf32, #tpu.memory_space<vmem>>, vector<16xf32>,
        %mul3A_791 = arith.mulf %get3A_786, %get3A_790 : vector<16xf32>
        %add3A_792 = arith.addf %add3A_780, %mul3A_791 : vector<16xf32>
        %add3A_793 = arith.constant 64 : i32
        %add3A_794 = arith.addi %mul3A_745, %add3A_793 : i32
        %get3A_795 = arith.constant 0 : i32
        %get3A_796 = arith.index_cast %get3A_795 : i32 to index
        %get3A_797 = arith.index_cast %add3A_794 : i32 to index
        %get3A_798 = tpu.vector_load %arg11[%get3A_796, %get3A_797] {strides = array<i32>} : memref<1x8192xf32, #tpu.memory_space<vmem>>, vector<16xf32>,
        %get3A_799 = arith.constant 0 : i32
        %get3A_800 = arith.index_cast %get3A_799 : i32 to index
        %get3A_801 = arith.index_cast %add3A_794 : i32 to index
        %get3A_802 = tpu.vector_load %arg15[%get3A_800, %get3A_801] {strides = array<i32>} : memref<1x8192xf32, #tpu.memory_space<vmem>>, vector<16xf32>,
        %mul3A_803 = arith.mulf %get3A_798, %get3A_802 : vector<16xf32>
        %add3A_804 = arith.addf %scan3A_741, %mul3A_803 : vector<16xf32>
        %add3A_805 = arith.constant 80 : i32
        %add3A_806 = arith.addi %mul3A_745, %add3A_805 : i32
        %get3A_807 = arith.constant 0 : i32
        %get3A_808 = arith.index_cast %get3A_807 : i32 to index
        %get3A_809 = arith.index_cast %add3A_806 : i32 to index
        %get3A_810 = tpu.vector_load %arg11[%get3A_808, %get3A_809] {strides = array<i32>} : memref<1x8192xf32, #tpu.memory_space<vmem>>, vector<16xf32>,
        %get3A_811 = arith.constant 0 : i32
        %get3A_812 = arith.index_cast %get3A_811 : i32 to index
        %get3A_813 = arith.index_cast %add3A_806 : i32 to index
        %get3A_814 = tpu.vector_load %arg15[%get3A_812, %get3A_813] {strides = array<i32>} : memref<1x8192xf32, #tpu.memory_space<vmem>>, vector<16xf32>,
        %mul3A_815 = arith.mulf %get3A_810, %get3A_814 : vector<16xf32>
        %add3A_816 = arith.addf %add3A_804, %mul3A_815 : vector<16xf32>
        %add3A_817 = arith.constant 96 : i32
        %add3A_818 = arith.addi %mul3A_745, %add3A_817 : i32
        %get3A_819 = arith.constant 0 : i32
        %get3A_820 = arith.index_cast %get3A_819 : i32 to index
        %get3A_821 = arith.index_cast %add3A_818 : i32 to index
        %get3A_822 = tpu.vector_load %arg11[%get3A_820, %get3A_821] {strides = array<i32>} : memref<1x8192xf32, #tpu.memory_space<vmem>>, vector<16xf32>,
        %get3A_823 = arith.constant 0 : i32
        %get3A_824 = arith.index_cast %get3A_823 : i32 to index
        %get3A_825 = arith.index_cast %add3A_818 : i32 to index
        %get3A_826 = tpu.vector_load %arg15[%get3A_824, %get3A_825] {strides = array<i32>} : memref<1x8192xf32, #tpu.memory_space<vmem>>, vector<16xf32>,
        %mul3A_827 = arith.mulf %get3A_822, %get3A_826 : vector<16xf32>
        %add3A_828 = arith.addf %add3A_816, %mul3A_827 : vector<16xf32>
        %add3A_829 = arith.constant 112 : i32
        %add3A_830 = arith.addi %mul3A_745, %add3A_829 : i32
        %get3A_831 = arith.constant 0 : i32
        %get3A_832 = arith.index_cast %get3A_831 : i32 to index
        %get3A_833 = arith.index_cast %add3A_830 : i32 to index
        %get3A_834 = tpu.vector_load %arg11[%get3A_832, %get3A_833] {strides = array<i32>} : memref<1x8192xf32, #tpu.memory_space<vmem>>, vector<16xf32>,
        %get3A_835 = arith.constant 0 : i32
        %get3A_836 = arith.index_cast %get3A_835 : i32 to index
        %get3A_837 = arith.index_cast %add3A_830 : i32 to index
        %get3A_838 = tpu.vector_load %arg15[%get3A_836, %get3A_837] {strides = array<i32>} : memref<1x8192xf32, #tpu.memory_space<vmem>>, vector<16xf32>,
        %mul3A_839 = arith.mulf %get3A_834, %get3A_838 : vector<16xf32>
        %add3A_840 = arith.addf %add3A_828, %mul3A_839 : vector<16xf32>
        %add3A_841 = arith.constant 128 : i32
        %add3A_842 = arith.addi %mul3A_745, %add3A_841 : i32
        %get3A_843 = arith.constant 0 : i32
        %get3A_844 = arith.index_cast %get3A_843 : i32 to index
        %get3A_845 = arith.index_cast %add3A_842 : i32 to index
        %get3A_846 = tpu.vector_load %arg11[%get3A_844, %get3A_845] {strides = array<i32>} : memref<1x8192xf32, #tpu.memory_space<vmem>>, vector<16xf32>,
        %get3A_847 = arith.constant 0 : i32
        %get3A_848 = arith.index_cast %get3A_847 : i32 to index
        %get3A_849 = arith.index_cast %add3A_842 : i32 to index
        %get3A_850 = tpu.vector_load %arg15[%get3A_848, %get3A_849] {strides = array<i32>} : memref<1x8192xf32, #tpu.memory_space<vmem>>, vector<16xf32>,
        %mul3A_851 = arith.mulf %get3A_846, %get3A_850 : vector<16xf32>
        %add3A_852 = arith.addf %scan3A_742, %mul3A_851 : vector<16xf32>
        %add3A_853 = arith.constant 144 : i32
        %add3A_854 = arith.addi %mul3A_745, %add3A_853 : i32
        %get3A_855 = arith.constant 0 : i32
        %get3A_856 = arith.index_cast %get3A_855 : i32 to index
        %get3A_857 = arith.index_cast %add3A_854 : i32 to index
        %get3A_858 = tpu.vector_load %arg11[%get3A_856, %get3A_857] {strides = array<i32>} : memref<1x8192xf32, #tpu.memory_space<vmem>>, vector<16xf32>,
        %get3A_859 = arith.constant 0 : i32
        %get3A_860 = arith.index_cast %get3A_859 : i32 to index
        %get3A_861 = arith.index_cast %add3A_854 : i32 to index
        %get3A_862 = tpu.vector_load %arg15[%get3A_860, %get3A_861] {strides = array<i32>} : memref<1x8192xf32, #tpu.memory_space<vmem>>, vector<16xf32>,
        %mul3A_863 = arith.mulf %get3A_858, %get3A_862 : vector<16xf32>
        %add3A_864 = arith.addf %add3A_852, %mul3A_863 : vector<16xf32>
        %add3A_865 = arith.constant 160 : i32
        %add3A_866 = arith.addi %mul3A_745, %add3A_865 : i32
        %get3A_867 = arith.constant 0 : i32
        %get3A_868 = arith.index_cast %get3A_867 : i32 to index
        %get3A_869 = arith.index_cast %add3A_866 : i32 to index
        %get3A_870 = tpu.vector_load %arg11[%get3A_868, %get3A_869] {strides = array<i32>} : memref<1x8192xf32, #tpu.memory_space<vmem>>, vector<16xf32>,
        %get3A_871 = arith.constant 0 : i32
        %get3A_872 = arith.index_cast %get3A_871 : i32 to index
        %get3A_873 = arith.index_cast %add3A_866 : i32 to index
        %get3A_874 = tpu.vector_load %arg15[%get3A_872, %get3A_873] {strides = array<i32>} : memref<1x8192xf32, #tpu.memory_space<vmem>>, vector<16xf32>,
        %mul3A_875 = arith.mulf %get3A_870, %get3A_874 : vector<16xf32>
        %add3A_876 = arith.addf %add3A_864, %mul3A_875 : vector<16xf32>
        %add3A_877 = arith.constant 176 : i32
        %add3A_878 = arith.addi %mul3A_745, %add3A_877 : i32
        %get3A_879 = arith.constant 0 : i32
        %get3A_880 = arith.index_cast %get3A_879 : i32 to index
        %get3A_881 = arith.index_cast %add3A_878 : i32 to index
        %get3A_882 = tpu.vector_load %arg11[%get3A_880, %get3A_881] {strides = array<i32>} : memref<1x8192xf32, #tpu.memory_space<vmem>>, vector<16xf32>,
        %get3A_883 = arith.constant 0 : i32
        %get3A_884 = arith.index_cast %get3A_883 : i32 to index
        %get3A_885 = arith.index_cast %add3A_878 : i32 to index
        %get3A_886 = tpu.vector_load %arg15[%get3A_884, %get3A_885] {strides = array<i32>} : memref<1x8192xf32, #tpu.memory_space<vmem>>, vector<16xf32>,
        %mul3A_887 = arith.mulf %get3A_882, %get3A_886 : vector<16xf32>
        %add3A_888 = arith.addf %add3A_876, %mul3A_887 : vector<16xf32>
        %add3A_889 = arith.constant 192 : i32
        %add3A_890 = arith.addi %mul3A_745, %add3A_889 : i32
        %get3A_891 = arith.constant 0 : i32
        %get3A_892 = arith.index_cast %get3A_891 : i32 to index
        %get3A_893 = arith.index_cast %add3A_890 : i32 to index
        %get3A_894 = tpu.vector_load %arg11[%get3A_892, %get3A_893] {strides = array<i32>} : memref<1x8192xf32, #tpu.memory_space<vmem>>, vector<16xf32>,
        %get3A_895 = arith.constant 0 : i32
        %get3A_896 = arith.index_cast %get3A_895 : i32 to index
        %get3A_897 = arith.index_cast %add3A_890 : i32 to index
        %get3A_898 = tpu.vector_load %arg15[%get3A_896, %get3A_897] {strides = array<i32>} : memref<1x8192xf32, #tpu.memory_space<vmem>>, vector<16xf32>,
        %mul3A_899 = arith.mulf %get3A_894, %get3A_898 : vector<16xf32>
        %add3A_900 = arith.addf %scan3A_743, %mul3A_899 : vector<16xf32>
        %add3A_901 = arith.constant 208 : i32
        %add3A_902 = arith.addi %mul3A_745, %add3A_901 : i32
        %get3A_903 = arith.constant 0 : i32
        %get3A_904 = arith.index_cast %get3A_903 : i32 to index
        %get3A_905 = arith.index_cast %add3A_902 : i32 to index
        %get3A_906 = tpu.vector_load %arg11[%get3A_904, %get3A_905] {strides = array<i32>} : memref<1x8192xf32, #tpu.memory_space<vmem>>, vector<16xf32>,
        %get3A_907 = arith.constant 0 : i32
        %get3A_908 = arith.index_cast %get3A_907 : i32 to index
        %get3A_909 = arith.index_cast %add3A_902 : i32 to index
        %get3A_910 = tpu.vector_load %arg15[%get3A_908, %get3A_909] {strides = array<i32>} : memref<1x8192xf32, #tpu.memory_space<vmem>>, vector<16xf32>,
        %mul3A_911 = arith.mulf %get3A_906, %get3A_910 : vector<16xf32>
        %add3A_912 = arith.addf %add3A_900, %mul3A_911 : vector<16xf32>
        %add3A_913 = arith.constant 224 : i32
        %add3A_914 = arith.addi %mul3A_745, %add3A_913 : i32
        %get3A_915 = arith.constant 0 : i32
        %get3A_916 = arith.index_cast %get3A_915 : i32 to index
        %get3A_917 = arith.index_cast %add3A_914 : i32 to index
        %get3A_918 = tpu.vector_load %arg11[%get3A_916, %get3A_917] {strides = array<i32>} : memref<1x8192xf32, #tpu.memory_space<vmem>>, vector<16xf32>,
        %get3A_919 = arith.constant 0 : i32
        %get3A_920 = arith.index_cast %get3A_919 : i32 to index
        %get3A_921 = arith.index_cast %add3A_914 : i32 to index
        %get3A_922 = tpu.vector_load %arg15[%get3A_920, %get3A_921] {strides = array<i32>} : memref<1x8192xf32, #tpu.memory_space<vmem>>, vector<16xf32>,
        %mul3A_923 = arith.mulf %get3A_918, %get3A_922 : vector<16xf32>
        %add3A_924 = arith.addf %add3A_912, %mul3A_923 : vector<16xf32>
        %add3A_925 = arith.constant 240 : i32
        %add3A_926 = arith.addi %mul3A_745, %add3A_925 : i32
        %get3A_927 = arith.constant 0 : i32
        %get3A_928 = arith.index_cast %get3A_927 : i32 to index
        %get3A_929 = arith.index_cast %add3A_926 : i32 to index
        %get3A_930 = tpu.vector_load %arg11[%get3A_928, %get3A_929] {strides = array<i32>} : memref<1x8192xf32, #tpu.memory_space<vmem>>, vector<16xf32>,
        %get3A_931 = arith.constant 0 : i32
        %get3A_932 = arith.index_cast %get3A_931 : i32 to index
        %get3A_933 = arith.index_cast %add3A_926 : i32 to index
        %get3A_934 = tpu.vector_load %arg15[%get3A_932, %get3A_933] {strides = array<i32>} : memref<1x8192xf32, #tpu.memory_space<vmem>>, vector<16xf32>,
        %mul3A_935 = arith.mulf %get3A_930, %get3A_934 : vector<16xf32>
        %add3A_936 = arith.addf %add3A_924, %mul3A_935 : vector<16xf32>
        scf.yield %add3A_792, %add3A_840, %add3A_888, %add3A_936 : vector<16xf32>, vector<16xf32>, vector<16xf32>, vector<16xf32>
      }
      %scan3A_161 = arith.constant 32 : i32
      %add3A_162 = arith.addf %scan3A_160#0, %scan3A_160#1 : vector<16xf32>
      %add3A_163 = arith.addf %scan3A_160#2, %scan3A_160#3 : vector<16xf32>
      %add3A_164 = arith.addf %add3A_162, %add3A_163 : vector<16xf32>
      %swap3A_165 = arith.constant 2 : i32
      %swap3A_166 = arith.index_cast %swap3A_165 : i32 to index
      %swap3A_167 = arith.constant 0 : index
      %swap3A_168 = tpu.vector_load %arg18[%swap3A_166, %swap3A_167] {strides = array<i32>} : memref<16x16xf32, #tpu.memory_space<vmem>>, vector<16xf32>,
      tpu.vector_store %arg18[%swap3A_166, %swap3A_167], %add3A_164 {strides = array<i32>} : memref<16x16xf32, #tpu.memory_space<vmem>>, vector<16xf32>,
      %add3A_169 = arith.constant 4 : i32
      %add3A_170 = arith.addi %add3A_141, %add3A_169 : i32
      %lt3A_171 = arith.constant 128 : i32
      %lt3A_172 = arith.cmpi slt, %add3A_170, %lt3A_171 : i32
      %convert_element_type3A_173 = arith.extui %lt3A_172 : i1 to i32
      %cond3A_174 = arith.constant 0 : i32
      %cond3A_175 = arith.cmpi ne, %convert_element_type3A_173, %cond3A_174 : i32
      scf.if %cond3A_175 {
        %add3A_739 = arith.constant 4 : i32
        %add3A_740 = arith.addi %add3A_141, %add3A_739 : i32
        %dma_start3A_741 = arith.constant 0 : i32
        %dma_start3A_742 = tpu.memref_slice %arg7[%add3A_740, %dma_start3A_741] : memref<128x1xi32, #tpu.memory_space<vmem>> -> memref<1x1xi32, #tpu.memory_space<vmem>>
        %dma_start3A_743 = tpu.memref_squeeze %dma_start3A_742 : memref<1x1xi32, #tpu.memory_space<vmem>> -> memref<1xi32, #tpu.memory_space<vmem>>
        %dma_start3A_744 = arith.constant 0 : i32
        %dma_start3A_745 = arith.constant 0 : i32
        %dma_start3A_746 = tpu.memref_slice %arg4[%dma_start3A_744, %dma_start3A_745] : memref<10000x8192xf32, #tpu.memory_space<hbm>> -> memref<10000x8192xf32, #tpu.memory_space<hbm>>
        tpu.enqueue_indirect_dma source(%dma_start3A_746 : memref<10000x8192xf32, #tpu.memory_space<hbm>>) target(%arg11 : memref<1x8192xf32, #tpu.memory_space<vmem>>) offsets(%dma_start3A_743 : memref<1xi32, #tpu.memory_space<vmem>>) semaphore(%arg21 : memref<!tpu.dma_semaphore, #tpu.memory_space<semaphore_mem>>)
        %dma_start3A_747 = arith.constant 0 : i32
        %dma_start3A_748 = tpu.memref_slice %arg8[%add3A_740, %dma_start3A_747] : memref<128x1xi32, #tpu.memory_space<vmem>> -> memref<1x1xi32, #tpu.memory_space<vmem>>
        %dma_start3A_749 = tpu.memref_squeeze %dma_start3A_748 : memref<1x1xi32, #tpu.memory_space<vmem>> -> memref<1xi32, #tpu.memory_space<vmem>>
        %dma_start3A_750 = arith.constant 0 : i32
        %dma_start3A_751 = arith.constant 0 : i32
        %dma_start3A_752 = tpu.memref_slice %arg5[%dma_start3A_750, %dma_start3A_751] : memref<8192x8192xf32, #tpu.memory_space<hbm>> -> memref<8192x8192xf32, #tpu.memory_space<hbm>>
        tpu.enqueue_indirect_dma source(%dma_start3A_752 : memref<8192x8192xf32, #tpu.memory_space<hbm>>) target(%arg15 : memref<1x8192xf32, #tpu.memory_space<vmem>>) offsets(%dma_start3A_749 : memref<1xi32, #tpu.memory_space<vmem>>) semaphore(%arg25 : memref<!tpu.dma_semaphore, #tpu.memory_space<semaphore_mem>>)
      } else {
      }
      %mul3A_176 = arith.constant 16 : i32
      %mul3A_177 = arith.muli %scan3A_67, %mul3A_176 : i32
      %add3A_178 = arith.constant 3 : i32
      %add3A_179 = arith.addi %mul3A_177, %add3A_178 : i32
      %dma_wait3A_180 = arith.constant 0 : i32
      %dma_wait3A_181 = tpu.memref_slice %arg7[%add3A_179, %dma_wait3A_180] : memref<128x1xi32, #tpu.memory_space<vmem>> -> memref<1x1xi32, #tpu.memory_space<vmem>>
      %dma_wait3A_182 = tpu.memref_squeeze %dma_wait3A_181 : memref<1x1xi32, #tpu.memory_space<vmem>> -> memref<1xi32, #tpu.memory_space<vmem>>
      %dma_wait3A_183 = arith.constant 0 : i32
      %dma_wait3A_184 = arith.constant 0 : i32
      %dma_wait3A_185 = tpu.memref_slice %arg4[%dma_wait3A_183, %dma_wait3A_184] : memref<10000x8192xf32, #tpu.memory_space<hbm>> -> memref<10000x8192xf32, #tpu.memory_space<hbm>>
      tpu.wait_indirect_dma semaphore(%arg22 : memref<!tpu.dma_semaphore, #tpu.memory_space<semaphore_mem>>) src(%dma_wait3A_185 : memref<10000x8192xf32, #tpu.memory_space<hbm>>) dst(%arg12 : memref<1x8192xf32, #tpu.memory_space<vmem>>)
      %dma_wait3A_186 = arith.constant 0 : i32
      %dma_wait3A_187 = tpu.memref_slice %arg8[%add3A_179, %dma_wait3A_186] : memref<128x1xi32, #tpu.memory_space<vmem>> -> memref<1x1xi32, #tpu.memory_space<vmem>>
      %dma_wait3A_188 = tpu.memref_squeeze %dma_wait3A_187 : memref<1x1xi32, #tpu.memory_space<vmem>> -> memref<1xi32, #tpu.memory_space<vmem>>
      %dma_wait3A_189 = arith.constant 0 : i32
      %dma_wait3A_190 = arith.constant 0 : i32
      %dma_wait3A_191 = tpu.memref_slice %arg5[%dma_wait3A_189, %dma_wait3A_190] : memref<8192x8192xf32, #tpu.memory_space<hbm>> -> memref<8192x8192xf32, #tpu.memory_space<hbm>>
      tpu.wait_indirect_dma semaphore(%arg26 : memref<!tpu.dma_semaphore, #tpu.memory_space<semaphore_mem>>) src(%dma_wait3A_191 : memref<8192x8192xf32, #tpu.memory_space<hbm>>) dst(%arg16 : memref<1x8192xf32, #tpu.memory_space<vmem>>)
      %broadcast_in_dim3A_192 = arith.constant 0.000000e+00 : f32
      %broadcast_in_dim3A_193 = vector.broadcast %broadcast_in_dim3A_192 : f32 to vector<16xf32>
      %scan3A_194 = arith.constant 0 : i32
      %scan3A_195 = arith.constant 32 : i32
      %scan3A_196 = arith.addi %scan3A_194, %scan3A_195 : i32
      %scan3A_197 = arith.constant 1 : i32
      %scan3A_198:4 = scf.for %scan3A_739 = %scan3A_194 to %scan3A_196 step %scan3A_197 iter_args(%scan3A_740 = %broadcast_in_dim3A_193, %scan3A_741 = %broadcast_in_dim3A_193, %scan3A_742 = %broadcast_in_dim3A_193, %scan3A_743 = %broadcast_in_dim3A_193) -> (vector<16xf32>, vector<16xf32>, vector<16xf32>, vector<16xf32>)  : i32 {
        %mul3A_744 = arith.constant 256 : i32
        %mul3A_745 = arith.muli %scan3A_739, %mul3A_744 : i32
        %add3A_746 = arith.constant 0 : i32
        %add3A_747 = arith.addi %mul3A_745, %add3A_746 : i32
        %get3A = arith.constant 0 : i32
        %get3A_748 = arith.index_cast %get3A : i32 to index
        %get3A_749 = arith.index_cast %add3A_747 : i32 to index
        %get3A_750 = tpu.vector_load %arg12[%get3A_748, %get3A_749] {strides = array<i32>} : memref<1x8192xf32, #tpu.memory_space<vmem>>, vector<16xf32>,
        %get3A_751 = arith.constant 0 : i32
        %get3A_752 = arith.index_cast %get3A_751 : i32 to index
        %get3A_753 = arith.index_cast %add3A_747 : i32 to index
        %get3A_754 = tpu.vector_load %arg16[%get3A_752, %get3A_753] {strides = array<i32>} : memref<1x8192xf32, #tpu.memory_space<vmem>>, vector<16xf32>,
        %mul3A_755 = arith.mulf %get3A_750, %get3A_754 : vector<16xf32>
        %add3A_756 = arith.addf %scan3A_740, %mul3A_755 : vector<16xf32>
        %add3A_757 = arith.constant 16 : i32
        %add3A_758 = arith.addi %mul3A_745, %add3A_757 : i32
        %get3A_759 = arith.constant 0 : i32
        %get3A_760 = arith.index_cast %get3A_759 : i32 to index
        %get3A_761 = arith.index_cast %add3A_758 : i32 to index
        %get3A_762 = tpu.vector_load %arg12[%get3A_760, %get3A_761] {strides = array<i32>} : memref<1x8192xf32, #tpu.memory_space<vmem>>, vector<16xf32>,
        %get3A_763 = arith.constant 0 : i32
        %get3A_764 = arith.index_cast %get3A_763 : i32 to index
        %get3A_765 = arith.index_cast %add3A_758 : i32 to index
        %get3A_766 = tpu.vector_load %arg16[%get3A_764, %get3A_765] {strides = array<i32>} : memref<1x8192xf32, #tpu.memory_space<vmem>>, vector<16xf32>,
        %mul3A_767 = arith.mulf %get3A_762, %get3A_766 : vector<16xf32>
        %add3A_768 = arith.addf %add3A_756, %mul3A_767 : vector<16xf32>
        %add3A_769 = arith.constant 32 : i32
        %add3A_770 = arith.addi %mul3A_745, %add3A_769 : i32
        %get3A_771 = arith.constant 0 : i32
        %get3A_772 = arith.index_cast %get3A_771 : i32 to index
        %get3A_773 = arith.index_cast %add3A_770 : i32 to index
        %get3A_774 = tpu.vector_load %arg12[%get3A_772, %get3A_773] {strides = array<i32>} : memref<1x8192xf32, #tpu.memory_space<vmem>>, vector<16xf32>,
        %get3A_775 = arith.constant 0 : i32
        %get3A_776 = arith.index_cast %get3A_775 : i32 to index
        %get3A_777 = arith.index_cast %add3A_770 : i32 to index
        %get3A_778 = tpu.vector_load %arg16[%get3A_776, %get3A_777] {strides = array<i32>} : memref<1x8192xf32, #tpu.memory_space<vmem>>, vector<16xf32>,
        %mul3A_779 = arith.mulf %get3A_774, %get3A_778 : vector<16xf32>
        %add3A_780 = arith.addf %add3A_768, %mul3A_779 : vector<16xf32>
        %add3A_781 = arith.constant 48 : i32
        %add3A_782 = arith.addi %mul3A_745, %add3A_781 : i32
        %get3A_783 = arith.constant 0 : i32
        %get3A_784 = arith.index_cast %get3A_783 : i32 to index
        %get3A_785 = arith.index_cast %add3A_782 : i32 to index
        %get3A_786 = tpu.vector_load %arg12[%get3A_784, %get3A_785] {strides = array<i32>} : memref<1x8192xf32, #tpu.memory_space<vmem>>, vector<16xf32>,
        %get3A_787 = arith.constant 0 : i32
        %get3A_788 = arith.index_cast %get3A_787 : i32 to index
        %get3A_789 = arith.index_cast %add3A_782 : i32 to index
        %get3A_790 = tpu.vector_load %arg16[%get3A_788, %get3A_789] {strides = array<i32>} : memref<1x8192xf32, #tpu.memory_space<vmem>>, vector<16xf32>,
        %mul3A_791 = arith.mulf %get3A_786, %get3A_790 : vector<16xf32>
        %add3A_792 = arith.addf %add3A_780, %mul3A_791 : vector<16xf32>
        %add3A_793 = arith.constant 64 : i32
        %add3A_794 = arith.addi %mul3A_745, %add3A_793 : i32
        %get3A_795 = arith.constant 0 : i32
        %get3A_796 = arith.index_cast %get3A_795 : i32 to index
        %get3A_797 = arith.index_cast %add3A_794 : i32 to index
        %get3A_798 = tpu.vector_load %arg12[%get3A_796, %get3A_797] {strides = array<i32>} : memref<1x8192xf32, #tpu.memory_space<vmem>>, vector<16xf32>,
        %get3A_799 = arith.constant 0 : i32
        %get3A_800 = arith.index_cast %get3A_799 : i32 to index
        %get3A_801 = arith.index_cast %add3A_794 : i32 to index
        %get3A_802 = tpu.vector_load %arg16[%get3A_800, %get3A_801] {strides = array<i32>} : memref<1x8192xf32, #tpu.memory_space<vmem>>, vector<16xf32>,
        %mul3A_803 = arith.mulf %get3A_798, %get3A_802 : vector<16xf32>
        %add3A_804 = arith.addf %scan3A_741, %mul3A_803 : vector<16xf32>
        %add3A_805 = arith.constant 80 : i32
        %add3A_806 = arith.addi %mul3A_745, %add3A_805 : i32
        %get3A_807 = arith.constant 0 : i32
        %get3A_808 = arith.index_cast %get3A_807 : i32 to index
        %get3A_809 = arith.index_cast %add3A_806 : i32 to index
        %get3A_810 = tpu.vector_load %arg12[%get3A_808, %get3A_809] {strides = array<i32>} : memref<1x8192xf32, #tpu.memory_space<vmem>>, vector<16xf32>,
        %get3A_811 = arith.constant 0 : i32
        %get3A_812 = arith.index_cast %get3A_811 : i32 to index
        %get3A_813 = arith.index_cast %add3A_806 : i32 to index
        %get3A_814 = tpu.vector_load %arg16[%get3A_812, %get3A_813] {strides = array<i32>} : memref<1x8192xf32, #tpu.memory_space<vmem>>, vector<16xf32>,
        %mul3A_815 = arith.mulf %get3A_810, %get3A_814 : vector<16xf32>
        %add3A_816 = arith.addf %add3A_804, %mul3A_815 : vector<16xf32>
        %add3A_817 = arith.constant 96 : i32
        %add3A_818 = arith.addi %mul3A_745, %add3A_817 : i32
        %get3A_819 = arith.constant 0 : i32
        %get3A_820 = arith.index_cast %get3A_819 : i32 to index
        %get3A_821 = arith.index_cast %add3A_818 : i32 to index
        %get3A_822 = tpu.vector_load %arg12[%get3A_820, %get3A_821] {strides = array<i32>} : memref<1x8192xf32, #tpu.memory_space<vmem>>, vector<16xf32>,
        %get3A_823 = arith.constant 0 : i32
        %get3A_824 = arith.index_cast %get3A_823 : i32 to index
        %get3A_825 = arith.index_cast %add3A_818 : i32 to index
        %get3A_826 = tpu.vector_load %arg16[%get3A_824, %get3A_825] {strides = array<i32>} : memref<1x8192xf32, #tpu.memory_space<vmem>>, vector<16xf32>,
        %mul3A_827 = arith.mulf %get3A_822, %get3A_826 : vector<16xf32>
        %add3A_828 = arith.addf %add3A_816, %mul3A_827 : vector<16xf32>
        %add3A_829 = arith.constant 112 : i32
        %add3A_830 = arith.addi %mul3A_745, %add3A_829 : i32
        %get3A_831 = arith.constant 0 : i32
        %get3A_832 = arith.index_cast %get3A_831 : i32 to index
        %get3A_833 = arith.index_cast %add3A_830 : i32 to index
        %get3A_834 = tpu.vector_load %arg12[%get3A_832, %get3A_833] {strides = array<i32>} : memref<1x8192xf32, #tpu.memory_space<vmem>>, vector<16xf32>,
        %get3A_835 = arith.constant 0 : i32
        %get3A_836 = arith.index_cast %get3A_835 : i32 to index
        %get3A_837 = arith.index_cast %add3A_830 : i32 to index
        %get3A_838 = tpu.vector_load %arg16[%get3A_836, %get3A_837] {strides = array<i32>} : memref<1x8192xf32, #tpu.memory_space<vmem>>, vector<16xf32>,
        %mul3A_839 = arith.mulf %get3A_834, %get3A_838 : vector<16xf32>
        %add3A_840 = arith.addf %add3A_828, %mul3A_839 : vector<16xf32>
        %add3A_841 = arith.constant 128 : i32
        %add3A_842 = arith.addi %mul3A_745, %add3A_841 : i32
        %get3A_843 = arith.constant 0 : i32
        %get3A_844 = arith.index_cast %get3A_843 : i32 to index
        %get3A_845 = arith.index_cast %add3A_842 : i32 to index
        %get3A_846 = tpu.vector_load %arg12[%get3A_844, %get3A_845] {strides = array<i32>} : memref<1x8192xf32, #tpu.memory_space<vmem>>, vector<16xf32>,
        %get3A_847 = arith.constant 0 : i32
        %get3A_848 = arith.index_cast %get3A_847 : i32 to index
        %get3A_849 = arith.index_cast %add3A_842 : i32 to index
        %get3A_850 = tpu.vector_load %arg16[%get3A_848, %get3A_849] {strides = array<i32>} : memref<1x8192xf32, #tpu.memory_space<vmem>>, vector<16xf32>,
        %mul3A_851 = arith.mulf %get3A_846, %get3A_850 : vector<16xf32>
        %add3A_852 = arith.addf %scan3A_742, %mul3A_851 : vector<16xf32>
        %add3A_853 = arith.constant 144 : i32
        %add3A_854 = arith.addi %mul3A_745, %add3A_853 : i32
        %get3A_855 = arith.constant 0 : i32
        %get3A_856 = arith.index_cast %get3A_855 : i32 to index
        %get3A_857 = arith.index_cast %add3A_854 : i32 to index
        %get3A_858 = tpu.vector_load %arg12[%get3A_856, %get3A_857] {strides = array<i32>} : memref<1x8192xf32, #tpu.memory_space<vmem>>, vector<16xf32>,
        %get3A_859 = arith.constant 0 : i32
        %get3A_860 = arith.index_cast %get3A_859 : i32 to index
        %get3A_861 = arith.index_cast %add3A_854 : i32 to index
        %get3A_862 = tpu.vector_load %arg16[%get3A_860, %get3A_861] {strides = array<i32>} : memref<1x8192xf32, #tpu.memory_space<vmem>>, vector<16xf32>,
        %mul3A_863 = arith.mulf %get3A_858, %get3A_862 : vector<16xf32>
        %add3A_864 = arith.addf %add3A_852, %mul3A_863 : vector<16xf32>
        %add3A_865 = arith.constant 160 : i32
        %add3A_866 = arith.addi %mul3A_745, %add3A_865 : i32
        %get3A_867 = arith.constant 0 : i32
        %get3A_868 = arith.index_cast %get3A_867 : i32 to index
        %get3A_869 = arith.index_cast %add3A_866 : i32 to index
        %get3A_870 = tpu.vector_load %arg12[%get3A_868, %get3A_869] {strides = array<i32>} : memref<1x8192xf32, #tpu.memory_space<vmem>>, vector<16xf32>,
        %get3A_871 = arith.constant 0 : i32
        %get3A_872 = arith.index_cast %get3A_871 : i32 to index
        %get3A_873 = arith.index_cast %add3A_866 : i32 to index
        %get3A_874 = tpu.vector_load %arg16[%get3A_872, %get3A_873] {strides = array<i32>} : memref<1x8192xf32, #tpu.memory_space<vmem>>, vector<16xf32>,
        %mul3A_875 = arith.mulf %get3A_870, %get3A_874 : vector<16xf32>
        %add3A_876 = arith.addf %add3A_864, %mul3A_875 : vector<16xf32>
        %add3A_877 = arith.constant 176 : i32
        %add3A_878 = arith.addi %mul3A_745, %add3A_877 : i32
        %get3A_879 = arith.constant 0 : i32
        %get3A_880 = arith.index_cast %get3A_879 : i32 to index
        %get3A_881 = arith.index_cast %add3A_878 : i32 to index
        %get3A_882 = tpu.vector_load %arg12[%get3A_880, %get3A_881] {strides = array<i32>} : memref<1x8192xf32, #tpu.memory_space<vmem>>, vector<16xf32>,
        %get3A_883 = arith.constant 0 : i32
        %get3A_884 = arith.index_cast %get3A_883 : i32 to index
        %get3A_885 = arith.index_cast %add3A_878 : i32 to index
        %get3A_886 = tpu.vector_load %arg16[%get3A_884, %get3A_885] {strides = array<i32>} : memref<1x8192xf32, #tpu.memory_space<vmem>>, vector<16xf32>,
        %mul3A_887 = arith.mulf %get3A_882, %get3A_886 : vector<16xf32>
        %add3A_888 = arith.addf %add3A_876, %mul3A_887 : vector<16xf32>
        %add3A_889 = arith.constant 192 : i32
        %add3A_890 = arith.addi %mul3A_745, %add3A_889 : i32
        %get3A_891 = arith.constant 0 : i32
        %get3A_892 = arith.index_cast %get3A_891 : i32 to index
        %get3A_893 = arith.index_cast %add3A_890 : i32 to index
        %get3A_894 = tpu.vector_load %arg12[%get3A_892, %get3A_893] {strides = array<i32>} : memref<1x8192xf32, #tpu.memory_space<vmem>>, vector<16xf32>,
        %get3A_895 = arith.constant 0 : i32
        %get3A_896 = arith.index_cast %get3A_895 : i32 to index
        %get3A_897 = arith.index_cast %add3A_890 : i32 to index
        %get3A_898 = tpu.vector_load %arg16[%get3A_896, %get3A_897] {strides = array<i32>} : memref<1x8192xf32, #tpu.memory_space<vmem>>, vector<16xf32>,
        %mul3A_899 = arith.mulf %get3A_894, %get3A_898 : vector<16xf32>
        %add3A_900 = arith.addf %scan3A_743, %mul3A_899 : vector<16xf32>
        %add3A_901 = arith.constant 208 : i32
        %add3A_902 = arith.addi %mul3A_745, %add3A_901 : i32
        %get3A_903 = arith.constant 0 : i32
        %get3A_904 = arith.index_cast %get3A_903 : i32 to index
        %get3A_905 = arith.index_cast %add3A_902 : i32 to index
        %get3A_906 = tpu.vector_load %arg12[%get3A_904, %get3A_905] {strides = array<i32>} : memref<1x8192xf32, #tpu.memory_space<vmem>>, vector<16xf32>,
        %get3A_907 = arith.constant 0 : i32
        %get3A_908 = arith.index_cast %get3A_907 : i32 to index
        %get3A_909 = arith.index_cast %add3A_902 : i32 to index
        %get3A_910 = tpu.vector_load %arg16[%get3A_908, %get3A_909] {strides = array<i32>} : memref<1x8192xf32, #tpu.memory_space<vmem>>, vector<16xf32>,
        %mul3A_911 = arith.mulf %get3A_906, %get3A_910 : vector<16xf32>
        %add3A_912 = arith.addf %add3A_900, %mul3A_911 : vector<16xf32>
        %add3A_913 = arith.constant 224 : i32
        %add3A_914 = arith.addi %mul3A_745, %add3A_913 : i32
        %get3A_915 = arith.constant 0 : i32
        %get3A_916 = arith.index_cast %get3A_915 : i32 to index
        %get3A_917 = arith.index_cast %add3A_914 : i32 to index
        %get3A_918 = tpu.vector_load %arg12[%get3A_916, %get3A_917] {strides = array<i32>} : memref<1x8192xf32, #tpu.memory_space<vmem>>, vector<16xf32>,
        %get3A_919 = arith.constant 0 : i32
        %get3A_920 = arith.index_cast %get3A_919 : i32 to index
        %get3A_921 = arith.index_cast %add3A_914 : i32 to index
        %get3A_922 = tpu.vector_load %arg16[%get3A_920, %get3A_921] {strides = array<i32>} : memref<1x8192xf32, #tpu.memory_space<vmem>>, vector<16xf32>,
        %mul3A_923 = arith.mulf %get3A_918, %get3A_922 : vector<16xf32>
        %add3A_924 = arith.addf %add3A_912, %mul3A_923 : vector<16xf32>
        %add3A_925 = arith.constant 240 : i32
        %add3A_926 = arith.addi %mul3A_745, %add3A_925 : i32
        %get3A_927 = arith.constant 0 : i32
        %get3A_928 = arith.index_cast %get3A_927 : i32 to index
        %get3A_929 = arith.index_cast %add3A_926 : i32 to index
        %get3A_930 = tpu.vector_load %arg12[%get3A_928, %get3A_929] {strides = array<i32>} : memref<1x8192xf32, #tpu.memory_space<vmem>>, vector<16xf32>,
        %get3A_931 = arith.constant 0 : i32
        %get3A_932 = arith.index_cast %get3A_931 : i32 to index
        %get3A_933 = arith.index_cast %add3A_926 : i32 to index
        %get3A_934 = tpu.vector_load %arg16[%get3A_932, %get3A_933] {strides = array<i32>} : memref<1x8192xf32, #tpu.memory_space<vmem>>, vector<16xf32>,
        %mul3A_935 = arith.mulf %get3A_930, %get3A_934 : vector<16xf32>
        %add3A_936 = arith.addf %add3A_924, %mul3A_935 : vector<16xf32>
        scf.yield %add3A_792, %add3A_840, %add3A_888, %add3A_936 : vector<16xf32>, vector<16xf32>, vector<16xf32>, vector<16xf32>
      }
      %scan3A_199 = arith.constant 32 : i32
      %add3A_200 = arith.addf %scan3A_198#0, %scan3A_198#1 : vector<16xf32>
      %add3A_201 = arith.addf %scan3A_198#2, %scan3A_198#3 : vector<16xf32>
      %add3A_202 = arith.addf %add3A_200, %add3A_201 : vector<16xf32>
      %swap3A_203 = arith.constant 3 : i32
      %swap3A_204 = arith.index_cast %swap3A_203 : i32 to index
      %swap3A_205 = arith.constant 0 : index
      %swap3A_206 = tpu.vector_load %arg18[%swap3A_204, %swap3A_205] {strides = array<i32>} : memref<16x16xf32, #tpu.memory_space<vmem>>, vector<16xf32>,
      tpu.vector_store %arg18[%swap3A_204, %swap3A_205], %add3A_202 {strides = array<i32>} : memref<16x16xf32, #tpu.memory_space<vmem>>, vector<16xf32>,
      %add3A_207 = arith.constant 4 : i32
      %add3A_208 = arith.addi %add3A_179, %add3A_207 : i32
      %lt3A_209 = arith.constant 128 : i32
      %lt3A_210 = arith.cmpi slt, %add3A_208, %lt3A_209 : i32
      %convert_element_type3A_211 = arith.extui %lt3A_210 : i1 to i32
      %cond3A_212 = arith.constant 0 : i32
      %cond3A_213 = arith.cmpi ne, %convert_element_type3A_211, %cond3A_212 : i32
      scf.if %cond3A_213 {
        %add3A_739 = arith.constant 4 : i32
        %add3A_740 = arith.addi %add3A_179, %add3A_739 : i32
        %dma_start3A_741 = arith.constant 0 : i32
        %dma_start3A_742 = tpu.memref_slice %arg7[%add3A_740, %dma_start3A_741] : memref<128x1xi32, #tpu.memory_space<vmem>> -> memref<1x1xi32, #tpu.memory_space<vmem>>
        %dma_start3A_743 = tpu.memref_squeeze %dma_start3A_742 : memref<1x1xi32, #tpu.memory_space<vmem>> -> memref<1xi32, #tpu.memory_space<vmem>>
        %dma_start3A_744 = arith.constant 0 : i32
        %dma_start3A_745 = arith.constant 0 : i32
        %dma_start3A_746 = tpu.memref_slice %arg4[%dma_start3A_744, %dma_start3A_745] : memref<10000x8192xf32, #tpu.memory_space<hbm>> -> memref<10000x8192xf32, #tpu.memory_space<hbm>>
        tpu.enqueue_indirect_dma source(%dma_start3A_746 : memref<10000x8192xf32, #tpu.memory_space<hbm>>) target(%arg12 : memref<1x8192xf32, #tpu.memory_space<vmem>>) offsets(%dma_start3A_743 : memref<1xi32, #tpu.memory_space<vmem>>) semaphore(%arg22 : memref<!tpu.dma_semaphore, #tpu.memory_space<semaphore_mem>>)
        %dma_start3A_747 = arith.constant 0 : i32
        %dma_start3A_748 = tpu.memref_slice %arg8[%add3A_740, %dma_start3A_747] : memref<128x1xi32, #tpu.memory_space<vmem>> -> memref<1x1xi32, #tpu.memory_space<vmem>>
        %dma_start3A_749 = tpu.memref_squeeze %dma_start3A_748 : memref<1x1xi32, #tpu.memory_space<vmem>> -> memref<1xi32, #tpu.memory_space<vmem>>
        %dma_start3A_750 = arith.constant 0 : i32
        %dma_start3A_751 = arith.constant 0 : i32
        %dma_start3A_752 = tpu.memref_slice %arg5[%dma_start3A_750, %dma_start3A_751] : memref<8192x8192xf32, #tpu.memory_space<hbm>> -> memref<8192x8192xf32, #tpu.memory_space<hbm>>
        tpu.enqueue_indirect_dma source(%dma_start3A_752 : memref<8192x8192xf32, #tpu.memory_space<hbm>>) target(%arg16 : memref<1x8192xf32, #tpu.memory_space<vmem>>) offsets(%dma_start3A_749 : memref<1xi32, #tpu.memory_space<vmem>>) semaphore(%arg26 : memref<!tpu.dma_semaphore, #tpu.memory_space<semaphore_mem>>)
      } else {
      }
      %mul3A_214 = arith.constant 16 : i32
      %mul3A_215 = arith.muli %scan3A_67, %mul3A_214 : i32
      %add3A_216 = arith.constant 4 : i32
      %add3A_217 = arith.addi %mul3A_215, %add3A_216 : i32
      %dma_wait3A_218 = arith.constant 0 : i32
      %dma_wait3A_219 = tpu.memref_slice %arg7[%add3A_217, %dma_wait3A_218] : memref<128x1xi32, #tpu.memory_space<vmem>> -> memref<1x1xi32, #tpu.memory_space<vmem>>
      %dma_wait3A_220 = tpu.memref_squeeze %dma_wait3A_219 : memref<1x1xi32, #tpu.memory_space<vmem>> -> memref<1xi32, #tpu.memory_space<vmem>>
      %dma_wait3A_221 = arith.constant 0 : i32
      %dma_wait3A_222 = arith.constant 0 : i32
      %dma_wait3A_223 = tpu.memref_slice %arg4[%dma_wait3A_221, %dma_wait3A_222] : memref<10000x8192xf32, #tpu.memory_space<hbm>> -> memref<10000x8192xf32, #tpu.memory_space<hbm>>
      tpu.wait_indirect_dma semaphore(%arg19 : memref<!tpu.dma_semaphore, #tpu.memory_space<semaphore_mem>>) src(%dma_wait3A_223 : memref<10000x8192xf32, #tpu.memory_space<hbm>>) dst(%arg9 : memref<1x8192xf32, #tpu.memory_space<vmem>>)
      %dma_wait3A_224 = arith.constant 0 : i32
      %dma_wait3A_225 = tpu.memref_slice %arg8[%add3A_217, %dma_wait3A_224] : memref<128x1xi32, #tpu.memory_space<vmem>> -> memref<1x1xi32, #tpu.memory_space<vmem>>
      %dma_wait3A_226 = tpu.memref_squeeze %dma_wait3A_225 : memref<1x1xi32, #tpu.memory_space<vmem>> -> memref<1xi32, #tpu.memory_space<vmem>>
      %dma_wait3A_227 = arith.constant 0 : i32
      %dma_wait3A_228 = arith.constant 0 : i32
      %dma_wait3A_229 = tpu.memref_slice %arg5[%dma_wait3A_227, %dma_wait3A_228] : memref<8192x8192xf32, #tpu.memory_space<hbm>> -> memref<8192x8192xf32, #tpu.memory_space<hbm>>
      tpu.wait_indirect_dma semaphore(%arg23 : memref<!tpu.dma_semaphore, #tpu.memory_space<semaphore_mem>>) src(%dma_wait3A_229 : memref<8192x8192xf32, #tpu.memory_space<hbm>>) dst(%arg13 : memref<1x8192xf32, #tpu.memory_space<vmem>>)
      %broadcast_in_dim3A_230 = arith.constant 0.000000e+00 : f32
      %broadcast_in_dim3A_231 = vector.broadcast %broadcast_in_dim3A_230 : f32 to vector<16xf32>
      %scan3A_232 = arith.constant 0 : i32
      %scan3A_233 = arith.constant 32 : i32
      %scan3A_234 = arith.addi %scan3A_232, %scan3A_233 : i32
      %scan3A_235 = arith.constant 1 : i32
      %scan3A_236:4 = scf.for %scan3A_739 = %scan3A_232 to %scan3A_234 step %scan3A_235 iter_args(%scan3A_740 = %broadcast_in_dim3A_231, %scan3A_741 = %broadcast_in_dim3A_231, %scan3A_742 = %broadcast_in_dim3A_231, %scan3A_743 = %broadcast_in_dim3A_231) -> (vector<16xf32>, vector<16xf32>, vector<16xf32>, vector<16xf32>)  : i32 {
        %mul3A_744 = arith.constant 256 : i32
        %mul3A_745 = arith.muli %scan3A_739, %mul3A_744 : i32
        %add3A_746 = arith.constant 0 : i32
        %add3A_747 = arith.addi %mul3A_745, %add3A_746 : i32
        %get3A = arith.constant 0 : i32
        %get3A_748 = arith.index_cast %get3A : i32 to index
        %get3A_749 = arith.index_cast %add3A_747 : i32 to index
        %get3A_750 = tpu.vector_load %arg9[%get3A_748, %get3A_749] {strides = array<i32>} : memref<1x8192xf32, #tpu.memory_space<vmem>>, vector<16xf32>,
        %get3A_751 = arith.constant 0 : i32
        %get3A_752 = arith.index_cast %get3A_751 : i32 to index
        %get3A_753 = arith.index_cast %add3A_747 : i32 to index
        %get3A_754 = tpu.vector_load %arg13[%get3A_752, %get3A_753] {strides = array<i32>} : memref<1x8192xf32, #tpu.memory_space<vmem>>, vector<16xf32>,
        %mul3A_755 = arith.mulf %get3A_750, %get3A_754 : vector<16xf32>
        %add3A_756 = arith.addf %scan3A_740, %mul3A_755 : vector<16xf32>
        %add3A_757 = arith.constant 16 : i32
        %add3A_758 = arith.addi %mul3A_745, %add3A_757 : i32
        %get3A_759 = arith.constant 0 : i32
        %get3A_760 = arith.index_cast %get3A_759 : i32 to index
        %get3A_761 = arith.index_cast %add3A_758 : i32 to index
        %get3A_762 = tpu.vector_load %arg9[%get3A_760, %get3A_761] {strides = array<i32>} : memref<1x8192xf32, #tpu.memory_space<vmem>>, vector<16xf32>,
        %get3A_763 = arith.constant 0 : i32
        %get3A_764 = arith.index_cast %get3A_763 : i32 to index
        %get3A_765 = arith.index_cast %add3A_758 : i32 to index
        %get3A_766 = tpu.vector_load %arg13[%get3A_764, %get3A_765] {strides = array<i32>} : memref<1x8192xf32, #tpu.memory_space<vmem>>, vector<16xf32>,
        %mul3A_767 = arith.mulf %get3A_762, %get3A_766 : vector<16xf32>
        %add3A_768 = arith.addf %add3A_756, %mul3A_767 : vector<16xf32>
        %add3A_769 = arith.constant 32 : i32
        %add3A_770 = arith.addi %mul3A_745, %add3A_769 : i32
        %get3A_771 = arith.constant 0 : i32
        %get3A_772 = arith.index_cast %get3A_771 : i32 to index
        %get3A_773 = arith.index_cast %add3A_770 : i32 to index
        %get3A_774 = tpu.vector_load %arg9[%get3A_772, %get3A_773] {strides = array<i32>} : memref<1x8192xf32, #tpu.memory_space<vmem>>, vector<16xf32>,
        %get3A_775 = arith.constant 0 : i32
        %get3A_776 = arith.index_cast %get3A_775 : i32 to index
        %get3A_777 = arith.index_cast %add3A_770 : i32 to index
        %get3A_778 = tpu.vector_load %arg13[%get3A_776, %get3A_777] {strides = array<i32>} : memref<1x8192xf32, #tpu.memory_space<vmem>>, vector<16xf32>,
        %mul3A_779 = arith.mulf %get3A_774, %get3A_778 : vector<16xf32>
        %add3A_780 = arith.addf %add3A_768, %mul3A_779 : vector<16xf32>
        %add3A_781 = arith.constant 48 : i32
        %add3A_782 = arith.addi %mul3A_745, %add3A_781 : i32
        %get3A_783 = arith.constant 0 : i32
        %get3A_784 = arith.index_cast %get3A_783 : i32 to index
        %get3A_785 = arith.index_cast %add3A_782 : i32 to index
        %get3A_786 = tpu.vector_load %arg9[%get3A_784, %get3A_785] {strides = array<i32>} : memref<1x8192xf32, #tpu.memory_space<vmem>>, vector<16xf32>,
        %get3A_787 = arith.constant 0 : i32
        %get3A_788 = arith.index_cast %get3A_787 : i32 to index
        %get3A_789 = arith.index_cast %add3A_782 : i32 to index
        %get3A_790 = tpu.vector_load %arg13[%get3A_788, %get3A_789] {strides = array<i32>} : memref<1x8192xf32, #tpu.memory_space<vmem>>, vector<16xf32>,
        %mul3A_791 = arith.mulf %get3A_786, %get3A_790 : vector<16xf32>
        %add3A_792 = arith.addf %add3A_780, %mul3A_791 : vector<16xf32>
        %add3A_793 = arith.constant 64 : i32
        %add3A_794 = arith.addi %mul3A_745, %add3A_793 : i32
        %get3A_795 = arith.constant 0 : i32
        %get3A_796 = arith.index_cast %get3A_795 : i32 to index
        %get3A_797 = arith.index_cast %add3A_794 : i32 to index
        %get3A_798 = tpu.vector_load %arg9[%get3A_796, %get3A_797] {strides = array<i32>} : memref<1x8192xf32, #tpu.memory_space<vmem>>, vector<16xf32>,
        %get3A_799 = arith.constant 0 : i32
        %get3A_800 = arith.index_cast %get3A_799 : i32 to index
        %get3A_801 = arith.index_cast %add3A_794 : i32 to index
        %get3A_802 = tpu.vector_load %arg13[%get3A_800, %get3A_801] {strides = array<i32>} : memref<1x8192xf32, #tpu.memory_space<vmem>>, vector<16xf32>,
        %mul3A_803 = arith.mulf %get3A_798, %get3A_802 : vector<16xf32>
        %add3A_804 = arith.addf %scan3A_741, %mul3A_803 : vector<16xf32>
        %add3A_805 = arith.constant 80 : i32
        %add3A_806 = arith.addi %mul3A_745, %add3A_805 : i32
        %get3A_807 = arith.constant 0 : i32
        %get3A_808 = arith.index_cast %get3A_807 : i32 to index
        %get3A_809 = arith.index_cast %add3A_806 : i32 to index
        %get3A_810 = tpu.vector_load %arg9[%get3A_808, %get3A_809] {strides = array<i32>} : memref<1x8192xf32, #tpu.memory_space<vmem>>, vector<16xf32>,
        %get3A_811 = arith.constant 0 : i32
        %get3A_812 = arith.index_cast %get3A_811 : i32 to index
        %get3A_813 = arith.index_cast %add3A_806 : i32 to index
        %get3A_814 = tpu.vector_load %arg13[%get3A_812, %get3A_813] {strides = array<i32>} : memref<1x8192xf32, #tpu.memory_space<vmem>>, vector<16xf32>,
        %mul3A_815 = arith.mulf %get3A_810, %get3A_814 : vector<16xf32>
        %add3A_816 = arith.addf %add3A_804, %mul3A_815 : vector<16xf32>
        %add3A_817 = arith.constant 96 : i32
        %add3A_818 = arith.addi %mul3A_745, %add3A_817 : i32
        %get3A_819 = arith.constant 0 : i32
        %get3A_820 = arith.index_cast %get3A_819 : i32 to index
        %get3A_821 = arith.index_cast %add3A_818 : i32 to index
        %get3A_822 = tpu.vector_load %arg9[%get3A_820, %get3A_821] {strides = array<i32>} : memref<1x8192xf32, #tpu.memory_space<vmem>>, vector<16xf32>,
        %get3A_823 = arith.constant 0 : i32
        %get3A_824 = arith.index_cast %get3A_823 : i32 to index
        %get3A_825 = arith.index_cast %add3A_818 : i32 to index
        %get3A_826 = tpu.vector_load %arg13[%get3A_824, %get3A_825] {strides = array<i32>} : memref<1x8192xf32, #tpu.memory_space<vmem>>, vector<16xf32>,
        %mul3A_827 = arith.mulf %get3A_822, %get3A_826 : vector<16xf32>
        %add3A_828 = arith.addf %add3A_816, %mul3A_827 : vector<16xf32>
        %add3A_829 = arith.constant 112 : i32
        %add3A_830 = arith.addi %mul3A_745, %add3A_829 : i32
        %get3A_831 = arith.constant 0 : i32
        %get3A_832 = arith.index_cast %get3A_831 : i32 to index
        %get3A_833 = arith.index_cast %add3A_830 : i32 to index
        %get3A_834 = tpu.vector_load %arg9[%get3A_832, %get3A_833] {strides = array<i32>} : memref<1x8192xf32, #tpu.memory_space<vmem>>, vector<16xf32>,
        %get3A_835 = arith.constant 0 : i32
        %get3A_836 = arith.index_cast %get3A_835 : i32 to index
        %get3A_837 = arith.index_cast %add3A_830 : i32 to index
        %get3A_838 = tpu.vector_load %arg13[%get3A_836, %get3A_837] {strides = array<i32>} : memref<1x8192xf32, #tpu.memory_space<vmem>>, vector<16xf32>,
        %mul3A_839 = arith.mulf %get3A_834, %get3A_838 : vector<16xf32>
        %add3A_840 = arith.addf %add3A_828, %mul3A_839 : vector<16xf32>
        %add3A_841 = arith.constant 128 : i32
        %add3A_842 = arith.addi %mul3A_745, %add3A_841 : i32
        %get3A_843 = arith.constant 0 : i32
        %get3A_844 = arith.index_cast %get3A_843 : i32 to index
        %get3A_845 = arith.index_cast %add3A_842 : i32 to index
        %get3A_846 = tpu.vector_load %arg9[%get3A_844, %get3A_845] {strides = array<i32>} : memref<1x8192xf32, #tpu.memory_space<vmem>>, vector<16xf32>,
        %get3A_847 = arith.constant 0 : i32
        %get3A_848 = arith.index_cast %get3A_847 : i32 to index
        %get3A_849 = arith.index_cast %add3A_842 : i32 to index
        %get3A_850 = tpu.vector_load %arg13[%get3A_848, %get3A_849] {strides = array<i32>} : memref<1x8192xf32, #tpu.memory_space<vmem>>, vector<16xf32>,
        %mul3A_851 = arith.mulf %get3A_846, %get3A_850 : vector<16xf32>
        %add3A_852 = arith.addf %scan3A_742, %mul3A_851 : vector<16xf32>
        %add3A_853 = arith.constant 144 : i32
        %add3A_854 = arith.addi %mul3A_745, %add3A_853 : i32
        %get3A_855 = arith.constant 0 : i32
        %get3A_856 = arith.index_cast %get3A_855 : i32 to index
        %get3A_857 = arith.index_cast %add3A_854 : i32 to index
        %get3A_858 = tpu.vector_load %arg9[%get3A_856, %get3A_857] {strides = array<i32>} : memref<1x8192xf32, #tpu.memory_space<vmem>>, vector<16xf32>,
        %get3A_859 = arith.constant 0 : i32
        %get3A_860 = arith.index_cast %get3A_859 : i32 to index
        %get3A_861 = arith.index_cast %add3A_854 : i32 to index
        %get3A_862 = tpu.vector_load %arg13[%get3A_860, %get3A_861] {strides = array<i32>} : memref<1x8192xf32, #tpu.memory_space<vmem>>, vector<16xf32>,
        %mul3A_863 = arith.mulf %get3A_858, %get3A_862 : vector<16xf32>
        %add3A_864 = arith.addf %add3A_852, %mul3A_863 : vector<16xf32>
        %add3A_865 = arith.constant 160 : i32
        %add3A_866 = arith.addi %mul3A_745, %add3A_865 : i32
        %get3A_867 = arith.constant 0 : i32
        %get3A_868 = arith.index_cast %get3A_867 : i32 to index
        %get3A_869 = arith.index_cast %add3A_866 : i32 to index
        %get3A_870 = tpu.vector_load %arg9[%get3A_868, %get3A_869] {strides = array<i32>} : memref<1x8192xf32, #tpu.memory_space<vmem>>, vector<16xf32>,
        %get3A_871 = arith.constant 0 : i32
        %get3A_872 = arith.index_cast %get3A_871 : i32 to index
        %get3A_873 = arith.index_cast %add3A_866 : i32 to index
        %get3A_874 = tpu.vector_load %arg13[%get3A_872, %get3A_873] {strides = array<i32>} : memref<1x8192xf32, #tpu.memory_space<vmem>>, vector<16xf32>,
        %mul3A_875 = arith.mulf %get3A_870, %get3A_874 : vector<16xf32>
        %add3A_876 = arith.addf %add3A_864, %mul3A_875 : vector<16xf32>
        %add3A_877 = arith.constant 176 : i32
        %add3A_878 = arith.addi %mul3A_745, %add3A_877 : i32
        %get3A_879 = arith.constant 0 : i32
        %get3A_880 = arith.index_cast %get3A_879 : i32 to index
        %get3A_881 = arith.index_cast %add3A_878 : i32 to index
        %get3A_882 = tpu.vector_load %arg9[%get3A_880, %get3A_881] {strides = array<i32>} : memref<1x8192xf32, #tpu.memory_space<vmem>>, vector<16xf32>,
        %get3A_883 = arith.constant 0 : i32
        %get3A_884 = arith.index_cast %get3A_883 : i32 to index
        %get3A_885 = arith.index_cast %add3A_878 : i32 to index
        %get3A_886 = tpu.vector_load %arg13[%get3A_884, %get3A_885] {strides = array<i32>} : memref<1x8192xf32, #tpu.memory_space<vmem>>, vector<16xf32>,
        %mul3A_887 = arith.mulf %get3A_882, %get3A_886 : vector<16xf32>
        %add3A_888 = arith.addf %add3A_876, %mul3A_887 : vector<16xf32>
        %add3A_889 = arith.constant 192 : i32
        %add3A_890 = arith.addi %mul3A_745, %add3A_889 : i32
        %get3A_891 = arith.constant 0 : i32
        %get3A_892 = arith.index_cast %get3A_891 : i32 to index
        %get3A_893 = arith.index_cast %add3A_890 : i32 to index
        %get3A_894 = tpu.vector_load %arg9[%get3A_892, %get3A_893] {strides = array<i32>} : memref<1x8192xf32, #tpu.memory_space<vmem>>, vector<16xf32>,
        %get3A_895 = arith.constant 0 : i32
        %get3A_896 = arith.index_cast %get3A_895 : i32 to index
        %get3A_897 = arith.index_cast %add3A_890 : i32 to index
        %get3A_898 = tpu.vector_load %arg13[%get3A_896, %get3A_897] {strides = array<i32>} : memref<1x8192xf32, #tpu.memory_space<vmem>>, vector<16xf32>,
        %mul3A_899 = arith.mulf %get3A_894, %get3A_898 : vector<16xf32>
        %add3A_900 = arith.addf %scan3A_743, %mul3A_899 : vector<16xf32>
        %add3A_901 = arith.constant 208 : i32
        %add3A_902 = arith.addi %mul3A_745, %add3A_901 : i32
        %get3A_903 = arith.constant 0 : i32
        %get3A_904 = arith.index_cast %get3A_903 : i32 to index
        %get3A_905 = arith.index_cast %add3A_902 : i32 to index
        %get3A_906 = tpu.vector_load %arg9[%get3A_904, %get3A_905] {strides = array<i32>} : memref<1x8192xf32, #tpu.memory_space<vmem>>, vector<16xf32>,
        %get3A_907 = arith.constant 0 : i32
        %get3A_908 = arith.index_cast %get3A_907 : i32 to index
        %get3A_909 = arith.index_cast %add3A_902 : i32 to index
        %get3A_910 = tpu.vector_load %arg13[%get3A_908, %get3A_909] {strides = array<i32>} : memref<1x8192xf32, #tpu.memory_space<vmem>>, vector<16xf32>,
        %mul3A_911 = arith.mulf %get3A_906, %get3A_910 : vector<16xf32>
        %add3A_912 = arith.addf %add3A_900, %mul3A_911 : vector<16xf32>
        %add3A_913 = arith.constant 224 : i32
        %add3A_914 = arith.addi %mul3A_745, %add3A_913 : i32
        %get3A_915 = arith.constant 0 : i32
        %get3A_916 = arith.index_cast %get3A_915 : i32 to index
        %get3A_917 = arith.index_cast %add3A_914 : i32 to index
        %get3A_918 = tpu.vector_load %arg9[%get3A_916, %get3A_917] {strides = array<i32>} : memref<1x8192xf32, #tpu.memory_space<vmem>>, vector<16xf32>,
        %get3A_919 = arith.constant 0 : i32
        %get3A_920 = arith.index_cast %get3A_919 : i32 to index
        %get3A_921 = arith.index_cast %add3A_914 : i32 to index
        %get3A_922 = tpu.vector_load %arg13[%get3A_920, %get3A_921] {strides = array<i32>} : memref<1x8192xf32, #tpu.memory_space<vmem>>, vector<16xf32>,
        %mul3A_923 = arith.mulf %get3A_918, %get3A_922 : vector<16xf32>
        %add3A_924 = arith.addf %add3A_912, %mul3A_923 : vector<16xf32>
        %add3A_925 = arith.constant 240 : i32
        %add3A_926 = arith.addi %mul3A_745, %add3A_925 : i32
        %get3A_927 = arith.constant 0 : i32
        %get3A_928 = arith.index_cast %get3A_927 : i32 to index
        %get3A_929 = arith.index_cast %add3A_926 : i32 to index
        %get3A_930 = tpu.vector_load %arg9[%get3A_928, %get3A_929] {strides = array<i32>} : memref<1x8192xf32, #tpu.memory_space<vmem>>, vector<16xf32>,
        %get3A_931 = arith.constant 0 : i32
        %get3A_932 = arith.index_cast %get3A_931 : i32 to index
        %get3A_933 = arith.index_cast %add3A_926 : i32 to index
        %get3A_934 = tpu.vector_load %arg13[%get3A_932, %get3A_933] {strides = array<i32>} : memref<1x8192xf32, #tpu.memory_space<vmem>>, vector<16xf32>,
        %mul3A_935 = arith.mulf %get3A_930, %get3A_934 : vector<16xf32>
        %add3A_936 = arith.addf %add3A_924, %mul3A_935 : vector<16xf32>
        scf.yield %add3A_792, %add3A_840, %add3A_888, %add3A_936 : vector<16xf32>, vector<16xf32>, vector<16xf32>, vector<16xf32>
      }
      %scan3A_237 = arith.constant 32 : i32
      %add3A_238 = arith.addf %scan3A_236#0, %scan3A_236#1 : vector<16xf32>
      %add3A_239 = arith.addf %scan3A_236#2, %scan3A_236#3 : vector<16xf32>
      %add3A_240 = arith.addf %add3A_238, %add3A_239 : vector<16xf32>
      %swap3A_241 = arith.constant 4 : i32
      %swap3A_242 = arith.index_cast %swap3A_241 : i32 to index
      %swap3A_243 = arith.constant 0 : index
      %swap3A_244 = tpu.vector_load %arg18[%swap3A_242, %swap3A_243] {strides = array<i32>} : memref<16x16xf32, #tpu.memory_space<vmem>>, vector<16xf32>,
      tpu.vector_store %arg18[%swap3A_242, %swap3A_243], %add3A_240 {strides = array<i32>} : memref<16x16xf32, #tpu.memory_space<vmem>>, vector<16xf32>,
      %add3A_245 = arith.constant 4 : i32
      %add3A_246 = arith.addi %add3A_217, %add3A_245 : i32
      %lt3A_247 = arith.constant 128 : i32
      %lt3A_248 = arith.cmpi slt, %add3A_246, %lt3A_247 : i32
      %convert_element_type3A_249 = arith.extui %lt3A_248 : i1 to i32
      %cond3A_250 = arith.constant 0 : i32
      %cond3A_251 = arith.cmpi ne, %convert_element_type3A_249, %cond3A_250 : i32
      scf.if %cond3A_251 {
        %add3A_739 = arith.constant 4 : i32
        %add3A_740 = arith.addi %add3A_217, %add3A_739 : i32
        %dma_start3A_741 = arith.constant 0 : i32
        %dma_start3A_742 = tpu.memref_slice %arg7[%add3A_740, %dma_start3A_741] : memref<128x1xi32, #tpu.memory_space<vmem>> -> memref<1x1xi32, #tpu.memory_space<vmem>>
        %dma_start3A_743 = tpu.memref_squeeze %dma_start3A_742 : memref<1x1xi32, #tpu.memory_space<vmem>> -> memref<1xi32, #tpu.memory_space<vmem>>
        %dma_start3A_744 = arith.constant 0 : i32
        %dma_start3A_745 = arith.constant 0 : i32
        %dma_start3A_746 = tpu.memref_slice %arg4[%dma_start3A_744, %dma_start3A_745] : memref<10000x8192xf32, #tpu.memory_space<hbm>> -> memref<10000x8192xf32, #tpu.memory_space<hbm>>
        tpu.enqueue_indirect_dma source(%dma_start3A_746 : memref<10000x8192xf32, #tpu.memory_space<hbm>>) target(%arg9 : memref<1x8192xf32, #tpu.memory_space<vmem>>) offsets(%dma_start3A_743 : memref<1xi32, #tpu.memory_space<vmem>>) semaphore(%arg19 : memref<!tpu.dma_semaphore, #tpu.memory_space<semaphore_mem>>)
        %dma_start3A_747 = arith.constant 0 : i32
        %dma_start3A_748 = tpu.memref_slice %arg8[%add3A_740, %dma_start3A_747] : memref<128x1xi32, #tpu.memory_space<vmem>> -> memref<1x1xi32, #tpu.memory_space<vmem>>
        %dma_start3A_749 = tpu.memref_squeeze %dma_start3A_748 : memref<1x1xi32, #tpu.memory_space<vmem>> -> memref<1xi32, #tpu.memory_space<vmem>>
        %dma_start3A_750 = arith.constant 0 : i32
        %dma_start3A_751 = arith.constant 0 : i32
        %dma_start3A_752 = tpu.memref_slice %arg5[%dma_start3A_750, %dma_start3A_751] : memref<8192x8192xf32, #tpu.memory_space<hbm>> -> memref<8192x8192xf32, #tpu.memory_space<hbm>>
        tpu.enqueue_indirect_dma source(%dma_start3A_752 : memref<8192x8192xf32, #tpu.memory_space<hbm>>) target(%arg13 : memref<1x8192xf32, #tpu.memory_space<vmem>>) offsets(%dma_start3A_749 : memref<1xi32, #tpu.memory_space<vmem>>) semaphore(%arg23 : memref<!tpu.dma_semaphore, #tpu.memory_space<semaphore_mem>>)
      } else {
      }
      %mul3A_252 = arith.constant 16 : i32
      %mul3A_253 = arith.muli %scan3A_67, %mul3A_252 : i32
      %add3A_254 = arith.constant 5 : i32
      %add3A_255 = arith.addi %mul3A_253, %add3A_254 : i32
      %dma_wait3A_256 = arith.constant 0 : i32
      %dma_wait3A_257 = tpu.memref_slice %arg7[%add3A_255, %dma_wait3A_256] : memref<128x1xi32, #tpu.memory_space<vmem>> -> memref<1x1xi32, #tpu.memory_space<vmem>>
      %dma_wait3A_258 = tpu.memref_squeeze %dma_wait3A_257 : memref<1x1xi32, #tpu.memory_space<vmem>> -> memref<1xi32, #tpu.memory_space<vmem>>
      %dma_wait3A_259 = arith.constant 0 : i32
      %dma_wait3A_260 = arith.constant 0 : i32
      %dma_wait3A_261 = tpu.memref_slice %arg4[%dma_wait3A_259, %dma_wait3A_260] : memref<10000x8192xf32, #tpu.memory_space<hbm>> -> memref<10000x8192xf32, #tpu.memory_space<hbm>>
      tpu.wait_indirect_dma semaphore(%arg20 : memref<!tpu.dma_semaphore, #tpu.memory_space<semaphore_mem>>) src(%dma_wait3A_261 : memref<10000x8192xf32, #tpu.memory_space<hbm>>) dst(%arg10 : memref<1x8192xf32, #tpu.memory_space<vmem>>)
      %dma_wait3A_262 = arith.constant 0 : i32
      %dma_wait3A_263 = tpu.memref_slice %arg8[%add3A_255, %dma_wait3A_262] : memref<128x1xi32, #tpu.memory_space<vmem>> -> memref<1x1xi32, #tpu.memory_space<vmem>>
      %dma_wait3A_264 = tpu.memref_squeeze %dma_wait3A_263 : memref<1x1xi32, #tpu.memory_space<vmem>> -> memref<1xi32, #tpu.memory_space<vmem>>
      %dma_wait3A_265 = arith.constant 0 : i32
      %dma_wait3A_266 = arith.constant 0 : i32
      %dma_wait3A_267 = tpu.memref_slice %arg5[%dma_wait3A_265, %dma_wait3A_266] : memref<8192x8192xf32, #tpu.memory_space<hbm>> -> memref<8192x8192xf32, #tpu.memory_space<hbm>>
      tpu.wait_indirect_dma semaphore(%arg24 : memref<!tpu.dma_semaphore, #tpu.memory_space<semaphore_mem>>) src(%dma_wait3A_267 : memref<8192x8192xf32, #tpu.memory_space<hbm>>) dst(%arg14 : memref<1x8192xf32, #tpu.memory_space<vmem>>)
      %broadcast_in_dim3A_268 = arith.constant 0.000000e+00 : f32
      %broadcast_in_dim3A_269 = vector.broadcast %broadcast_in_dim3A_268 : f32 to vector<16xf32>
      %scan3A_270 = arith.constant 0 : i32
      %scan3A_271 = arith.constant 32 : i32
      %scan3A_272 = arith.addi %scan3A_270, %scan3A_271 : i32
      %scan3A_273 = arith.constant 1 : i32
      %scan3A_274:4 = scf.for %scan3A_739 = %scan3A_270 to %scan3A_272 step %scan3A_273 iter_args(%scan3A_740 = %broadcast_in_dim3A_269, %scan3A_741 = %broadcast_in_dim3A_269, %scan3A_742 = %broadcast_in_dim3A_269, %scan3A_743 = %broadcast_in_dim3A_269) -> (vector<16xf32>, vector<16xf32>, vector<16xf32>, vector<16xf32>)  : i32 {
        %mul3A_744 = arith.constant 256 : i32
        %mul3A_745 = arith.muli %scan3A_739, %mul3A_744 : i32
        %add3A_746 = arith.constant 0 : i32
        %add3A_747 = arith.addi %mul3A_745, %add3A_746 : i32
        %get3A = arith.constant 0 : i32
        %get3A_748 = arith.index_cast %get3A : i32 to index
        %get3A_749 = arith.index_cast %add3A_747 : i32 to index
        %get3A_750 = tpu.vector_load %arg10[%get3A_748, %get3A_749] {strides = array<i32>} : memref<1x8192xf32, #tpu.memory_space<vmem>>, vector<16xf32>,
        %get3A_751 = arith.constant 0 : i32
        %get3A_752 = arith.index_cast %get3A_751 : i32 to index
        %get3A_753 = arith.index_cast %add3A_747 : i32 to index
        %get3A_754 = tpu.vector_load %arg14[%get3A_752, %get3A_753] {strides = array<i32>} : memref<1x8192xf32, #tpu.memory_space<vmem>>, vector<16xf32>,
        %mul3A_755 = arith.mulf %get3A_750, %get3A_754 : vector<16xf32>
        %add3A_756 = arith.addf %scan3A_740, %mul3A_755 : vector<16xf32>
        %add3A_757 = arith.constant 16 : i32
        %add3A_758 = arith.addi %mul3A_745, %add3A_757 : i32
        %get3A_759 = arith.constant 0 : i32
        %get3A_760 = arith.index_cast %get3A_759 : i32 to index
        %get3A_761 = arith.index_cast %add3A_758 : i32 to index
        %get3A_762 = tpu.vector_load %arg10[%get3A_760, %get3A_761] {strides = array<i32>} : memref<1x8192xf32, #tpu.memory_space<vmem>>, vector<16xf32>,
        %get3A_763 = arith.constant 0 : i32
        %get3A_764 = arith.index_cast %get3A_763 : i32 to index
        %get3A_765 = arith.index_cast %add3A_758 : i32 to index
        %get3A_766 = tpu.vector_load %arg14[%get3A_764, %get3A_765] {strides = array<i32>} : memref<1x8192xf32, #tpu.memory_space<vmem>>, vector<16xf32>,
        %mul3A_767 = arith.mulf %get3A_762, %get3A_766 : vector<16xf32>
        %add3A_768 = arith.addf %add3A_756, %mul3A_767 : vector<16xf32>
        %add3A_769 = arith.constant 32 : i32
        %add3A_770 = arith.addi %mul3A_745, %add3A_769 : i32
        %get3A_771 = arith.constant 0 : i32
        %get3A_772 = arith.index_cast %get3A_771 : i32 to index
        %get3A_773 = arith.index_cast %add3A_770 : i32 to index
        %get3A_774 = tpu.vector_load %arg10[%get3A_772, %get3A_773] {strides = array<i32>} : memref<1x8192xf32, #tpu.memory_space<vmem>>, vector<16xf32>,
        %get3A_775 = arith.constant 0 : i32
        %get3A_776 = arith.index_cast %get3A_775 : i32 to index
        %get3A_777 = arith.index_cast %add3A_770 : i32 to index
        %get3A_778 = tpu.vector_load %arg14[%get3A_776, %get3A_777] {strides = array<i32>} : memref<1x8192xf32, #tpu.memory_space<vmem>>, vector<16xf32>,
        %mul3A_779 = arith.mulf %get3A_774, %get3A_778 : vector<16xf32>
        %add3A_780 = arith.addf %add3A_768, %mul3A_779 : vector<16xf32>
        %add3A_781 = arith.constant 48 : i32
        %add3A_782 = arith.addi %mul3A_745, %add3A_781 : i32
        %get3A_783 = arith.constant 0 : i32
        %get3A_784 = arith.index_cast %get3A_783 : i32 to index
        %get3A_785 = arith.index_cast %add3A_782 : i32 to index
        %get3A_786 = tpu.vector_load %arg10[%get3A_784, %get3A_785] {strides = array<i32>} : memref<1x8192xf32, #tpu.memory_space<vmem>>, vector<16xf32>,
        %get3A_787 = arith.constant 0 : i32
        %get3A_788 = arith.index_cast %get3A_787 : i32 to index
        %get3A_789 = arith.index_cast %add3A_782 : i32 to index
        %get3A_790 = tpu.vector_load %arg14[%get3A_788, %get3A_789] {strides = array<i32>} : memref<1x8192xf32, #tpu.memory_space<vmem>>, vector<16xf32>,
        %mul3A_791 = arith.mulf %get3A_786, %get3A_790 : vector<16xf32>
        %add3A_792 = arith.addf %add3A_780, %mul3A_791 : vector<16xf32>
        %add3A_793 = arith.constant 64 : i32
        %add3A_794 = arith.addi %mul3A_745, %add3A_793 : i32
        %get3A_795 = arith.constant 0 : i32
        %get3A_796 = arith.index_cast %get3A_795 : i32 to index
        %get3A_797 = arith.index_cast %add3A_794 : i32 to index
        %get3A_798 = tpu.vector_load %arg10[%get3A_796, %get3A_797] {strides = array<i32>} : memref<1x8192xf32, #tpu.memory_space<vmem>>, vector<16xf32>,
        %get3A_799 = arith.constant 0 : i32
        %get3A_800 = arith.index_cast %get3A_799 : i32 to index
        %get3A_801 = arith.index_cast %add3A_794 : i32 to index
        %get3A_802 = tpu.vector_load %arg14[%get3A_800, %get3A_801] {strides = array<i32>} : memref<1x8192xf32, #tpu.memory_space<vmem>>, vector<16xf32>,
        %mul3A_803 = arith.mulf %get3A_798, %get3A_802 : vector<16xf32>
        %add3A_804 = arith.addf %scan3A_741, %mul3A_803 : vector<16xf32>
        %add3A_805 = arith.constant 80 : i32
        %add3A_806 = arith.addi %mul3A_745, %add3A_805 : i32
        %get3A_807 = arith.constant 0 : i32
        %get3A_808 = arith.index_cast %get3A_807 : i32 to index
        %get3A_809 = arith.index_cast %add3A_806 : i32 to index
        %get3A_810 = tpu.vector_load %arg10[%get3A_808, %get3A_809] {strides = array<i32>} : memref<1x8192xf32, #tpu.memory_space<vmem>>, vector<16xf32>,
        %get3A_811 = arith.constant 0 : i32
        %get3A_812 = arith.index_cast %get3A_811 : i32 to index
        %get3A_813 = arith.index_cast %add3A_806 : i32 to index
        %get3A_814 = tpu.vector_load %arg14[%get3A_812, %get3A_813] {strides = array<i32>} : memref<1x8192xf32, #tpu.memory_space<vmem>>, vector<16xf32>,
        %mul3A_815 = arith.mulf %get3A_810, %get3A_814 : vector<16xf32>
        %add3A_816 = arith.addf %add3A_804, %mul3A_815 : vector<16xf32>
        %add3A_817 = arith.constant 96 : i32
        %add3A_818 = arith.addi %mul3A_745, %add3A_817 : i32
        %get3A_819 = arith.constant 0 : i32
        %get3A_820 = arith.index_cast %get3A_819 : i32 to index
        %get3A_821 = arith.index_cast %add3A_818 : i32 to index
        %get3A_822 = tpu.vector_load %arg10[%get3A_820, %get3A_821] {strides = array<i32>} : memref<1x8192xf32, #tpu.memory_space<vmem>>, vector<16xf32>,
        %get3A_823 = arith.constant 0 : i32
        %get3A_824 = arith.index_cast %get3A_823 : i32 to index
        %get3A_825 = arith.index_cast %add3A_818 : i32 to index
        %get3A_826 = tpu.vector_load %arg14[%get3A_824, %get3A_825] {strides = array<i32>} : memref<1x8192xf32, #tpu.memory_space<vmem>>, vector<16xf32>,
        %mul3A_827 = arith.mulf %get3A_822, %get3A_826 : vector<16xf32>
        %add3A_828 = arith.addf %add3A_816, %mul3A_827 : vector<16xf32>
        %add3A_829 = arith.constant 112 : i32
        %add3A_830 = arith.addi %mul3A_745, %add3A_829 : i32
        %get3A_831 = arith.constant 0 : i32
        %get3A_832 = arith.index_cast %get3A_831 : i32 to index
        %get3A_833 = arith.index_cast %add3A_830 : i32 to index
        %get3A_834 = tpu.vector_load %arg10[%get3A_832, %get3A_833] {strides = array<i32>} : memref<1x8192xf32, #tpu.memory_space<vmem>>, vector<16xf32>,
        %get3A_835 = arith.constant 0 : i32
        %get3A_836 = arith.index_cast %get3A_835 : i32 to index
        %get3A_837 = arith.index_cast %add3A_830 : i32 to index
        %get3A_838 = tpu.vector_load %arg14[%get3A_836, %get3A_837] {strides = array<i32>} : memref<1x8192xf32, #tpu.memory_space<vmem>>, vector<16xf32>,
        %mul3A_839 = arith.mulf %get3A_834, %get3A_838 : vector<16xf32>
        %add3A_840 = arith.addf %add3A_828, %mul3A_839 : vector<16xf32>
        %add3A_841 = arith.constant 128 : i32
        %add3A_842 = arith.addi %mul3A_745, %add3A_841 : i32
        %get3A_843 = arith.constant 0 : i32
        %get3A_844 = arith.index_cast %get3A_843 : i32 to index
        %get3A_845 = arith.index_cast %add3A_842 : i32 to index
        %get3A_846 = tpu.vector_load %arg10[%get3A_844, %get3A_845] {strides = array<i32>} : memref<1x8192xf32, #tpu.memory_space<vmem>>, vector<16xf32>,
        %get3A_847 = arith.constant 0 : i32
        %get3A_848 = arith.index_cast %get3A_847 : i32 to index
        %get3A_849 = arith.index_cast %add3A_842 : i32 to index
        %get3A_850 = tpu.vector_load %arg14[%get3A_848, %get3A_849] {strides = array<i32>} : memref<1x8192xf32, #tpu.memory_space<vmem>>, vector<16xf32>,
        %mul3A_851 = arith.mulf %get3A_846, %get3A_850 : vector<16xf32>
        %add3A_852 = arith.addf %scan3A_742, %mul3A_851 : vector<16xf32>
        %add3A_853 = arith.constant 144 : i32
        %add3A_854 = arith.addi %mul3A_745, %add3A_853 : i32
        %get3A_855 = arith.constant 0 : i32
        %get3A_856 = arith.index_cast %get3A_855 : i32 to index
        %get3A_857 = arith.index_cast %add3A_854 : i32 to index
        %get3A_858 = tpu.vector_load %arg10[%get3A_856, %get3A_857] {strides = array<i32>} : memref<1x8192xf32, #tpu.memory_space<vmem>>, vector<16xf32>,
        %get3A_859 = arith.constant 0 : i32
        %get3A_860 = arith.index_cast %get3A_859 : i32 to index
        %get3A_861 = arith.index_cast %add3A_854 : i32 to index
        %get3A_862 = tpu.vector_load %arg14[%get3A_860, %get3A_861] {strides = array<i32>} : memref<1x8192xf32, #tpu.memory_space<vmem>>, vector<16xf32>,
        %mul3A_863 = arith.mulf %get3A_858, %get3A_862 : vector<16xf32>
        %add3A_864 = arith.addf %add3A_852, %mul3A_863 : vector<16xf32>
        %add3A_865 = arith.constant 160 : i32
        %add3A_866 = arith.addi %mul3A_745, %add3A_865 : i32
        %get3A_867 = arith.constant 0 : i32
        %get3A_868 = arith.index_cast %get3A_867 : i32 to index
        %get3A_869 = arith.index_cast %add3A_866 : i32 to index
        %get3A_870 = tpu.vector_load %arg10[%get3A_868, %get3A_869] {strides = array<i32>} : memref<1x8192xf32, #tpu.memory_space<vmem>>, vector<16xf32>,
        %get3A_871 = arith.constant 0 : i32
        %get3A_872 = arith.index_cast %get3A_871 : i32 to index
        %get3A_873 = arith.index_cast %add3A_866 : i32 to index
        %get3A_874 = tpu.vector_load %arg14[%get3A_872, %get3A_873] {strides = array<i32>} : memref<1x8192xf32, #tpu.memory_space<vmem>>, vector<16xf32>,
        %mul3A_875 = arith.mulf %get3A_870, %get3A_874 : vector<16xf32>
        %add3A_876 = arith.addf %add3A_864, %mul3A_875 : vector<16xf32>
        %add3A_877 = arith.constant 176 : i32
        %add3A_878 = arith.addi %mul3A_745, %add3A_877 : i32
        %get3A_879 = arith.constant 0 : i32
        %get3A_880 = arith.index_cast %get3A_879 : i32 to index
        %get3A_881 = arith.index_cast %add3A_878 : i32 to index
        %get3A_882 = tpu.vector_load %arg10[%get3A_880, %get3A_881] {strides = array<i32>} : memref<1x8192xf32, #tpu.memory_space<vmem>>, vector<16xf32>,
        %get3A_883 = arith.constant 0 : i32
        %get3A_884 = arith.index_cast %get3A_883 : i32 to index
        %get3A_885 = arith.index_cast %add3A_878 : i32 to index
        %get3A_886 = tpu.vector_load %arg14[%get3A_884, %get3A_885] {strides = array<i32>} : memref<1x8192xf32, #tpu.memory_space<vmem>>, vector<16xf32>,
        %mul3A_887 = arith.mulf %get3A_882, %get3A_886 : vector<16xf32>
        %add3A_888 = arith.addf %add3A_876, %mul3A_887 : vector<16xf32>
        %add3A_889 = arith.constant 192 : i32
        %add3A_890 = arith.addi %mul3A_745, %add3A_889 : i32
        %get3A_891 = arith.constant 0 : i32
        %get3A_892 = arith.index_cast %get3A_891 : i32 to index
        %get3A_893 = arith.index_cast %add3A_890 : i32 to index
        %get3A_894 = tpu.vector_load %arg10[%get3A_892, %get3A_893] {strides = array<i32>} : memref<1x8192xf32, #tpu.memory_space<vmem>>, vector<16xf32>,
        %get3A_895 = arith.constant 0 : i32
        %get3A_896 = arith.index_cast %get3A_895 : i32 to index
        %get3A_897 = arith.index_cast %add3A_890 : i32 to index
        %get3A_898 = tpu.vector_load %arg14[%get3A_896, %get3A_897] {strides = array<i32>} : memref<1x8192xf32, #tpu.memory_space<vmem>>, vector<16xf32>,
        %mul3A_899 = arith.mulf %get3A_894, %get3A_898 : vector<16xf32>
        %add3A_900 = arith.addf %scan3A_743, %mul3A_899 : vector<16xf32>
        %add3A_901 = arith.constant 208 : i32
        %add3A_902 = arith.addi %mul3A_745, %add3A_901 : i32
        %get3A_903 = arith.constant 0 : i32
        %get3A_904 = arith.index_cast %get3A_903 : i32 to index
        %get3A_905 = arith.index_cast %add3A_902 : i32 to index
        %get3A_906 = tpu.vector_load %arg10[%get3A_904, %get3A_905] {strides = array<i32>} : memref<1x8192xf32, #tpu.memory_space<vmem>>, vector<16xf32>,
        %get3A_907 = arith.constant 0 : i32
        %get3A_908 = arith.index_cast %get3A_907 : i32 to index
        %get3A_909 = arith.index_cast %add3A_902 : i32 to index
        %get3A_910 = tpu.vector_load %arg14[%get3A_908, %get3A_909] {strides = array<i32>} : memref<1x8192xf32, #tpu.memory_space<vmem>>, vector<16xf32>,
        %mul3A_911 = arith.mulf %get3A_906, %get3A_910 : vector<16xf32>
        %add3A_912 = arith.addf %add3A_900, %mul3A_911 : vector<16xf32>
        %add3A_913 = arith.constant 224 : i32
        %add3A_914 = arith.addi %mul3A_745, %add3A_913 : i32
        %get3A_915 = arith.constant 0 : i32
        %get3A_916 = arith.index_cast %get3A_915 : i32 to index
        %get3A_917 = arith.index_cast %add3A_914 : i32 to index
        %get3A_918 = tpu.vector_load %arg10[%get3A_916, %get3A_917] {strides = array<i32>} : memref<1x8192xf32, #tpu.memory_space<vmem>>, vector<16xf32>,
        %get3A_919 = arith.constant 0 : i32
        %get3A_920 = arith.index_cast %get3A_919 : i32 to index
        %get3A_921 = arith.index_cast %add3A_914 : i32 to index
        %get3A_922 = tpu.vector_load %arg14[%get3A_920, %get3A_921] {strides = array<i32>} : memref<1x8192xf32, #tpu.memory_space<vmem>>, vector<16xf32>,
        %mul3A_923 = arith.mulf %get3A_918, %get3A_922 : vector<16xf32>
        %add3A_924 = arith.addf %add3A_912, %mul3A_923 : vector<16xf32>
        %add3A_925 = arith.constant 240 : i32
        %add3A_926 = arith.addi %mul3A_745, %add3A_925 : i32
        %get3A_927 = arith.constant 0 : i32
        %get3A_928 = arith.index_cast %get3A_927 : i32 to index
        %get3A_929 = arith.index_cast %add3A_926 : i32 to index
        %get3A_930 = tpu.vector_load %arg10[%get3A_928, %get3A_929] {strides = array<i32>} : memref<1x8192xf32, #tpu.memory_space<vmem>>, vector<16xf32>,
        %get3A_931 = arith.constant 0 : i32
        %get3A_932 = arith.index_cast %get3A_931 : i32 to index
        %get3A_933 = arith.index_cast %add3A_926 : i32 to index
        %get3A_934 = tpu.vector_load %arg14[%get3A_932, %get3A_933] {strides = array<i32>} : memref<1x8192xf32, #tpu.memory_space<vmem>>, vector<16xf32>,
        %mul3A_935 = arith.mulf %get3A_930, %get3A_934 : vector<16xf32>
        %add3A_936 = arith.addf %add3A_924, %mul3A_935 : vector<16xf32>
        scf.yield %add3A_792, %add3A_840, %add3A_888, %add3A_936 : vector<16xf32>, vector<16xf32>, vector<16xf32>, vector<16xf32>
      }
      %scan3A_275 = arith.constant 32 : i32
      %add3A_276 = arith.addf %scan3A_274#0, %scan3A_274#1 : vector<16xf32>
      %add3A_277 = arith.addf %scan3A_274#2, %scan3A_274#3 : vector<16xf32>
      %add3A_278 = arith.addf %add3A_276, %add3A_277 : vector<16xf32>
      %swap3A_279 = arith.constant 5 : i32
      %swap3A_280 = arith.index_cast %swap3A_279 : i32 to index
      %swap3A_281 = arith.constant 0 : index
      %swap3A_282 = tpu.vector_load %arg18[%swap3A_280, %swap3A_281] {strides = array<i32>} : memref<16x16xf32, #tpu.memory_space<vmem>>, vector<16xf32>,
      tpu.vector_store %arg18[%swap3A_280, %swap3A_281], %add3A_278 {strides = array<i32>} : memref<16x16xf32, #tpu.memory_space<vmem>>, vector<16xf32>,
      %add3A_283 = arith.constant 4 : i32
      %add3A_284 = arith.addi %add3A_255, %add3A_283 : i32
      %lt3A_285 = arith.constant 128 : i32
      %lt3A_286 = arith.cmpi slt, %add3A_284, %lt3A_285 : i32
      %convert_element_type3A_287 = arith.extui %lt3A_286 : i1 to i32
      %cond3A_288 = arith.constant 0 : i32
      %cond3A_289 = arith.cmpi ne, %convert_element_type3A_287, %cond3A_288 : i32
      scf.if %cond3A_289 {
        %add3A_739 = arith.constant 4 : i32
        %add3A_740 = arith.addi %add3A_255, %add3A_739 : i32
        %dma_start3A_741 = arith.constant 0 : i32
        %dma_start3A_742 = tpu.memref_slice %arg7[%add3A_740, %dma_start3A_741] : memref<128x1xi32, #tpu.memory_space<vmem>> -> memref<1x1xi32, #tpu.memory_space<vmem>>
        %dma_start3A_743 = tpu.memref_squeeze %dma_start3A_742 : memref<1x1xi32, #tpu.memory_space<vmem>> -> memref<1xi32, #tpu.memory_space<vmem>>
        %dma_start3A_744 = arith.constant 0 : i32
        %dma_start3A_745 = arith.constant 0 : i32
        %dma_start3A_746 = tpu.memref_slice %arg4[%dma_start3A_744, %dma_start3A_745] : memref<10000x8192xf32, #tpu.memory_space<hbm>> -> memref<10000x8192xf32, #tpu.memory_space<hbm>>
        tpu.enqueue_indirect_dma source(%dma_start3A_746 : memref<10000x8192xf32, #tpu.memory_space<hbm>>) target(%arg10 : memref<1x8192xf32, #tpu.memory_space<vmem>>) offsets(%dma_start3A_743 : memref<1xi32, #tpu.memory_space<vmem>>) semaphore(%arg20 : memref<!tpu.dma_semaphore, #tpu.memory_space<semaphore_mem>>)
        %dma_start3A_747 = arith.constant 0 : i32
        %dma_start3A_748 = tpu.memref_slice %arg8[%add3A_740, %dma_start3A_747] : memref<128x1xi32, #tpu.memory_space<vmem>> -> memref<1x1xi32, #tpu.memory_space<vmem>>
        %dma_start3A_749 = tpu.memref_squeeze %dma_start3A_748 : memref<1x1xi32, #tpu.memory_space<vmem>> -> memref<1xi32, #tpu.memory_space<vmem>>
        %dma_start3A_750 = arith.constant 0 : i32
        %dma_start3A_751 = arith.constant 0 : i32
        %dma_start3A_752 = tpu.memref_slice %arg5[%dma_start3A_750, %dma_start3A_751] : memref<8192x8192xf32, #tpu.memory_space<hbm>> -> memref<8192x8192xf32, #tpu.memory_space<hbm>>
        tpu.enqueue_indirect_dma source(%dma_start3A_752 : memref<8192x8192xf32, #tpu.memory_space<hbm>>) target(%arg14 : memref<1x8192xf32, #tpu.memory_space<vmem>>) offsets(%dma_start3A_749 : memref<1xi32, #tpu.memory_space<vmem>>) semaphore(%arg24 : memref<!tpu.dma_semaphore, #tpu.memory_space<semaphore_mem>>)
      } else {
      }
      %mul3A_290 = arith.constant 16 : i32
      %mul3A_291 = arith.muli %scan3A_67, %mul3A_290 : i32
      %add3A_292 = arith.constant 6 : i32
      %add3A_293 = arith.addi %mul3A_291, %add3A_292 : i32
      %dma_wait3A_294 = arith.constant 0 : i32
      %dma_wait3A_295 = tpu.memref_slice %arg7[%add3A_293, %dma_wait3A_294] : memref<128x1xi32, #tpu.memory_space<vmem>> -> memref<1x1xi32, #tpu.memory_space<vmem>>
      %dma_wait3A_296 = tpu.memref_squeeze %dma_wait3A_295 : memref<1x1xi32, #tpu.memory_space<vmem>> -> memref<1xi32, #tpu.memory_space<vmem>>
      %dma_wait3A_297 = arith.constant 0 : i32
      %dma_wait3A_298 = arith.constant 0 : i32
      %dma_wait3A_299 = tpu.memref_slice %arg4[%dma_wait3A_297, %dma_wait3A_298] : memref<10000x8192xf32, #tpu.memory_space<hbm>> -> memref<10000x8192xf32, #tpu.memory_space<hbm>>
      tpu.wait_indirect_dma semaphore(%arg21 : memref<!tpu.dma_semaphore, #tpu.memory_space<semaphore_mem>>) src(%dma_wait3A_299 : memref<10000x8192xf32, #tpu.memory_space<hbm>>) dst(%arg11 : memref<1x8192xf32, #tpu.memory_space<vmem>>)
      %dma_wait3A_300 = arith.constant 0 : i32
      %dma_wait3A_301 = tpu.memref_slice %arg8[%add3A_293, %dma_wait3A_300] : memref<128x1xi32, #tpu.memory_space<vmem>> -> memref<1x1xi32, #tpu.memory_space<vmem>>
      %dma_wait3A_302 = tpu.memref_squeeze %dma_wait3A_301 : memref<1x1xi32, #tpu.memory_space<vmem>> -> memref<1xi32, #tpu.memory_space<vmem>>
      %dma_wait3A_303 = arith.constant 0 : i32
      %dma_wait3A_304 = arith.constant 0 : i32
      %dma_wait3A_305 = tpu.memref_slice %arg5[%dma_wait3A_303, %dma_wait3A_304] : memref<8192x8192xf32, #tpu.memory_space<hbm>> -> memref<8192x8192xf32, #tpu.memory_space<hbm>>
      tpu.wait_indirect_dma semaphore(%arg25 : memref<!tpu.dma_semaphore, #tpu.memory_space<semaphore_mem>>) src(%dma_wait3A_305 : memref<8192x8192xf32, #tpu.memory_space<hbm>>) dst(%arg15 : memref<1x8192xf32, #tpu.memory_space<vmem>>)
      %broadcast_in_dim3A_306 = arith.constant 0.000000e+00 : f32
      %broadcast_in_dim3A_307 = vector.broadcast %broadcast_in_dim3A_306 : f32 to vector<16xf32>
      %scan3A_308 = arith.constant 0 : i32
      %scan3A_309 = arith.constant 32 : i32
      %scan3A_310 = arith.addi %scan3A_308, %scan3A_309 : i32
      %scan3A_311 = arith.constant 1 : i32
      %scan3A_312:4 = scf.for %scan3A_739 = %scan3A_308 to %scan3A_310 step %scan3A_311 iter_args(%scan3A_740 = %broadcast_in_dim3A_307, %scan3A_741 = %broadcast_in_dim3A_307, %scan3A_742 = %broadcast_in_dim3A_307, %scan3A_743 = %broadcast_in_dim3A_307) -> (vector<16xf32>, vector<16xf32>, vector<16xf32>, vector<16xf32>)  : i32 {
        %mul3A_744 = arith.constant 256 : i32
        %mul3A_745 = arith.muli %scan3A_739, %mul3A_744 : i32
        %add3A_746 = arith.constant 0 : i32
        %add3A_747 = arith.addi %mul3A_745, %add3A_746 : i32
        %get3A = arith.constant 0 : i32
        %get3A_748 = arith.index_cast %get3A : i32 to index
        %get3A_749 = arith.index_cast %add3A_747 : i32 to index
        %get3A_750 = tpu.vector_load %arg11[%get3A_748, %get3A_749] {strides = array<i32>} : memref<1x8192xf32, #tpu.memory_space<vmem>>, vector<16xf32>,
        %get3A_751 = arith.constant 0 : i32
        %get3A_752 = arith.index_cast %get3A_751 : i32 to index
        %get3A_753 = arith.index_cast %add3A_747 : i32 to index
        %get3A_754 = tpu.vector_load %arg15[%get3A_752, %get3A_753] {strides = array<i32>} : memref<1x8192xf32, #tpu.memory_space<vmem>>, vector<16xf32>,
        %mul3A_755 = arith.mulf %get3A_750, %get3A_754 : vector<16xf32>
        %add3A_756 = arith.addf %scan3A_740, %mul3A_755 : vector<16xf32>
        %add3A_757 = arith.constant 16 : i32
        %add3A_758 = arith.addi %mul3A_745, %add3A_757 : i32
        %get3A_759 = arith.constant 0 : i32
        %get3A_760 = arith.index_cast %get3A_759 : i32 to index
        %get3A_761 = arith.index_cast %add3A_758 : i32 to index
        %get3A_762 = tpu.vector_load %arg11[%get3A_760, %get3A_761] {strides = array<i32>} : memref<1x8192xf32, #tpu.memory_space<vmem>>, vector<16xf32>,
        %get3A_763 = arith.constant 0 : i32
        %get3A_764 = arith.index_cast %get3A_763 : i32 to index
        %get3A_765 = arith.index_cast %add3A_758 : i32 to index
        %get3A_766 = tpu.vector_load %arg15[%get3A_764, %get3A_765] {strides = array<i32>} : memref<1x8192xf32, #tpu.memory_space<vmem>>, vector<16xf32>,
        %mul3A_767 = arith.mulf %get3A_762, %get3A_766 : vector<16xf32>
        %add3A_768 = arith.addf %add3A_756, %mul3A_767 : vector<16xf32>
        %add3A_769 = arith.constant 32 : i32
        %add3A_770 = arith.addi %mul3A_745, %add3A_769 : i32
        %get3A_771 = arith.constant 0 : i32
        %get3A_772 = arith.index_cast %get3A_771 : i32 to index
        %get3A_773 = arith.index_cast %add3A_770 : i32 to index
        %get3A_774 = tpu.vector_load %arg11[%get3A_772, %get3A_773] {strides = array<i32>} : memref<1x8192xf32, #tpu.memory_space<vmem>>, vector<16xf32>,
        %get3A_775 = arith.constant 0 : i32
        %get3A_776 = arith.index_cast %get3A_775 : i32 to index
        %get3A_777 = arith.index_cast %add3A_770 : i32 to index
        %get3A_778 = tpu.vector_load %arg15[%get3A_776, %get3A_777] {strides = array<i32>} : memref<1x8192xf32, #tpu.memory_space<vmem>>, vector<16xf32>,
        %mul3A_779 = arith.mulf %get3A_774, %get3A_778 : vector<16xf32>
        %add3A_780 = arith.addf %add3A_768, %mul3A_779 : vector<16xf32>
        %add3A_781 = arith.constant 48 : i32
        %add3A_782 = arith.addi %mul3A_745, %add3A_781 : i32
        %get3A_783 = arith.constant 0 : i32
        %get3A_784 = arith.index_cast %get3A_783 : i32 to index
        %get3A_785 = arith.index_cast %add3A_782 : i32 to index
        %get3A_786 = tpu.vector_load %arg11[%get3A_784, %get3A_785] {strides = array<i32>} : memref<1x8192xf32, #tpu.memory_space<vmem>>, vector<16xf32>,
        %get3A_787 = arith.constant 0 : i32
        %get3A_788 = arith.index_cast %get3A_787 : i32 to index
        %get3A_789 = arith.index_cast %add3A_782 : i32 to index
        %get3A_790 = tpu.vector_load %arg15[%get3A_788, %get3A_789] {strides = array<i32>} : memref<1x8192xf32, #tpu.memory_space<vmem>>, vector<16xf32>,
        %mul3A_791 = arith.mulf %get3A_786, %get3A_790 : vector<16xf32>
        %add3A_792 = arith.addf %add3A_780, %mul3A_791 : vector<16xf32>
        %add3A_793 = arith.constant 64 : i32
        %add3A_794 = arith.addi %mul3A_745, %add3A_793 : i32
        %get3A_795 = arith.constant 0 : i32
        %get3A_796 = arith.index_cast %get3A_795 : i32 to index
        %get3A_797 = arith.index_cast %add3A_794 : i32 to index
        %get3A_798 = tpu.vector_load %arg11[%get3A_796, %get3A_797] {strides = array<i32>} : memref<1x8192xf32, #tpu.memory_space<vmem>>, vector<16xf32>,
        %get3A_799 = arith.constant 0 : i32
        %get3A_800 = arith.index_cast %get3A_799 : i32 to index
        %get3A_801 = arith.index_cast %add3A_794 : i32 to index
        %get3A_802 = tpu.vector_load %arg15[%get3A_800, %get3A_801] {strides = array<i32>} : memref<1x8192xf32, #tpu.memory_space<vmem>>, vector<16xf32>,
        %mul3A_803 = arith.mulf %get3A_798, %get3A_802 : vector<16xf32>
        %add3A_804 = arith.addf %scan3A_741, %mul3A_803 : vector<16xf32>
        %add3A_805 = arith.constant 80 : i32
        %add3A_806 = arith.addi %mul3A_745, %add3A_805 : i32
        %get3A_807 = arith.constant 0 : i32
        %get3A_808 = arith.index_cast %get3A_807 : i32 to index
        %get3A_809 = arith.index_cast %add3A_806 : i32 to index
        %get3A_810 = tpu.vector_load %arg11[%get3A_808, %get3A_809] {strides = array<i32>} : memref<1x8192xf32, #tpu.memory_space<vmem>>, vector<16xf32>,
        %get3A_811 = arith.constant 0 : i32
        %get3A_812 = arith.index_cast %get3A_811 : i32 to index
        %get3A_813 = arith.index_cast %add3A_806 : i32 to index
        %get3A_814 = tpu.vector_load %arg15[%get3A_812, %get3A_813] {strides = array<i32>} : memref<1x8192xf32, #tpu.memory_space<vmem>>, vector<16xf32>,
        %mul3A_815 = arith.mulf %get3A_810, %get3A_814 : vector<16xf32>
        %add3A_816 = arith.addf %add3A_804, %mul3A_815 : vector<16xf32>
        %add3A_817 = arith.constant 96 : i32
        %add3A_818 = arith.addi %mul3A_745, %add3A_817 : i32
        %get3A_819 = arith.constant 0 : i32
        %get3A_820 = arith.index_cast %get3A_819 : i32 to index
        %get3A_821 = arith.index_cast %add3A_818 : i32 to index
        %get3A_822 = tpu.vector_load %arg11[%get3A_820, %get3A_821] {strides = array<i32>} : memref<1x8192xf32, #tpu.memory_space<vmem>>, vector<16xf32>,
        %get3A_823 = arith.constant 0 : i32
        %get3A_824 = arith.index_cast %get3A_823 : i32 to index
        %get3A_825 = arith.index_cast %add3A_818 : i32 to index
        %get3A_826 = tpu.vector_load %arg15[%get3A_824, %get3A_825] {strides = array<i32>} : memref<1x8192xf32, #tpu.memory_space<vmem>>, vector<16xf32>,
        %mul3A_827 = arith.mulf %get3A_822, %get3A_826 : vector<16xf32>
        %add3A_828 = arith.addf %add3A_816, %mul3A_827 : vector<16xf32>
        %add3A_829 = arith.constant 112 : i32
        %add3A_830 = arith.addi %mul3A_745, %add3A_829 : i32
        %get3A_831 = arith.constant 0 : i32
        %get3A_832 = arith.index_cast %get3A_831 : i32 to index
        %get3A_833 = arith.index_cast %add3A_830 : i32 to index
        %get3A_834 = tpu.vector_load %arg11[%get3A_832, %get3A_833] {strides = array<i32>} : memref<1x8192xf32, #tpu.memory_space<vmem>>, vector<16xf32>,
        %get3A_835 = arith.constant 0 : i32
        %get3A_836 = arith.index_cast %get3A_835 : i32 to index
        %get3A_837 = arith.index_cast %add3A_830 : i32 to index
        %get3A_838 = tpu.vector_load %arg15[%get3A_836, %get3A_837] {strides = array<i32>} : memref<1x8192xf32, #tpu.memory_space<vmem>>, vector<16xf32>,
        %mul3A_839 = arith.mulf %get3A_834, %get3A_838 : vector<16xf32>
        %add3A_840 = arith.addf %add3A_828, %mul3A_839 : vector<16xf32>
        %add3A_841 = arith.constant 128 : i32
        %add3A_842 = arith.addi %mul3A_745, %add3A_841 : i32
        %get3A_843 = arith.constant 0 : i32
        %get3A_844 = arith.index_cast %get3A_843 : i32 to index
        %get3A_845 = arith.index_cast %add3A_842 : i32 to index
        %get3A_846 = tpu.vector_load %arg11[%get3A_844, %get3A_845] {strides = array<i32>} : memref<1x8192xf32, #tpu.memory_space<vmem>>, vector<16xf32>,
        %get3A_847 = arith.constant 0 : i32
        %get3A_848 = arith.index_cast %get3A_847 : i32 to index
        %get3A_849 = arith.index_cast %add3A_842 : i32 to index
        %get3A_850 = tpu.vector_load %arg15[%get3A_848, %get3A_849] {strides = array<i32>} : memref<1x8192xf32, #tpu.memory_space<vmem>>, vector<16xf32>,
        %mul3A_851 = arith.mulf %get3A_846, %get3A_850 : vector<16xf32>
        %add3A_852 = arith.addf %scan3A_742, %mul3A_851 : vector<16xf32>
        %add3A_853 = arith.constant 144 : i32
        %add3A_854 = arith.addi %mul3A_745, %add3A_853 : i32
        %get3A_855 = arith.constant 0 : i32
        %get3A_856 = arith.index_cast %get3A_855 : i32 to index
        %get3A_857 = arith.index_cast %add3A_854 : i32 to index
        %get3A_858 = tpu.vector_load %arg11[%get3A_856, %get3A_857] {strides = array<i32>} : memref<1x8192xf32, #tpu.memory_space<vmem>>, vector<16xf32>,
        %get3A_859 = arith.constant 0 : i32
        %get3A_860 = arith.index_cast %get3A_859 : i32 to index
        %get3A_861 = arith.index_cast %add3A_854 : i32 to index
        %get3A_862 = tpu.vector_load %arg15[%get3A_860, %get3A_861] {strides = array<i32>} : memref<1x8192xf32, #tpu.memory_space<vmem>>, vector<16xf32>,
        %mul3A_863 = arith.mulf %get3A_858, %get3A_862 : vector<16xf32>
        %add3A_864 = arith.addf %add3A_852, %mul3A_863 : vector<16xf32>
        %add3A_865 = arith.constant 160 : i32
        %add3A_866 = arith.addi %mul3A_745, %add3A_865 : i32
        %get3A_867 = arith.constant 0 : i32
        %get3A_868 = arith.index_cast %get3A_867 : i32 to index
        %get3A_869 = arith.index_cast %add3A_866 : i32 to index
        %get3A_870 = tpu.vector_load %arg11[%get3A_868, %get3A_869] {strides = array<i32>} : memref<1x8192xf32, #tpu.memory_space<vmem>>, vector<16xf32>,
        %get3A_871 = arith.constant 0 : i32
        %get3A_872 = arith.index_cast %get3A_871 : i32 to index
        %get3A_873 = arith.index_cast %add3A_866 : i32 to index
        %get3A_874 = tpu.vector_load %arg15[%get3A_872, %get3A_873] {strides = array<i32>} : memref<1x8192xf32, #tpu.memory_space<vmem>>, vector<16xf32>,
        %mul3A_875 = arith.mulf %get3A_870, %get3A_874 : vector<16xf32>
        %add3A_876 = arith.addf %add3A_864, %mul3A_875 : vector<16xf32>
        %add3A_877 = arith.constant 176 : i32
        %add3A_878 = arith.addi %mul3A_745, %add3A_877 : i32
        %get3A_879 = arith.constant 0 : i32
        %get3A_880 = arith.index_cast %get3A_879 : i32 to index
        %get3A_881 = arith.index_cast %add3A_878 : i32 to index
        %get3A_882 = tpu.vector_load %arg11[%get3A_880, %get3A_881] {strides = array<i32>} : memref<1x8192xf32, #tpu.memory_space<vmem>>, vector<16xf32>,
        %get3A_883 = arith.constant 0 : i32
        %get3A_884 = arith.index_cast %get3A_883 : i32 to index
        %get3A_885 = arith.index_cast %add3A_878 : i32 to index
        %get3A_886 = tpu.vector_load %arg15[%get3A_884, %get3A_885] {strides = array<i32>} : memref<1x8192xf32, #tpu.memory_space<vmem>>, vector<16xf32>,
        %mul3A_887 = arith.mulf %get3A_882, %get3A_886 : vector<16xf32>
        %add3A_888 = arith.addf %add3A_876, %mul3A_887 : vector<16xf32>
        %add3A_889 = arith.constant 192 : i32
        %add3A_890 = arith.addi %mul3A_745, %add3A_889 : i32
        %get3A_891 = arith.constant 0 : i32
        %get3A_892 = arith.index_cast %get3A_891 : i32 to index
        %get3A_893 = arith.index_cast %add3A_890 : i32 to index
        %get3A_894 = tpu.vector_load %arg11[%get3A_892, %get3A_893] {strides = array<i32>} : memref<1x8192xf32, #tpu.memory_space<vmem>>, vector<16xf32>,
        %get3A_895 = arith.constant 0 : i32
        %get3A_896 = arith.index_cast %get3A_895 : i32 to index
        %get3A_897 = arith.index_cast %add3A_890 : i32 to index
        %get3A_898 = tpu.vector_load %arg15[%get3A_896, %get3A_897] {strides = array<i32>} : memref<1x8192xf32, #tpu.memory_space<vmem>>, vector<16xf32>,
        %mul3A_899 = arith.mulf %get3A_894, %get3A_898 : vector<16xf32>
        %add3A_900 = arith.addf %scan3A_743, %mul3A_899 : vector<16xf32>
        %add3A_901 = arith.constant 208 : i32
        %add3A_902 = arith.addi %mul3A_745, %add3A_901 : i32
        %get3A_903 = arith.constant 0 : i32
        %get3A_904 = arith.index_cast %get3A_903 : i32 to index
        %get3A_905 = arith.index_cast %add3A_902 : i32 to index
        %get3A_906 = tpu.vector_load %arg11[%get3A_904, %get3A_905] {strides = array<i32>} : memref<1x8192xf32, #tpu.memory_space<vmem>>, vector<16xf32>,
        %get3A_907 = arith.constant 0 : i32
        %get3A_908 = arith.index_cast %get3A_907 : i32 to index
        %get3A_909 = arith.index_cast %add3A_902 : i32 to index
        %get3A_910 = tpu.vector_load %arg15[%get3A_908, %get3A_909] {strides = array<i32>} : memref<1x8192xf32, #tpu.memory_space<vmem>>, vector<16xf32>,
        %mul3A_911 = arith.mulf %get3A_906, %get3A_910 : vector<16xf32>
        %add3A_912 = arith.addf %add3A_900, %mul3A_911 : vector<16xf32>
        %add3A_913 = arith.constant 224 : i32
        %add3A_914 = arith.addi %mul3A_745, %add3A_913 : i32
        %get3A_915 = arith.constant 0 : i32
        %get3A_916 = arith.index_cast %get3A_915 : i32 to index
        %get3A_917 = arith.index_cast %add3A_914 : i32 to index
        %get3A_918 = tpu.vector_load %arg11[%get3A_916, %get3A_917] {strides = array<i32>} : memref<1x8192xf32, #tpu.memory_space<vmem>>, vector<16xf32>,
        %get3A_919 = arith.constant 0 : i32
        %get3A_920 = arith.index_cast %get3A_919 : i32 to index
        %get3A_921 = arith.index_cast %add3A_914 : i32 to index
        %get3A_922 = tpu.vector_load %arg15[%get3A_920, %get3A_921] {strides = array<i32>} : memref<1x8192xf32, #tpu.memory_space<vmem>>, vector<16xf32>,
        %mul3A_923 = arith.mulf %get3A_918, %get3A_922 : vector<16xf32>
        %add3A_924 = arith.addf %add3A_912, %mul3A_923 : vector<16xf32>
        %add3A_925 = arith.constant 240 : i32
        %add3A_926 = arith.addi %mul3A_745, %add3A_925 : i32
        %get3A_927 = arith.constant 0 : i32
        %get3A_928 = arith.index_cast %get3A_927 : i32 to index
        %get3A_929 = arith.index_cast %add3A_926 : i32 to index
        %get3A_930 = tpu.vector_load %arg11[%get3A_928, %get3A_929] {strides = array<i32>} : memref<1x8192xf32, #tpu.memory_space<vmem>>, vector<16xf32>,
        %get3A_931 = arith.constant 0 : i32
        %get3A_932 = arith.index_cast %get3A_931 : i32 to index
        %get3A_933 = arith.index_cast %add3A_926 : i32 to index
        %get3A_934 = tpu.vector_load %arg15[%get3A_932, %get3A_933] {strides = array<i32>} : memref<1x8192xf32, #tpu.memory_space<vmem>>, vector<16xf32>,
        %mul3A_935 = arith.mulf %get3A_930, %get3A_934 : vector<16xf32>
        %add3A_936 = arith.addf %add3A_924, %mul3A_935 : vector<16xf32>
        scf.yield %add3A_792, %add3A_840, %add3A_888, %add3A_936 : vector<16xf32>, vector<16xf32>, vector<16xf32>, vector<16xf32>
      }
      %scan3A_313 = arith.constant 32 : i32
      %add3A_314 = arith.addf %scan3A_312#0, %scan3A_312#1 : vector<16xf32>
      %add3A_315 = arith.addf %scan3A_312#2, %scan3A_312#3 : vector<16xf32>
      %add3A_316 = arith.addf %add3A_314, %add3A_315 : vector<16xf32>
      %swap3A_317 = arith.constant 6 : i32
      %swap3A_318 = arith.index_cast %swap3A_317 : i32 to index
      %swap3A_319 = arith.constant 0 : index
      %swap3A_320 = tpu.vector_load %arg18[%swap3A_318, %swap3A_319] {strides = array<i32>} : memref<16x16xf32, #tpu.memory_space<vmem>>, vector<16xf32>,
      tpu.vector_store %arg18[%swap3A_318, %swap3A_319], %add3A_316 {strides = array<i32>} : memref<16x16xf32, #tpu.memory_space<vmem>>, vector<16xf32>,
      %add3A_321 = arith.constant 4 : i32
      %add3A_322 = arith.addi %add3A_293, %add3A_321 : i32
      %lt3A_323 = arith.constant 128 : i32
      %lt3A_324 = arith.cmpi slt, %add3A_322, %lt3A_323 : i32
      %convert_element_type3A_325 = arith.extui %lt3A_324 : i1 to i32
      %cond3A_326 = arith.constant 0 : i32
      %cond3A_327 = arith.cmpi ne, %convert_element_type3A_325, %cond3A_326 : i32
      scf.if %cond3A_327 {
        %add3A_739 = arith.constant 4 : i32
        %add3A_740 = arith.addi %add3A_293, %add3A_739 : i32
        %dma_start3A_741 = arith.constant 0 : i32
        %dma_start3A_742 = tpu.memref_slice %arg7[%add3A_740, %dma_start3A_741] : memref<128x1xi32, #tpu.memory_space<vmem>> -> memref<1x1xi32, #tpu.memory_space<vmem>>
        %dma_start3A_743 = tpu.memref_squeeze %dma_start3A_742 : memref<1x1xi32, #tpu.memory_space<vmem>> -> memref<1xi32, #tpu.memory_space<vmem>>
        %dma_start3A_744 = arith.constant 0 : i32
        %dma_start3A_745 = arith.constant 0 : i32
        %dma_start3A_746 = tpu.memref_slice %arg4[%dma_start3A_744, %dma_start3A_745] : memref<10000x8192xf32, #tpu.memory_space<hbm>> -> memref<10000x8192xf32, #tpu.memory_space<hbm>>
        tpu.enqueue_indirect_dma source(%dma_start3A_746 : memref<10000x8192xf32, #tpu.memory_space<hbm>>) target(%arg11 : memref<1x8192xf32, #tpu.memory_space<vmem>>) offsets(%dma_start3A_743 : memref<1xi32, #tpu.memory_space<vmem>>) semaphore(%arg21 : memref<!tpu.dma_semaphore, #tpu.memory_space<semaphore_mem>>)
        %dma_start3A_747 = arith.constant 0 : i32
        %dma_start3A_748 = tpu.memref_slice %arg8[%add3A_740, %dma_start3A_747] : memref<128x1xi32, #tpu.memory_space<vmem>> -> memref<1x1xi32, #tpu.memory_space<vmem>>
        %dma_start3A_749 = tpu.memref_squeeze %dma_start3A_748 : memref<1x1xi32, #tpu.memory_space<vmem>> -> memref<1xi32, #tpu.memory_space<vmem>>
        %dma_start3A_750 = arith.constant 0 : i32
        %dma_start3A_751 = arith.constant 0 : i32
        %dma_start3A_752 = tpu.memref_slice %arg5[%dma_start3A_750, %dma_start3A_751] : memref<8192x8192xf32, #tpu.memory_space<hbm>> -> memref<8192x8192xf32, #tpu.memory_space<hbm>>
        tpu.enqueue_indirect_dma source(%dma_start3A_752 : memref<8192x8192xf32, #tpu.memory_space<hbm>>) target(%arg15 : memref<1x8192xf32, #tpu.memory_space<vmem>>) offsets(%dma_start3A_749 : memref<1xi32, #tpu.memory_space<vmem>>) semaphore(%arg25 : memref<!tpu.dma_semaphore, #tpu.memory_space<semaphore_mem>>)
      } else {
      }
      %mul3A_328 = arith.constant 16 : i32
      %mul3A_329 = arith.muli %scan3A_67, %mul3A_328 : i32
      %add3A_330 = arith.constant 7 : i32
      %add3A_331 = arith.addi %mul3A_329, %add3A_330 : i32
      %dma_wait3A_332 = arith.constant 0 : i32
      %dma_wait3A_333 = tpu.memref_slice %arg7[%add3A_331, %dma_wait3A_332] : memref<128x1xi32, #tpu.memory_space<vmem>> -> memref<1x1xi32, #tpu.memory_space<vmem>>
      %dma_wait3A_334 = tpu.memref_squeeze %dma_wait3A_333 : memref<1x1xi32, #tpu.memory_space<vmem>> -> memref<1xi32, #tpu.memory_space<vmem>>
      %dma_wait3A_335 = arith.constant 0 : i32
      %dma_wait3A_336 = arith.constant 0 : i32
      %dma_wait3A_337 = tpu.memref_slice %arg4[%dma_wait3A_335, %dma_wait3A_336] : memref<10000x8192xf32, #tpu.memory_space<hbm>> -> memref<10000x8192xf32, #tpu.memory_space<hbm>>
      tpu.wait_indirect_dma semaphore(%arg22 : memref<!tpu.dma_semaphore, #tpu.memory_space<semaphore_mem>>) src(%dma_wait3A_337 : memref<10000x8192xf32, #tpu.memory_space<hbm>>) dst(%arg12 : memref<1x8192xf32, #tpu.memory_space<vmem>>)
      %dma_wait3A_338 = arith.constant 0 : i32
      %dma_wait3A_339 = tpu.memref_slice %arg8[%add3A_331, %dma_wait3A_338] : memref<128x1xi32, #tpu.memory_space<vmem>> -> memref<1x1xi32, #tpu.memory_space<vmem>>
      %dma_wait3A_340 = tpu.memref_squeeze %dma_wait3A_339 : memref<1x1xi32, #tpu.memory_space<vmem>> -> memref<1xi32, #tpu.memory_space<vmem>>
      %dma_wait3A_341 = arith.constant 0 : i32
      %dma_wait3A_342 = arith.constant 0 : i32
      %dma_wait3A_343 = tpu.memref_slice %arg5[%dma_wait3A_341, %dma_wait3A_342] : memref<8192x8192xf32, #tpu.memory_space<hbm>> -> memref<8192x8192xf32, #tpu.memory_space<hbm>>
      tpu.wait_indirect_dma semaphore(%arg26 : memref<!tpu.dma_semaphore, #tpu.memory_space<semaphore_mem>>) src(%dma_wait3A_343 : memref<8192x8192xf32, #tpu.memory_space<hbm>>) dst(%arg16 : memref<1x8192xf32, #tpu.memory_space<vmem>>)
      %broadcast_in_dim3A_344 = arith.constant 0.000000e+00 : f32
      %broadcast_in_dim3A_345 = vector.broadcast %broadcast_in_dim3A_344 : f32 to vector<16xf32>
      %scan3A_346 = arith.constant 0 : i32
      %scan3A_347 = arith.constant 32 : i32
      %scan3A_348 = arith.addi %scan3A_346, %scan3A_347 : i32
      %scan3A_349 = arith.constant 1 : i32
      %scan3A_350:4 = scf.for %scan3A_739 = %scan3A_346 to %scan3A_348 step %scan3A_349 iter_args(%scan3A_740 = %broadcast_in_dim3A_345, %scan3A_741 = %broadcast_in_dim3A_345, %scan3A_742 = %broadcast_in_dim3A_345, %scan3A_743 = %broadcast_in_dim3A_345) -> (vector<16xf32>, vector<16xf32>, vector<16xf32>, vector<16xf32>)  : i32 {
        %mul3A_744 = arith.constant 256 : i32
        %mul3A_745 = arith.muli %scan3A_739, %mul3A_744 : i32
        %add3A_746 = arith.constant 0 : i32
        %add3A_747 = arith.addi %mul3A_745, %add3A_746 : i32
        %get3A = arith.constant 0 : i32
        %get3A_748 = arith.index_cast %get3A : i32 to index
        %get3A_749 = arith.index_cast %add3A_747 : i32 to index
        %get3A_750 = tpu.vector_load %arg12[%get3A_748, %get3A_749] {strides = array<i32>} : memref<1x8192xf32, #tpu.memory_space<vmem>>, vector<16xf32>,
        %get3A_751 = arith.constant 0 : i32
        %get3A_752 = arith.index_cast %get3A_751 : i32 to index
        %get3A_753 = arith.index_cast %add3A_747 : i32 to index
        %get3A_754 = tpu.vector_load %arg16[%get3A_752, %get3A_753] {strides = array<i32>} : memref<1x8192xf32, #tpu.memory_space<vmem>>, vector<16xf32>,
        %mul3A_755 = arith.mulf %get3A_750, %get3A_754 : vector<16xf32>
        %add3A_756 = arith.addf %scan3A_740, %mul3A_755 : vector<16xf32>
        %add3A_757 = arith.constant 16 : i32
        %add3A_758 = arith.addi %mul3A_745, %add3A_757 : i32
        %get3A_759 = arith.constant 0 : i32
        %get3A_760 = arith.index_cast %get3A_759 : i32 to index
        %get3A_761 = arith.index_cast %add3A_758 : i32 to index
        %get3A_762 = tpu.vector_load %arg12[%get3A_760, %get3A_761] {strides = array<i32>} : memref<1x8192xf32, #tpu.memory_space<vmem>>, vector<16xf32>,
        %get3A_763 = arith.constant 0 : i32
        %get3A_764 = arith.index_cast %get3A_763 : i32 to index
        %get3A_765 = arith.index_cast %add3A_758 : i32 to index
        %get3A_766 = tpu.vector_load %arg16[%get3A_764, %get3A_765] {strides = array<i32>} : memref<1x8192xf32, #tpu.memory_space<vmem>>, vector<16xf32>,
        %mul3A_767 = arith.mulf %get3A_762, %get3A_766 : vector<16xf32>
        %add3A_768 = arith.addf %add3A_756, %mul3A_767 : vector<16xf32>
        %add3A_769 = arith.constant 32 : i32
        %add3A_770 = arith.addi %mul3A_745, %add3A_769 : i32
        %get3A_771 = arith.constant 0 : i32
        %get3A_772 = arith.index_cast %get3A_771 : i32 to index
        %get3A_773 = arith.index_cast %add3A_770 : i32 to index
        %get3A_774 = tpu.vector_load %arg12[%get3A_772, %get3A_773] {strides = array<i32>} : memref<1x8192xf32, #tpu.memory_space<vmem>>, vector<16xf32>,
        %get3A_775 = arith.constant 0 : i32
        %get3A_776 = arith.index_cast %get3A_775 : i32 to index
        %get3A_777 = arith.index_cast %add3A_770 : i32 to index
        %get3A_778 = tpu.vector_load %arg16[%get3A_776, %get3A_777] {strides = array<i32>} : memref<1x8192xf32, #tpu.memory_space<vmem>>, vector<16xf32>,
        %mul3A_779 = arith.mulf %get3A_774, %get3A_778 : vector<16xf32>
        %add3A_780 = arith.addf %add3A_768, %mul3A_779 : vector<16xf32>
        %add3A_781 = arith.constant 48 : i32
        %add3A_782 = arith.addi %mul3A_745, %add3A_781 : i32
        %get3A_783 = arith.constant 0 : i32
        %get3A_784 = arith.index_cast %get3A_783 : i32 to index
        %get3A_785 = arith.index_cast %add3A_782 : i32 to index
        %get3A_786 = tpu.vector_load %arg12[%get3A_784, %get3A_785] {strides = array<i32>} : memref<1x8192xf32, #tpu.memory_space<vmem>>, vector<16xf32>,
        %get3A_787 = arith.constant 0 : i32
        %get3A_788 = arith.index_cast %get3A_787 : i32 to index
        %get3A_789 = arith.index_cast %add3A_782 : i32 to index
        %get3A_790 = tpu.vector_load %arg16[%get3A_788, %get3A_789] {strides = array<i32>} : memref<1x8192xf32, #tpu.memory_space<vmem>>, vector<16xf32>,
        %mul3A_791 = arith.mulf %get3A_786, %get3A_790 : vector<16xf32>
        %add3A_792 = arith.addf %add3A_780, %mul3A_791 : vector<16xf32>
        %add3A_793 = arith.constant 64 : i32
        %add3A_794 = arith.addi %mul3A_745, %add3A_793 : i32
        %get3A_795 = arith.constant 0 : i32
        %get3A_796 = arith.index_cast %get3A_795 : i32 to index
        %get3A_797 = arith.index_cast %add3A_794 : i32 to index
        %get3A_798 = tpu.vector_load %arg12[%get3A_796, %get3A_797] {strides = array<i32>} : memref<1x8192xf32, #tpu.memory_space<vmem>>, vector<16xf32>,
        %get3A_799 = arith.constant 0 : i32
        %get3A_800 = arith.index_cast %get3A_799 : i32 to index
        %get3A_801 = arith.index_cast %add3A_794 : i32 to index
        %get3A_802 = tpu.vector_load %arg16[%get3A_800, %get3A_801] {strides = array<i32>} : memref<1x8192xf32, #tpu.memory_space<vmem>>, vector<16xf32>,
        %mul3A_803 = arith.mulf %get3A_798, %get3A_802 : vector<16xf32>
        %add3A_804 = arith.addf %scan3A_741, %mul3A_803 : vector<16xf32>
        %add3A_805 = arith.constant 80 : i32
        %add3A_806 = arith.addi %mul3A_745, %add3A_805 : i32
        %get3A_807 = arith.constant 0 : i32
        %get3A_808 = arith.index_cast %get3A_807 : i32 to index
        %get3A_809 = arith.index_cast %add3A_806 : i32 to index
        %get3A_810 = tpu.vector_load %arg12[%get3A_808, %get3A_809] {strides = array<i32>} : memref<1x8192xf32, #tpu.memory_space<vmem>>, vector<16xf32>,
        %get3A_811 = arith.constant 0 : i32
        %get3A_812 = arith.index_cast %get3A_811 : i32 to index
        %get3A_813 = arith.index_cast %add3A_806 : i32 to index
        %get3A_814 = tpu.vector_load %arg16[%get3A_812, %get3A_813] {strides = array<i32>} : memref<1x8192xf32, #tpu.memory_space<vmem>>, vector<16xf32>,
        %mul3A_815 = arith.mulf %get3A_810, %get3A_814 : vector<16xf32>
        %add3A_816 = arith.addf %add3A_804, %mul3A_815 : vector<16xf32>
        %add3A_817 = arith.constant 96 : i32
        %add3A_818 = arith.addi %mul3A_745, %add3A_817 : i32
        %get3A_819 = arith.constant 0 : i32
        %get3A_820 = arith.index_cast %get3A_819 : i32 to index
        %get3A_821 = arith.index_cast %add3A_818 : i32 to index
        %get3A_822 = tpu.vector_load %arg12[%get3A_820, %get3A_821] {strides = array<i32>} : memref<1x8192xf32, #tpu.memory_space<vmem>>, vector<16xf32>,
        %get3A_823 = arith.constant 0 : i32
        %get3A_824 = arith.index_cast %get3A_823 : i32 to index
        %get3A_825 = arith.index_cast %add3A_818 : i32 to index
        %get3A_826 = tpu.vector_load %arg16[%get3A_824, %get3A_825] {strides = array<i32>} : memref<1x8192xf32, #tpu.memory_space<vmem>>, vector<16xf32>,
        %mul3A_827 = arith.mulf %get3A_822, %get3A_826 : vector<16xf32>
        %add3A_828 = arith.addf %add3A_816, %mul3A_827 : vector<16xf32>
        %add3A_829 = arith.constant 112 : i32
        %add3A_830 = arith.addi %mul3A_745, %add3A_829 : i32
        %get3A_831 = arith.constant 0 : i32
        %get3A_832 = arith.index_cast %get3A_831 : i32 to index
        %get3A_833 = arith.index_cast %add3A_830 : i32 to index
        %get3A_834 = tpu.vector_load %arg12[%get3A_832, %get3A_833] {strides = array<i32>} : memref<1x8192xf32, #tpu.memory_space<vmem>>, vector<16xf32>,
        %get3A_835 = arith.constant 0 : i32
        %get3A_836 = arith.index_cast %get3A_835 : i32 to index
        %get3A_837 = arith.index_cast %add3A_830 : i32 to index
        %get3A_838 = tpu.vector_load %arg16[%get3A_836, %get3A_837] {strides = array<i32>} : memref<1x8192xf32, #tpu.memory_space<vmem>>, vector<16xf32>,
        %mul3A_839 = arith.mulf %get3A_834, %get3A_838 : vector<16xf32>
        %add3A_840 = arith.addf %add3A_828, %mul3A_839 : vector<16xf32>
        %add3A_841 = arith.constant 128 : i32
        %add3A_842 = arith.addi %mul3A_745, %add3A_841 : i32
        %get3A_843 = arith.constant 0 : i32
        %get3A_844 = arith.index_cast %get3A_843 : i32 to index
        %get3A_845 = arith.index_cast %add3A_842 : i32 to index
        %get3A_846 = tpu.vector_load %arg12[%get3A_844, %get3A_845] {strides = array<i32>} : memref<1x8192xf32, #tpu.memory_space<vmem>>, vector<16xf32>,
        %get3A_847 = arith.constant 0 : i32
        %get3A_848 = arith.index_cast %get3A_847 : i32 to index
        %get3A_849 = arith.index_cast %add3A_842 : i32 to index
        %get3A_850 = tpu.vector_load %arg16[%get3A_848, %get3A_849] {strides = array<i32>} : memref<1x8192xf32, #tpu.memory_space<vmem>>, vector<16xf32>,
        %mul3A_851 = arith.mulf %get3A_846, %get3A_850 : vector<16xf32>
        %add3A_852 = arith.addf %scan3A_742, %mul3A_851 : vector<16xf32>
        %add3A_853 = arith.constant 144 : i32
        %add3A_854 = arith.addi %mul3A_745, %add3A_853 : i32
        %get3A_855 = arith.constant 0 : i32
        %get3A_856 = arith.index_cast %get3A_855 : i32 to index
        %get3A_857 = arith.index_cast %add3A_854 : i32 to index
        %get3A_858 = tpu.vector_load %arg12[%get3A_856, %get3A_857] {strides = array<i32>} : memref<1x8192xf32, #tpu.memory_space<vmem>>, vector<16xf32>,
        %get3A_859 = arith.constant 0 : i32
        %get3A_860 = arith.index_cast %get3A_859 : i32 to index
        %get3A_861 = arith.index_cast %add3A_854 : i32 to index
        %get3A_862 = tpu.vector_load %arg16[%get3A_860, %get3A_861] {strides = array<i32>} : memref<1x8192xf32, #tpu.memory_space<vmem>>, vector<16xf32>,
        %mul3A_863 = arith.mulf %get3A_858, %get3A_862 : vector<16xf32>
        %add3A_864 = arith.addf %add3A_852, %mul3A_863 : vector<16xf32>
        %add3A_865 = arith.constant 160 : i32
        %add3A_866 = arith.addi %mul3A_745, %add3A_865 : i32
        %get3A_867 = arith.constant 0 : i32
        %get3A_868 = arith.index_cast %get3A_867 : i32 to index
        %get3A_869 = arith.index_cast %add3A_866 : i32 to index
        %get3A_870 = tpu.vector_load %arg12[%get3A_868, %get3A_869] {strides = array<i32>} : memref<1x8192xf32, #tpu.memory_space<vmem>>, vector<16xf32>,
        %get3A_871 = arith.constant 0 : i32
        %get3A_872 = arith.index_cast %get3A_871 : i32 to index
        %get3A_873 = arith.index_cast %add3A_866 : i32 to index
        %get3A_874 = tpu.vector_load %arg16[%get3A_872, %get3A_873] {strides = array<i32>} : memref<1x8192xf32, #tpu.memory_space<vmem>>, vector<16xf32>,
        %mul3A_875 = arith.mulf %get3A_870, %get3A_874 : vector<16xf32>
        %add3A_876 = arith.addf %add3A_864, %mul3A_875 : vector<16xf32>
        %add3A_877 = arith.constant 176 : i32
        %add3A_878 = arith.addi %mul3A_745, %add3A_877 : i32
        %get3A_879 = arith.constant 0 : i32
        %get3A_880 = arith.index_cast %get3A_879 : i32 to index
        %get3A_881 = arith.index_cast %add3A_878 : i32 to index
        %get3A_882 = tpu.vector_load %arg12[%get3A_880, %get3A_881] {strides = array<i32>} : memref<1x8192xf32, #tpu.memory_space<vmem>>, vector<16xf32>,
        %get3A_883 = arith.constant 0 : i32
        %get3A_884 = arith.index_cast %get3A_883 : i32 to index
        %get3A_885 = arith.index_cast %add3A_878 : i32 to index
        %get3A_886 = tpu.vector_load %arg16[%get3A_884, %get3A_885] {strides = array<i32>} : memref<1x8192xf32, #tpu.memory_space<vmem>>, vector<16xf32>,
        %mul3A_887 = arith.mulf %get3A_882, %get3A_886 : vector<16xf32>
        %add3A_888 = arith.addf %add3A_876, %mul3A_887 : vector<16xf32>
        %add3A_889 = arith.constant 192 : i32
        %add3A_890 = arith.addi %mul3A_745, %add3A_889 : i32
        %get3A_891 = arith.constant 0 : i32
        %get3A_892 = arith.index_cast %get3A_891 : i32 to index
        %get3A_893 = arith.index_cast %add3A_890 : i32 to index
        %get3A_894 = tpu.vector_load %arg12[%get3A_892, %get3A_893] {strides = array<i32>} : memref<1x8192xf32, #tpu.memory_space<vmem>>, vector<16xf32>,
        %get3A_895 = arith.constant 0 : i32
        %get3A_896 = arith.index_cast %get3A_895 : i32 to index
        %get3A_897 = arith.index_cast %add3A_890 : i32 to index
        %get3A_898 = tpu.vector_load %arg16[%get3A_896, %get3A_897] {strides = array<i32>} : memref<1x8192xf32, #tpu.memory_space<vmem>>, vector<16xf32>,
        %mul3A_899 = arith.mulf %get3A_894, %get3A_898 : vector<16xf32>
        %add3A_900 = arith.addf %scan3A_743, %mul3A_899 : vector<16xf32>
        %add3A_901 = arith.constant 208 : i32
        %add3A_902 = arith.addi %mul3A_745, %add3A_901 : i32
        %get3A_903 = arith.constant 0 : i32
        %get3A_904 = arith.index_cast %get3A_903 : i32 to index
        %get3A_905 = arith.index_cast %add3A_902 : i32 to index
        %get3A_906 = tpu.vector_load %arg12[%get3A_904, %get3A_905] {strides = array<i32>} : memref<1x8192xf32, #tpu.memory_space<vmem>>, vector<16xf32>,
        %get3A_907 = arith.constant 0 : i32
        %get3A_908 = arith.index_cast %get3A_907 : i32 to index
        %get3A_909 = arith.index_cast %add3A_902 : i32 to index
        %get3A_910 = tpu.vector_load %arg16[%get3A_908, %get3A_909] {strides = array<i32>} : memref<1x8192xf32, #tpu.memory_space<vmem>>, vector<16xf32>,
        %mul3A_911 = arith.mulf %get3A_906, %get3A_910 : vector<16xf32>
        %add3A_912 = arith.addf %add3A_900, %mul3A_911 : vector<16xf32>
        %add3A_913 = arith.constant 224 : i32
        %add3A_914 = arith.addi %mul3A_745, %add3A_913 : i32
        %get3A_915 = arith.constant 0 : i32
        %get3A_916 = arith.index_cast %get3A_915 : i32 to index
        %get3A_917 = arith.index_cast %add3A_914 : i32 to index
        %get3A_918 = tpu.vector_load %arg12[%get3A_916, %get3A_917] {strides = array<i32>} : memref<1x8192xf32, #tpu.memory_space<vmem>>, vector<16xf32>,
        %get3A_919 = arith.constant 0 : i32
        %get3A_920 = arith.index_cast %get3A_919 : i32 to index
        %get3A_921 = arith.index_cast %add3A_914 : i32 to index
        %get3A_922 = tpu.vector_load %arg16[%get3A_920, %get3A_921] {strides = array<i32>} : memref<1x8192xf32, #tpu.memory_space<vmem>>, vector<16xf32>,
        %mul3A_923 = arith.mulf %get3A_918, %get3A_922 : vector<16xf32>
        %add3A_924 = arith.addf %add3A_912, %mul3A_923 : vector<16xf32>
        %add3A_925 = arith.constant 240 : i32
        %add3A_926 = arith.addi %mul3A_745, %add3A_925 : i32
        %get3A_927 = arith.constant 0 : i32
        %get3A_928 = arith.index_cast %get3A_927 : i32 to index
        %get3A_929 = arith.index_cast %add3A_926 : i32 to index
        %get3A_930 = tpu.vector_load %arg12[%get3A_928, %get3A_929] {strides = array<i32>} : memref<1x8192xf32, #tpu.memory_space<vmem>>, vector<16xf32>,
        %get3A_931 = arith.constant 0 : i32
        %get3A_932 = arith.index_cast %get3A_931 : i32 to index
        %get3A_933 = arith.index_cast %add3A_926 : i32 to index
        %get3A_934 = tpu.vector_load %arg16[%get3A_932, %get3A_933] {strides = array<i32>} : memref<1x8192xf32, #tpu.memory_space<vmem>>, vector<16xf32>,
        %mul3A_935 = arith.mulf %get3A_930, %get3A_934 : vector<16xf32>
        %add3A_936 = arith.addf %add3A_924, %mul3A_935 : vector<16xf32>
        scf.yield %add3A_792, %add3A_840, %add3A_888, %add3A_936 : vector<16xf32>, vector<16xf32>, vector<16xf32>, vector<16xf32>
      }
      %scan3A_351 = arith.constant 32 : i32
      %add3A_352 = arith.addf %scan3A_350#0, %scan3A_350#1 : vector<16xf32>
      %add3A_353 = arith.addf %scan3A_350#2, %scan3A_350#3 : vector<16xf32>
      %add3A_354 = arith.addf %add3A_352, %add3A_353 : vector<16xf32>
      %swap3A_355 = arith.constant 7 : i32
      %swap3A_356 = arith.index_cast %swap3A_355 : i32 to index
      %swap3A_357 = arith.constant 0 : index
      %swap3A_358 = tpu.vector_load %arg18[%swap3A_356, %swap3A_357] {strides = array<i32>} : memref<16x16xf32, #tpu.memory_space<vmem>>, vector<16xf32>,
      tpu.vector_store %arg18[%swap3A_356, %swap3A_357], %add3A_354 {strides = array<i32>} : memref<16x16xf32, #tpu.memory_space<vmem>>, vector<16xf32>,
      %add3A_359 = arith.constant 4 : i32
      %add3A_360 = arith.addi %add3A_331, %add3A_359 : i32
      %lt3A_361 = arith.constant 128 : i32
      %lt3A_362 = arith.cmpi slt, %add3A_360, %lt3A_361 : i32
      %convert_element_type3A_363 = arith.extui %lt3A_362 : i1 to i32
      %cond3A_364 = arith.constant 0 : i32
      %cond3A_365 = arith.cmpi ne, %convert_element_type3A_363, %cond3A_364 : i32
      scf.if %cond3A_365 {
        %add3A_739 = arith.constant 4 : i32
        %add3A_740 = arith.addi %add3A_331, %add3A_739 : i32
        %dma_start3A_741 = arith.constant 0 : i32
        %dma_start3A_742 = tpu.memref_slice %arg7[%add3A_740, %dma_start3A_741] : memref<128x1xi32, #tpu.memory_space<vmem>> -> memref<1x1xi32, #tpu.memory_space<vmem>>
        %dma_start3A_743 = tpu.memref_squeeze %dma_start3A_742 : memref<1x1xi32, #tpu.memory_space<vmem>> -> memref<1xi32, #tpu.memory_space<vmem>>
        %dma_start3A_744 = arith.constant 0 : i32
        %dma_start3A_745 = arith.constant 0 : i32
        %dma_start3A_746 = tpu.memref_slice %arg4[%dma_start3A_744, %dma_start3A_745] : memref<10000x8192xf32, #tpu.memory_space<hbm>> -> memref<10000x8192xf32, #tpu.memory_space<hbm>>
        tpu.enqueue_indirect_dma source(%dma_start3A_746 : memref<10000x8192xf32, #tpu.memory_space<hbm>>) target(%arg12 : memref<1x8192xf32, #tpu.memory_space<vmem>>) offsets(%dma_start3A_743 : memref<1xi32, #tpu.memory_space<vmem>>) semaphore(%arg22 : memref<!tpu.dma_semaphore, #tpu.memory_space<semaphore_mem>>)
        %dma_start3A_747 = arith.constant 0 : i32
        %dma_start3A_748 = tpu.memref_slice %arg8[%add3A_740, %dma_start3A_747] : memref<128x1xi32, #tpu.memory_space<vmem>> -> memref<1x1xi32, #tpu.memory_space<vmem>>
        %dma_start3A_749 = tpu.memref_squeeze %dma_start3A_748 : memref<1x1xi32, #tpu.memory_space<vmem>> -> memref<1xi32, #tpu.memory_space<vmem>>
        %dma_start3A_750 = arith.constant 0 : i32
        %dma_start3A_751 = arith.constant 0 : i32
        %dma_start3A_752 = tpu.memref_slice %arg5[%dma_start3A_750, %dma_start3A_751] : memref<8192x8192xf32, #tpu.memory_space<hbm>> -> memref<8192x8192xf32, #tpu.memory_space<hbm>>
        tpu.enqueue_indirect_dma source(%dma_start3A_752 : memref<8192x8192xf32, #tpu.memory_space<hbm>>) target(%arg16 : memref<1x8192xf32, #tpu.memory_space<vmem>>) offsets(%dma_start3A_749 : memref<1xi32, #tpu.memory_space<vmem>>) semaphore(%arg26 : memref<!tpu.dma_semaphore, #tpu.memory_space<semaphore_mem>>)
      } else {
      }
      %mul3A_366 = arith.constant 16 : i32
      %mul3A_367 = arith.muli %scan3A_67, %mul3A_366 : i32
      %add3A_368 = arith.constant 8 : i32
      %add3A_369 = arith.addi %mul3A_367, %add3A_368 : i32
      %dma_wait3A_370 = arith.constant 0 : i32
      %dma_wait3A_371 = tpu.memref_slice %arg7[%add3A_369, %dma_wait3A_370] : memref<128x1xi32, #tpu.memory_space<vmem>> -> memref<1x1xi32, #tpu.memory_space<vmem>>
      %dma_wait3A_372 = tpu.memref_squeeze %dma_wait3A_371 : memref<1x1xi32, #tpu.memory_space<vmem>> -> memref<1xi32, #tpu.memory_space<vmem>>
      %dma_wait3A_373 = arith.constant 0 : i32
      %dma_wait3A_374 = arith.constant 0 : i32
      %dma_wait3A_375 = tpu.memref_slice %arg4[%dma_wait3A_373, %dma_wait3A_374] : memref<10000x8192xf32, #tpu.memory_space<hbm>> -> memref<10000x8192xf32, #tpu.memory_space<hbm>>
      tpu.wait_indirect_dma semaphore(%arg19 : memref<!tpu.dma_semaphore, #tpu.memory_space<semaphore_mem>>) src(%dma_wait3A_375 : memref<10000x8192xf32, #tpu.memory_space<hbm>>) dst(%arg9 : memref<1x8192xf32, #tpu.memory_space<vmem>>)
      %dma_wait3A_376 = arith.constant 0 : i32
      %dma_wait3A_377 = tpu.memref_slice %arg8[%add3A_369, %dma_wait3A_376] : memref<128x1xi32, #tpu.memory_space<vmem>> -> memref<1x1xi32, #tpu.memory_space<vmem>>
      %dma_wait3A_378 = tpu.memref_squeeze %dma_wait3A_377 : memref<1x1xi32, #tpu.memory_space<vmem>> -> memref<1xi32, #tpu.memory_space<vmem>>
      %dma_wait3A_379 = arith.constant 0 : i32
      %dma_wait3A_380 = arith.constant 0 : i32
      %dma_wait3A_381 = tpu.memref_slice %arg5[%dma_wait3A_379, %dma_wait3A_380] : memref<8192x8192xf32, #tpu.memory_space<hbm>> -> memref<8192x8192xf32, #tpu.memory_space<hbm>>
      tpu.wait_indirect_dma semaphore(%arg23 : memref<!tpu.dma_semaphore, #tpu.memory_space<semaphore_mem>>) src(%dma_wait3A_381 : memref<8192x8192xf32, #tpu.memory_space<hbm>>) dst(%arg13 : memref<1x8192xf32, #tpu.memory_space<vmem>>)
      %broadcast_in_dim3A_382 = arith.constant 0.000000e+00 : f32
      %broadcast_in_dim3A_383 = vector.broadcast %broadcast_in_dim3A_382 : f32 to vector<16xf32>
      %scan3A_384 = arith.constant 0 : i32
      %scan3A_385 = arith.constant 32 : i32
      %scan3A_386 = arith.addi %scan3A_384, %scan3A_385 : i32
      %scan3A_387 = arith.constant 1 : i32
      %scan3A_388:4 = scf.for %scan3A_739 = %scan3A_384 to %scan3A_386 step %scan3A_387 iter_args(%scan3A_740 = %broadcast_in_dim3A_383, %scan3A_741 = %broadcast_in_dim3A_383, %scan3A_742 = %broadcast_in_dim3A_383, %scan3A_743 = %broadcast_in_dim3A_383) -> (vector<16xf32>, vector<16xf32>, vector<16xf32>, vector<16xf32>)  : i32 {
        %mul3A_744 = arith.constant 256 : i32
        %mul3A_745 = arith.muli %scan3A_739, %mul3A_744 : i32
        %add3A_746 = arith.constant 0 : i32
        %add3A_747 = arith.addi %mul3A_745, %add3A_746 : i32
        %get3A = arith.constant 0 : i32
        %get3A_748 = arith.index_cast %get3A : i32 to index
        %get3A_749 = arith.index_cast %add3A_747 : i32 to index
        %get3A_750 = tpu.vector_load %arg9[%get3A_748, %get3A_749] {strides = array<i32>} : memref<1x8192xf32, #tpu.memory_space<vmem>>, vector<16xf32>,
        %get3A_751 = arith.constant 0 : i32
        %get3A_752 = arith.index_cast %get3A_751 : i32 to index
        %get3A_753 = arith.index_cast %add3A_747 : i32 to index
        %get3A_754 = tpu.vector_load %arg13[%get3A_752, %get3A_753] {strides = array<i32>} : memref<1x8192xf32, #tpu.memory_space<vmem>>, vector<16xf32>,
        %mul3A_755 = arith.mulf %get3A_750, %get3A_754 : vector<16xf32>
        %add3A_756 = arith.addf %scan3A_740, %mul3A_755 : vector<16xf32>
        %add3A_757 = arith.constant 16 : i32
        %add3A_758 = arith.addi %mul3A_745, %add3A_757 : i32
        %get3A_759 = arith.constant 0 : i32
        %get3A_760 = arith.index_cast %get3A_759 : i32 to index
        %get3A_761 = arith.index_cast %add3A_758 : i32 to index
        %get3A_762 = tpu.vector_load %arg9[%get3A_760, %get3A_761] {strides = array<i32>} : memref<1x8192xf32, #tpu.memory_space<vmem>>, vector<16xf32>,
        %get3A_763 = arith.constant 0 : i32
        %get3A_764 = arith.index_cast %get3A_763 : i32 to index
        %get3A_765 = arith.index_cast %add3A_758 : i32 to index
        %get3A_766 = tpu.vector_load %arg13[%get3A_764, %get3A_765] {strides = array<i32>} : memref<1x8192xf32, #tpu.memory_space<vmem>>, vector<16xf32>,
        %mul3A_767 = arith.mulf %get3A_762, %get3A_766 : vector<16xf32>
        %add3A_768 = arith.addf %add3A_756, %mul3A_767 : vector<16xf32>
        %add3A_769 = arith.constant 32 : i32
        %add3A_770 = arith.addi %mul3A_745, %add3A_769 : i32
        %get3A_771 = arith.constant 0 : i32
        %get3A_772 = arith.index_cast %get3A_771 : i32 to index
        %get3A_773 = arith.index_cast %add3A_770 : i32 to index
        %get3A_774 = tpu.vector_load %arg9[%get3A_772, %get3A_773] {strides = array<i32>} : memref<1x8192xf32, #tpu.memory_space<vmem>>, vector<16xf32>,
        %get3A_775 = arith.constant 0 : i32
        %get3A_776 = arith.index_cast %get3A_775 : i32 to index
        %get3A_777 = arith.index_cast %add3A_770 : i32 to index
        %get3A_778 = tpu.vector_load %arg13[%get3A_776, %get3A_777] {strides = array<i32>} : memref<1x8192xf32, #tpu.memory_space<vmem>>, vector<16xf32>,
        %mul3A_779 = arith.mulf %get3A_774, %get3A_778 : vector<16xf32>
        %add3A_780 = arith.addf %add3A_768, %mul3A_779 : vector<16xf32>
        %add3A_781 = arith.constant 48 : i32
        %add3A_782 = arith.addi %mul3A_745, %add3A_781 : i32
        %get3A_783 = arith.constant 0 : i32
        %get3A_784 = arith.index_cast %get3A_783 : i32 to index
        %get3A_785 = arith.index_cast %add3A_782 : i32 to index
        %get3A_786 = tpu.vector_load %arg9[%get3A_784, %get3A_785] {strides = array<i32>} : memref<1x8192xf32, #tpu.memory_space<vmem>>, vector<16xf32>,
        %get3A_787 = arith.constant 0 : i32
        %get3A_788 = arith.index_cast %get3A_787 : i32 to index
        %get3A_789 = arith.index_cast %add3A_782 : i32 to index
        %get3A_790 = tpu.vector_load %arg13[%get3A_788, %get3A_789] {strides = array<i32>} : memref<1x8192xf32, #tpu.memory_space<vmem>>, vector<16xf32>,
        %mul3A_791 = arith.mulf %get3A_786, %get3A_790 : vector<16xf32>
        %add3A_792 = arith.addf %add3A_780, %mul3A_791 : vector<16xf32>
        %add3A_793 = arith.constant 64 : i32
        %add3A_794 = arith.addi %mul3A_745, %add3A_793 : i32
        %get3A_795 = arith.constant 0 : i32
        %get3A_796 = arith.index_cast %get3A_795 : i32 to index
        %get3A_797 = arith.index_cast %add3A_794 : i32 to index
        %get3A_798 = tpu.vector_load %arg9[%get3A_796, %get3A_797] {strides = array<i32>} : memref<1x8192xf32, #tpu.memory_space<vmem>>, vector<16xf32>,
        %get3A_799 = arith.constant 0 : i32
        %get3A_800 = arith.index_cast %get3A_799 : i32 to index
        %get3A_801 = arith.index_cast %add3A_794 : i32 to index
        %get3A_802 = tpu.vector_load %arg13[%get3A_800, %get3A_801] {strides = array<i32>} : memref<1x8192xf32, #tpu.memory_space<vmem>>, vector<16xf32>,
        %mul3A_803 = arith.mulf %get3A_798, %get3A_802 : vector<16xf32>
        %add3A_804 = arith.addf %scan3A_741, %mul3A_803 : vector<16xf32>
        %add3A_805 = arith.constant 80 : i32
        %add3A_806 = arith.addi %mul3A_745, %add3A_805 : i32
        %get3A_807 = arith.constant 0 : i32
        %get3A_808 = arith.index_cast %get3A_807 : i32 to index
        %get3A_809 = arith.index_cast %add3A_806 : i32 to index
        %get3A_810 = tpu.vector_load %arg9[%get3A_808, %get3A_809] {strides = array<i32>} : memref<1x8192xf32, #tpu.memory_space<vmem>>, vector<16xf32>,
        %get3A_811 = arith.constant 0 : i32
        %get3A_812 = arith.index_cast %get3A_811 : i32 to index
        %get3A_813 = arith.index_cast %add3A_806 : i32 to index
        %get3A_814 = tpu.vector_load %arg13[%get3A_812, %get3A_813] {strides = array<i32>} : memref<1x8192xf32, #tpu.memory_space<vmem>>, vector<16xf32>,
        %mul3A_815 = arith.mulf %get3A_810, %get3A_814 : vector<16xf32>
        %add3A_816 = arith.addf %add3A_804, %mul3A_815 : vector<16xf32>
        %add3A_817 = arith.constant 96 : i32
        %add3A_818 = arith.addi %mul3A_745, %add3A_817 : i32
        %get3A_819 = arith.constant 0 : i32
        %get3A_820 = arith.index_cast %get3A_819 : i32 to index
        %get3A_821 = arith.index_cast %add3A_818 : i32 to index
        %get3A_822 = tpu.vector_load %arg9[%get3A_820, %get3A_821] {strides = array<i32>} : memref<1x8192xf32, #tpu.memory_space<vmem>>, vector<16xf32>,
        %get3A_823 = arith.constant 0 : i32
        %get3A_824 = arith.index_cast %get3A_823 : i32 to index
        %get3A_825 = arith.index_cast %add3A_818 : i32 to index
        %get3A_826 = tpu.vector_load %arg13[%get3A_824, %get3A_825] {strides = array<i32>} : memref<1x8192xf32, #tpu.memory_space<vmem>>, vector<16xf32>,
        %mul3A_827 = arith.mulf %get3A_822, %get3A_826 : vector<16xf32>
        %add3A_828 = arith.addf %add3A_816, %mul3A_827 : vector<16xf32>
        %add3A_829 = arith.constant 112 : i32
        %add3A_830 = arith.addi %mul3A_745, %add3A_829 : i32
        %get3A_831 = arith.constant 0 : i32
        %get3A_832 = arith.index_cast %get3A_831 : i32 to index
        %get3A_833 = arith.index_cast %add3A_830 : i32 to index
        %get3A_834 = tpu.vector_load %arg9[%get3A_832, %get3A_833] {strides = array<i32>} : memref<1x8192xf32, #tpu.memory_space<vmem>>, vector<16xf32>,
        %get3A_835 = arith.constant 0 : i32
        %get3A_836 = arith.index_cast %get3A_835 : i32 to index
        %get3A_837 = arith.index_cast %add3A_830 : i32 to index
        %get3A_838 = tpu.vector_load %arg13[%get3A_836, %get3A_837] {strides = array<i32>} : memref<1x8192xf32, #tpu.memory_space<vmem>>, vector<16xf32>,
        %mul3A_839 = arith.mulf %get3A_834, %get3A_838 : vector<16xf32>
        %add3A_840 = arith.addf %add3A_828, %mul3A_839 : vector<16xf32>
        %add3A_841 = arith.constant 128 : i32
        %add3A_842 = arith.addi %mul3A_745, %add3A_841 : i32
        %get3A_843 = arith.constant 0 : i32
        %get3A_844 = arith.index_cast %get3A_843 : i32 to index
        %get3A_845 = arith.index_cast %add3A_842 : i32 to index
        %get3A_846 = tpu.vector_load %arg9[%get3A_844, %get3A_845] {strides = array<i32>} : memref<1x8192xf32, #tpu.memory_space<vmem>>, vector<16xf32>,
        %get3A_847 = arith.constant 0 : i32
        %get3A_848 = arith.index_cast %get3A_847 : i32 to index
        %get3A_849 = arith.index_cast %add3A_842 : i32 to index
        %get3A_850 = tpu.vector_load %arg13[%get3A_848, %get3A_849] {strides = array<i32>} : memref<1x8192xf32, #tpu.memory_space<vmem>>, vector<16xf32>,
        %mul3A_851 = arith.mulf %get3A_846, %get3A_850 : vector<16xf32>
        %add3A_852 = arith.addf %scan3A_742, %mul3A_851 : vector<16xf32>
        %add3A_853 = arith.constant 144 : i32
        %add3A_854 = arith.addi %mul3A_745, %add3A_853 : i32
        %get3A_855 = arith.constant 0 : i32
        %get3A_856 = arith.index_cast %get3A_855 : i32 to index
        %get3A_857 = arith.index_cast %add3A_854 : i32 to index
        %get3A_858 = tpu.vector_load %arg9[%get3A_856, %get3A_857] {strides = array<i32>} : memref<1x8192xf32, #tpu.memory_space<vmem>>, vector<16xf32>,
        %get3A_859 = arith.constant 0 : i32
        %get3A_860 = arith.index_cast %get3A_859 : i32 to index
        %get3A_861 = arith.index_cast %add3A_854 : i32 to index
        %get3A_862 = tpu.vector_load %arg13[%get3A_860, %get3A_861] {strides = array<i32>} : memref<1x8192xf32, #tpu.memory_space<vmem>>, vector<16xf32>,
        %mul3A_863 = arith.mulf %get3A_858, %get3A_862 : vector<16xf32>
        %add3A_864 = arith.addf %add3A_852, %mul3A_863 : vector<16xf32>
        %add3A_865 = arith.constant 160 : i32
        %add3A_866 = arith.addi %mul3A_745, %add3A_865 : i32
        %get3A_867 = arith.constant 0 : i32
        %get3A_868 = arith.index_cast %get3A_867 : i32 to index
        %get3A_869 = arith.index_cast %add3A_866 : i32 to index
        %get3A_870 = tpu.vector_load %arg9[%get3A_868, %get3A_869] {strides = array<i32>} : memref<1x8192xf32, #tpu.memory_space<vmem>>, vector<16xf32>,
        %get3A_871 = arith.constant 0 : i32
        %get3A_872 = arith.index_cast %get3A_871 : i32 to index
        %get3A_873 = arith.index_cast %add3A_866 : i32 to index
        %get3A_874 = tpu.vector_load %arg13[%get3A_872, %get3A_873] {strides = array<i32>} : memref<1x8192xf32, #tpu.memory_space<vmem>>, vector<16xf32>,
        %mul3A_875 = arith.mulf %get3A_870, %get3A_874 : vector<16xf32>
        %add3A_876 = arith.addf %add3A_864, %mul3A_875 : vector<16xf32>
        %add3A_877 = arith.constant 176 : i32
        %add3A_878 = arith.addi %mul3A_745, %add3A_877 : i32
        %get3A_879 = arith.constant 0 : i32
        %get3A_880 = arith.index_cast %get3A_879 : i32 to index
        %get3A_881 = arith.index_cast %add3A_878 : i32 to index
        %get3A_882 = tpu.vector_load %arg9[%get3A_880, %get3A_881] {strides = array<i32>} : memref<1x8192xf32, #tpu.memory_space<vmem>>, vector<16xf32>,
        %get3A_883 = arith.constant 0 : i32
        %get3A_884 = arith.index_cast %get3A_883 : i32 to index
        %get3A_885 = arith.index_cast %add3A_878 : i32 to index
        %get3A_886 = tpu.vector_load %arg13[%get3A_884, %get3A_885] {strides = array<i32>} : memref<1x8192xf32, #tpu.memory_space<vmem>>, vector<16xf32>,
        %mul3A_887 = arith.mulf %get3A_882, %get3A_886 : vector<16xf32>
        %add3A_888 = arith.addf %add3A_876, %mul3A_887 : vector<16xf32>
        %add3A_889 = arith.constant 192 : i32
        %add3A_890 = arith.addi %mul3A_745, %add3A_889 : i32
        %get3A_891 = arith.constant 0 : i32
        %get3A_892 = arith.index_cast %get3A_891 : i32 to index
        %get3A_893 = arith.index_cast %add3A_890 : i32 to index
        %get3A_894 = tpu.vector_load %arg9[%get3A_892, %get3A_893] {strides = array<i32>} : memref<1x8192xf32, #tpu.memory_space<vmem>>, vector<16xf32>,
        %get3A_895 = arith.constant 0 : i32
        %get3A_896 = arith.index_cast %get3A_895 : i32 to index
        %get3A_897 = arith.index_cast %add3A_890 : i32 to index
        %get3A_898 = tpu.vector_load %arg13[%get3A_896, %get3A_897] {strides = array<i32>} : memref<1x8192xf32, #tpu.memory_space<vmem>>, vector<16xf32>,
        %mul3A_899 = arith.mulf %get3A_894, %get3A_898 : vector<16xf32>
        %add3A_900 = arith.addf %scan3A_743, %mul3A_899 : vector<16xf32>
        %add3A_901 = arith.constant 208 : i32
        %add3A_902 = arith.addi %mul3A_745, %add3A_901 : i32
        %get3A_903 = arith.constant 0 : i32
        %get3A_904 = arith.index_cast %get3A_903 : i32 to index
        %get3A_905 = arith.index_cast %add3A_902 : i32 to index
        %get3A_906 = tpu.vector_load %arg9[%get3A_904, %get3A_905] {strides = array<i32>} : memref<1x8192xf32, #tpu.memory_space<vmem>>, vector<16xf32>,
        %get3A_907 = arith.constant 0 : i32
        %get3A_908 = arith.index_cast %get3A_907 : i32 to index
        %get3A_909 = arith.index_cast %add3A_902 : i32 to index
        %get3A_910 = tpu.vector_load %arg13[%get3A_908, %get3A_909] {strides = array<i32>} : memref<1x8192xf32, #tpu.memory_space<vmem>>, vector<16xf32>,
        %mul3A_911 = arith.mulf %get3A_906, %get3A_910 : vector<16xf32>
        %add3A_912 = arith.addf %add3A_900, %mul3A_911 : vector<16xf32>
        %add3A_913 = arith.constant 224 : i32
        %add3A_914 = arith.addi %mul3A_745, %add3A_913 : i32
        %get3A_915 = arith.constant 0 : i32
        %get3A_916 = arith.index_cast %get3A_915 : i32 to index
        %get3A_917 = arith.index_cast %add3A_914 : i32 to index
        %get3A_918 = tpu.vector_load %arg9[%get3A_916, %get3A_917] {strides = array<i32>} : memref<1x8192xf32, #tpu.memory_space<vmem>>, vector<16xf32>,
        %get3A_919 = arith.constant 0 : i32
        %get3A_920 = arith.index_cast %get3A_919 : i32 to index
        %get3A_921 = arith.index_cast %add3A_914 : i32 to index
        %get3A_922 = tpu.vector_load %arg13[%get3A_920, %get3A_921] {strides = array<i32>} : memref<1x8192xf32, #tpu.memory_space<vmem>>, vector<16xf32>,
        %mul3A_923 = arith.mulf %get3A_918, %get3A_922 : vector<16xf32>
        %add3A_924 = arith.addf %add3A_912, %mul3A_923 : vector<16xf32>
        %add3A_925 = arith.constant 240 : i32
        %add3A_926 = arith.addi %mul3A_745, %add3A_925 : i32
        %get3A_927 = arith.constant 0 : i32
        %get3A_928 = arith.index_cast %get3A_927 : i32 to index
        %get3A_929 = arith.index_cast %add3A_926 : i32 to index
        %get3A_930 = tpu.vector_load %arg9[%get3A_928, %get3A_929] {strides = array<i32>} : memref<1x8192xf32, #tpu.memory_space<vmem>>, vector<16xf32>,
        %get3A_931 = arith.constant 0 : i32
        %get3A_932 = arith.index_cast %get3A_931 : i32 to index
        %get3A_933 = arith.index_cast %add3A_926 : i32 to index
        %get3A_934 = tpu.vector_load %arg13[%get3A_932, %get3A_933] {strides = array<i32>} : memref<1x8192xf32, #tpu.memory_space<vmem>>, vector<16xf32>,
        %mul3A_935 = arith.mulf %get3A_930, %get3A_934 : vector<16xf32>
        %add3A_936 = arith.addf %add3A_924, %mul3A_935 : vector<16xf32>
        scf.yield %add3A_792, %add3A_840, %add3A_888, %add3A_936 : vector<16xf32>, vector<16xf32>, vector<16xf32>, vector<16xf32>
      }
      %scan3A_389 = arith.constant 32 : i32
      %add3A_390 = arith.addf %scan3A_388#0, %scan3A_388#1 : vector<16xf32>
      %add3A_391 = arith.addf %scan3A_388#2, %scan3A_388#3 : vector<16xf32>
      %add3A_392 = arith.addf %add3A_390, %add3A_391 : vector<16xf32>
      %swap3A_393 = arith.constant 8 : i32
      %swap3A_394 = arith.index_cast %swap3A_393 : i32 to index
      %swap3A_395 = arith.constant 0 : index
      %swap3A_396 = tpu.vector_load %arg18[%swap3A_394, %swap3A_395] {strides = array<i32>} : memref<16x16xf32, #tpu.memory_space<vmem>>, vector<16xf32>,
      tpu.vector_store %arg18[%swap3A_394, %swap3A_395], %add3A_392 {strides = array<i32>} : memref<16x16xf32, #tpu.memory_space<vmem>>, vector<16xf32>,
      %add3A_397 = arith.constant 4 : i32
      %add3A_398 = arith.addi %add3A_369, %add3A_397 : i32
      %lt3A_399 = arith.constant 128 : i32
      %lt3A_400 = arith.cmpi slt, %add3A_398, %lt3A_399 : i32
      %convert_element_type3A_401 = arith.extui %lt3A_400 : i1 to i32
      %cond3A_402 = arith.constant 0 : i32
      %cond3A_403 = arith.cmpi ne, %convert_element_type3A_401, %cond3A_402 : i32
      scf.if %cond3A_403 {
        %add3A_739 = arith.constant 4 : i32
        %add3A_740 = arith.addi %add3A_369, %add3A_739 : i32
        %dma_start3A_741 = arith.constant 0 : i32
        %dma_start3A_742 = tpu.memref_slice %arg7[%add3A_740, %dma_start3A_741] : memref<128x1xi32, #tpu.memory_space<vmem>> -> memref<1x1xi32, #tpu.memory_space<vmem>>
        %dma_start3A_743 = tpu.memref_squeeze %dma_start3A_742 : memref<1x1xi32, #tpu.memory_space<vmem>> -> memref<1xi32, #tpu.memory_space<vmem>>
        %dma_start3A_744 = arith.constant 0 : i32
        %dma_start3A_745 = arith.constant 0 : i32
        %dma_start3A_746 = tpu.memref_slice %arg4[%dma_start3A_744, %dma_start3A_745] : memref<10000x8192xf32, #tpu.memory_space<hbm>> -> memref<10000x8192xf32, #tpu.memory_space<hbm>>
        tpu.enqueue_indirect_dma source(%dma_start3A_746 : memref<10000x8192xf32, #tpu.memory_space<hbm>>) target(%arg9 : memref<1x8192xf32, #tpu.memory_space<vmem>>) offsets(%dma_start3A_743 : memref<1xi32, #tpu.memory_space<vmem>>) semaphore(%arg19 : memref<!tpu.dma_semaphore, #tpu.memory_space<semaphore_mem>>)
        %dma_start3A_747 = arith.constant 0 : i32
        %dma_start3A_748 = tpu.memref_slice %arg8[%add3A_740, %dma_start3A_747] : memref<128x1xi32, #tpu.memory_space<vmem>> -> memref<1x1xi32, #tpu.memory_space<vmem>>
        %dma_start3A_749 = tpu.memref_squeeze %dma_start3A_748 : memref<1x1xi32, #tpu.memory_space<vmem>> -> memref<1xi32, #tpu.memory_space<vmem>>
        %dma_start3A_750 = arith.constant 0 : i32
        %dma_start3A_751 = arith.constant 0 : i32
        %dma_start3A_752 = tpu.memref_slice %arg5[%dma_start3A_750, %dma_start3A_751] : memref<8192x8192xf32, #tpu.memory_space<hbm>> -> memref<8192x8192xf32, #tpu.memory_space<hbm>>
        tpu.enqueue_indirect_dma source(%dma_start3A_752 : memref<8192x8192xf32, #tpu.memory_space<hbm>>) target(%arg13 : memref<1x8192xf32, #tpu.memory_space<vmem>>) offsets(%dma_start3A_749 : memref<1xi32, #tpu.memory_space<vmem>>) semaphore(%arg23 : memref<!tpu.dma_semaphore, #tpu.memory_space<semaphore_mem>>)
      } else {
      }
      %mul3A_404 = arith.constant 16 : i32
      %mul3A_405 = arith.muli %scan3A_67, %mul3A_404 : i32
      %add3A_406 = arith.constant 9 : i32
      %add3A_407 = arith.addi %mul3A_405, %add3A_406 : i32
      %dma_wait3A_408 = arith.constant 0 : i32
      %dma_wait3A_409 = tpu.memref_slice %arg7[%add3A_407, %dma_wait3A_408] : memref<128x1xi32, #tpu.memory_space<vmem>> -> memref<1x1xi32, #tpu.memory_space<vmem>>
      %dma_wait3A_410 = tpu.memref_squeeze %dma_wait3A_409 : memref<1x1xi32, #tpu.memory_space<vmem>> -> memref<1xi32, #tpu.memory_space<vmem>>
      %dma_wait3A_411 = arith.constant 0 : i32
      %dma_wait3A_412 = arith.constant 0 : i32
      %dma_wait3A_413 = tpu.memref_slice %arg4[%dma_wait3A_411, %dma_wait3A_412] : memref<10000x8192xf32, #tpu.memory_space<hbm>> -> memref<10000x8192xf32, #tpu.memory_space<hbm>>
      tpu.wait_indirect_dma semaphore(%arg20 : memref<!tpu.dma_semaphore, #tpu.memory_space<semaphore_mem>>) src(%dma_wait3A_413 : memref<10000x8192xf32, #tpu.memory_space<hbm>>) dst(%arg10 : memref<1x8192xf32, #tpu.memory_space<vmem>>)
      %dma_wait3A_414 = arith.constant 0 : i32
      %dma_wait3A_415 = tpu.memref_slice %arg8[%add3A_407, %dma_wait3A_414] : memref<128x1xi32, #tpu.memory_space<vmem>> -> memref<1x1xi32, #tpu.memory_space<vmem>>
      %dma_wait3A_416 = tpu.memref_squeeze %dma_wait3A_415 : memref<1x1xi32, #tpu.memory_space<vmem>> -> memref<1xi32, #tpu.memory_space<vmem>>
      %dma_wait3A_417 = arith.constant 0 : i32
      %dma_wait3A_418 = arith.constant 0 : i32
      %dma_wait3A_419 = tpu.memref_slice %arg5[%dma_wait3A_417, %dma_wait3A_418] : memref<8192x8192xf32, #tpu.memory_space<hbm>> -> memref<8192x8192xf32, #tpu.memory_space<hbm>>
      tpu.wait_indirect_dma semaphore(%arg24 : memref<!tpu.dma_semaphore, #tpu.memory_space<semaphore_mem>>) src(%dma_wait3A_419 : memref<8192x8192xf32, #tpu.memory_space<hbm>>) dst(%arg14 : memref<1x8192xf32, #tpu.memory_space<vmem>>)
      %broadcast_in_dim3A_420 = arith.constant 0.000000e+00 : f32
      %broadcast_in_dim3A_421 = vector.broadcast %broadcast_in_dim3A_420 : f32 to vector<16xf32>
      %scan3A_422 = arith.constant 0 : i32
      %scan3A_423 = arith.constant 32 : i32
      %scan3A_424 = arith.addi %scan3A_422, %scan3A_423 : i32
      %scan3A_425 = arith.constant 1 : i32
      %scan3A_426:4 = scf.for %scan3A_739 = %scan3A_422 to %scan3A_424 step %scan3A_425 iter_args(%scan3A_740 = %broadcast_in_dim3A_421, %scan3A_741 = %broadcast_in_dim3A_421, %scan3A_742 = %broadcast_in_dim3A_421, %scan3A_743 = %broadcast_in_dim3A_421) -> (vector<16xf32>, vector<16xf32>, vector<16xf32>, vector<16xf32>)  : i32 {
        %mul3A_744 = arith.constant 256 : i32
        %mul3A_745 = arith.muli %scan3A_739, %mul3A_744 : i32
        %add3A_746 = arith.constant 0 : i32
        %add3A_747 = arith.addi %mul3A_745, %add3A_746 : i32
        %get3A = arith.constant 0 : i32
        %get3A_748 = arith.index_cast %get3A : i32 to index
        %get3A_749 = arith.index_cast %add3A_747 : i32 to index
        %get3A_750 = tpu.vector_load %arg10[%get3A_748, %get3A_749] {strides = array<i32>} : memref<1x8192xf32, #tpu.memory_space<vmem>>, vector<16xf32>,
        %get3A_751 = arith.constant 0 : i32
        %get3A_752 = arith.index_cast %get3A_751 : i32 to index
        %get3A_753 = arith.index_cast %add3A_747 : i32 to index
        %get3A_754 = tpu.vector_load %arg14[%get3A_752, %get3A_753] {strides = array<i32>} : memref<1x8192xf32, #tpu.memory_space<vmem>>, vector<16xf32>,
        %mul3A_755 = arith.mulf %get3A_750, %get3A_754 : vector<16xf32>
        %add3A_756 = arith.addf %scan3A_740, %mul3A_755 : vector<16xf32>
        %add3A_757 = arith.constant 16 : i32
        %add3A_758 = arith.addi %mul3A_745, %add3A_757 : i32
        %get3A_759 = arith.constant 0 : i32
        %get3A_760 = arith.index_cast %get3A_759 : i32 to index
        %get3A_761 = arith.index_cast %add3A_758 : i32 to index
        %get3A_762 = tpu.vector_load %arg10[%get3A_760, %get3A_761] {strides = array<i32>} : memref<1x8192xf32, #tpu.memory_space<vmem>>, vector<16xf32>,
        %get3A_763 = arith.constant 0 : i32
        %get3A_764 = arith.index_cast %get3A_763 : i32 to index
        %get3A_765 = arith.index_cast %add3A_758 : i32 to index
        %get3A_766 = tpu.vector_load %arg14[%get3A_764, %get3A_765] {strides = array<i32>} : memref<1x8192xf32, #tpu.memory_space<vmem>>, vector<16xf32>,
        %mul3A_767 = arith.mulf %get3A_762, %get3A_766 : vector<16xf32>
        %add3A_768 = arith.addf %add3A_756, %mul3A_767 : vector<16xf32>
        %add3A_769 = arith.constant 32 : i32
        %add3A_770 = arith.addi %mul3A_745, %add3A_769 : i32
        %get3A_771 = arith.constant 0 : i32
        %get3A_772 = arith.index_cast %get3A_771 : i32 to index
        %get3A_773 = arith.index_cast %add3A_770 : i32 to index
        %get3A_774 = tpu.vector_load %arg10[%get3A_772, %get3A_773] {strides = array<i32>} : memref<1x8192xf32, #tpu.memory_space<vmem>>, vector<16xf32>,
        %get3A_775 = arith.constant 0 : i32
        %get3A_776 = arith.index_cast %get3A_775 : i32 to index
        %get3A_777 = arith.index_cast %add3A_770 : i32 to index
        %get3A_778 = tpu.vector_load %arg14[%get3A_776, %get3A_777] {strides = array<i32>} : memref<1x8192xf32, #tpu.memory_space<vmem>>, vector<16xf32>,
        %mul3A_779 = arith.mulf %get3A_774, %get3A_778 : vector<16xf32>
        %add3A_780 = arith.addf %add3A_768, %mul3A_779 : vector<16xf32>
        %add3A_781 = arith.constant 48 : i32
        %add3A_782 = arith.addi %mul3A_745, %add3A_781 : i32
        %get3A_783 = arith.constant 0 : i32
        %get3A_784 = arith.index_cast %get3A_783 : i32 to index
        %get3A_785 = arith.index_cast %add3A_782 : i32 to index
        %get3A_786 = tpu.vector_load %arg10[%get3A_784, %get3A_785] {strides = array<i32>} : memref<1x8192xf32, #tpu.memory_space<vmem>>, vector<16xf32>,
        %get3A_787 = arith.constant 0 : i32
        %get3A_788 = arith.index_cast %get3A_787 : i32 to index
        %get3A_789 = arith.index_cast %add3A_782 : i32 to index
        %get3A_790 = tpu.vector_load %arg14[%get3A_788, %get3A_789] {strides = array<i32>} : memref<1x8192xf32, #tpu.memory_space<vmem>>, vector<16xf32>,
        %mul3A_791 = arith.mulf %get3A_786, %get3A_790 : vector<16xf32>
        %add3A_792 = arith.addf %add3A_780, %mul3A_791 : vector<16xf32>
        %add3A_793 = arith.constant 64 : i32
        %add3A_794 = arith.addi %mul3A_745, %add3A_793 : i32
        %get3A_795 = arith.constant 0 : i32
        %get3A_796 = arith.index_cast %get3A_795 : i32 to index
        %get3A_797 = arith.index_cast %add3A_794 : i32 to index
        %get3A_798 = tpu.vector_load %arg10[%get3A_796, %get3A_797] {strides = array<i32>} : memref<1x8192xf32, #tpu.memory_space<vmem>>, vector<16xf32>,
        %get3A_799 = arith.constant 0 : i32
        %get3A_800 = arith.index_cast %get3A_799 : i32 to index
        %get3A_801 = arith.index_cast %add3A_794 : i32 to index
        %get3A_802 = tpu.vector_load %arg14[%get3A_800, %get3A_801] {strides = array<i32>} : memref<1x8192xf32, #tpu.memory_space<vmem>>, vector<16xf32>,
        %mul3A_803 = arith.mulf %get3A_798, %get3A_802 : vector<16xf32>
        %add3A_804 = arith.addf %scan3A_741, %mul3A_803 : vector<16xf32>
        %add3A_805 = arith.constant 80 : i32
        %add3A_806 = arith.addi %mul3A_745, %add3A_805 : i32
        %get3A_807 = arith.constant 0 : i32
        %get3A_808 = arith.index_cast %get3A_807 : i32 to index
        %get3A_809 = arith.index_cast %add3A_806 : i32 to index
        %get3A_810 = tpu.vector_load %arg10[%get3A_808, %get3A_809] {strides = array<i32>} : memref<1x8192xf32, #tpu.memory_space<vmem>>, vector<16xf32>,
        %get3A_811 = arith.constant 0 : i32
        %get3A_812 = arith.index_cast %get3A_811 : i32 to index
        %get3A_813 = arith.index_cast %add3A_806 : i32 to index
        %get3A_814 = tpu.vector_load %arg14[%get3A_812, %get3A_813] {strides = array<i32>} : memref<1x8192xf32, #tpu.memory_space<vmem>>, vector<16xf32>,
        %mul3A_815 = arith.mulf %get3A_810, %get3A_814 : vector<16xf32>
        %add3A_816 = arith.addf %add3A_804, %mul3A_815 : vector<16xf32>
        %add3A_817 = arith.constant 96 : i32
        %add3A_818 = arith.addi %mul3A_745, %add3A_817 : i32
        %get3A_819 = arith.constant 0 : i32
        %get3A_820 = arith.index_cast %get3A_819 : i32 to index
        %get3A_821 = arith.index_cast %add3A_818 : i32 to index
        %get3A_822 = tpu.vector_load %arg10[%get3A_820, %get3A_821] {strides = array<i32>} : memref<1x8192xf32, #tpu.memory_space<vmem>>, vector<16xf32>,
        %get3A_823 = arith.constant 0 : i32
        %get3A_824 = arith.index_cast %get3A_823 : i32 to index
        %get3A_825 = arith.index_cast %add3A_818 : i32 to index
        %get3A_826 = tpu.vector_load %arg14[%get3A_824, %get3A_825] {strides = array<i32>} : memref<1x8192xf32, #tpu.memory_space<vmem>>, vector<16xf32>,
        %mul3A_827 = arith.mulf %get3A_822, %get3A_826 : vector<16xf32>
        %add3A_828 = arith.addf %add3A_816, %mul3A_827 : vector<16xf32>
        %add3A_829 = arith.constant 112 : i32
        %add3A_830 = arith.addi %mul3A_745, %add3A_829 : i32
        %get3A_831 = arith.constant 0 : i32
        %get3A_832 = arith.index_cast %get3A_831 : i32 to index
        %get3A_833 = arith.index_cast %add3A_830 : i32 to index
        %get3A_834 = tpu.vector_load %arg10[%get3A_832, %get3A_833] {strides = array<i32>} : memref<1x8192xf32, #tpu.memory_space<vmem>>, vector<16xf32>,
        %get3A_835 = arith.constant 0 : i32
        %get3A_836 = arith.index_cast %get3A_835 : i32 to index
        %get3A_837 = arith.index_cast %add3A_830 : i32 to index
        %get3A_838 = tpu.vector_load %arg14[%get3A_836, %get3A_837] {strides = array<i32>} : memref<1x8192xf32, #tpu.memory_space<vmem>>, vector<16xf32>,
        %mul3A_839 = arith.mulf %get3A_834, %get3A_838 : vector<16xf32>
        %add3A_840 = arith.addf %add3A_828, %mul3A_839 : vector<16xf32>
        %add3A_841 = arith.constant 128 : i32
        %add3A_842 = arith.addi %mul3A_745, %add3A_841 : i32
        %get3A_843 = arith.constant 0 : i32
        %get3A_844 = arith.index_cast %get3A_843 : i32 to index
        %get3A_845 = arith.index_cast %add3A_842 : i32 to index
        %get3A_846 = tpu.vector_load %arg10[%get3A_844, %get3A_845] {strides = array<i32>} : memref<1x8192xf32, #tpu.memory_space<vmem>>, vector<16xf32>,
        %get3A_847 = arith.constant 0 : i32
        %get3A_848 = arith.index_cast %get3A_847 : i32 to index
        %get3A_849 = arith.index_cast %add3A_842 : i32 to index
        %get3A_850 = tpu.vector_load %arg14[%get3A_848, %get3A_849] {strides = array<i32>} : memref<1x8192xf32, #tpu.memory_space<vmem>>, vector<16xf32>,
        %mul3A_851 = arith.mulf %get3A_846, %get3A_850 : vector<16xf32>
        %add3A_852 = arith.addf %scan3A_742, %mul3A_851 : vector<16xf32>
        %add3A_853 = arith.constant 144 : i32
        %add3A_854 = arith.addi %mul3A_745, %add3A_853 : i32
        %get3A_855 = arith.constant 0 : i32
        %get3A_856 = arith.index_cast %get3A_855 : i32 to index
        %get3A_857 = arith.index_cast %add3A_854 : i32 to index
        %get3A_858 = tpu.vector_load %arg10[%get3A_856, %get3A_857] {strides = array<i32>} : memref<1x8192xf32, #tpu.memory_space<vmem>>, vector<16xf32>,
        %get3A_859 = arith.constant 0 : i32
        %get3A_860 = arith.index_cast %get3A_859 : i32 to index
        %get3A_861 = arith.index_cast %add3A_854 : i32 to index
        %get3A_862 = tpu.vector_load %arg14[%get3A_860, %get3A_861] {strides = array<i32>} : memref<1x8192xf32, #tpu.memory_space<vmem>>, vector<16xf32>,
        %mul3A_863 = arith.mulf %get3A_858, %get3A_862 : vector<16xf32>
        %add3A_864 = arith.addf %add3A_852, %mul3A_863 : vector<16xf32>
        %add3A_865 = arith.constant 160 : i32
        %add3A_866 = arith.addi %mul3A_745, %add3A_865 : i32
        %get3A_867 = arith.constant 0 : i32
        %get3A_868 = arith.index_cast %get3A_867 : i32 to index
        %get3A_869 = arith.index_cast %add3A_866 : i32 to index
        %get3A_870 = tpu.vector_load %arg10[%get3A_868, %get3A_869] {strides = array<i32>} : memref<1x8192xf32, #tpu.memory_space<vmem>>, vector<16xf32>,
        %get3A_871 = arith.constant 0 : i32
        %get3A_872 = arith.index_cast %get3A_871 : i32 to index
        %get3A_873 = arith.index_cast %add3A_866 : i32 to index
        %get3A_874 = tpu.vector_load %arg14[%get3A_872, %get3A_873] {strides = array<i32>} : memref<1x8192xf32, #tpu.memory_space<vmem>>, vector<16xf32>,
        %mul3A_875 = arith.mulf %get3A_870, %get3A_874 : vector<16xf32>
        %add3A_876 = arith.addf %add3A_864, %mul3A_875 : vector<16xf32>
        %add3A_877 = arith.constant 176 : i32
        %add3A_878 = arith.addi %mul3A_745, %add3A_877 : i32
        %get3A_879 = arith.constant 0 : i32
        %get3A_880 = arith.index_cast %get3A_879 : i32 to index
        %get3A_881 = arith.index_cast %add3A_878 : i32 to index
        %get3A_882 = tpu.vector_load %arg10[%get3A_880, %get3A_881] {strides = array<i32>} : memref<1x8192xf32, #tpu.memory_space<vmem>>, vector<16xf32>,
        %get3A_883 = arith.constant 0 : i32
        %get3A_884 = arith.index_cast %get3A_883 : i32 to index
        %get3A_885 = arith.index_cast %add3A_878 : i32 to index
        %get3A_886 = tpu.vector_load %arg14[%get3A_884, %get3A_885] {strides = array<i32>} : memref<1x8192xf32, #tpu.memory_space<vmem>>, vector<16xf32>,
        %mul3A_887 = arith.mulf %get3A_882, %get3A_886 : vector<16xf32>
        %add3A_888 = arith.addf %add3A_876, %mul3A_887 : vector<16xf32>
        %add3A_889 = arith.constant 192 : i32
        %add3A_890 = arith.addi %mul3A_745, %add3A_889 : i32
        %get3A_891 = arith.constant 0 : i32
        %get3A_892 = arith.index_cast %get3A_891 : i32 to index
        %get3A_893 = arith.index_cast %add3A_890 : i32 to index
        %get3A_894 = tpu.vector_load %arg10[%get3A_892, %get3A_893] {strides = array<i32>} : memref<1x8192xf32, #tpu.memory_space<vmem>>, vector<16xf32>,
        %get3A_895 = arith.constant 0 : i32
        %get3A_896 = arith.index_cast %get3A_895 : i32 to index
        %get3A_897 = arith.index_cast %add3A_890 : i32 to index
        %get3A_898 = tpu.vector_load %arg14[%get3A_896, %get3A_897] {strides = array<i32>} : memref<1x8192xf32, #tpu.memory_space<vmem>>, vector<16xf32>,
        %mul3A_899 = arith.mulf %get3A_894, %get3A_898 : vector<16xf32>
        %add3A_900 = arith.addf %scan3A_743, %mul3A_899 : vector<16xf32>
        %add3A_901 = arith.constant 208 : i32
        %add3A_902 = arith.addi %mul3A_745, %add3A_901 : i32
        %get3A_903 = arith.constant 0 : i32
        %get3A_904 = arith.index_cast %get3A_903 : i32 to index
        %get3A_905 = arith.index_cast %add3A_902 : i32 to index
        %get3A_906 = tpu.vector_load %arg10[%get3A_904, %get3A_905] {strides = array<i32>} : memref<1x8192xf32, #tpu.memory_space<vmem>>, vector<16xf32>,
        %get3A_907 = arith.constant 0 : i32
        %get3A_908 = arith.index_cast %get3A_907 : i32 to index
        %get3A_909 = arith.index_cast %add3A_902 : i32 to index
        %get3A_910 = tpu.vector_load %arg14[%get3A_908, %get3A_909] {strides = array<i32>} : memref<1x8192xf32, #tpu.memory_space<vmem>>, vector<16xf32>,
        %mul3A_911 = arith.mulf %get3A_906, %get3A_910 : vector<16xf32>
        %add3A_912 = arith.addf %add3A_900, %mul3A_911 : vector<16xf32>
        %add3A_913 = arith.constant 224 : i32
        %add3A_914 = arith.addi %mul3A_745, %add3A_913 : i32
        %get3A_915 = arith.constant 0 : i32
        %get3A_916 = arith.index_cast %get3A_915 : i32 to index
        %get3A_917 = arith.index_cast %add3A_914 : i32 to index
        %get3A_918 = tpu.vector_load %arg10[%get3A_916, %get3A_917] {strides = array<i32>} : memref<1x8192xf32, #tpu.memory_space<vmem>>, vector<16xf32>,
        %get3A_919 = arith.constant 0 : i32
        %get3A_920 = arith.index_cast %get3A_919 : i32 to index
        %get3A_921 = arith.index_cast %add3A_914 : i32 to index
        %get3A_922 = tpu.vector_load %arg14[%get3A_920, %get3A_921] {strides = array<i32>} : memref<1x8192xf32, #tpu.memory_space<vmem>>, vector<16xf32>,
        %mul3A_923 = arith.mulf %get3A_918, %get3A_922 : vector<16xf32>
        %add3A_924 = arith.addf %add3A_912, %mul3A_923 : vector<16xf32>
        %add3A_925 = arith.constant 240 : i32
        %add3A_926 = arith.addi %mul3A_745, %add3A_925 : i32
        %get3A_927 = arith.constant 0 : i32
        %get3A_928 = arith.index_cast %get3A_927 : i32 to index
        %get3A_929 = arith.index_cast %add3A_926 : i32 to index
        %get3A_930 = tpu.vector_load %arg10[%get3A_928, %get3A_929] {strides = array<i32>} : memref<1x8192xf32, #tpu.memory_space<vmem>>, vector<16xf32>,
        %get3A_931 = arith.constant 0 : i32
        %get3A_932 = arith.index_cast %get3A_931 : i32 to index
        %get3A_933 = arith.index_cast %add3A_926 : i32 to index
        %get3A_934 = tpu.vector_load %arg14[%get3A_932, %get3A_933] {strides = array<i32>} : memref<1x8192xf32, #tpu.memory_space<vmem>>, vector<16xf32>,
        %mul3A_935 = arith.mulf %get3A_930, %get3A_934 : vector<16xf32>
        %add3A_936 = arith.addf %add3A_924, %mul3A_935 : vector<16xf32>
        scf.yield %add3A_792, %add3A_840, %add3A_888, %add3A_936 : vector<16xf32>, vector<16xf32>, vector<16xf32>, vector<16xf32>
      }
      %scan3A_427 = arith.constant 32 : i32
      %add3A_428 = arith.addf %scan3A_426#0, %scan3A_426#1 : vector<16xf32>
      %add3A_429 = arith.addf %scan3A_426#2, %scan3A_426#3 : vector<16xf32>
      %add3A_430 = arith.addf %add3A_428, %add3A_429 : vector<16xf32>
      %swap3A_431 = arith.constant 9 : i32
      %swap3A_432 = arith.index_cast %swap3A_431 : i32 to index
      %swap3A_433 = arith.constant 0 : index
      %swap3A_434 = tpu.vector_load %arg18[%swap3A_432, %swap3A_433] {strides = array<i32>} : memref<16x16xf32, #tpu.memory_space<vmem>>, vector<16xf32>,
      tpu.vector_store %arg18[%swap3A_432, %swap3A_433], %add3A_430 {strides = array<i32>} : memref<16x16xf32, #tpu.memory_space<vmem>>, vector<16xf32>,
      %add3A_435 = arith.constant 4 : i32
      %add3A_436 = arith.addi %add3A_407, %add3A_435 : i32
      %lt3A_437 = arith.constant 128 : i32
      %lt3A_438 = arith.cmpi slt, %add3A_436, %lt3A_437 : i32
      %convert_element_type3A_439 = arith.extui %lt3A_438 : i1 to i32
      %cond3A_440 = arith.constant 0 : i32
      %cond3A_441 = arith.cmpi ne, %convert_element_type3A_439, %cond3A_440 : i32
      scf.if %cond3A_441 {
        %add3A_739 = arith.constant 4 : i32
        %add3A_740 = arith.addi %add3A_407, %add3A_739 : i32
        %dma_start3A_741 = arith.constant 0 : i32
        %dma_start3A_742 = tpu.memref_slice %arg7[%add3A_740, %dma_start3A_741] : memref<128x1xi32, #tpu.memory_space<vmem>> -> memref<1x1xi32, #tpu.memory_space<vmem>>
        %dma_start3A_743 = tpu.memref_squeeze %dma_start3A_742 : memref<1x1xi32, #tpu.memory_space<vmem>> -> memref<1xi32, #tpu.memory_space<vmem>>
        %dma_start3A_744 = arith.constant 0 : i32
        %dma_start3A_745 = arith.constant 0 : i32
        %dma_start3A_746 = tpu.memref_slice %arg4[%dma_start3A_744, %dma_start3A_745] : memref<10000x8192xf32, #tpu.memory_space<hbm>> -> memref<10000x8192xf32, #tpu.memory_space<hbm>>
        tpu.enqueue_indirect_dma source(%dma_start3A_746 : memref<10000x8192xf32, #tpu.memory_space<hbm>>) target(%arg10 : memref<1x8192xf32, #tpu.memory_space<vmem>>) offsets(%dma_start3A_743 : memref<1xi32, #tpu.memory_space<vmem>>) semaphore(%arg20 : memref<!tpu.dma_semaphore, #tpu.memory_space<semaphore_mem>>)
        %dma_start3A_747 = arith.constant 0 : i32
        %dma_start3A_748 = tpu.memref_slice %arg8[%add3A_740, %dma_start3A_747] : memref<128x1xi32, #tpu.memory_space<vmem>> -> memref<1x1xi32, #tpu.memory_space<vmem>>
        %dma_start3A_749 = tpu.memref_squeeze %dma_start3A_748 : memref<1x1xi32, #tpu.memory_space<vmem>> -> memref<1xi32, #tpu.memory_space<vmem>>
        %dma_start3A_750 = arith.constant 0 : i32
        %dma_start3A_751 = arith.constant 0 : i32
        %dma_start3A_752 = tpu.memref_slice %arg5[%dma_start3A_750, %dma_start3A_751] : memref<8192x8192xf32, #tpu.memory_space<hbm>> -> memref<8192x8192xf32, #tpu.memory_space<hbm>>
        tpu.enqueue_indirect_dma source(%dma_start3A_752 : memref<8192x8192xf32, #tpu.memory_space<hbm>>) target(%arg14 : memref<1x8192xf32, #tpu.memory_space<vmem>>) offsets(%dma_start3A_749 : memref<1xi32, #tpu.memory_space<vmem>>) semaphore(%arg24 : memref<!tpu.dma_semaphore, #tpu.memory_space<semaphore_mem>>)
      } else {
      }
      %mul3A_442 = arith.constant 16 : i32
      %mul3A_443 = arith.muli %scan3A_67, %mul3A_442 : i32
      %add3A_444 = arith.constant 10 : i32
      %add3A_445 = arith.addi %mul3A_443, %add3A_444 : i32
      %dma_wait3A_446 = arith.constant 0 : i32
      %dma_wait3A_447 = tpu.memref_slice %arg7[%add3A_445, %dma_wait3A_446] : memref<128x1xi32, #tpu.memory_space<vmem>> -> memref<1x1xi32, #tpu.memory_space<vmem>>
      %dma_wait3A_448 = tpu.memref_squeeze %dma_wait3A_447 : memref<1x1xi32, #tpu.memory_space<vmem>> -> memref<1xi32, #tpu.memory_space<vmem>>
      %dma_wait3A_449 = arith.constant 0 : i32
      %dma_wait3A_450 = arith.constant 0 : i32
      %dma_wait3A_451 = tpu.memref_slice %arg4[%dma_wait3A_449, %dma_wait3A_450] : memref<10000x8192xf32, #tpu.memory_space<hbm>> -> memref<10000x8192xf32, #tpu.memory_space<hbm>>
      tpu.wait_indirect_dma semaphore(%arg21 : memref<!tpu.dma_semaphore, #tpu.memory_space<semaphore_mem>>) src(%dma_wait3A_451 : memref<10000x8192xf32, #tpu.memory_space<hbm>>) dst(%arg11 : memref<1x8192xf32, #tpu.memory_space<vmem>>)
      %dma_wait3A_452 = arith.constant 0 : i32
      %dma_wait3A_453 = tpu.memref_slice %arg8[%add3A_445, %dma_wait3A_452] : memref<128x1xi32, #tpu.memory_space<vmem>> -> memref<1x1xi32, #tpu.memory_space<vmem>>
      %dma_wait3A_454 = tpu.memref_squeeze %dma_wait3A_453 : memref<1x1xi32, #tpu.memory_space<vmem>> -> memref<1xi32, #tpu.memory_space<vmem>>
      %dma_wait3A_455 = arith.constant 0 : i32
      %dma_wait3A_456 = arith.constant 0 : i32
      %dma_wait3A_457 = tpu.memref_slice %arg5[%dma_wait3A_455, %dma_wait3A_456] : memref<8192x8192xf32, #tpu.memory_space<hbm>> -> memref<8192x8192xf32, #tpu.memory_space<hbm>>
      tpu.wait_indirect_dma semaphore(%arg25 : memref<!tpu.dma_semaphore, #tpu.memory_space<semaphore_mem>>) src(%dma_wait3A_457 : memref<8192x8192xf32, #tpu.memory_space<hbm>>) dst(%arg15 : memref<1x8192xf32, #tpu.memory_space<vmem>>)
      %broadcast_in_dim3A_458 = arith.constant 0.000000e+00 : f32
      %broadcast_in_dim3A_459 = vector.broadcast %broadcast_in_dim3A_458 : f32 to vector<16xf32>
      %scan3A_460 = arith.constant 0 : i32
      %scan3A_461 = arith.constant 32 : i32
      %scan3A_462 = arith.addi %scan3A_460, %scan3A_461 : i32
      %scan3A_463 = arith.constant 1 : i32
      %scan3A_464:4 = scf.for %scan3A_739 = %scan3A_460 to %scan3A_462 step %scan3A_463 iter_args(%scan3A_740 = %broadcast_in_dim3A_459, %scan3A_741 = %broadcast_in_dim3A_459, %scan3A_742 = %broadcast_in_dim3A_459, %scan3A_743 = %broadcast_in_dim3A_459) -> (vector<16xf32>, vector<16xf32>, vector<16xf32>, vector<16xf32>)  : i32 {
        %mul3A_744 = arith.constant 256 : i32
        %mul3A_745 = arith.muli %scan3A_739, %mul3A_744 : i32
        %add3A_746 = arith.constant 0 : i32
        %add3A_747 = arith.addi %mul3A_745, %add3A_746 : i32
        %get3A = arith.constant 0 : i32
        %get3A_748 = arith.index_cast %get3A : i32 to index
        %get3A_749 = arith.index_cast %add3A_747 : i32 to index
        %get3A_750 = tpu.vector_load %arg11[%get3A_748, %get3A_749] {strides = array<i32>} : memref<1x8192xf32, #tpu.memory_space<vmem>>, vector<16xf32>,
        %get3A_751 = arith.constant 0 : i32
        %get3A_752 = arith.index_cast %get3A_751 : i32 to index
        %get3A_753 = arith.index_cast %add3A_747 : i32 to index
        %get3A_754 = tpu.vector_load %arg15[%get3A_752, %get3A_753] {strides = array<i32>} : memref<1x8192xf32, #tpu.memory_space<vmem>>, vector<16xf32>,
        %mul3A_755 = arith.mulf %get3A_750, %get3A_754 : vector<16xf32>
        %add3A_756 = arith.addf %scan3A_740, %mul3A_755 : vector<16xf32>
        %add3A_757 = arith.constant 16 : i32
        %add3A_758 = arith.addi %mul3A_745, %add3A_757 : i32
        %get3A_759 = arith.constant 0 : i32
        %get3A_760 = arith.index_cast %get3A_759 : i32 to index
        %get3A_761 = arith.index_cast %add3A_758 : i32 to index
        %get3A_762 = tpu.vector_load %arg11[%get3A_760, %get3A_761] {strides = array<i32>} : memref<1x8192xf32, #tpu.memory_space<vmem>>, vector<16xf32>,
        %get3A_763 = arith.constant 0 : i32
        %get3A_764 = arith.index_cast %get3A_763 : i32 to index
        %get3A_765 = arith.index_cast %add3A_758 : i32 to index
        %get3A_766 = tpu.vector_load %arg15[%get3A_764, %get3A_765] {strides = array<i32>} : memref<1x8192xf32, #tpu.memory_space<vmem>>, vector<16xf32>,
        %mul3A_767 = arith.mulf %get3A_762, %get3A_766 : vector<16xf32>
        %add3A_768 = arith.addf %add3A_756, %mul3A_767 : vector<16xf32>
        %add3A_769 = arith.constant 32 : i32
        %add3A_770 = arith.addi %mul3A_745, %add3A_769 : i32
        %get3A_771 = arith.constant 0 : i32
        %get3A_772 = arith.index_cast %get3A_771 : i32 to index
        %get3A_773 = arith.index_cast %add3A_770 : i32 to index
        %get3A_774 = tpu.vector_load %arg11[%get3A_772, %get3A_773] {strides = array<i32>} : memref<1x8192xf32, #tpu.memory_space<vmem>>, vector<16xf32>,
        %get3A_775 = arith.constant 0 : i32
        %get3A_776 = arith.index_cast %get3A_775 : i32 to index
        %get3A_777 = arith.index_cast %add3A_770 : i32 to index
        %get3A_778 = tpu.vector_load %arg15[%get3A_776, %get3A_777] {strides = array<i32>} : memref<1x8192xf32, #tpu.memory_space<vmem>>, vector<16xf32>,
        %mul3A_779 = arith.mulf %get3A_774, %get3A_778 : vector<16xf32>
        %add3A_780 = arith.addf %add3A_768, %mul3A_779 : vector<16xf32>
        %add3A_781 = arith.constant 48 : i32
        %add3A_782 = arith.addi %mul3A_745, %add3A_781 : i32
        %get3A_783 = arith.constant 0 : i32
        %get3A_784 = arith.index_cast %get3A_783 : i32 to index
        %get3A_785 = arith.index_cast %add3A_782 : i32 to index
        %get3A_786 = tpu.vector_load %arg11[%get3A_784, %get3A_785] {strides = array<i32>} : memref<1x8192xf32, #tpu.memory_space<vmem>>, vector<16xf32>,
        %get3A_787 = arith.constant 0 : i32
        %get3A_788 = arith.index_cast %get3A_787 : i32 to index
        %get3A_789 = arith.index_cast %add3A_782 : i32 to index
        %get3A_790 = tpu.vector_load %arg15[%get3A_788, %get3A_789] {strides = array<i32>} : memref<1x8192xf32, #tpu.memory_space<vmem>>, vector<16xf32>,
        %mul3A_791 = arith.mulf %get3A_786, %get3A_790 : vector<16xf32>
        %add3A_792 = arith.addf %add3A_780, %mul3A_791 : vector<16xf32>
        %add3A_793 = arith.constant 64 : i32
        %add3A_794 = arith.addi %mul3A_745, %add3A_793 : i32
        %get3A_795 = arith.constant 0 : i32
        %get3A_796 = arith.index_cast %get3A_795 : i32 to index
        %get3A_797 = arith.index_cast %add3A_794 : i32 to index
        %get3A_798 = tpu.vector_load %arg11[%get3A_796, %get3A_797] {strides = array<i32>} : memref<1x8192xf32, #tpu.memory_space<vmem>>, vector<16xf32>,
        %get3A_799 = arith.constant 0 : i32
        %get3A_800 = arith.index_cast %get3A_799 : i32 to index
        %get3A_801 = arith.index_cast %add3A_794 : i32 to index
        %get3A_802 = tpu.vector_load %arg15[%get3A_800, %get3A_801] {strides = array<i32>} : memref<1x8192xf32, #tpu.memory_space<vmem>>, vector<16xf32>,
        %mul3A_803 = arith.mulf %get3A_798, %get3A_802 : vector<16xf32>
        %add3A_804 = arith.addf %scan3A_741, %mul3A_803 : vector<16xf32>
        %add3A_805 = arith.constant 80 : i32
        %add3A_806 = arith.addi %mul3A_745, %add3A_805 : i32
        %get3A_807 = arith.constant 0 : i32
        %get3A_808 = arith.index_cast %get3A_807 : i32 to index
        %get3A_809 = arith.index_cast %add3A_806 : i32 to index
        %get3A_810 = tpu.vector_load %arg11[%get3A_808, %get3A_809] {strides = array<i32>} : memref<1x8192xf32, #tpu.memory_space<vmem>>, vector<16xf32>,
        %get3A_811 = arith.constant 0 : i32
        %get3A_812 = arith.index_cast %get3A_811 : i32 to index
        %get3A_813 = arith.index_cast %add3A_806 : i32 to index
        %get3A_814 = tpu.vector_load %arg15[%get3A_812, %get3A_813] {strides = array<i32>} : memref<1x8192xf32, #tpu.memory_space<vmem>>, vector<16xf32>,
        %mul3A_815 = arith.mulf %get3A_810, %get3A_814 : vector<16xf32>
        %add3A_816 = arith.addf %add3A_804, %mul3A_815 : vector<16xf32>
        %add3A_817 = arith.constant 96 : i32
        %add3A_818 = arith.addi %mul3A_745, %add3A_817 : i32
        %get3A_819 = arith.constant 0 : i32
        %get3A_820 = arith.index_cast %get3A_819 : i32 to index
        %get3A_821 = arith.index_cast %add3A_818 : i32 to index
        %get3A_822 = tpu.vector_load %arg11[%get3A_820, %get3A_821] {strides = array<i32>} : memref<1x8192xf32, #tpu.memory_space<vmem>>, vector<16xf32>,
        %get3A_823 = arith.constant 0 : i32
        %get3A_824 = arith.index_cast %get3A_823 : i32 to index
        %get3A_825 = arith.index_cast %add3A_818 : i32 to index
        %get3A_826 = tpu.vector_load %arg15[%get3A_824, %get3A_825] {strides = array<i32>} : memref<1x8192xf32, #tpu.memory_space<vmem>>, vector<16xf32>,
        %mul3A_827 = arith.mulf %get3A_822, %get3A_826 : vector<16xf32>
        %add3A_828 = arith.addf %add3A_816, %mul3A_827 : vector<16xf32>
        %add3A_829 = arith.constant 112 : i32
        %add3A_830 = arith.addi %mul3A_745, %add3A_829 : i32
        %get3A_831 = arith.constant 0 : i32
        %get3A_832 = arith.index_cast %get3A_831 : i32 to index
        %get3A_833 = arith.index_cast %add3A_830 : i32 to index
        %get3A_834 = tpu.vector_load %arg11[%get3A_832, %get3A_833] {strides = array<i32>} : memref<1x8192xf32, #tpu.memory_space<vmem>>, vector<16xf32>,
        %get3A_835 = arith.constant 0 : i32
        %get3A_836 = arith.index_cast %get3A_835 : i32 to index
        %get3A_837 = arith.index_cast %add3A_830 : i32 to index
        %get3A_838 = tpu.vector_load %arg15[%get3A_836, %get3A_837] {strides = array<i32>} : memref<1x8192xf32, #tpu.memory_space<vmem>>, vector<16xf32>,
        %mul3A_839 = arith.mulf %get3A_834, %get3A_838 : vector<16xf32>
        %add3A_840 = arith.addf %add3A_828, %mul3A_839 : vector<16xf32>
        %add3A_841 = arith.constant 128 : i32
        %add3A_842 = arith.addi %mul3A_745, %add3A_841 : i32
        %get3A_843 = arith.constant 0 : i32
        %get3A_844 = arith.index_cast %get3A_843 : i32 to index
        %get3A_845 = arith.index_cast %add3A_842 : i32 to index
        %get3A_846 = tpu.vector_load %arg11[%get3A_844, %get3A_845] {strides = array<i32>} : memref<1x8192xf32, #tpu.memory_space<vmem>>, vector<16xf32>,
        %get3A_847 = arith.constant 0 : i32
        %get3A_848 = arith.index_cast %get3A_847 : i32 to index
        %get3A_849 = arith.index_cast %add3A_842 : i32 to index
        %get3A_850 = tpu.vector_load %arg15[%get3A_848, %get3A_849] {strides = array<i32>} : memref<1x8192xf32, #tpu.memory_space<vmem>>, vector<16xf32>,
        %mul3A_851 = arith.mulf %get3A_846, %get3A_850 : vector<16xf32>
        %add3A_852 = arith.addf %scan3A_742, %mul3A_851 : vector<16xf32>
        %add3A_853 = arith.constant 144 : i32
        %add3A_854 = arith.addi %mul3A_745, %add3A_853 : i32
        %get3A_855 = arith.constant 0 : i32
        %get3A_856 = arith.index_cast %get3A_855 : i32 to index
        %get3A_857 = arith.index_cast %add3A_854 : i32 to index
        %get3A_858 = tpu.vector_load %arg11[%get3A_856, %get3A_857] {strides = array<i32>} : memref<1x8192xf32, #tpu.memory_space<vmem>>, vector<16xf32>,
        %get3A_859 = arith.constant 0 : i32
        %get3A_860 = arith.index_cast %get3A_859 : i32 to index
        %get3A_861 = arith.index_cast %add3A_854 : i32 to index
        %get3A_862 = tpu.vector_load %arg15[%get3A_860, %get3A_861] {strides = array<i32>} : memref<1x8192xf32, #tpu.memory_space<vmem>>, vector<16xf32>,
        %mul3A_863 = arith.mulf %get3A_858, %get3A_862 : vector<16xf32>
        %add3A_864 = arith.addf %add3A_852, %mul3A_863 : vector<16xf32>
        %add3A_865 = arith.constant 160 : i32
        %add3A_866 = arith.addi %mul3A_745, %add3A_865 : i32
        %get3A_867 = arith.constant 0 : i32
        %get3A_868 = arith.index_cast %get3A_867 : i32 to index
        %get3A_869 = arith.index_cast %add3A_866 : i32 to index
        %get3A_870 = tpu.vector_load %arg11[%get3A_868, %get3A_869] {strides = array<i32>} : memref<1x8192xf32, #tpu.memory_space<vmem>>, vector<16xf32>,
        %get3A_871 = arith.constant 0 : i32
        %get3A_872 = arith.index_cast %get3A_871 : i32 to index
        %get3A_873 = arith.index_cast %add3A_866 : i32 to index
        %get3A_874 = tpu.vector_load %arg15[%get3A_872, %get3A_873] {strides = array<i32>} : memref<1x8192xf32, #tpu.memory_space<vmem>>, vector<16xf32>,
        %mul3A_875 = arith.mulf %get3A_870, %get3A_874 : vector<16xf32>
        %add3A_876 = arith.addf %add3A_864, %mul3A_875 : vector<16xf32>
        %add3A_877 = arith.constant 176 : i32
        %add3A_878 = arith.addi %mul3A_745, %add3A_877 : i32
        %get3A_879 = arith.constant 0 : i32
        %get3A_880 = arith.index_cast %get3A_879 : i32 to index
        %get3A_881 = arith.index_cast %add3A_878 : i32 to index
        %get3A_882 = tpu.vector_load %arg11[%get3A_880, %get3A_881] {strides = array<i32>} : memref<1x8192xf32, #tpu.memory_space<vmem>>, vector<16xf32>,
        %get3A_883 = arith.constant 0 : i32
        %get3A_884 = arith.index_cast %get3A_883 : i32 to index
        %get3A_885 = arith.index_cast %add3A_878 : i32 to index
        %get3A_886 = tpu.vector_load %arg15[%get3A_884, %get3A_885] {strides = array<i32>} : memref<1x8192xf32, #tpu.memory_space<vmem>>, vector<16xf32>,
        %mul3A_887 = arith.mulf %get3A_882, %get3A_886 : vector<16xf32>
        %add3A_888 = arith.addf %add3A_876, %mul3A_887 : vector<16xf32>
        %add3A_889 = arith.constant 192 : i32
        %add3A_890 = arith.addi %mul3A_745, %add3A_889 : i32
        %get3A_891 = arith.constant 0 : i32
        %get3A_892 = arith.index_cast %get3A_891 : i32 to index
        %get3A_893 = arith.index_cast %add3A_890 : i32 to index
        %get3A_894 = tpu.vector_load %arg11[%get3A_892, %get3A_893] {strides = array<i32>} : memref<1x8192xf32, #tpu.memory_space<vmem>>, vector<16xf32>,
        %get3A_895 = arith.constant 0 : i32
        %get3A_896 = arith.index_cast %get3A_895 : i32 to index
        %get3A_897 = arith.index_cast %add3A_890 : i32 to index
        %get3A_898 = tpu.vector_load %arg15[%get3A_896, %get3A_897] {strides = array<i32>} : memref<1x8192xf32, #tpu.memory_space<vmem>>, vector<16xf32>,
        %mul3A_899 = arith.mulf %get3A_894, %get3A_898 : vector<16xf32>
        %add3A_900 = arith.addf %scan3A_743, %mul3A_899 : vector<16xf32>
        %add3A_901 = arith.constant 208 : i32
        %add3A_902 = arith.addi %mul3A_745, %add3A_901 : i32
        %get3A_903 = arith.constant 0 : i32
        %get3A_904 = arith.index_cast %get3A_903 : i32 to index
        %get3A_905 = arith.index_cast %add3A_902 : i32 to index
        %get3A_906 = tpu.vector_load %arg11[%get3A_904, %get3A_905] {strides = array<i32>} : memref<1x8192xf32, #tpu.memory_space<vmem>>, vector<16xf32>,
        %get3A_907 = arith.constant 0 : i32
        %get3A_908 = arith.index_cast %get3A_907 : i32 to index
        %get3A_909 = arith.index_cast %add3A_902 : i32 to index
        %get3A_910 = tpu.vector_load %arg15[%get3A_908, %get3A_909] {strides = array<i32>} : memref<1x8192xf32, #tpu.memory_space<vmem>>, vector<16xf32>,
        %mul3A_911 = arith.mulf %get3A_906, %get3A_910 : vector<16xf32>
        %add3A_912 = arith.addf %add3A_900, %mul3A_911 : vector<16xf32>
        %add3A_913 = arith.constant 224 : i32
        %add3A_914 = arith.addi %mul3A_745, %add3A_913 : i32
        %get3A_915 = arith.constant 0 : i32
        %get3A_916 = arith.index_cast %get3A_915 : i32 to index
        %get3A_917 = arith.index_cast %add3A_914 : i32 to index
        %get3A_918 = tpu.vector_load %arg11[%get3A_916, %get3A_917] {strides = array<i32>} : memref<1x8192xf32, #tpu.memory_space<vmem>>, vector<16xf32>,
        %get3A_919 = arith.constant 0 : i32
        %get3A_920 = arith.index_cast %get3A_919 : i32 to index
        %get3A_921 = arith.index_cast %add3A_914 : i32 to index
        %get3A_922 = tpu.vector_load %arg15[%get3A_920, %get3A_921] {strides = array<i32>} : memref<1x8192xf32, #tpu.memory_space<vmem>>, vector<16xf32>,
        %mul3A_923 = arith.mulf %get3A_918, %get3A_922 : vector<16xf32>
        %add3A_924 = arith.addf %add3A_912, %mul3A_923 : vector<16xf32>
        %add3A_925 = arith.constant 240 : i32
        %add3A_926 = arith.addi %mul3A_745, %add3A_925 : i32
        %get3A_927 = arith.constant 0 : i32
        %get3A_928 = arith.index_cast %get3A_927 : i32 to index
        %get3A_929 = arith.index_cast %add3A_926 : i32 to index
        %get3A_930 = tpu.vector_load %arg11[%get3A_928, %get3A_929] {strides = array<i32>} : memref<1x8192xf32, #tpu.memory_space<vmem>>, vector<16xf32>,
        %get3A_931 = arith.constant 0 : i32
        %get3A_932 = arith.index_cast %get3A_931 : i32 to index
        %get3A_933 = arith.index_cast %add3A_926 : i32 to index
        %get3A_934 = tpu.vector_load %arg15[%get3A_932, %get3A_933] {strides = array<i32>} : memref<1x8192xf32, #tpu.memory_space<vmem>>, vector<16xf32>,
        %mul3A_935 = arith.mulf %get3A_930, %get3A_934 : vector<16xf32>
        %add3A_936 = arith.addf %add3A_924, %mul3A_935 : vector<16xf32>
        scf.yield %add3A_792, %add3A_840, %add3A_888, %add3A_936 : vector<16xf32>, vector<16xf32>, vector<16xf32>, vector<16xf32>
      }
      %scan3A_465 = arith.constant 32 : i32
      %add3A_466 = arith.addf %scan3A_464#0, %scan3A_464#1 : vector<16xf32>
      %add3A_467 = arith.addf %scan3A_464#2, %scan3A_464#3 : vector<16xf32>
      %add3A_468 = arith.addf %add3A_466, %add3A_467 : vector<16xf32>
      %swap3A_469 = arith.constant 10 : i32
      %swap3A_470 = arith.index_cast %swap3A_469 : i32 to index
      %swap3A_471 = arith.constant 0 : index
      %swap3A_472 = tpu.vector_load %arg18[%swap3A_470, %swap3A_471] {strides = array<i32>} : memref<16x16xf32, #tpu.memory_space<vmem>>, vector<16xf32>,
      tpu.vector_store %arg18[%swap3A_470, %swap3A_471], %add3A_468 {strides = array<i32>} : memref<16x16xf32, #tpu.memory_space<vmem>>, vector<16xf32>,
      %add3A_473 = arith.constant 4 : i32
      %add3A_474 = arith.addi %add3A_445, %add3A_473 : i32
      %lt3A_475 = arith.constant 128 : i32
      %lt3A_476 = arith.cmpi slt, %add3A_474, %lt3A_475 : i32
      %convert_element_type3A_477 = arith.extui %lt3A_476 : i1 to i32
      %cond3A_478 = arith.constant 0 : i32
      %cond3A_479 = arith.cmpi ne, %convert_element_type3A_477, %cond3A_478 : i32
      scf.if %cond3A_479 {
        %add3A_739 = arith.constant 4 : i32
        %add3A_740 = arith.addi %add3A_445, %add3A_739 : i32
        %dma_start3A_741 = arith.constant 0 : i32
        %dma_start3A_742 = tpu.memref_slice %arg7[%add3A_740, %dma_start3A_741] : memref<128x1xi32, #tpu.memory_space<vmem>> -> memref<1x1xi32, #tpu.memory_space<vmem>>
        %dma_start3A_743 = tpu.memref_squeeze %dma_start3A_742 : memref<1x1xi32, #tpu.memory_space<vmem>> -> memref<1xi32, #tpu.memory_space<vmem>>
        %dma_start3A_744 = arith.constant 0 : i32
        %dma_start3A_745 = arith.constant 0 : i32
        %dma_start3A_746 = tpu.memref_slice %arg4[%dma_start3A_744, %dma_start3A_745] : memref<10000x8192xf32, #tpu.memory_space<hbm>> -> memref<10000x8192xf32, #tpu.memory_space<hbm>>
        tpu.enqueue_indirect_dma source(%dma_start3A_746 : memref<10000x8192xf32, #tpu.memory_space<hbm>>) target(%arg11 : memref<1x8192xf32, #tpu.memory_space<vmem>>) offsets(%dma_start3A_743 : memref<1xi32, #tpu.memory_space<vmem>>) semaphore(%arg21 : memref<!tpu.dma_semaphore, #tpu.memory_space<semaphore_mem>>)
        %dma_start3A_747 = arith.constant 0 : i32
        %dma_start3A_748 = tpu.memref_slice %arg8[%add3A_740, %dma_start3A_747] : memref<128x1xi32, #tpu.memory_space<vmem>> -> memref<1x1xi32, #tpu.memory_space<vmem>>
        %dma_start3A_749 = tpu.memref_squeeze %dma_start3A_748 : memref<1x1xi32, #tpu.memory_space<vmem>> -> memref<1xi32, #tpu.memory_space<vmem>>
        %dma_start3A_750 = arith.constant 0 : i32
        %dma_start3A_751 = arith.constant 0 : i32
        %dma_start3A_752 = tpu.memref_slice %arg5[%dma_start3A_750, %dma_start3A_751] : memref<8192x8192xf32, #tpu.memory_space<hbm>> -> memref<8192x8192xf32, #tpu.memory_space<hbm>>
        tpu.enqueue_indirect_dma source(%dma_start3A_752 : memref<8192x8192xf32, #tpu.memory_space<hbm>>) target(%arg15 : memref<1x8192xf32, #tpu.memory_space<vmem>>) offsets(%dma_start3A_749 : memref<1xi32, #tpu.memory_space<vmem>>) semaphore(%arg25 : memref<!tpu.dma_semaphore, #tpu.memory_space<semaphore_mem>>)
      } else {
      }
      %mul3A_480 = arith.constant 16 : i32
      %mul3A_481 = arith.muli %scan3A_67, %mul3A_480 : i32
      %add3A_482 = arith.constant 11 : i32
      %add3A_483 = arith.addi %mul3A_481, %add3A_482 : i32
      %dma_wait3A_484 = arith.constant 0 : i32
      %dma_wait3A_485 = tpu.memref_slice %arg7[%add3A_483, %dma_wait3A_484] : memref<128x1xi32, #tpu.memory_space<vmem>> -> memref<1x1xi32, #tpu.memory_space<vmem>>
      %dma_wait3A_486 = tpu.memref_squeeze %dma_wait3A_485 : memref<1x1xi32, #tpu.memory_space<vmem>> -> memref<1xi32, #tpu.memory_space<vmem>>
      %dma_wait3A_487 = arith.constant 0 : i32
      %dma_wait3A_488 = arith.constant 0 : i32
      %dma_wait3A_489 = tpu.memref_slice %arg4[%dma_wait3A_487, %dma_wait3A_488] : memref<10000x8192xf32, #tpu.memory_space<hbm>> -> memref<10000x8192xf32, #tpu.memory_space<hbm>>
      tpu.wait_indirect_dma semaphore(%arg22 : memref<!tpu.dma_semaphore, #tpu.memory_space<semaphore_mem>>) src(%dma_wait3A_489 : memref<10000x8192xf32, #tpu.memory_space<hbm>>) dst(%arg12 : memref<1x8192xf32, #tpu.memory_space<vmem>>)
      %dma_wait3A_490 = arith.constant 0 : i32
      %dma_wait3A_491 = tpu.memref_slice %arg8[%add3A_483, %dma_wait3A_490] : memref<128x1xi32, #tpu.memory_space<vmem>> -> memref<1x1xi32, #tpu.memory_space<vmem>>
      %dma_wait3A_492 = tpu.memref_squeeze %dma_wait3A_491 : memref<1x1xi32, #tpu.memory_space<vmem>> -> memref<1xi32, #tpu.memory_space<vmem>>
      %dma_wait3A_493 = arith.constant 0 : i32
      %dma_wait3A_494 = arith.constant 0 : i32
      %dma_wait3A_495 = tpu.memref_slice %arg5[%dma_wait3A_493, %dma_wait3A_494] : memref<8192x8192xf32, #tpu.memory_space<hbm>> -> memref<8192x8192xf32, #tpu.memory_space<hbm>>
      tpu.wait_indirect_dma semaphore(%arg26 : memref<!tpu.dma_semaphore, #tpu.memory_space<semaphore_mem>>) src(%dma_wait3A_495 : memref<8192x8192xf32, #tpu.memory_space<hbm>>) dst(%arg16 : memref<1x8192xf32, #tpu.memory_space<vmem>>)
      %broadcast_in_dim3A_496 = arith.constant 0.000000e+00 : f32
      %broadcast_in_dim3A_497 = vector.broadcast %broadcast_in_dim3A_496 : f32 to vector<16xf32>
      %scan3A_498 = arith.constant 0 : i32
      %scan3A_499 = arith.constant 32 : i32
      %scan3A_500 = arith.addi %scan3A_498, %scan3A_499 : i32
      %scan3A_501 = arith.constant 1 : i32
      %scan3A_502:4 = scf.for %scan3A_739 = %scan3A_498 to %scan3A_500 step %scan3A_501 iter_args(%scan3A_740 = %broadcast_in_dim3A_497, %scan3A_741 = %broadcast_in_dim3A_497, %scan3A_742 = %broadcast_in_dim3A_497, %scan3A_743 = %broadcast_in_dim3A_497) -> (vector<16xf32>, vector<16xf32>, vector<16xf32>, vector<16xf32>)  : i32 {
        %mul3A_744 = arith.constant 256 : i32
        %mul3A_745 = arith.muli %scan3A_739, %mul3A_744 : i32
        %add3A_746 = arith.constant 0 : i32
        %add3A_747 = arith.addi %mul3A_745, %add3A_746 : i32
        %get3A = arith.constant 0 : i32
        %get3A_748 = arith.index_cast %get3A : i32 to index
        %get3A_749 = arith.index_cast %add3A_747 : i32 to index
        %get3A_750 = tpu.vector_load %arg12[%get3A_748, %get3A_749] {strides = array<i32>} : memref<1x8192xf32, #tpu.memory_space<vmem>>, vector<16xf32>,
        %get3A_751 = arith.constant 0 : i32
        %get3A_752 = arith.index_cast %get3A_751 : i32 to index
        %get3A_753 = arith.index_cast %add3A_747 : i32 to index
        %get3A_754 = tpu.vector_load %arg16[%get3A_752, %get3A_753] {strides = array<i32>} : memref<1x8192xf32, #tpu.memory_space<vmem>>, vector<16xf32>,
        %mul3A_755 = arith.mulf %get3A_750, %get3A_754 : vector<16xf32>
        %add3A_756 = arith.addf %scan3A_740, %mul3A_755 : vector<16xf32>
        %add3A_757 = arith.constant 16 : i32
        %add3A_758 = arith.addi %mul3A_745, %add3A_757 : i32
        %get3A_759 = arith.constant 0 : i32
        %get3A_760 = arith.index_cast %get3A_759 : i32 to index
        %get3A_761 = arith.index_cast %add3A_758 : i32 to index
        %get3A_762 = tpu.vector_load %arg12[%get3A_760, %get3A_761] {strides = array<i32>} : memref<1x8192xf32, #tpu.memory_space<vmem>>, vector<16xf32>,
        %get3A_763 = arith.constant 0 : i32
        %get3A_764 = arith.index_cast %get3A_763 : i32 to index
        %get3A_765 = arith.index_cast %add3A_758 : i32 to index
        %get3A_766 = tpu.vector_load %arg16[%get3A_764, %get3A_765] {strides = array<i32>} : memref<1x8192xf32, #tpu.memory_space<vmem>>, vector<16xf32>,
        %mul3A_767 = arith.mulf %get3A_762, %get3A_766 : vector<16xf32>
        %add3A_768 = arith.addf %add3A_756, %mul3A_767 : vector<16xf32>
        %add3A_769 = arith.constant 32 : i32
        %add3A_770 = arith.addi %mul3A_745, %add3A_769 : i32
        %get3A_771 = arith.constant 0 : i32
        %get3A_772 = arith.index_cast %get3A_771 : i32 to index
        %get3A_773 = arith.index_cast %add3A_770 : i32 to index
        %get3A_774 = tpu.vector_load %arg12[%get3A_772, %get3A_773] {strides = array<i32>} : memref<1x8192xf32, #tpu.memory_space<vmem>>, vector<16xf32>,
        %get3A_775 = arith.constant 0 : i32
        %get3A_776 = arith.index_cast %get3A_775 : i32 to index
        %get3A_777 = arith.index_cast %add3A_770 : i32 to index
        %get3A_778 = tpu.vector_load %arg16[%get3A_776, %get3A_777] {strides = array<i32>} : memref<1x8192xf32, #tpu.memory_space<vmem>>, vector<16xf32>,
        %mul3A_779 = arith.mulf %get3A_774, %get3A_778 : vector<16xf32>
        %add3A_780 = arith.addf %add3A_768, %mul3A_779 : vector<16xf32>
        %add3A_781 = arith.constant 48 : i32
        %add3A_782 = arith.addi %mul3A_745, %add3A_781 : i32
        %get3A_783 = arith.constant 0 : i32
        %get3A_784 = arith.index_cast %get3A_783 : i32 to index
        %get3A_785 = arith.index_cast %add3A_782 : i32 to index
        %get3A_786 = tpu.vector_load %arg12[%get3A_784, %get3A_785] {strides = array<i32>} : memref<1x8192xf32, #tpu.memory_space<vmem>>, vector<16xf32>,
        %get3A_787 = arith.constant 0 : i32
        %get3A_788 = arith.index_cast %get3A_787 : i32 to index
        %get3A_789 = arith.index_cast %add3A_782 : i32 to index
        %get3A_790 = tpu.vector_load %arg16[%get3A_788, %get3A_789] {strides = array<i32>} : memref<1x8192xf32, #tpu.memory_space<vmem>>, vector<16xf32>,
        %mul3A_791 = arith.mulf %get3A_786, %get3A_790 : vector<16xf32>
        %add3A_792 = arith.addf %add3A_780, %mul3A_791 : vector<16xf32>
        %add3A_793 = arith.constant 64 : i32
        %add3A_794 = arith.addi %mul3A_745, %add3A_793 : i32
        %get3A_795 = arith.constant 0 : i32
        %get3A_796 = arith.index_cast %get3A_795 : i32 to index
        %get3A_797 = arith.index_cast %add3A_794 : i32 to index
        %get3A_798 = tpu.vector_load %arg12[%get3A_796, %get3A_797] {strides = array<i32>} : memref<1x8192xf32, #tpu.memory_space<vmem>>, vector<16xf32>,
        %get3A_799 = arith.constant 0 : i32
        %get3A_800 = arith.index_cast %get3A_799 : i32 to index
        %get3A_801 = arith.index_cast %add3A_794 : i32 to index
        %get3A_802 = tpu.vector_load %arg16[%get3A_800, %get3A_801] {strides = array<i32>} : memref<1x8192xf32, #tpu.memory_space<vmem>>, vector<16xf32>,
        %mul3A_803 = arith.mulf %get3A_798, %get3A_802 : vector<16xf32>
        %add3A_804 = arith.addf %scan3A_741, %mul3A_803 : vector<16xf32>
        %add3A_805 = arith.constant 80 : i32
        %add3A_806 = arith.addi %mul3A_745, %add3A_805 : i32
        %get3A_807 = arith.constant 0 : i32
        %get3A_808 = arith.index_cast %get3A_807 : i32 to index
        %get3A_809 = arith.index_cast %add3A_806 : i32 to index
        %get3A_810 = tpu.vector_load %arg12[%get3A_808, %get3A_809] {strides = array<i32>} : memref<1x8192xf32, #tpu.memory_space<vmem>>, vector<16xf32>,
        %get3A_811 = arith.constant 0 : i32
        %get3A_812 = arith.index_cast %get3A_811 : i32 to index
        %get3A_813 = arith.index_cast %add3A_806 : i32 to index
        %get3A_814 = tpu.vector_load %arg16[%get3A_812, %get3A_813] {strides = array<i32>} : memref<1x8192xf32, #tpu.memory_space<vmem>>, vector<16xf32>,
        %mul3A_815 = arith.mulf %get3A_810, %get3A_814 : vector<16xf32>
        %add3A_816 = arith.addf %add3A_804, %mul3A_815 : vector<16xf32>
        %add3A_817 = arith.constant 96 : i32
        %add3A_818 = arith.addi %mul3A_745, %add3A_817 : i32
        %get3A_819 = arith.constant 0 : i32
        %get3A_820 = arith.index_cast %get3A_819 : i32 to index
        %get3A_821 = arith.index_cast %add3A_818 : i32 to index
        %get3A_822 = tpu.vector_load %arg12[%get3A_820, %get3A_821] {strides = array<i32>} : memref<1x8192xf32, #tpu.memory_space<vmem>>, vector<16xf32>,
        %get3A_823 = arith.constant 0 : i32
        %get3A_824 = arith.index_cast %get3A_823 : i32 to index
        %get3A_825 = arith.index_cast %add3A_818 : i32 to index
        %get3A_826 = tpu.vector_load %arg16[%get3A_824, %get3A_825] {strides = array<i32>} : memref<1x8192xf32, #tpu.memory_space<vmem>>, vector<16xf32>,
        %mul3A_827 = arith.mulf %get3A_822, %get3A_826 : vector<16xf32>
        %add3A_828 = arith.addf %add3A_816, %mul3A_827 : vector<16xf32>
        %add3A_829 = arith.constant 112 : i32
        %add3A_830 = arith.addi %mul3A_745, %add3A_829 : i32
        %get3A_831 = arith.constant 0 : i32
        %get3A_832 = arith.index_cast %get3A_831 : i32 to index
        %get3A_833 = arith.index_cast %add3A_830 : i32 to index
        %get3A_834 = tpu.vector_load %arg12[%get3A_832, %get3A_833] {strides = array<i32>} : memref<1x8192xf32, #tpu.memory_space<vmem>>, vector<16xf32>,
        %get3A_835 = arith.constant 0 : i32
        %get3A_836 = arith.index_cast %get3A_835 : i32 to index
        %get3A_837 = arith.index_cast %add3A_830 : i32 to index
        %get3A_838 = tpu.vector_load %arg16[%get3A_836, %get3A_837] {strides = array<i32>} : memref<1x8192xf32, #tpu.memory_space<vmem>>, vector<16xf32>,
        %mul3A_839 = arith.mulf %get3A_834, %get3A_838 : vector<16xf32>
        %add3A_840 = arith.addf %add3A_828, %mul3A_839 : vector<16xf32>
        %add3A_841 = arith.constant 128 : i32
        %add3A_842 = arith.addi %mul3A_745, %add3A_841 : i32
        %get3A_843 = arith.constant 0 : i32
        %get3A_844 = arith.index_cast %get3A_843 : i32 to index
        %get3A_845 = arith.index_cast %add3A_842 : i32 to index
        %get3A_846 = tpu.vector_load %arg12[%get3A_844, %get3A_845] {strides = array<i32>} : memref<1x8192xf32, #tpu.memory_space<vmem>>, vector<16xf32>,
        %get3A_847 = arith.constant 0 : i32
        %get3A_848 = arith.index_cast %get3A_847 : i32 to index
        %get3A_849 = arith.index_cast %add3A_842 : i32 to index
        %get3A_850 = tpu.vector_load %arg16[%get3A_848, %get3A_849] {strides = array<i32>} : memref<1x8192xf32, #tpu.memory_space<vmem>>, vector<16xf32>,
        %mul3A_851 = arith.mulf %get3A_846, %get3A_850 : vector<16xf32>
        %add3A_852 = arith.addf %scan3A_742, %mul3A_851 : vector<16xf32>
        %add3A_853 = arith.constant 144 : i32
        %add3A_854 = arith.addi %mul3A_745, %add3A_853 : i32
        %get3A_855 = arith.constant 0 : i32
        %get3A_856 = arith.index_cast %get3A_855 : i32 to index
        %get3A_857 = arith.index_cast %add3A_854 : i32 to index
        %get3A_858 = tpu.vector_load %arg12[%get3A_856, %get3A_857] {strides = array<i32>} : memref<1x8192xf32, #tpu.memory_space<vmem>>, vector<16xf32>,
        %get3A_859 = arith.constant 0 : i32
        %get3A_860 = arith.index_cast %get3A_859 : i32 to index
        %get3A_861 = arith.index_cast %add3A_854 : i32 to index
        %get3A_862 = tpu.vector_load %arg16[%get3A_860, %get3A_861] {strides = array<i32>} : memref<1x8192xf32, #tpu.memory_space<vmem>>, vector<16xf32>,
        %mul3A_863 = arith.mulf %get3A_858, %get3A_862 : vector<16xf32>
        %add3A_864 = arith.addf %add3A_852, %mul3A_863 : vector<16xf32>
        %add3A_865 = arith.constant 160 : i32
        %add3A_866 = arith.addi %mul3A_745, %add3A_865 : i32
        %get3A_867 = arith.constant 0 : i32
        %get3A_868 = arith.index_cast %get3A_867 : i32 to index
        %get3A_869 = arith.index_cast %add3A_866 : i32 to index
        %get3A_870 = tpu.vector_load %arg12[%get3A_868, %get3A_869] {strides = array<i32>} : memref<1x8192xf32, #tpu.memory_space<vmem>>, vector<16xf32>,
        %get3A_871 = arith.constant 0 : i32
        %get3A_872 = arith.index_cast %get3A_871 : i32 to index
        %get3A_873 = arith.index_cast %add3A_866 : i32 to index
        %get3A_874 = tpu.vector_load %arg16[%get3A_872, %get3A_873] {strides = array<i32>} : memref<1x8192xf32, #tpu.memory_space<vmem>>, vector<16xf32>,
        %mul3A_875 = arith.mulf %get3A_870, %get3A_874 : vector<16xf32>
        %add3A_876 = arith.addf %add3A_864, %mul3A_875 : vector<16xf32>
        %add3A_877 = arith.constant 176 : i32
        %add3A_878 = arith.addi %mul3A_745, %add3A_877 : i32
        %get3A_879 = arith.constant 0 : i32
        %get3A_880 = arith.index_cast %get3A_879 : i32 to index
        %get3A_881 = arith.index_cast %add3A_878 : i32 to index
        %get3A_882 = tpu.vector_load %arg12[%get3A_880, %get3A_881] {strides = array<i32>} : memref<1x8192xf32, #tpu.memory_space<vmem>>, vector<16xf32>,
        %get3A_883 = arith.constant 0 : i32
        %get3A_884 = arith.index_cast %get3A_883 : i32 to index
        %get3A_885 = arith.index_cast %add3A_878 : i32 to index
        %get3A_886 = tpu.vector_load %arg16[%get3A_884, %get3A_885] {strides = array<i32>} : memref<1x8192xf32, #tpu.memory_space<vmem>>, vector<16xf32>,
        %mul3A_887 = arith.mulf %get3A_882, %get3A_886 : vector<16xf32>
        %add3A_888 = arith.addf %add3A_876, %mul3A_887 : vector<16xf32>
        %add3A_889 = arith.constant 192 : i32
        %add3A_890 = arith.addi %mul3A_745, %add3A_889 : i32
        %get3A_891 = arith.constant 0 : i32
        %get3A_892 = arith.index_cast %get3A_891 : i32 to index
        %get3A_893 = arith.index_cast %add3A_890 : i32 to index
        %get3A_894 = tpu.vector_load %arg12[%get3A_892, %get3A_893] {strides = array<i32>} : memref<1x8192xf32, #tpu.memory_space<vmem>>, vector<16xf32>,
        %get3A_895 = arith.constant 0 : i32
        %get3A_896 = arith.index_cast %get3A_895 : i32 to index
        %get3A_897 = arith.index_cast %add3A_890 : i32 to index
        %get3A_898 = tpu.vector_load %arg16[%get3A_896, %get3A_897] {strides = array<i32>} : memref<1x8192xf32, #tpu.memory_space<vmem>>, vector<16xf32>,
        %mul3A_899 = arith.mulf %get3A_894, %get3A_898 : vector<16xf32>
        %add3A_900 = arith.addf %scan3A_743, %mul3A_899 : vector<16xf32>
        %add3A_901 = arith.constant 208 : i32
        %add3A_902 = arith.addi %mul3A_745, %add3A_901 : i32
        %get3A_903 = arith.constant 0 : i32
        %get3A_904 = arith.index_cast %get3A_903 : i32 to index
        %get3A_905 = arith.index_cast %add3A_902 : i32 to index
        %get3A_906 = tpu.vector_load %arg12[%get3A_904, %get3A_905] {strides = array<i32>} : memref<1x8192xf32, #tpu.memory_space<vmem>>, vector<16xf32>,
        %get3A_907 = arith.constant 0 : i32
        %get3A_908 = arith.index_cast %get3A_907 : i32 to index
        %get3A_909 = arith.index_cast %add3A_902 : i32 to index
        %get3A_910 = tpu.vector_load %arg16[%get3A_908, %get3A_909] {strides = array<i32>} : memref<1x8192xf32, #tpu.memory_space<vmem>>, vector<16xf32>,
        %mul3A_911 = arith.mulf %get3A_906, %get3A_910 : vector<16xf32>
        %add3A_912 = arith.addf %add3A_900, %mul3A_911 : vector<16xf32>
        %add3A_913 = arith.constant 224 : i32
        %add3A_914 = arith.addi %mul3A_745, %add3A_913 : i32
        %get3A_915 = arith.constant 0 : i32
        %get3A_916 = arith.index_cast %get3A_915 : i32 to index
        %get3A_917 = arith.index_cast %add3A_914 : i32 to index
        %get3A_918 = tpu.vector_load %arg12[%get3A_916, %get3A_917] {strides = array<i32>} : memref<1x8192xf32, #tpu.memory_space<vmem>>, vector<16xf32>,
        %get3A_919 = arith.constant 0 : i32
        %get3A_920 = arith.index_cast %get3A_919 : i32 to index
        %get3A_921 = arith.index_cast %add3A_914 : i32 to index
        %get3A_922 = tpu.vector_load %arg16[%get3A_920, %get3A_921] {strides = array<i32>} : memref<1x8192xf32, #tpu.memory_space<vmem>>, vector<16xf32>,
        %mul3A_923 = arith.mulf %get3A_918, %get3A_922 : vector<16xf32>
        %add3A_924 = arith.addf %add3A_912, %mul3A_923 : vector<16xf32>
        %add3A_925 = arith.constant 240 : i32
        %add3A_926 = arith.addi %mul3A_745, %add3A_925 : i32
        %get3A_927 = arith.constant 0 : i32
        %get3A_928 = arith.index_cast %get3A_927 : i32 to index
        %get3A_929 = arith.index_cast %add3A_926 : i32 to index
        %get3A_930 = tpu.vector_load %arg12[%get3A_928, %get3A_929] {strides = array<i32>} : memref<1x8192xf32, #tpu.memory_space<vmem>>, vector<16xf32>,
        %get3A_931 = arith.constant 0 : i32
        %get3A_932 = arith.index_cast %get3A_931 : i32 to index
        %get3A_933 = arith.index_cast %add3A_926 : i32 to index
        %get3A_934 = tpu.vector_load %arg16[%get3A_932, %get3A_933] {strides = array<i32>} : memref<1x8192xf32, #tpu.memory_space<vmem>>, vector<16xf32>,
        %mul3A_935 = arith.mulf %get3A_930, %get3A_934 : vector<16xf32>
        %add3A_936 = arith.addf %add3A_924, %mul3A_935 : vector<16xf32>
        scf.yield %add3A_792, %add3A_840, %add3A_888, %add3A_936 : vector<16xf32>, vector<16xf32>, vector<16xf32>, vector<16xf32>
      }
      %scan3A_503 = arith.constant 32 : i32
      %add3A_504 = arith.addf %scan3A_502#0, %scan3A_502#1 : vector<16xf32>
      %add3A_505 = arith.addf %scan3A_502#2, %scan3A_502#3 : vector<16xf32>
      %add3A_506 = arith.addf %add3A_504, %add3A_505 : vector<16xf32>
      %swap3A_507 = arith.constant 11 : i32
      %swap3A_508 = arith.index_cast %swap3A_507 : i32 to index
      %swap3A_509 = arith.constant 0 : index
      %swap3A_510 = tpu.vector_load %arg18[%swap3A_508, %swap3A_509] {strides = array<i32>} : memref<16x16xf32, #tpu.memory_space<vmem>>, vector<16xf32>,
      tpu.vector_store %arg18[%swap3A_508, %swap3A_509], %add3A_506 {strides = array<i32>} : memref<16x16xf32, #tpu.memory_space<vmem>>, vector<16xf32>,
      %add3A_511 = arith.constant 4 : i32
      %add3A_512 = arith.addi %add3A_483, %add3A_511 : i32
      %lt3A_513 = arith.constant 128 : i32
      %lt3A_514 = arith.cmpi slt, %add3A_512, %lt3A_513 : i32
      %convert_element_type3A_515 = arith.extui %lt3A_514 : i1 to i32
      %cond3A_516 = arith.constant 0 : i32
      %cond3A_517 = arith.cmpi ne, %convert_element_type3A_515, %cond3A_516 : i32
      scf.if %cond3A_517 {
        %add3A_739 = arith.constant 4 : i32
        %add3A_740 = arith.addi %add3A_483, %add3A_739 : i32
        %dma_start3A_741 = arith.constant 0 : i32
        %dma_start3A_742 = tpu.memref_slice %arg7[%add3A_740, %dma_start3A_741] : memref<128x1xi32, #tpu.memory_space<vmem>> -> memref<1x1xi32, #tpu.memory_space<vmem>>
        %dma_start3A_743 = tpu.memref_squeeze %dma_start3A_742 : memref<1x1xi32, #tpu.memory_space<vmem>> -> memref<1xi32, #tpu.memory_space<vmem>>
        %dma_start3A_744 = arith.constant 0 : i32
        %dma_start3A_745 = arith.constant 0 : i32
        %dma_start3A_746 = tpu.memref_slice %arg4[%dma_start3A_744, %dma_start3A_745] : memref<10000x8192xf32, #tpu.memory_space<hbm>> -> memref<10000x8192xf32, #tpu.memory_space<hbm>>
        tpu.enqueue_indirect_dma source(%dma_start3A_746 : memref<10000x8192xf32, #tpu.memory_space<hbm>>) target(%arg12 : memref<1x8192xf32, #tpu.memory_space<vmem>>) offsets(%dma_start3A_743 : memref<1xi32, #tpu.memory_space<vmem>>) semaphore(%arg22 : memref<!tpu.dma_semaphore, #tpu.memory_space<semaphore_mem>>)
        %dma_start3A_747 = arith.constant 0 : i32
        %dma_start3A_748 = tpu.memref_slice %arg8[%add3A_740, %dma_start3A_747] : memref<128x1xi32, #tpu.memory_space<vmem>> -> memref<1x1xi32, #tpu.memory_space<vmem>>
        %dma_start3A_749 = tpu.memref_squeeze %dma_start3A_748 : memref<1x1xi32, #tpu.memory_space<vmem>> -> memref<1xi32, #tpu.memory_space<vmem>>
        %dma_start3A_750 = arith.constant 0 : i32
        %dma_start3A_751 = arith.constant 0 : i32
        %dma_start3A_752 = tpu.memref_slice %arg5[%dma_start3A_750, %dma_start3A_751] : memref<8192x8192xf32, #tpu.memory_space<hbm>> -> memref<8192x8192xf32, #tpu.memory_space<hbm>>
        tpu.enqueue_indirect_dma source(%dma_start3A_752 : memref<8192x8192xf32, #tpu.memory_space<hbm>>) target(%arg16 : memref<1x8192xf32, #tpu.memory_space<vmem>>) offsets(%dma_start3A_749 : memref<1xi32, #tpu.memory_space<vmem>>) semaphore(%arg26 : memref<!tpu.dma_semaphore, #tpu.memory_space<semaphore_mem>>)
      } else {
      }
      %mul3A_518 = arith.constant 16 : i32
      %mul3A_519 = arith.muli %scan3A_67, %mul3A_518 : i32
      %add3A_520 = arith.constant 12 : i32
      %add3A_521 = arith.addi %mul3A_519, %add3A_520 : i32
      %dma_wait3A_522 = arith.constant 0 : i32
      %dma_wait3A_523 = tpu.memref_slice %arg7[%add3A_521, %dma_wait3A_522] : memref<128x1xi32, #tpu.memory_space<vmem>> -> memref<1x1xi32, #tpu.memory_space<vmem>>
      %dma_wait3A_524 = tpu.memref_squeeze %dma_wait3A_523 : memref<1x1xi32, #tpu.memory_space<vmem>> -> memref<1xi32, #tpu.memory_space<vmem>>
      %dma_wait3A_525 = arith.constant 0 : i32
      %dma_wait3A_526 = arith.constant 0 : i32
      %dma_wait3A_527 = tpu.memref_slice %arg4[%dma_wait3A_525, %dma_wait3A_526] : memref<10000x8192xf32, #tpu.memory_space<hbm>> -> memref<10000x8192xf32, #tpu.memory_space<hbm>>
      tpu.wait_indirect_dma semaphore(%arg19 : memref<!tpu.dma_semaphore, #tpu.memory_space<semaphore_mem>>) src(%dma_wait3A_527 : memref<10000x8192xf32, #tpu.memory_space<hbm>>) dst(%arg9 : memref<1x8192xf32, #tpu.memory_space<vmem>>)
      %dma_wait3A_528 = arith.constant 0 : i32
      %dma_wait3A_529 = tpu.memref_slice %arg8[%add3A_521, %dma_wait3A_528] : memref<128x1xi32, #tpu.memory_space<vmem>> -> memref<1x1xi32, #tpu.memory_space<vmem>>
      %dma_wait3A_530 = tpu.memref_squeeze %dma_wait3A_529 : memref<1x1xi32, #tpu.memory_space<vmem>> -> memref<1xi32, #tpu.memory_space<vmem>>
      %dma_wait3A_531 = arith.constant 0 : i32
      %dma_wait3A_532 = arith.constant 0 : i32
      %dma_wait3A_533 = tpu.memref_slice %arg5[%dma_wait3A_531, %dma_wait3A_532] : memref<8192x8192xf32, #tpu.memory_space<hbm>> -> memref<8192x8192xf32, #tpu.memory_space<hbm>>
      tpu.wait_indirect_dma semaphore(%arg23 : memref<!tpu.dma_semaphore, #tpu.memory_space<semaphore_mem>>) src(%dma_wait3A_533 : memref<8192x8192xf32, #tpu.memory_space<hbm>>) dst(%arg13 : memref<1x8192xf32, #tpu.memory_space<vmem>>)
      %broadcast_in_dim3A_534 = arith.constant 0.000000e+00 : f32
      %broadcast_in_dim3A_535 = vector.broadcast %broadcast_in_dim3A_534 : f32 to vector<16xf32>
      %scan3A_536 = arith.constant 0 : i32
      %scan3A_537 = arith.constant 32 : i32
      %scan3A_538 = arith.addi %scan3A_536, %scan3A_537 : i32
      %scan3A_539 = arith.constant 1 : i32
      %scan3A_540:4 = scf.for %scan3A_739 = %scan3A_536 to %scan3A_538 step %scan3A_539 iter_args(%scan3A_740 = %broadcast_in_dim3A_535, %scan3A_741 = %broadcast_in_dim3A_535, %scan3A_742 = %broadcast_in_dim3A_535, %scan3A_743 = %broadcast_in_dim3A_535) -> (vector<16xf32>, vector<16xf32>, vector<16xf32>, vector<16xf32>)  : i32 {
        %mul3A_744 = arith.constant 256 : i32
        %mul3A_745 = arith.muli %scan3A_739, %mul3A_744 : i32
        %add3A_746 = arith.constant 0 : i32
        %add3A_747 = arith.addi %mul3A_745, %add3A_746 : i32
        %get3A = arith.constant 0 : i32
        %get3A_748 = arith.index_cast %get3A : i32 to index
        %get3A_749 = arith.index_cast %add3A_747 : i32 to index
        %get3A_750 = tpu.vector_load %arg9[%get3A_748, %get3A_749] {strides = array<i32>} : memref<1x8192xf32, #tpu.memory_space<vmem>>, vector<16xf32>,
        %get3A_751 = arith.constant 0 : i32
        %get3A_752 = arith.index_cast %get3A_751 : i32 to index
        %get3A_753 = arith.index_cast %add3A_747 : i32 to index
        %get3A_754 = tpu.vector_load %arg13[%get3A_752, %get3A_753] {strides = array<i32>} : memref<1x8192xf32, #tpu.memory_space<vmem>>, vector<16xf32>,
        %mul3A_755 = arith.mulf %get3A_750, %get3A_754 : vector<16xf32>
        %add3A_756 = arith.addf %scan3A_740, %mul3A_755 : vector<16xf32>
        %add3A_757 = arith.constant 16 : i32
        %add3A_758 = arith.addi %mul3A_745, %add3A_757 : i32
        %get3A_759 = arith.constant 0 : i32
        %get3A_760 = arith.index_cast %get3A_759 : i32 to index
        %get3A_761 = arith.index_cast %add3A_758 : i32 to index
        %get3A_762 = tpu.vector_load %arg9[%get3A_760, %get3A_761] {strides = array<i32>} : memref<1x8192xf32, #tpu.memory_space<vmem>>, vector<16xf32>,
        %get3A_763 = arith.constant 0 : i32
        %get3A_764 = arith.index_cast %get3A_763 : i32 to index
        %get3A_765 = arith.index_cast %add3A_758 : i32 to index
        %get3A_766 = tpu.vector_load %arg13[%get3A_764, %get3A_765] {strides = array<i32>} : memref<1x8192xf32, #tpu.memory_space<vmem>>, vector<16xf32>,
        %mul3A_767 = arith.mulf %get3A_762, %get3A_766 : vector<16xf32>
        %add3A_768 = arith.addf %add3A_756, %mul3A_767 : vector<16xf32>
        %add3A_769 = arith.constant 32 : i32
        %add3A_770 = arith.addi %mul3A_745, %add3A_769 : i32
        %get3A_771 = arith.constant 0 : i32
        %get3A_772 = arith.index_cast %get3A_771 : i32 to index
        %get3A_773 = arith.index_cast %add3A_770 : i32 to index
        %get3A_774 = tpu.vector_load %arg9[%get3A_772, %get3A_773] {strides = array<i32>} : memref<1x8192xf32, #tpu.memory_space<vmem>>, vector<16xf32>,
        %get3A_775 = arith.constant 0 : i32
        %get3A_776 = arith.index_cast %get3A_775 : i32 to index
        %get3A_777 = arith.index_cast %add3A_770 : i32 to index
        %get3A_778 = tpu.vector_load %arg13[%get3A_776, %get3A_777] {strides = array<i32>} : memref<1x8192xf32, #tpu.memory_space<vmem>>, vector<16xf32>,
        %mul3A_779 = arith.mulf %get3A_774, %get3A_778 : vector<16xf32>
        %add3A_780 = arith.addf %add3A_768, %mul3A_779 : vector<16xf32>
        %add3A_781 = arith.constant 48 : i32
        %add3A_782 = arith.addi %mul3A_745, %add3A_781 : i32
        %get3A_783 = arith.constant 0 : i32
        %get3A_784 = arith.index_cast %get3A_783 : i32 to index
        %get3A_785 = arith.index_cast %add3A_782 : i32 to index
        %get3A_786 = tpu.vector_load %arg9[%get3A_784, %get3A_785] {strides = array<i32>} : memref<1x8192xf32, #tpu.memory_space<vmem>>, vector<16xf32>,
        %get3A_787 = arith.constant 0 : i32
        %get3A_788 = arith.index_cast %get3A_787 : i32 to index
        %get3A_789 = arith.index_cast %add3A_782 : i32 to index
        %get3A_790 = tpu.vector_load %arg13[%get3A_788, %get3A_789] {strides = array<i32>} : memref<1x8192xf32, #tpu.memory_space<vmem>>, vector<16xf32>,
        %mul3A_791 = arith.mulf %get3A_786, %get3A_790 : vector<16xf32>
        %add3A_792 = arith.addf %add3A_780, %mul3A_791 : vector<16xf32>
        %add3A_793 = arith.constant 64 : i32
        %add3A_794 = arith.addi %mul3A_745, %add3A_793 : i32
        %get3A_795 = arith.constant 0 : i32
        %get3A_796 = arith.index_cast %get3A_795 : i32 to index
        %get3A_797 = arith.index_cast %add3A_794 : i32 to index
        %get3A_798 = tpu.vector_load %arg9[%get3A_796, %get3A_797] {strides = array<i32>} : memref<1x8192xf32, #tpu.memory_space<vmem>>, vector<16xf32>,
        %get3A_799 = arith.constant 0 : i32
        %get3A_800 = arith.index_cast %get3A_799 : i32 to index
        %get3A_801 = arith.index_cast %add3A_794 : i32 to index
        %get3A_802 = tpu.vector_load %arg13[%get3A_800, %get3A_801] {strides = array<i32>} : memref<1x8192xf32, #tpu.memory_space<vmem>>, vector<16xf32>,
        %mul3A_803 = arith.mulf %get3A_798, %get3A_802 : vector<16xf32>
        %add3A_804 = arith.addf %scan3A_741, %mul3A_803 : vector<16xf32>
        %add3A_805 = arith.constant 80 : i32
        %add3A_806 = arith.addi %mul3A_745, %add3A_805 : i32
        %get3A_807 = arith.constant 0 : i32
        %get3A_808 = arith.index_cast %get3A_807 : i32 to index
        %get3A_809 = arith.index_cast %add3A_806 : i32 to index
        %get3A_810 = tpu.vector_load %arg9[%get3A_808, %get3A_809] {strides = array<i32>} : memref<1x8192xf32, #tpu.memory_space<vmem>>, vector<16xf32>,
        %get3A_811 = arith.constant 0 : i32
        %get3A_812 = arith.index_cast %get3A_811 : i32 to index
        %get3A_813 = arith.index_cast %add3A_806 : i32 to index
        %get3A_814 = tpu.vector_load %arg13[%get3A_812, %get3A_813] {strides = array<i32>} : memref<1x8192xf32, #tpu.memory_space<vmem>>, vector<16xf32>,
        %mul3A_815 = arith.mulf %get3A_810, %get3A_814 : vector<16xf32>
        %add3A_816 = arith.addf %add3A_804, %mul3A_815 : vector<16xf32>
        %add3A_817 = arith.constant 96 : i32
        %add3A_818 = arith.addi %mul3A_745, %add3A_817 : i32
        %get3A_819 = arith.constant 0 : i32
        %get3A_820 = arith.index_cast %get3A_819 : i32 to index
        %get3A_821 = arith.index_cast %add3A_818 : i32 to index
        %get3A_822 = tpu.vector_load %arg9[%get3A_820, %get3A_821] {strides = array<i32>} : memref<1x8192xf32, #tpu.memory_space<vmem>>, vector<16xf32>,
        %get3A_823 = arith.constant 0 : i32
        %get3A_824 = arith.index_cast %get3A_823 : i32 to index
        %get3A_825 = arith.index_cast %add3A_818 : i32 to index
        %get3A_826 = tpu.vector_load %arg13[%get3A_824, %get3A_825] {strides = array<i32>} : memref<1x8192xf32, #tpu.memory_space<vmem>>, vector<16xf32>,
        %mul3A_827 = arith.mulf %get3A_822, %get3A_826 : vector<16xf32>
        %add3A_828 = arith.addf %add3A_816, %mul3A_827 : vector<16xf32>
        %add3A_829 = arith.constant 112 : i32
        %add3A_830 = arith.addi %mul3A_745, %add3A_829 : i32
        %get3A_831 = arith.constant 0 : i32
        %get3A_832 = arith.index_cast %get3A_831 : i32 to index
        %get3A_833 = arith.index_cast %add3A_830 : i32 to index
        %get3A_834 = tpu.vector_load %arg9[%get3A_832, %get3A_833] {strides = array<i32>} : memref<1x8192xf32, #tpu.memory_space<vmem>>, vector<16xf32>,
        %get3A_835 = arith.constant 0 : i32
        %get3A_836 = arith.index_cast %get3A_835 : i32 to index
        %get3A_837 = arith.index_cast %add3A_830 : i32 to index
        %get3A_838 = tpu.vector_load %arg13[%get3A_836, %get3A_837] {strides = array<i32>} : memref<1x8192xf32, #tpu.memory_space<vmem>>, vector<16xf32>,
        %mul3A_839 = arith.mulf %get3A_834, %get3A_838 : vector<16xf32>
        %add3A_840 = arith.addf %add3A_828, %mul3A_839 : vector<16xf32>
        %add3A_841 = arith.constant 128 : i32
        %add3A_842 = arith.addi %mul3A_745, %add3A_841 : i32
        %get3A_843 = arith.constant 0 : i32
        %get3A_844 = arith.index_cast %get3A_843 : i32 to index
        %get3A_845 = arith.index_cast %add3A_842 : i32 to index
        %get3A_846 = tpu.vector_load %arg9[%get3A_844, %get3A_845] {strides = array<i32>} : memref<1x8192xf32, #tpu.memory_space<vmem>>, vector<16xf32>,
        %get3A_847 = arith.constant 0 : i32
        %get3A_848 = arith.index_cast %get3A_847 : i32 to index
        %get3A_849 = arith.index_cast %add3A_842 : i32 to index
        %get3A_850 = tpu.vector_load %arg13[%get3A_848, %get3A_849] {strides = array<i32>} : memref<1x8192xf32, #tpu.memory_space<vmem>>, vector<16xf32>,
        %mul3A_851 = arith.mulf %get3A_846, %get3A_850 : vector<16xf32>
        %add3A_852 = arith.addf %scan3A_742, %mul3A_851 : vector<16xf32>
        %add3A_853 = arith.constant 144 : i32
        %add3A_854 = arith.addi %mul3A_745, %add3A_853 : i32
        %get3A_855 = arith.constant 0 : i32
        %get3A_856 = arith.index_cast %get3A_855 : i32 to index
        %get3A_857 = arith.index_cast %add3A_854 : i32 to index
        %get3A_858 = tpu.vector_load %arg9[%get3A_856, %get3A_857] {strides = array<i32>} : memref<1x8192xf32, #tpu.memory_space<vmem>>, vector<16xf32>,
        %get3A_859 = arith.constant 0 : i32
        %get3A_860 = arith.index_cast %get3A_859 : i32 to index
        %get3A_861 = arith.index_cast %add3A_854 : i32 to index
        %get3A_862 = tpu.vector_load %arg13[%get3A_860, %get3A_861] {strides = array<i32>} : memref<1x8192xf32, #tpu.memory_space<vmem>>, vector<16xf32>,
        %mul3A_863 = arith.mulf %get3A_858, %get3A_862 : vector<16xf32>
        %add3A_864 = arith.addf %add3A_852, %mul3A_863 : vector<16xf32>
        %add3A_865 = arith.constant 160 : i32
        %add3A_866 = arith.addi %mul3A_745, %add3A_865 : i32
        %get3A_867 = arith.constant 0 : i32
        %get3A_868 = arith.index_cast %get3A_867 : i32 to index
        %get3A_869 = arith.index_cast %add3A_866 : i32 to index
        %get3A_870 = tpu.vector_load %arg9[%get3A_868, %get3A_869] {strides = array<i32>} : memref<1x8192xf32, #tpu.memory_space<vmem>>, vector<16xf32>,
        %get3A_871 = arith.constant 0 : i32
        %get3A_872 = arith.index_cast %get3A_871 : i32 to index
        %get3A_873 = arith.index_cast %add3A_866 : i32 to index
        %get3A_874 = tpu.vector_load %arg13[%get3A_872, %get3A_873] {strides = array<i32>} : memref<1x8192xf32, #tpu.memory_space<vmem>>, vector<16xf32>,
        %mul3A_875 = arith.mulf %get3A_870, %get3A_874 : vector<16xf32>
        %add3A_876 = arith.addf %add3A_864, %mul3A_875 : vector<16xf32>
        %add3A_877 = arith.constant 176 : i32
        %add3A_878 = arith.addi %mul3A_745, %add3A_877 : i32
        %get3A_879 = arith.constant 0 : i32
        %get3A_880 = arith.index_cast %get3A_879 : i32 to index
        %get3A_881 = arith.index_cast %add3A_878 : i32 to index
        %get3A_882 = tpu.vector_load %arg9[%get3A_880, %get3A_881] {strides = array<i32>} : memref<1x8192xf32, #tpu.memory_space<vmem>>, vector<16xf32>,
        %get3A_883 = arith.constant 0 : i32
        %get3A_884 = arith.index_cast %get3A_883 : i32 to index
        %get3A_885 = arith.index_cast %add3A_878 : i32 to index
        %get3A_886 = tpu.vector_load %arg13[%get3A_884, %get3A_885] {strides = array<i32>} : memref<1x8192xf32, #tpu.memory_space<vmem>>, vector<16xf32>,
        %mul3A_887 = arith.mulf %get3A_882, %get3A_886 : vector<16xf32>
        %add3A_888 = arith.addf %add3A_876, %mul3A_887 : vector<16xf32>
        %add3A_889 = arith.constant 192 : i32
        %add3A_890 = arith.addi %mul3A_745, %add3A_889 : i32
        %get3A_891 = arith.constant 0 : i32
        %get3A_892 = arith.index_cast %get3A_891 : i32 to index
        %get3A_893 = arith.index_cast %add3A_890 : i32 to index
        %get3A_894 = tpu.vector_load %arg9[%get3A_892, %get3A_893] {strides = array<i32>} : memref<1x8192xf32, #tpu.memory_space<vmem>>, vector<16xf32>,
        %get3A_895 = arith.constant 0 : i32
        %get3A_896 = arith.index_cast %get3A_895 : i32 to index
        %get3A_897 = arith.index_cast %add3A_890 : i32 to index
        %get3A_898 = tpu.vector_load %arg13[%get3A_896, %get3A_897] {strides = array<i32>} : memref<1x8192xf32, #tpu.memory_space<vmem>>, vector<16xf32>,
        %mul3A_899 = arith.mulf %get3A_894, %get3A_898 : vector<16xf32>
        %add3A_900 = arith.addf %scan3A_743, %mul3A_899 : vector<16xf32>
        %add3A_901 = arith.constant 208 : i32
        %add3A_902 = arith.addi %mul3A_745, %add3A_901 : i32
        %get3A_903 = arith.constant 0 : i32
        %get3A_904 = arith.index_cast %get3A_903 : i32 to index
        %get3A_905 = arith.index_cast %add3A_902 : i32 to index
        %get3A_906 = tpu.vector_load %arg9[%get3A_904, %get3A_905] {strides = array<i32>} : memref<1x8192xf32, #tpu.memory_space<vmem>>, vector<16xf32>,
        %get3A_907 = arith.constant 0 : i32
        %get3A_908 = arith.index_cast %get3A_907 : i32 to index
        %get3A_909 = arith.index_cast %add3A_902 : i32 to index
        %get3A_910 = tpu.vector_load %arg13[%get3A_908, %get3A_909] {strides = array<i32>} : memref<1x8192xf32, #tpu.memory_space<vmem>>, vector<16xf32>,
        %mul3A_911 = arith.mulf %get3A_906, %get3A_910 : vector<16xf32>
        %add3A_912 = arith.addf %add3A_900, %mul3A_911 : vector<16xf32>
        %add3A_913 = arith.constant 224 : i32
        %add3A_914 = arith.addi %mul3A_745, %add3A_913 : i32
        %get3A_915 = arith.constant 0 : i32
        %get3A_916 = arith.index_cast %get3A_915 : i32 to index
        %get3A_917 = arith.index_cast %add3A_914 : i32 to index
        %get3A_918 = tpu.vector_load %arg9[%get3A_916, %get3A_917] {strides = array<i32>} : memref<1x8192xf32, #tpu.memory_space<vmem>>, vector<16xf32>,
        %get3A_919 = arith.constant 0 : i32
        %get3A_920 = arith.index_cast %get3A_919 : i32 to index
        %get3A_921 = arith.index_cast %add3A_914 : i32 to index
        %get3A_922 = tpu.vector_load %arg13[%get3A_920, %get3A_921] {strides = array<i32>} : memref<1x8192xf32, #tpu.memory_space<vmem>>, vector<16xf32>,
        %mul3A_923 = arith.mulf %get3A_918, %get3A_922 : vector<16xf32>
        %add3A_924 = arith.addf %add3A_912, %mul3A_923 : vector<16xf32>
        %add3A_925 = arith.constant 240 : i32
        %add3A_926 = arith.addi %mul3A_745, %add3A_925 : i32
        %get3A_927 = arith.constant 0 : i32
        %get3A_928 = arith.index_cast %get3A_927 : i32 to index
        %get3A_929 = arith.index_cast %add3A_926 : i32 to index
        %get3A_930 = tpu.vector_load %arg9[%get3A_928, %get3A_929] {strides = array<i32>} : memref<1x8192xf32, #tpu.memory_space<vmem>>, vector<16xf32>,
        %get3A_931 = arith.constant 0 : i32
        %get3A_932 = arith.index_cast %get3A_931 : i32 to index
        %get3A_933 = arith.index_cast %add3A_926 : i32 to index
        %get3A_934 = tpu.vector_load %arg13[%get3A_932, %get3A_933] {strides = array<i32>} : memref<1x8192xf32, #tpu.memory_space<vmem>>, vector<16xf32>,
        %mul3A_935 = arith.mulf %get3A_930, %get3A_934 : vector<16xf32>
        %add3A_936 = arith.addf %add3A_924, %mul3A_935 : vector<16xf32>
        scf.yield %add3A_792, %add3A_840, %add3A_888, %add3A_936 : vector<16xf32>, vector<16xf32>, vector<16xf32>, vector<16xf32>
      }
      %scan3A_541 = arith.constant 32 : i32
      %add3A_542 = arith.addf %scan3A_540#0, %scan3A_540#1 : vector<16xf32>
      %add3A_543 = arith.addf %scan3A_540#2, %scan3A_540#3 : vector<16xf32>
      %add3A_544 = arith.addf %add3A_542, %add3A_543 : vector<16xf32>
      %swap3A_545 = arith.constant 12 : i32
      %swap3A_546 = arith.index_cast %swap3A_545 : i32 to index
      %swap3A_547 = arith.constant 0 : index
      %swap3A_548 = tpu.vector_load %arg18[%swap3A_546, %swap3A_547] {strides = array<i32>} : memref<16x16xf32, #tpu.memory_space<vmem>>, vector<16xf32>,
      tpu.vector_store %arg18[%swap3A_546, %swap3A_547], %add3A_544 {strides = array<i32>} : memref<16x16xf32, #tpu.memory_space<vmem>>, vector<16xf32>,
      %add3A_549 = arith.constant 4 : i32
      %add3A_550 = arith.addi %add3A_521, %add3A_549 : i32
      %lt3A_551 = arith.constant 128 : i32
      %lt3A_552 = arith.cmpi slt, %add3A_550, %lt3A_551 : i32
      %convert_element_type3A_553 = arith.extui %lt3A_552 : i1 to i32
      %cond3A_554 = arith.constant 0 : i32
      %cond3A_555 = arith.cmpi ne, %convert_element_type3A_553, %cond3A_554 : i32
      scf.if %cond3A_555 {
        %add3A_739 = arith.constant 4 : i32
        %add3A_740 = arith.addi %add3A_521, %add3A_739 : i32
        %dma_start3A_741 = arith.constant 0 : i32
        %dma_start3A_742 = tpu.memref_slice %arg7[%add3A_740, %dma_start3A_741] : memref<128x1xi32, #tpu.memory_space<vmem>> -> memref<1x1xi32, #tpu.memory_space<vmem>>
        %dma_start3A_743 = tpu.memref_squeeze %dma_start3A_742 : memref<1x1xi32, #tpu.memory_space<vmem>> -> memref<1xi32, #tpu.memory_space<vmem>>
        %dma_start3A_744 = arith.constant 0 : i32
        %dma_start3A_745 = arith.constant 0 : i32
        %dma_start3A_746 = tpu.memref_slice %arg4[%dma_start3A_744, %dma_start3A_745] : memref<10000x8192xf32, #tpu.memory_space<hbm>> -> memref<10000x8192xf32, #tpu.memory_space<hbm>>
        tpu.enqueue_indirect_dma source(%dma_start3A_746 : memref<10000x8192xf32, #tpu.memory_space<hbm>>) target(%arg9 : memref<1x8192xf32, #tpu.memory_space<vmem>>) offsets(%dma_start3A_743 : memref<1xi32, #tpu.memory_space<vmem>>) semaphore(%arg19 : memref<!tpu.dma_semaphore, #tpu.memory_space<semaphore_mem>>)
        %dma_start3A_747 = arith.constant 0 : i32
        %dma_start3A_748 = tpu.memref_slice %arg8[%add3A_740, %dma_start3A_747] : memref<128x1xi32, #tpu.memory_space<vmem>> -> memref<1x1xi32, #tpu.memory_space<vmem>>
        %dma_start3A_749 = tpu.memref_squeeze %dma_start3A_748 : memref<1x1xi32, #tpu.memory_space<vmem>> -> memref<1xi32, #tpu.memory_space<vmem>>
        %dma_start3A_750 = arith.constant 0 : i32
        %dma_start3A_751 = arith.constant 0 : i32
        %dma_start3A_752 = tpu.memref_slice %arg5[%dma_start3A_750, %dma_start3A_751] : memref<8192x8192xf32, #tpu.memory_space<hbm>> -> memref<8192x8192xf32, #tpu.memory_space<hbm>>
        tpu.enqueue_indirect_dma source(%dma_start3A_752 : memref<8192x8192xf32, #tpu.memory_space<hbm>>) target(%arg13 : memref<1x8192xf32, #tpu.memory_space<vmem>>) offsets(%dma_start3A_749 : memref<1xi32, #tpu.memory_space<vmem>>) semaphore(%arg23 : memref<!tpu.dma_semaphore, #tpu.memory_space<semaphore_mem>>)
      } else {
      }
      %mul3A_556 = arith.constant 16 : i32
      %mul3A_557 = arith.muli %scan3A_67, %mul3A_556 : i32
      %add3A_558 = arith.constant 13 : i32
      %add3A_559 = arith.addi %mul3A_557, %add3A_558 : i32
      %dma_wait3A_560 = arith.constant 0 : i32
      %dma_wait3A_561 = tpu.memref_slice %arg7[%add3A_559, %dma_wait3A_560] : memref<128x1xi32, #tpu.memory_space<vmem>> -> memref<1x1xi32, #tpu.memory_space<vmem>>
      %dma_wait3A_562 = tpu.memref_squeeze %dma_wait3A_561 : memref<1x1xi32, #tpu.memory_space<vmem>> -> memref<1xi32, #tpu.memory_space<vmem>>
      %dma_wait3A_563 = arith.constant 0 : i32
      %dma_wait3A_564 = arith.constant 0 : i32
      %dma_wait3A_565 = tpu.memref_slice %arg4[%dma_wait3A_563, %dma_wait3A_564] : memref<10000x8192xf32, #tpu.memory_space<hbm>> -> memref<10000x8192xf32, #tpu.memory_space<hbm>>
      tpu.wait_indirect_dma semaphore(%arg20 : memref<!tpu.dma_semaphore, #tpu.memory_space<semaphore_mem>>) src(%dma_wait3A_565 : memref<10000x8192xf32, #tpu.memory_space<hbm>>) dst(%arg10 : memref<1x8192xf32, #tpu.memory_space<vmem>>)
      %dma_wait3A_566 = arith.constant 0 : i32
      %dma_wait3A_567 = tpu.memref_slice %arg8[%add3A_559, %dma_wait3A_566] : memref<128x1xi32, #tpu.memory_space<vmem>> -> memref<1x1xi32, #tpu.memory_space<vmem>>
      %dma_wait3A_568 = tpu.memref_squeeze %dma_wait3A_567 : memref<1x1xi32, #tpu.memory_space<vmem>> -> memref<1xi32, #tpu.memory_space<vmem>>
      %dma_wait3A_569 = arith.constant 0 : i32
      %dma_wait3A_570 = arith.constant 0 : i32
      %dma_wait3A_571 = tpu.memref_slice %arg5[%dma_wait3A_569, %dma_wait3A_570] : memref<8192x8192xf32, #tpu.memory_space<hbm>> -> memref<8192x8192xf32, #tpu.memory_space<hbm>>
      tpu.wait_indirect_dma semaphore(%arg24 : memref<!tpu.dma_semaphore, #tpu.memory_space<semaphore_mem>>) src(%dma_wait3A_571 : memref<8192x8192xf32, #tpu.memory_space<hbm>>) dst(%arg14 : memref<1x8192xf32, #tpu.memory_space<vmem>>)
      %broadcast_in_dim3A_572 = arith.constant 0.000000e+00 : f32
      %broadcast_in_dim3A_573 = vector.broadcast %broadcast_in_dim3A_572 : f32 to vector<16xf32>
      %scan3A_574 = arith.constant 0 : i32
      %scan3A_575 = arith.constant 32 : i32
      %scan3A_576 = arith.addi %scan3A_574, %scan3A_575 : i32
      %scan3A_577 = arith.constant 1 : i32
      %scan3A_578:4 = scf.for %scan3A_739 = %scan3A_574 to %scan3A_576 step %scan3A_577 iter_args(%scan3A_740 = %broadcast_in_dim3A_573, %scan3A_741 = %broadcast_in_dim3A_573, %scan3A_742 = %broadcast_in_dim3A_573, %scan3A_743 = %broadcast_in_dim3A_573) -> (vector<16xf32>, vector<16xf32>, vector<16xf32>, vector<16xf32>)  : i32 {
        %mul3A_744 = arith.constant 256 : i32
        %mul3A_745 = arith.muli %scan3A_739, %mul3A_744 : i32
        %add3A_746 = arith.constant 0 : i32
        %add3A_747 = arith.addi %mul3A_745, %add3A_746 : i32
        %get3A = arith.constant 0 : i32
        %get3A_748 = arith.index_cast %get3A : i32 to index
        %get3A_749 = arith.index_cast %add3A_747 : i32 to index
        %get3A_750 = tpu.vector_load %arg10[%get3A_748, %get3A_749] {strides = array<i32>} : memref<1x8192xf32, #tpu.memory_space<vmem>>, vector<16xf32>,
        %get3A_751 = arith.constant 0 : i32
        %get3A_752 = arith.index_cast %get3A_751 : i32 to index
        %get3A_753 = arith.index_cast %add3A_747 : i32 to index
        %get3A_754 = tpu.vector_load %arg14[%get3A_752, %get3A_753] {strides = array<i32>} : memref<1x8192xf32, #tpu.memory_space<vmem>>, vector<16xf32>,
        %mul3A_755 = arith.mulf %get3A_750, %get3A_754 : vector<16xf32>
        %add3A_756 = arith.addf %scan3A_740, %mul3A_755 : vector<16xf32>
        %add3A_757 = arith.constant 16 : i32
        %add3A_758 = arith.addi %mul3A_745, %add3A_757 : i32
        %get3A_759 = arith.constant 0 : i32
        %get3A_760 = arith.index_cast %get3A_759 : i32 to index
        %get3A_761 = arith.index_cast %add3A_758 : i32 to index
        %get3A_762 = tpu.vector_load %arg10[%get3A_760, %get3A_761] {strides = array<i32>} : memref<1x8192xf32, #tpu.memory_space<vmem>>, vector<16xf32>,
        %get3A_763 = arith.constant 0 : i32
        %get3A_764 = arith.index_cast %get3A_763 : i32 to index
        %get3A_765 = arith.index_cast %add3A_758 : i32 to index
        %get3A_766 = tpu.vector_load %arg14[%get3A_764, %get3A_765] {strides = array<i32>} : memref<1x8192xf32, #tpu.memory_space<vmem>>, vector<16xf32>,
        %mul3A_767 = arith.mulf %get3A_762, %get3A_766 : vector<16xf32>
        %add3A_768 = arith.addf %add3A_756, %mul3A_767 : vector<16xf32>
        %add3A_769 = arith.constant 32 : i32
        %add3A_770 = arith.addi %mul3A_745, %add3A_769 : i32
        %get3A_771 = arith.constant 0 : i32
        %get3A_772 = arith.index_cast %get3A_771 : i32 to index
        %get3A_773 = arith.index_cast %add3A_770 : i32 to index
        %get3A_774 = tpu.vector_load %arg10[%get3A_772, %get3A_773] {strides = array<i32>} : memref<1x8192xf32, #tpu.memory_space<vmem>>, vector<16xf32>,
        %get3A_775 = arith.constant 0 : i32
        %get3A_776 = arith.index_cast %get3A_775 : i32 to index
        %get3A_777 = arith.index_cast %add3A_770 : i32 to index
        %get3A_778 = tpu.vector_load %arg14[%get3A_776, %get3A_777] {strides = array<i32>} : memref<1x8192xf32, #tpu.memory_space<vmem>>, vector<16xf32>,
        %mul3A_779 = arith.mulf %get3A_774, %get3A_778 : vector<16xf32>
        %add3A_780 = arith.addf %add3A_768, %mul3A_779 : vector<16xf32>
        %add3A_781 = arith.constant 48 : i32
        %add3A_782 = arith.addi %mul3A_745, %add3A_781 : i32
        %get3A_783 = arith.constant 0 : i32
        %get3A_784 = arith.index_cast %get3A_783 : i32 to index
        %get3A_785 = arith.index_cast %add3A_782 : i32 to index
        %get3A_786 = tpu.vector_load %arg10[%get3A_784, %get3A_785] {strides = array<i32>} : memref<1x8192xf32, #tpu.memory_space<vmem>>, vector<16xf32>,
        %get3A_787 = arith.constant 0 : i32
        %get3A_788 = arith.index_cast %get3A_787 : i32 to index
        %get3A_789 = arith.index_cast %add3A_782 : i32 to index
        %get3A_790 = tpu.vector_load %arg14[%get3A_788, %get3A_789] {strides = array<i32>} : memref<1x8192xf32, #tpu.memory_space<vmem>>, vector<16xf32>,
        %mul3A_791 = arith.mulf %get3A_786, %get3A_790 : vector<16xf32>
        %add3A_792 = arith.addf %add3A_780, %mul3A_791 : vector<16xf32>
        %add3A_793 = arith.constant 64 : i32
        %add3A_794 = arith.addi %mul3A_745, %add3A_793 : i32
        %get3A_795 = arith.constant 0 : i32
        %get3A_796 = arith.index_cast %get3A_795 : i32 to index
        %get3A_797 = arith.index_cast %add3A_794 : i32 to index
        %get3A_798 = tpu.vector_load %arg10[%get3A_796, %get3A_797] {strides = array<i32>} : memref<1x8192xf32, #tpu.memory_space<vmem>>, vector<16xf32>,
        %get3A_799 = arith.constant 0 : i32
        %get3A_800 = arith.index_cast %get3A_799 : i32 to index
        %get3A_801 = arith.index_cast %add3A_794 : i32 to index
        %get3A_802 = tpu.vector_load %arg14[%get3A_800, %get3A_801] {strides = array<i32>} : memref<1x8192xf32, #tpu.memory_space<vmem>>, vector<16xf32>,
        %mul3A_803 = arith.mulf %get3A_798, %get3A_802 : vector<16xf32>
        %add3A_804 = arith.addf %scan3A_741, %mul3A_803 : vector<16xf32>
        %add3A_805 = arith.constant 80 : i32
        %add3A_806 = arith.addi %mul3A_745, %add3A_805 : i32
        %get3A_807 = arith.constant 0 : i32
        %get3A_808 = arith.index_cast %get3A_807 : i32 to index
        %get3A_809 = arith.index_cast %add3A_806 : i32 to index
        %get3A_810 = tpu.vector_load %arg10[%get3A_808, %get3A_809] {strides = array<i32>} : memref<1x8192xf32, #tpu.memory_space<vmem>>, vector<16xf32>,
        %get3A_811 = arith.constant 0 : i32
        %get3A_812 = arith.index_cast %get3A_811 : i32 to index
        %get3A_813 = arith.index_cast %add3A_806 : i32 to index
        %get3A_814 = tpu.vector_load %arg14[%get3A_812, %get3A_813] {strides = array<i32>} : memref<1x8192xf32, #tpu.memory_space<vmem>>, vector<16xf32>,
        %mul3A_815 = arith.mulf %get3A_810, %get3A_814 : vector<16xf32>
        %add3A_816 = arith.addf %add3A_804, %mul3A_815 : vector<16xf32>
        %add3A_817 = arith.constant 96 : i32
        %add3A_818 = arith.addi %mul3A_745, %add3A_817 : i32
        %get3A_819 = arith.constant 0 : i32
        %get3A_820 = arith.index_cast %get3A_819 : i32 to index
        %get3A_821 = arith.index_cast %add3A_818 : i32 to index
        %get3A_822 = tpu.vector_load %arg10[%get3A_820, %get3A_821] {strides = array<i32>} : memref<1x8192xf32, #tpu.memory_space<vmem>>, vector<16xf32>,
        %get3A_823 = arith.constant 0 : i32
        %get3A_824 = arith.index_cast %get3A_823 : i32 to index
        %get3A_825 = arith.index_cast %add3A_818 : i32 to index
        %get3A_826 = tpu.vector_load %arg14[%get3A_824, %get3A_825] {strides = array<i32>} : memref<1x8192xf32, #tpu.memory_space<vmem>>, vector<16xf32>,
        %mul3A_827 = arith.mulf %get3A_822, %get3A_826 : vector<16xf32>
        %add3A_828 = arith.addf %add3A_816, %mul3A_827 : vector<16xf32>
        %add3A_829 = arith.constant 112 : i32
        %add3A_830 = arith.addi %mul3A_745, %add3A_829 : i32
        %get3A_831 = arith.constant 0 : i32
        %get3A_832 = arith.index_cast %get3A_831 : i32 to index
        %get3A_833 = arith.index_cast %add3A_830 : i32 to index
        %get3A_834 = tpu.vector_load %arg10[%get3A_832, %get3A_833] {strides = array<i32>} : memref<1x8192xf32, #tpu.memory_space<vmem>>, vector<16xf32>,
        %get3A_835 = arith.constant 0 : i32
        %get3A_836 = arith.index_cast %get3A_835 : i32 to index
        %get3A_837 = arith.index_cast %add3A_830 : i32 to index
        %get3A_838 = tpu.vector_load %arg14[%get3A_836, %get3A_837] {strides = array<i32>} : memref<1x8192xf32, #tpu.memory_space<vmem>>, vector<16xf32>,
        %mul3A_839 = arith.mulf %get3A_834, %get3A_838 : vector<16xf32>
        %add3A_840 = arith.addf %add3A_828, %mul3A_839 : vector<16xf32>
        %add3A_841 = arith.constant 128 : i32
        %add3A_842 = arith.addi %mul3A_745, %add3A_841 : i32
        %get3A_843 = arith.constant 0 : i32
        %get3A_844 = arith.index_cast %get3A_843 : i32 to index
        %get3A_845 = arith.index_cast %add3A_842 : i32 to index
        %get3A_846 = tpu.vector_load %arg10[%get3A_844, %get3A_845] {strides = array<i32>} : memref<1x8192xf32, #tpu.memory_space<vmem>>, vector<16xf32>,
        %get3A_847 = arith.constant 0 : i32
        %get3A_848 = arith.index_cast %get3A_847 : i32 to index
        %get3A_849 = arith.index_cast %add3A_842 : i32 to index
        %get3A_850 = tpu.vector_load %arg14[%get3A_848, %get3A_849] {strides = array<i32>} : memref<1x8192xf32, #tpu.memory_space<vmem>>, vector<16xf32>,
        %mul3A_851 = arith.mulf %get3A_846, %get3A_850 : vector<16xf32>
        %add3A_852 = arith.addf %scan3A_742, %mul3A_851 : vector<16xf32>
        %add3A_853 = arith.constant 144 : i32
        %add3A_854 = arith.addi %mul3A_745, %add3A_853 : i32
        %get3A_855 = arith.constant 0 : i32
        %get3A_856 = arith.index_cast %get3A_855 : i32 to index
        %get3A_857 = arith.index_cast %add3A_854 : i32 to index
        %get3A_858 = tpu.vector_load %arg10[%get3A_856, %get3A_857] {strides = array<i32>} : memref<1x8192xf32, #tpu.memory_space<vmem>>, vector<16xf32>,
        %get3A_859 = arith.constant 0 : i32
        %get3A_860 = arith.index_cast %get3A_859 : i32 to index
        %get3A_861 = arith.index_cast %add3A_854 : i32 to index
        %get3A_862 = tpu.vector_load %arg14[%get3A_860, %get3A_861] {strides = array<i32>} : memref<1x8192xf32, #tpu.memory_space<vmem>>, vector<16xf32>,
        %mul3A_863 = arith.mulf %get3A_858, %get3A_862 : vector<16xf32>
        %add3A_864 = arith.addf %add3A_852, %mul3A_863 : vector<16xf32>
        %add3A_865 = arith.constant 160 : i32
        %add3A_866 = arith.addi %mul3A_745, %add3A_865 : i32
        %get3A_867 = arith.constant 0 : i32
        %get3A_868 = arith.index_cast %get3A_867 : i32 to index
        %get3A_869 = arith.index_cast %add3A_866 : i32 to index
        %get3A_870 = tpu.vector_load %arg10[%get3A_868, %get3A_869] {strides = array<i32>} : memref<1x8192xf32, #tpu.memory_space<vmem>>, vector<16xf32>,
        %get3A_871 = arith.constant 0 : i32
        %get3A_872 = arith.index_cast %get3A_871 : i32 to index
        %get3A_873 = arith.index_cast %add3A_866 : i32 to index
        %get3A_874 = tpu.vector_load %arg14[%get3A_872, %get3A_873] {strides = array<i32>} : memref<1x8192xf32, #tpu.memory_space<vmem>>, vector<16xf32>,
        %mul3A_875 = arith.mulf %get3A_870, %get3A_874 : vector<16xf32>
        %add3A_876 = arith.addf %add3A_864, %mul3A_875 : vector<16xf32>
        %add3A_877 = arith.constant 176 : i32
        %add3A_878 = arith.addi %mul3A_745, %add3A_877 : i32
        %get3A_879 = arith.constant 0 : i32
        %get3A_880 = arith.index_cast %get3A_879 : i32 to index
        %get3A_881 = arith.index_cast %add3A_878 : i32 to index
        %get3A_882 = tpu.vector_load %arg10[%get3A_880, %get3A_881] {strides = array<i32>} : memref<1x8192xf32, #tpu.memory_space<vmem>>, vector<16xf32>,
        %get3A_883 = arith.constant 0 : i32
        %get3A_884 = arith.index_cast %get3A_883 : i32 to index
        %get3A_885 = arith.index_cast %add3A_878 : i32 to index
        %get3A_886 = tpu.vector_load %arg14[%get3A_884, %get3A_885] {strides = array<i32>} : memref<1x8192xf32, #tpu.memory_space<vmem>>, vector<16xf32>,
        %mul3A_887 = arith.mulf %get3A_882, %get3A_886 : vector<16xf32>
        %add3A_888 = arith.addf %add3A_876, %mul3A_887 : vector<16xf32>
        %add3A_889 = arith.constant 192 : i32
        %add3A_890 = arith.addi %mul3A_745, %add3A_889 : i32
        %get3A_891 = arith.constant 0 : i32
        %get3A_892 = arith.index_cast %get3A_891 : i32 to index
        %get3A_893 = arith.index_cast %add3A_890 : i32 to index
        %get3A_894 = tpu.vector_load %arg10[%get3A_892, %get3A_893] {strides = array<i32>} : memref<1x8192xf32, #tpu.memory_space<vmem>>, vector<16xf32>,
        %get3A_895 = arith.constant 0 : i32
        %get3A_896 = arith.index_cast %get3A_895 : i32 to index
        %get3A_897 = arith.index_cast %add3A_890 : i32 to index
        %get3A_898 = tpu.vector_load %arg14[%get3A_896, %get3A_897] {strides = array<i32>} : memref<1x8192xf32, #tpu.memory_space<vmem>>, vector<16xf32>,
        %mul3A_899 = arith.mulf %get3A_894, %get3A_898 : vector<16xf32>
        %add3A_900 = arith.addf %scan3A_743, %mul3A_899 : vector<16xf32>
        %add3A_901 = arith.constant 208 : i32
        %add3A_902 = arith.addi %mul3A_745, %add3A_901 : i32
        %get3A_903 = arith.constant 0 : i32
        %get3A_904 = arith.index_cast %get3A_903 : i32 to index
        %get3A_905 = arith.index_cast %add3A_902 : i32 to index
        %get3A_906 = tpu.vector_load %arg10[%get3A_904, %get3A_905] {strides = array<i32>} : memref<1x8192xf32, #tpu.memory_space<vmem>>, vector<16xf32>,
        %get3A_907 = arith.constant 0 : i32
        %get3A_908 = arith.index_cast %get3A_907 : i32 to index
        %get3A_909 = arith.index_cast %add3A_902 : i32 to index
        %get3A_910 = tpu.vector_load %arg14[%get3A_908, %get3A_909] {strides = array<i32>} : memref<1x8192xf32, #tpu.memory_space<vmem>>, vector<16xf32>,
        %mul3A_911 = arith.mulf %get3A_906, %get3A_910 : vector<16xf32>
        %add3A_912 = arith.addf %add3A_900, %mul3A_911 : vector<16xf32>
        %add3A_913 = arith.constant 224 : i32
        %add3A_914 = arith.addi %mul3A_745, %add3A_913 : i32
        %get3A_915 = arith.constant 0 : i32
        %get3A_916 = arith.index_cast %get3A_915 : i32 to index
        %get3A_917 = arith.index_cast %add3A_914 : i32 to index
        %get3A_918 = tpu.vector_load %arg10[%get3A_916, %get3A_917] {strides = array<i32>} : memref<1x8192xf32, #tpu.memory_space<vmem>>, vector<16xf32>,
        %get3A_919 = arith.constant 0 : i32
        %get3A_920 = arith.index_cast %get3A_919 : i32 to index
        %get3A_921 = arith.index_cast %add3A_914 : i32 to index
        %get3A_922 = tpu.vector_load %arg14[%get3A_920, %get3A_921] {strides = array<i32>} : memref<1x8192xf32, #tpu.memory_space<vmem>>, vector<16xf32>,
        %mul3A_923 = arith.mulf %get3A_918, %get3A_922 : vector<16xf32>
        %add3A_924 = arith.addf %add3A_912, %mul3A_923 : vector<16xf32>
        %add3A_925 = arith.constant 240 : i32
        %add3A_926 = arith.addi %mul3A_745, %add3A_925 : i32
        %get3A_927 = arith.constant 0 : i32
        %get3A_928 = arith.index_cast %get3A_927 : i32 to index
        %get3A_929 = arith.index_cast %add3A_926 : i32 to index
        %get3A_930 = tpu.vector_load %arg10[%get3A_928, %get3A_929] {strides = array<i32>} : memref<1x8192xf32, #tpu.memory_space<vmem>>, vector<16xf32>,
        %get3A_931 = arith.constant 0 : i32
        %get3A_932 = arith.index_cast %get3A_931 : i32 to index
        %get3A_933 = arith.index_cast %add3A_926 : i32 to index
        %get3A_934 = tpu.vector_load %arg14[%get3A_932, %get3A_933] {strides = array<i32>} : memref<1x8192xf32, #tpu.memory_space<vmem>>, vector<16xf32>,
        %mul3A_935 = arith.mulf %get3A_930, %get3A_934 : vector<16xf32>
        %add3A_936 = arith.addf %add3A_924, %mul3A_935 : vector<16xf32>
        scf.yield %add3A_792, %add3A_840, %add3A_888, %add3A_936 : vector<16xf32>, vector<16xf32>, vector<16xf32>, vector<16xf32>
      }
      %scan3A_579 = arith.constant 32 : i32
      %add3A_580 = arith.addf %scan3A_578#0, %scan3A_578#1 : vector<16xf32>
      %add3A_581 = arith.addf %scan3A_578#2, %scan3A_578#3 : vector<16xf32>
      %add3A_582 = arith.addf %add3A_580, %add3A_581 : vector<16xf32>
      %swap3A_583 = arith.constant 13 : i32
      %swap3A_584 = arith.index_cast %swap3A_583 : i32 to index
      %swap3A_585 = arith.constant 0 : index
      %swap3A_586 = tpu.vector_load %arg18[%swap3A_584, %swap3A_585] {strides = array<i32>} : memref<16x16xf32, #tpu.memory_space<vmem>>, vector<16xf32>,
      tpu.vector_store %arg18[%swap3A_584, %swap3A_585], %add3A_582 {strides = array<i32>} : memref<16x16xf32, #tpu.memory_space<vmem>>, vector<16xf32>,
      %add3A_587 = arith.constant 4 : i32
      %add3A_588 = arith.addi %add3A_559, %add3A_587 : i32
      %lt3A_589 = arith.constant 128 : i32
      %lt3A_590 = arith.cmpi slt, %add3A_588, %lt3A_589 : i32
      %convert_element_type3A_591 = arith.extui %lt3A_590 : i1 to i32
      %cond3A_592 = arith.constant 0 : i32
      %cond3A_593 = arith.cmpi ne, %convert_element_type3A_591, %cond3A_592 : i32
      scf.if %cond3A_593 {
        %add3A_739 = arith.constant 4 : i32
        %add3A_740 = arith.addi %add3A_559, %add3A_739 : i32
        %dma_start3A_741 = arith.constant 0 : i32
        %dma_start3A_742 = tpu.memref_slice %arg7[%add3A_740, %dma_start3A_741] : memref<128x1xi32, #tpu.memory_space<vmem>> -> memref<1x1xi32, #tpu.memory_space<vmem>>
        %dma_start3A_743 = tpu.memref_squeeze %dma_start3A_742 : memref<1x1xi32, #tpu.memory_space<vmem>> -> memref<1xi32, #tpu.memory_space<vmem>>
        %dma_start3A_744 = arith.constant 0 : i32
        %dma_start3A_745 = arith.constant 0 : i32
        %dma_start3A_746 = tpu.memref_slice %arg4[%dma_start3A_744, %dma_start3A_745] : memref<10000x8192xf32, #tpu.memory_space<hbm>> -> memref<10000x8192xf32, #tpu.memory_space<hbm>>
        tpu.enqueue_indirect_dma source(%dma_start3A_746 : memref<10000x8192xf32, #tpu.memory_space<hbm>>) target(%arg10 : memref<1x8192xf32, #tpu.memory_space<vmem>>) offsets(%dma_start3A_743 : memref<1xi32, #tpu.memory_space<vmem>>) semaphore(%arg20 : memref<!tpu.dma_semaphore, #tpu.memory_space<semaphore_mem>>)
        %dma_start3A_747 = arith.constant 0 : i32
        %dma_start3A_748 = tpu.memref_slice %arg8[%add3A_740, %dma_start3A_747] : memref<128x1xi32, #tpu.memory_space<vmem>> -> memref<1x1xi32, #tpu.memory_space<vmem>>
        %dma_start3A_749 = tpu.memref_squeeze %dma_start3A_748 : memref<1x1xi32, #tpu.memory_space<vmem>> -> memref<1xi32, #tpu.memory_space<vmem>>
        %dma_start3A_750 = arith.constant 0 : i32
        %dma_start3A_751 = arith.constant 0 : i32
        %dma_start3A_752 = tpu.memref_slice %arg5[%dma_start3A_750, %dma_start3A_751] : memref<8192x8192xf32, #tpu.memory_space<hbm>> -> memref<8192x8192xf32, #tpu.memory_space<hbm>>
        tpu.enqueue_indirect_dma source(%dma_start3A_752 : memref<8192x8192xf32, #tpu.memory_space<hbm>>) target(%arg14 : memref<1x8192xf32, #tpu.memory_space<vmem>>) offsets(%dma_start3A_749 : memref<1xi32, #tpu.memory_space<vmem>>) semaphore(%arg24 : memref<!tpu.dma_semaphore, #tpu.memory_space<semaphore_mem>>)
      } else {
      }
      %mul3A_594 = arith.constant 16 : i32
      %mul3A_595 = arith.muli %scan3A_67, %mul3A_594 : i32
      %add3A_596 = arith.constant 14 : i32
      %add3A_597 = arith.addi %mul3A_595, %add3A_596 : i32
      %dma_wait3A_598 = arith.constant 0 : i32
      %dma_wait3A_599 = tpu.memref_slice %arg7[%add3A_597, %dma_wait3A_598] : memref<128x1xi32, #tpu.memory_space<vmem>> -> memref<1x1xi32, #tpu.memory_space<vmem>>
      %dma_wait3A_600 = tpu.memref_squeeze %dma_wait3A_599 : memref<1x1xi32, #tpu.memory_space<vmem>> -> memref<1xi32, #tpu.memory_space<vmem>>
      %dma_wait3A_601 = arith.constant 0 : i32
      %dma_wait3A_602 = arith.constant 0 : i32
      %dma_wait3A_603 = tpu.memref_slice %arg4[%dma_wait3A_601, %dma_wait3A_602] : memref<10000x8192xf32, #tpu.memory_space<hbm>> -> memref<10000x8192xf32, #tpu.memory_space<hbm>>
      tpu.wait_indirect_dma semaphore(%arg21 : memref<!tpu.dma_semaphore, #tpu.memory_space<semaphore_mem>>) src(%dma_wait3A_603 : memref<10000x8192xf32, #tpu.memory_space<hbm>>) dst(%arg11 : memref<1x8192xf32, #tpu.memory_space<vmem>>)
      %dma_wait3A_604 = arith.constant 0 : i32
      %dma_wait3A_605 = tpu.memref_slice %arg8[%add3A_597, %dma_wait3A_604] : memref<128x1xi32, #tpu.memory_space<vmem>> -> memref<1x1xi32, #tpu.memory_space<vmem>>
      %dma_wait3A_606 = tpu.memref_squeeze %dma_wait3A_605 : memref<1x1xi32, #tpu.memory_space<vmem>> -> memref<1xi32, #tpu.memory_space<vmem>>
      %dma_wait3A_607 = arith.constant 0 : i32
      %dma_wait3A_608 = arith.constant 0 : i32
      %dma_wait3A_609 = tpu.memref_slice %arg5[%dma_wait3A_607, %dma_wait3A_608] : memref<8192x8192xf32, #tpu.memory_space<hbm>> -> memref<8192x8192xf32, #tpu.memory_space<hbm>>
      tpu.wait_indirect_dma semaphore(%arg25 : memref<!tpu.dma_semaphore, #tpu.memory_space<semaphore_mem>>) src(%dma_wait3A_609 : memref<8192x8192xf32, #tpu.memory_space<hbm>>) dst(%arg15 : memref<1x8192xf32, #tpu.memory_space<vmem>>)
      %broadcast_in_dim3A_610 = arith.constant 0.000000e+00 : f32
      %broadcast_in_dim3A_611 = vector.broadcast %broadcast_in_dim3A_610 : f32 to vector<16xf32>
      %scan3A_612 = arith.constant 0 : i32
      %scan3A_613 = arith.constant 32 : i32
      %scan3A_614 = arith.addi %scan3A_612, %scan3A_613 : i32
      %scan3A_615 = arith.constant 1 : i32
      %scan3A_616:4 = scf.for %scan3A_739 = %scan3A_612 to %scan3A_614 step %scan3A_615 iter_args(%scan3A_740 = %broadcast_in_dim3A_611, %scan3A_741 = %broadcast_in_dim3A_611, %scan3A_742 = %broadcast_in_dim3A_611, %scan3A_743 = %broadcast_in_dim3A_611) -> (vector<16xf32>, vector<16xf32>, vector<16xf32>, vector<16xf32>)  : i32 {
        %mul3A_744 = arith.constant 256 : i32
        %mul3A_745 = arith.muli %scan3A_739, %mul3A_744 : i32
        %add3A_746 = arith.constant 0 : i32
        %add3A_747 = arith.addi %mul3A_745, %add3A_746 : i32
        %get3A = arith.constant 0 : i32
        %get3A_748 = arith.index_cast %get3A : i32 to index
        %get3A_749 = arith.index_cast %add3A_747 : i32 to index
        %get3A_750 = tpu.vector_load %arg11[%get3A_748, %get3A_749] {strides = array<i32>} : memref<1x8192xf32, #tpu.memory_space<vmem>>, vector<16xf32>,
        %get3A_751 = arith.constant 0 : i32
        %get3A_752 = arith.index_cast %get3A_751 : i32 to index
        %get3A_753 = arith.index_cast %add3A_747 : i32 to index
        %get3A_754 = tpu.vector_load %arg15[%get3A_752, %get3A_753] {strides = array<i32>} : memref<1x8192xf32, #tpu.memory_space<vmem>>, vector<16xf32>,
        %mul3A_755 = arith.mulf %get3A_750, %get3A_754 : vector<16xf32>
        %add3A_756 = arith.addf %scan3A_740, %mul3A_755 : vector<16xf32>
        %add3A_757 = arith.constant 16 : i32
        %add3A_758 = arith.addi %mul3A_745, %add3A_757 : i32
        %get3A_759 = arith.constant 0 : i32
        %get3A_760 = arith.index_cast %get3A_759 : i32 to index
        %get3A_761 = arith.index_cast %add3A_758 : i32 to index
        %get3A_762 = tpu.vector_load %arg11[%get3A_760, %get3A_761] {strides = array<i32>} : memref<1x8192xf32, #tpu.memory_space<vmem>>, vector<16xf32>,
        %get3A_763 = arith.constant 0 : i32
        %get3A_764 = arith.index_cast %get3A_763 : i32 to index
        %get3A_765 = arith.index_cast %add3A_758 : i32 to index
        %get3A_766 = tpu.vector_load %arg15[%get3A_764, %get3A_765] {strides = array<i32>} : memref<1x8192xf32, #tpu.memory_space<vmem>>, vector<16xf32>,
        %mul3A_767 = arith.mulf %get3A_762, %get3A_766 : vector<16xf32>
        %add3A_768 = arith.addf %add3A_756, %mul3A_767 : vector<16xf32>
        %add3A_769 = arith.constant 32 : i32
        %add3A_770 = arith.addi %mul3A_745, %add3A_769 : i32
        %get3A_771 = arith.constant 0 : i32
        %get3A_772 = arith.index_cast %get3A_771 : i32 to index
        %get3A_773 = arith.index_cast %add3A_770 : i32 to index
        %get3A_774 = tpu.vector_load %arg11[%get3A_772, %get3A_773] {strides = array<i32>} : memref<1x8192xf32, #tpu.memory_space<vmem>>, vector<16xf32>,
        %get3A_775 = arith.constant 0 : i32
        %get3A_776 = arith.index_cast %get3A_775 : i32 to index
        %get3A_777 = arith.index_cast %add3A_770 : i32 to index
        %get3A_778 = tpu.vector_load %arg15[%get3A_776, %get3A_777] {strides = array<i32>} : memref<1x8192xf32, #tpu.memory_space<vmem>>, vector<16xf32>,
        %mul3A_779 = arith.mulf %get3A_774, %get3A_778 : vector<16xf32>
        %add3A_780 = arith.addf %add3A_768, %mul3A_779 : vector<16xf32>
        %add3A_781 = arith.constant 48 : i32
        %add3A_782 = arith.addi %mul3A_745, %add3A_781 : i32
        %get3A_783 = arith.constant 0 : i32
        %get3A_784 = arith.index_cast %get3A_783 : i32 to index
        %get3A_785 = arith.index_cast %add3A_782 : i32 to index
        %get3A_786 = tpu.vector_load %arg11[%get3A_784, %get3A_785] {strides = array<i32>} : memref<1x8192xf32, #tpu.memory_space<vmem>>, vector<16xf32>,
        %get3A_787 = arith.constant 0 : i32
        %get3A_788 = arith.index_cast %get3A_787 : i32 to index
        %get3A_789 = arith.index_cast %add3A_782 : i32 to index
        %get3A_790 = tpu.vector_load %arg15[%get3A_788, %get3A_789] {strides = array<i32>} : memref<1x8192xf32, #tpu.memory_space<vmem>>, vector<16xf32>,
        %mul3A_791 = arith.mulf %get3A_786, %get3A_790 : vector<16xf32>
        %add3A_792 = arith.addf %add3A_780, %mul3A_791 : vector<16xf32>
        %add3A_793 = arith.constant 64 : i32
        %add3A_794 = arith.addi %mul3A_745, %add3A_793 : i32
        %get3A_795 = arith.constant 0 : i32
        %get3A_796 = arith.index_cast %get3A_795 : i32 to index
        %get3A_797 = arith.index_cast %add3A_794 : i32 to index
        %get3A_798 = tpu.vector_load %arg11[%get3A_796, %get3A_797] {strides = array<i32>} : memref<1x8192xf32, #tpu.memory_space<vmem>>, vector<16xf32>,
        %get3A_799 = arith.constant 0 : i32
        %get3A_800 = arith.index_cast %get3A_799 : i32 to index
        %get3A_801 = arith.index_cast %add3A_794 : i32 to index
        %get3A_802 = tpu.vector_load %arg15[%get3A_800, %get3A_801] {strides = array<i32>} : memref<1x8192xf32, #tpu.memory_space<vmem>>, vector<16xf32>,
        %mul3A_803 = arith.mulf %get3A_798, %get3A_802 : vector<16xf32>
        %add3A_804 = arith.addf %scan3A_741, %mul3A_803 : vector<16xf32>
        %add3A_805 = arith.constant 80 : i32
        %add3A_806 = arith.addi %mul3A_745, %add3A_805 : i32
        %get3A_807 = arith.constant 0 : i32
        %get3A_808 = arith.index_cast %get3A_807 : i32 to index
        %get3A_809 = arith.index_cast %add3A_806 : i32 to index
        %get3A_810 = tpu.vector_load %arg11[%get3A_808, %get3A_809] {strides = array<i32>} : memref<1x8192xf32, #tpu.memory_space<vmem>>, vector<16xf32>,
        %get3A_811 = arith.constant 0 : i32
        %get3A_812 = arith.index_cast %get3A_811 : i32 to index
        %get3A_813 = arith.index_cast %add3A_806 : i32 to index
        %get3A_814 = tpu.vector_load %arg15[%get3A_812, %get3A_813] {strides = array<i32>} : memref<1x8192xf32, #tpu.memory_space<vmem>>, vector<16xf32>,
        %mul3A_815 = arith.mulf %get3A_810, %get3A_814 : vector<16xf32>
        %add3A_816 = arith.addf %add3A_804, %mul3A_815 : vector<16xf32>
        %add3A_817 = arith.constant 96 : i32
        %add3A_818 = arith.addi %mul3A_745, %add3A_817 : i32
        %get3A_819 = arith.constant 0 : i32
        %get3A_820 = arith.index_cast %get3A_819 : i32 to index
        %get3A_821 = arith.index_cast %add3A_818 : i32 to index
        %get3A_822 = tpu.vector_load %arg11[%get3A_820, %get3A_821] {strides = array<i32>} : memref<1x8192xf32, #tpu.memory_space<vmem>>, vector<16xf32>,
        %get3A_823 = arith.constant 0 : i32
        %get3A_824 = arith.index_cast %get3A_823 : i32 to index
        %get3A_825 = arith.index_cast %add3A_818 : i32 to index
        %get3A_826 = tpu.vector_load %arg15[%get3A_824, %get3A_825] {strides = array<i32>} : memref<1x8192xf32, #tpu.memory_space<vmem>>, vector<16xf32>,
        %mul3A_827 = arith.mulf %get3A_822, %get3A_826 : vector<16xf32>
        %add3A_828 = arith.addf %add3A_816, %mul3A_827 : vector<16xf32>
        %add3A_829 = arith.constant 112 : i32
        %add3A_830 = arith.addi %mul3A_745, %add3A_829 : i32
        %get3A_831 = arith.constant 0 : i32
        %get3A_832 = arith.index_cast %get3A_831 : i32 to index
        %get3A_833 = arith.index_cast %add3A_830 : i32 to index
        %get3A_834 = tpu.vector_load %arg11[%get3A_832, %get3A_833] {strides = array<i32>} : memref<1x8192xf32, #tpu.memory_space<vmem>>, vector<16xf32>,
        %get3A_835 = arith.constant 0 : i32
        %get3A_836 = arith.index_cast %get3A_835 : i32 to index
        %get3A_837 = arith.index_cast %add3A_830 : i32 to index
        %get3A_838 = tpu.vector_load %arg15[%get3A_836, %get3A_837] {strides = array<i32>} : memref<1x8192xf32, #tpu.memory_space<vmem>>, vector<16xf32>,
        %mul3A_839 = arith.mulf %get3A_834, %get3A_838 : vector<16xf32>
        %add3A_840 = arith.addf %add3A_828, %mul3A_839 : vector<16xf32>
        %add3A_841 = arith.constant 128 : i32
        %add3A_842 = arith.addi %mul3A_745, %add3A_841 : i32
        %get3A_843 = arith.constant 0 : i32
        %get3A_844 = arith.index_cast %get3A_843 : i32 to index
        %get3A_845 = arith.index_cast %add3A_842 : i32 to index
        %get3A_846 = tpu.vector_load %arg11[%get3A_844, %get3A_845] {strides = array<i32>} : memref<1x8192xf32, #tpu.memory_space<vmem>>, vector<16xf32>,
        %get3A_847 = arith.constant 0 : i32
        %get3A_848 = arith.index_cast %get3A_847 : i32 to index
        %get3A_849 = arith.index_cast %add3A_842 : i32 to index
        %get3A_850 = tpu.vector_load %arg15[%get3A_848, %get3A_849] {strides = array<i32>} : memref<1x8192xf32, #tpu.memory_space<vmem>>, vector<16xf32>,
        %mul3A_851 = arith.mulf %get3A_846, %get3A_850 : vector<16xf32>
        %add3A_852 = arith.addf %scan3A_742, %mul3A_851 : vector<16xf32>
        %add3A_853 = arith.constant 144 : i32
        %add3A_854 = arith.addi %mul3A_745, %add3A_853 : i32
        %get3A_855 = arith.constant 0 : i32
        %get3A_856 = arith.index_cast %get3A_855 : i32 to index
        %get3A_857 = arith.index_cast %add3A_854 : i32 to index
        %get3A_858 = tpu.vector_load %arg11[%get3A_856, %get3A_857] {strides = array<i32>} : memref<1x8192xf32, #tpu.memory_space<vmem>>, vector<16xf32>,
        %get3A_859 = arith.constant 0 : i32
        %get3A_860 = arith.index_cast %get3A_859 : i32 to index
        %get3A_861 = arith.index_cast %add3A_854 : i32 to index
        %get3A_862 = tpu.vector_load %arg15[%get3A_860, %get3A_861] {strides = array<i32>} : memref<1x8192xf32, #tpu.memory_space<vmem>>, vector<16xf32>,
        %mul3A_863 = arith.mulf %get3A_858, %get3A_862 : vector<16xf32>
        %add3A_864 = arith.addf %add3A_852, %mul3A_863 : vector<16xf32>
        %add3A_865 = arith.constant 160 : i32
        %add3A_866 = arith.addi %mul3A_745, %add3A_865 : i32
        %get3A_867 = arith.constant 0 : i32
        %get3A_868 = arith.index_cast %get3A_867 : i32 to index
        %get3A_869 = arith.index_cast %add3A_866 : i32 to index
        %get3A_870 = tpu.vector_load %arg11[%get3A_868, %get3A_869] {strides = array<i32>} : memref<1x8192xf32, #tpu.memory_space<vmem>>, vector<16xf32>,
        %get3A_871 = arith.constant 0 : i32
        %get3A_872 = arith.index_cast %get3A_871 : i32 to index
        %get3A_873 = arith.index_cast %add3A_866 : i32 to index
        %get3A_874 = tpu.vector_load %arg15[%get3A_872, %get3A_873] {strides = array<i32>} : memref<1x8192xf32, #tpu.memory_space<vmem>>, vector<16xf32>,
        %mul3A_875 = arith.mulf %get3A_870, %get3A_874 : vector<16xf32>
        %add3A_876 = arith.addf %add3A_864, %mul3A_875 : vector<16xf32>
        %add3A_877 = arith.constant 176 : i32
        %add3A_878 = arith.addi %mul3A_745, %add3A_877 : i32
        %get3A_879 = arith.constant 0 : i32
        %get3A_880 = arith.index_cast %get3A_879 : i32 to index
        %get3A_881 = arith.index_cast %add3A_878 : i32 to index
        %get3A_882 = tpu.vector_load %arg11[%get3A_880, %get3A_881] {strides = array<i32>} : memref<1x8192xf32, #tpu.memory_space<vmem>>, vector<16xf32>,
        %get3A_883 = arith.constant 0 : i32
        %get3A_884 = arith.index_cast %get3A_883 : i32 to index
        %get3A_885 = arith.index_cast %add3A_878 : i32 to index
        %get3A_886 = tpu.vector_load %arg15[%get3A_884, %get3A_885] {strides = array<i32>} : memref<1x8192xf32, #tpu.memory_space<vmem>>, vector<16xf32>,
        %mul3A_887 = arith.mulf %get3A_882, %get3A_886 : vector<16xf32>
        %add3A_888 = arith.addf %add3A_876, %mul3A_887 : vector<16xf32>
        %add3A_889 = arith.constant 192 : i32
        %add3A_890 = arith.addi %mul3A_745, %add3A_889 : i32
        %get3A_891 = arith.constant 0 : i32
        %get3A_892 = arith.index_cast %get3A_891 : i32 to index
        %get3A_893 = arith.index_cast %add3A_890 : i32 to index
        %get3A_894 = tpu.vector_load %arg11[%get3A_892, %get3A_893] {strides = array<i32>} : memref<1x8192xf32, #tpu.memory_space<vmem>>, vector<16xf32>,
        %get3A_895 = arith.constant 0 : i32
        %get3A_896 = arith.index_cast %get3A_895 : i32 to index
        %get3A_897 = arith.index_cast %add3A_890 : i32 to index
        %get3A_898 = tpu.vector_load %arg15[%get3A_896, %get3A_897] {strides = array<i32>} : memref<1x8192xf32, #tpu.memory_space<vmem>>, vector<16xf32>,
        %mul3A_899 = arith.mulf %get3A_894, %get3A_898 : vector<16xf32>
        %add3A_900 = arith.addf %scan3A_743, %mul3A_899 : vector<16xf32>
        %add3A_901 = arith.constant 208 : i32
        %add3A_902 = arith.addi %mul3A_745, %add3A_901 : i32
        %get3A_903 = arith.constant 0 : i32
        %get3A_904 = arith.index_cast %get3A_903 : i32 to index
        %get3A_905 = arith.index_cast %add3A_902 : i32 to index
        %get3A_906 = tpu.vector_load %arg11[%get3A_904, %get3A_905] {strides = array<i32>} : memref<1x8192xf32, #tpu.memory_space<vmem>>, vector<16xf32>,
        %get3A_907 = arith.constant 0 : i32
        %get3A_908 = arith.index_cast %get3A_907 : i32 to index
        %get3A_909 = arith.index_cast %add3A_902 : i32 to index
        %get3A_910 = tpu.vector_load %arg15[%get3A_908, %get3A_909] {strides = array<i32>} : memref<1x8192xf32, #tpu.memory_space<vmem>>, vector<16xf32>,
        %mul3A_911 = arith.mulf %get3A_906, %get3A_910 : vector<16xf32>
        %add3A_912 = arith.addf %add3A_900, %mul3A_911 : vector<16xf32>
        %add3A_913 = arith.constant 224 : i32
        %add3A_914 = arith.addi %mul3A_745, %add3A_913 : i32
        %get3A_915 = arith.constant 0 : i32
        %get3A_916 = arith.index_cast %get3A_915 : i32 to index
        %get3A_917 = arith.index_cast %add3A_914 : i32 to index
        %get3A_918 = tpu.vector_load %arg11[%get3A_916, %get3A_917] {strides = array<i32>} : memref<1x8192xf32, #tpu.memory_space<vmem>>, vector<16xf32>,
        %get3A_919 = arith.constant 0 : i32
        %get3A_920 = arith.index_cast %get3A_919 : i32 to index
        %get3A_921 = arith.index_cast %add3A_914 : i32 to index
        %get3A_922 = tpu.vector_load %arg15[%get3A_920, %get3A_921] {strides = array<i32>} : memref<1x8192xf32, #tpu.memory_space<vmem>>, vector<16xf32>,
        %mul3A_923 = arith.mulf %get3A_918, %get3A_922 : vector<16xf32>
        %add3A_924 = arith.addf %add3A_912, %mul3A_923 : vector<16xf32>
        %add3A_925 = arith.constant 240 : i32
        %add3A_926 = arith.addi %mul3A_745, %add3A_925 : i32
        %get3A_927 = arith.constant 0 : i32
        %get3A_928 = arith.index_cast %get3A_927 : i32 to index
        %get3A_929 = arith.index_cast %add3A_926 : i32 to index
        %get3A_930 = tpu.vector_load %arg11[%get3A_928, %get3A_929] {strides = array<i32>} : memref<1x8192xf32, #tpu.memory_space<vmem>>, vector<16xf32>,
        %get3A_931 = arith.constant 0 : i32
        %get3A_932 = arith.index_cast %get3A_931 : i32 to index
        %get3A_933 = arith.index_cast %add3A_926 : i32 to index
        %get3A_934 = tpu.vector_load %arg15[%get3A_932, %get3A_933] {strides = array<i32>} : memref<1x8192xf32, #tpu.memory_space<vmem>>, vector<16xf32>,
        %mul3A_935 = arith.mulf %get3A_930, %get3A_934 : vector<16xf32>
        %add3A_936 = arith.addf %add3A_924, %mul3A_935 : vector<16xf32>
        scf.yield %add3A_792, %add3A_840, %add3A_888, %add3A_936 : vector<16xf32>, vector<16xf32>, vector<16xf32>, vector<16xf32>
      }
      %scan3A_617 = arith.constant 32 : i32
      %add3A_618 = arith.addf %scan3A_616#0, %scan3A_616#1 : vector<16xf32>
      %add3A_619 = arith.addf %scan3A_616#2, %scan3A_616#3 : vector<16xf32>
      %add3A_620 = arith.addf %add3A_618, %add3A_619 : vector<16xf32>
      %swap3A_621 = arith.constant 14 : i32
      %swap3A_622 = arith.index_cast %swap3A_621 : i32 to index
      %swap3A_623 = arith.constant 0 : index
      %swap3A_624 = tpu.vector_load %arg18[%swap3A_622, %swap3A_623] {strides = array<i32>} : memref<16x16xf32, #tpu.memory_space<vmem>>, vector<16xf32>,
      tpu.vector_store %arg18[%swap3A_622, %swap3A_623], %add3A_620 {strides = array<i32>} : memref<16x16xf32, #tpu.memory_space<vmem>>, vector<16xf32>,
      %add3A_625 = arith.constant 4 : i32
      %add3A_626 = arith.addi %add3A_597, %add3A_625 : i32
      %lt3A_627 = arith.constant 128 : i32
      %lt3A_628 = arith.cmpi slt, %add3A_626, %lt3A_627 : i32
      %convert_element_type3A_629 = arith.extui %lt3A_628 : i1 to i32
      %cond3A_630 = arith.constant 0 : i32
      %cond3A_631 = arith.cmpi ne, %convert_element_type3A_629, %cond3A_630 : i32
      scf.if %cond3A_631 {
        %add3A_739 = arith.constant 4 : i32
        %add3A_740 = arith.addi %add3A_597, %add3A_739 : i32
        %dma_start3A_741 = arith.constant 0 : i32
        %dma_start3A_742 = tpu.memref_slice %arg7[%add3A_740, %dma_start3A_741] : memref<128x1xi32, #tpu.memory_space<vmem>> -> memref<1x1xi32, #tpu.memory_space<vmem>>
        %dma_start3A_743 = tpu.memref_squeeze %dma_start3A_742 : memref<1x1xi32, #tpu.memory_space<vmem>> -> memref<1xi32, #tpu.memory_space<vmem>>
        %dma_start3A_744 = arith.constant 0 : i32
        %dma_start3A_745 = arith.constant 0 : i32
        %dma_start3A_746 = tpu.memref_slice %arg4[%dma_start3A_744, %dma_start3A_745] : memref<10000x8192xf32, #tpu.memory_space<hbm>> -> memref<10000x8192xf32, #tpu.memory_space<hbm>>
        tpu.enqueue_indirect_dma source(%dma_start3A_746 : memref<10000x8192xf32, #tpu.memory_space<hbm>>) target(%arg11 : memref<1x8192xf32, #tpu.memory_space<vmem>>) offsets(%dma_start3A_743 : memref<1xi32, #tpu.memory_space<vmem>>) semaphore(%arg21 : memref<!tpu.dma_semaphore, #tpu.memory_space<semaphore_mem>>)
        %dma_start3A_747 = arith.constant 0 : i32
        %dma_start3A_748 = tpu.memref_slice %arg8[%add3A_740, %dma_start3A_747] : memref<128x1xi32, #tpu.memory_space<vmem>> -> memref<1x1xi32, #tpu.memory_space<vmem>>
        %dma_start3A_749 = tpu.memref_squeeze %dma_start3A_748 : memref<1x1xi32, #tpu.memory_space<vmem>> -> memref<1xi32, #tpu.memory_space<vmem>>
        %dma_start3A_750 = arith.constant 0 : i32
        %dma_start3A_751 = arith.constant 0 : i32
        %dma_start3A_752 = tpu.memref_slice %arg5[%dma_start3A_750, %dma_start3A_751] : memref<8192x8192xf32, #tpu.memory_space<hbm>> -> memref<8192x8192xf32, #tpu.memory_space<hbm>>
        tpu.enqueue_indirect_dma source(%dma_start3A_752 : memref<8192x8192xf32, #tpu.memory_space<hbm>>) target(%arg15 : memref<1x8192xf32, #tpu.memory_space<vmem>>) offsets(%dma_start3A_749 : memref<1xi32, #tpu.memory_space<vmem>>) semaphore(%arg25 : memref<!tpu.dma_semaphore, #tpu.memory_space<semaphore_mem>>)
      } else {
      }
      %mul3A_632 = arith.constant 16 : i32
      %mul3A_633 = arith.muli %scan3A_67, %mul3A_632 : i32
      %add3A_634 = arith.constant 15 : i32
      %add3A_635 = arith.addi %mul3A_633, %add3A_634 : i32
      %dma_wait3A_636 = arith.constant 0 : i32
      %dma_wait3A_637 = tpu.memref_slice %arg7[%add3A_635, %dma_wait3A_636] : memref<128x1xi32, #tpu.memory_space<vmem>> -> memref<1x1xi32, #tpu.memory_space<vmem>>
      %dma_wait3A_638 = tpu.memref_squeeze %dma_wait3A_637 : memref<1x1xi32, #tpu.memory_space<vmem>> -> memref<1xi32, #tpu.memory_space<vmem>>
      %dma_wait3A_639 = arith.constant 0 : i32
      %dma_wait3A_640 = arith.constant 0 : i32
      %dma_wait3A_641 = tpu.memref_slice %arg4[%dma_wait3A_639, %dma_wait3A_640] : memref<10000x8192xf32, #tpu.memory_space<hbm>> -> memref<10000x8192xf32, #tpu.memory_space<hbm>>
      tpu.wait_indirect_dma semaphore(%arg22 : memref<!tpu.dma_semaphore, #tpu.memory_space<semaphore_mem>>) src(%dma_wait3A_641 : memref<10000x8192xf32, #tpu.memory_space<hbm>>) dst(%arg12 : memref<1x8192xf32, #tpu.memory_space<vmem>>)
      %dma_wait3A_642 = arith.constant 0 : i32
      %dma_wait3A_643 = tpu.memref_slice %arg8[%add3A_635, %dma_wait3A_642] : memref<128x1xi32, #tpu.memory_space<vmem>> -> memref<1x1xi32, #tpu.memory_space<vmem>>
      %dma_wait3A_644 = tpu.memref_squeeze %dma_wait3A_643 : memref<1x1xi32, #tpu.memory_space<vmem>> -> memref<1xi32, #tpu.memory_space<vmem>>
      %dma_wait3A_645 = arith.constant 0 : i32
      %dma_wait3A_646 = arith.constant 0 : i32
      %dma_wait3A_647 = tpu.memref_slice %arg5[%dma_wait3A_645, %dma_wait3A_646] : memref<8192x8192xf32, #tpu.memory_space<hbm>> -> memref<8192x8192xf32, #tpu.memory_space<hbm>>
      tpu.wait_indirect_dma semaphore(%arg26 : memref<!tpu.dma_semaphore, #tpu.memory_space<semaphore_mem>>) src(%dma_wait3A_647 : memref<8192x8192xf32, #tpu.memory_space<hbm>>) dst(%arg16 : memref<1x8192xf32, #tpu.memory_space<vmem>>)
      %broadcast_in_dim3A_648 = arith.constant 0.000000e+00 : f32
      %broadcast_in_dim3A_649 = vector.broadcast %broadcast_in_dim3A_648 : f32 to vector<16xf32>
      %scan3A_650 = arith.constant 0 : i32
      %scan3A_651 = arith.constant 32 : i32
      %scan3A_652 = arith.addi %scan3A_650, %scan3A_651 : i32
      %scan3A_653 = arith.constant 1 : i32
      %scan3A_654:4 = scf.for %scan3A_739 = %scan3A_650 to %scan3A_652 step %scan3A_653 iter_args(%scan3A_740 = %broadcast_in_dim3A_649, %scan3A_741 = %broadcast_in_dim3A_649, %scan3A_742 = %broadcast_in_dim3A_649, %scan3A_743 = %broadcast_in_dim3A_649) -> (vector<16xf32>, vector<16xf32>, vector<16xf32>, vector<16xf32>)  : i32 {
        %mul3A_744 = arith.constant 256 : i32
        %mul3A_745 = arith.muli %scan3A_739, %mul3A_744 : i32
        %add3A_746 = arith.constant 0 : i32
        %add3A_747 = arith.addi %mul3A_745, %add3A_746 : i32
        %get3A = arith.constant 0 : i32
        %get3A_748 = arith.index_cast %get3A : i32 to index
        %get3A_749 = arith.index_cast %add3A_747 : i32 to index
        %get3A_750 = tpu.vector_load %arg12[%get3A_748, %get3A_749] {strides = array<i32>} : memref<1x8192xf32, #tpu.memory_space<vmem>>, vector<16xf32>,
        %get3A_751 = arith.constant 0 : i32
        %get3A_752 = arith.index_cast %get3A_751 : i32 to index
        %get3A_753 = arith.index_cast %add3A_747 : i32 to index
        %get3A_754 = tpu.vector_load %arg16[%get3A_752, %get3A_753] {strides = array<i32>} : memref<1x8192xf32, #tpu.memory_space<vmem>>, vector<16xf32>,
        %mul3A_755 = arith.mulf %get3A_750, %get3A_754 : vector<16xf32>
        %add3A_756 = arith.addf %scan3A_740, %mul3A_755 : vector<16xf32>
        %add3A_757 = arith.constant 16 : i32
        %add3A_758 = arith.addi %mul3A_745, %add3A_757 : i32
        %get3A_759 = arith.constant 0 : i32
        %get3A_760 = arith.index_cast %get3A_759 : i32 to index
        %get3A_761 = arith.index_cast %add3A_758 : i32 to index
        %get3A_762 = tpu.vector_load %arg12[%get3A_760, %get3A_761] {strides = array<i32>} : memref<1x8192xf32, #tpu.memory_space<vmem>>, vector<16xf32>,
        %get3A_763 = arith.constant 0 : i32
        %get3A_764 = arith.index_cast %get3A_763 : i32 to index
        %get3A_765 = arith.index_cast %add3A_758 : i32 to index
        %get3A_766 = tpu.vector_load %arg16[%get3A_764, %get3A_765] {strides = array<i32>} : memref<1x8192xf32, #tpu.memory_space<vmem>>, vector<16xf32>,
        %mul3A_767 = arith.mulf %get3A_762, %get3A_766 : vector<16xf32>
        %add3A_768 = arith.addf %add3A_756, %mul3A_767 : vector<16xf32>
        %add3A_769 = arith.constant 32 : i32
        %add3A_770 = arith.addi %mul3A_745, %add3A_769 : i32
        %get3A_771 = arith.constant 0 : i32
        %get3A_772 = arith.index_cast %get3A_771 : i32 to index
        %get3A_773 = arith.index_cast %add3A_770 : i32 to index
        %get3A_774 = tpu.vector_load %arg12[%get3A_772, %get3A_773] {strides = array<i32>} : memref<1x8192xf32, #tpu.memory_space<vmem>>, vector<16xf32>,
        %get3A_775 = arith.constant 0 : i32
        %get3A_776 = arith.index_cast %get3A_775 : i32 to index
        %get3A_777 = arith.index_cast %add3A_770 : i32 to index
        %get3A_778 = tpu.vector_load %arg16[%get3A_776, %get3A_777] {strides = array<i32>} : memref<1x8192xf32, #tpu.memory_space<vmem>>, vector<16xf32>,
        %mul3A_779 = arith.mulf %get3A_774, %get3A_778 : vector<16xf32>
        %add3A_780 = arith.addf %add3A_768, %mul3A_779 : vector<16xf32>
        %add3A_781 = arith.constant 48 : i32
        %add3A_782 = arith.addi %mul3A_745, %add3A_781 : i32
        %get3A_783 = arith.constant 0 : i32
        %get3A_784 = arith.index_cast %get3A_783 : i32 to index
        %get3A_785 = arith.index_cast %add3A_782 : i32 to index
        %get3A_786 = tpu.vector_load %arg12[%get3A_784, %get3A_785] {strides = array<i32>} : memref<1x8192xf32, #tpu.memory_space<vmem>>, vector<16xf32>,
        %get3A_787 = arith.constant 0 : i32
        %get3A_788 = arith.index_cast %get3A_787 : i32 to index
        %get3A_789 = arith.index_cast %add3A_782 : i32 to index
        %get3A_790 = tpu.vector_load %arg16[%get3A_788, %get3A_789] {strides = array<i32>} : memref<1x8192xf32, #tpu.memory_space<vmem>>, vector<16xf32>,
        %mul3A_791 = arith.mulf %get3A_786, %get3A_790 : vector<16xf32>
        %add3A_792 = arith.addf %add3A_780, %mul3A_791 : vector<16xf32>
        %add3A_793 = arith.constant 64 : i32
        %add3A_794 = arith.addi %mul3A_745, %add3A_793 : i32
        %get3A_795 = arith.constant 0 : i32
        %get3A_796 = arith.index_cast %get3A_795 : i32 to index
        %get3A_797 = arith.index_cast %add3A_794 : i32 to index
        %get3A_798 = tpu.vector_load %arg12[%get3A_796, %get3A_797] {strides = array<i32>} : memref<1x8192xf32, #tpu.memory_space<vmem>>, vector<16xf32>,
        %get3A_799 = arith.constant 0 : i32
        %get3A_800 = arith.index_cast %get3A_799 : i32 to index
        %get3A_801 = arith.index_cast %add3A_794 : i32 to index
        %get3A_802 = tpu.vector_load %arg16[%get3A_800, %get3A_801] {strides = array<i32>} : memref<1x8192xf32, #tpu.memory_space<vmem>>, vector<16xf32>,
        %mul3A_803 = arith.mulf %get3A_798, %get3A_802 : vector<16xf32>
        %add3A_804 = arith.addf %scan3A_741, %mul3A_803 : vector<16xf32>
        %add3A_805 = arith.constant 80 : i32
        %add3A_806 = arith.addi %mul3A_745, %add3A_805 : i32
        %get3A_807 = arith.constant 0 : i32
        %get3A_808 = arith.index_cast %get3A_807 : i32 to index
        %get3A_809 = arith.index_cast %add3A_806 : i32 to index
        %get3A_810 = tpu.vector_load %arg12[%get3A_808, %get3A_809] {strides = array<i32>} : memref<1x8192xf32, #tpu.memory_space<vmem>>, vector<16xf32>,
        %get3A_811 = arith.constant 0 : i32
        %get3A_812 = arith.index_cast %get3A_811 : i32 to index
        %get3A_813 = arith.index_cast %add3A_806 : i32 to index
        %get3A_814 = tpu.vector_load %arg16[%get3A_812, %get3A_813] {strides = array<i32>} : memref<1x8192xf32, #tpu.memory_space<vmem>>, vector<16xf32>,
        %mul3A_815 = arith.mulf %get3A_810, %get3A_814 : vector<16xf32>
        %add3A_816 = arith.addf %add3A_804, %mul3A_815 : vector<16xf32>
        %add3A_817 = arith.constant 96 : i32
        %add3A_818 = arith.addi %mul3A_745, %add3A_817 : i32
        %get3A_819 = arith.constant 0 : i32
        %get3A_820 = arith.index_cast %get3A_819 : i32 to index
        %get3A_821 = arith.index_cast %add3A_818 : i32 to index
        %get3A_822 = tpu.vector_load %arg12[%get3A_820, %get3A_821] {strides = array<i32>} : memref<1x8192xf32, #tpu.memory_space<vmem>>, vector<16xf32>,
        %get3A_823 = arith.constant 0 : i32
        %get3A_824 = arith.index_cast %get3A_823 : i32 to index
        %get3A_825 = arith.index_cast %add3A_818 : i32 to index
        %get3A_826 = tpu.vector_load %arg16[%get3A_824, %get3A_825] {strides = array<i32>} : memref<1x8192xf32, #tpu.memory_space<vmem>>, vector<16xf32>,
        %mul3A_827 = arith.mulf %get3A_822, %get3A_826 : vector<16xf32>
        %add3A_828 = arith.addf %add3A_816, %mul3A_827 : vector<16xf32>
        %add3A_829 = arith.constant 112 : i32
        %add3A_830 = arith.addi %mul3A_745, %add3A_829 : i32
        %get3A_831 = arith.constant 0 : i32
        %get3A_832 = arith.index_cast %get3A_831 : i32 to index
        %get3A_833 = arith.index_cast %add3A_830 : i32 to index
        %get3A_834 = tpu.vector_load %arg12[%get3A_832, %get3A_833] {strides = array<i32>} : memref<1x8192xf32, #tpu.memory_space<vmem>>, vector<16xf32>,
        %get3A_835 = arith.constant 0 : i32
        %get3A_836 = arith.index_cast %get3A_835 : i32 to index
        %get3A_837 = arith.index_cast %add3A_830 : i32 to index
        %get3A_838 = tpu.vector_load %arg16[%get3A_836, %get3A_837] {strides = array<i32>} : memref<1x8192xf32, #tpu.memory_space<vmem>>, vector<16xf32>,
        %mul3A_839 = arith.mulf %get3A_834, %get3A_838 : vector<16xf32>
        %add3A_840 = arith.addf %add3A_828, %mul3A_839 : vector<16xf32>
        %add3A_841 = arith.constant 128 : i32
        %add3A_842 = arith.addi %mul3A_745, %add3A_841 : i32
        %get3A_843 = arith.constant 0 : i32
        %get3A_844 = arith.index_cast %get3A_843 : i32 to index
        %get3A_845 = arith.index_cast %add3A_842 : i32 to index
        %get3A_846 = tpu.vector_load %arg12[%get3A_844, %get3A_845] {strides = array<i32>} : memref<1x8192xf32, #tpu.memory_space<vmem>>, vector<16xf32>,
        %get3A_847 = arith.constant 0 : i32
        %get3A_848 = arith.index_cast %get3A_847 : i32 to index
        %get3A_849 = arith.index_cast %add3A_842 : i32 to index
        %get3A_850 = tpu.vector_load %arg16[%get3A_848, %get3A_849] {strides = array<i32>} : memref<1x8192xf32, #tpu.memory_space<vmem>>, vector<16xf32>,
        %mul3A_851 = arith.mulf %get3A_846, %get3A_850 : vector<16xf32>
        %add3A_852 = arith.addf %scan3A_742, %mul3A_851 : vector<16xf32>
        %add3A_853 = arith.constant 144 : i32
        %add3A_854 = arith.addi %mul3A_745, %add3A_853 : i32
        %get3A_855 = arith.constant 0 : i32
        %get3A_856 = arith.index_cast %get3A_855 : i32 to index
        %get3A_857 = arith.index_cast %add3A_854 : i32 to index
        %get3A_858 = tpu.vector_load %arg12[%get3A_856, %get3A_857] {strides = array<i32>} : memref<1x8192xf32, #tpu.memory_space<vmem>>, vector<16xf32>,
        %get3A_859 = arith.constant 0 : i32
        %get3A_860 = arith.index_cast %get3A_859 : i32 to index
        %get3A_861 = arith.index_cast %add3A_854 : i32 to index
        %get3A_862 = tpu.vector_load %arg16[%get3A_860, %get3A_861] {strides = array<i32>} : memref<1x8192xf32, #tpu.memory_space<vmem>>, vector<16xf32>,
        %mul3A_863 = arith.mulf %get3A_858, %get3A_862 : vector<16xf32>
        %add3A_864 = arith.addf %add3A_852, %mul3A_863 : vector<16xf32>
        %add3A_865 = arith.constant 160 : i32
        %add3A_866 = arith.addi %mul3A_745, %add3A_865 : i32
        %get3A_867 = arith.constant 0 : i32
        %get3A_868 = arith.index_cast %get3A_867 : i32 to index
        %get3A_869 = arith.index_cast %add3A_866 : i32 to index
        %get3A_870 = tpu.vector_load %arg12[%get3A_868, %get3A_869] {strides = array<i32>} : memref<1x8192xf32, #tpu.memory_space<vmem>>, vector<16xf32>,
        %get3A_871 = arith.constant 0 : i32
        %get3A_872 = arith.index_cast %get3A_871 : i32 to index
        %get3A_873 = arith.index_cast %add3A_866 : i32 to index
        %get3A_874 = tpu.vector_load %arg16[%get3A_872, %get3A_873] {strides = array<i32>} : memref<1x8192xf32, #tpu.memory_space<vmem>>, vector<16xf32>,
        %mul3A_875 = arith.mulf %get3A_870, %get3A_874 : vector<16xf32>
        %add3A_876 = arith.addf %add3A_864, %mul3A_875 : vector<16xf32>
        %add3A_877 = arith.constant 176 : i32
        %add3A_878 = arith.addi %mul3A_745, %add3A_877 : i32
        %get3A_879 = arith.constant 0 : i32
        %get3A_880 = arith.index_cast %get3A_879 : i32 to index
        %get3A_881 = arith.index_cast %add3A_878 : i32 to index
        %get3A_882 = tpu.vector_load %arg12[%get3A_880, %get3A_881] {strides = array<i32>} : memref<1x8192xf32, #tpu.memory_space<vmem>>, vector<16xf32>,
        %get3A_883 = arith.constant 0 : i32
        %get3A_884 = arith.index_cast %get3A_883 : i32 to index
        %get3A_885 = arith.index_cast %add3A_878 : i32 to index
        %get3A_886 = tpu.vector_load %arg16[%get3A_884, %get3A_885] {strides = array<i32>} : memref<1x8192xf32, #tpu.memory_space<vmem>>, vector<16xf32>,
        %mul3A_887 = arith.mulf %get3A_882, %get3A_886 : vector<16xf32>
        %add3A_888 = arith.addf %add3A_876, %mul3A_887 : vector<16xf32>
        %add3A_889 = arith.constant 192 : i32
        %add3A_890 = arith.addi %mul3A_745, %add3A_889 : i32
        %get3A_891 = arith.constant 0 : i32
        %get3A_892 = arith.index_cast %get3A_891 : i32 to index
        %get3A_893 = arith.index_cast %add3A_890 : i32 to index
        %get3A_894 = tpu.vector_load %arg12[%get3A_892, %get3A_893] {strides = array<i32>} : memref<1x8192xf32, #tpu.memory_space<vmem>>, vector<16xf32>,
        %get3A_895 = arith.constant 0 : i32
        %get3A_896 = arith.index_cast %get3A_895 : i32 to index
        %get3A_897 = arith.index_cast %add3A_890 : i32 to index
        %get3A_898 = tpu.vector_load %arg16[%get3A_896, %get3A_897] {strides = array<i32>} : memref<1x8192xf32, #tpu.memory_space<vmem>>, vector<16xf32>,
        %mul3A_899 = arith.mulf %get3A_894, %get3A_898 : vector<16xf32>
        %add3A_900 = arith.addf %scan3A_743, %mul3A_899 : vector<16xf32>
        %add3A_901 = arith.constant 208 : i32
        %add3A_902 = arith.addi %mul3A_745, %add3A_901 : i32
        %get3A_903 = arith.constant 0 : i32
        %get3A_904 = arith.index_cast %get3A_903 : i32 to index
        %get3A_905 = arith.index_cast %add3A_902 : i32 to index
        %get3A_906 = tpu.vector_load %arg12[%get3A_904, %get3A_905] {strides = array<i32>} : memref<1x8192xf32, #tpu.memory_space<vmem>>, vector<16xf32>,
        %get3A_907 = arith.constant 0 : i32
        %get3A_908 = arith.index_cast %get3A_907 : i32 to index
        %get3A_909 = arith.index_cast %add3A_902 : i32 to index
        %get3A_910 = tpu.vector_load %arg16[%get3A_908, %get3A_909] {strides = array<i32>} : memref<1x8192xf32, #tpu.memory_space<vmem>>, vector<16xf32>,
        %mul3A_911 = arith.mulf %get3A_906, %get3A_910 : vector<16xf32>
        %add3A_912 = arith.addf %add3A_900, %mul3A_911 : vector<16xf32>
        %add3A_913 = arith.constant 224 : i32
        %add3A_914 = arith.addi %mul3A_745, %add3A_913 : i32
        %get3A_915 = arith.constant 0 : i32
        %get3A_916 = arith.index_cast %get3A_915 : i32 to index
        %get3A_917 = arith.index_cast %add3A_914 : i32 to index
        %get3A_918 = tpu.vector_load %arg12[%get3A_916, %get3A_917] {strides = array<i32>} : memref<1x8192xf32, #tpu.memory_space<vmem>>, vector<16xf32>,
        %get3A_919 = arith.constant 0 : i32
        %get3A_920 = arith.index_cast %get3A_919 : i32 to index
        %get3A_921 = arith.index_cast %add3A_914 : i32 to index
        %get3A_922 = tpu.vector_load %arg16[%get3A_920, %get3A_921] {strides = array<i32>} : memref<1x8192xf32, #tpu.memory_space<vmem>>, vector<16xf32>,
        %mul3A_923 = arith.mulf %get3A_918, %get3A_922 : vector<16xf32>
        %add3A_924 = arith.addf %add3A_912, %mul3A_923 : vector<16xf32>
        %add3A_925 = arith.constant 240 : i32
        %add3A_926 = arith.addi %mul3A_745, %add3A_925 : i32
        %get3A_927 = arith.constant 0 : i32
        %get3A_928 = arith.index_cast %get3A_927 : i32 to index
        %get3A_929 = arith.index_cast %add3A_926 : i32 to index
        %get3A_930 = tpu.vector_load %arg12[%get3A_928, %get3A_929] {strides = array<i32>} : memref<1x8192xf32, #tpu.memory_space<vmem>>, vector<16xf32>,
        %get3A_931 = arith.constant 0 : i32
        %get3A_932 = arith.index_cast %get3A_931 : i32 to index
        %get3A_933 = arith.index_cast %add3A_926 : i32 to index
        %get3A_934 = tpu.vector_load %arg16[%get3A_932, %get3A_933] {strides = array<i32>} : memref<1x8192xf32, #tpu.memory_space<vmem>>, vector<16xf32>,
        %mul3A_935 = arith.mulf %get3A_930, %get3A_934 : vector<16xf32>
        %add3A_936 = arith.addf %add3A_924, %mul3A_935 : vector<16xf32>
        scf.yield %add3A_792, %add3A_840, %add3A_888, %add3A_936 : vector<16xf32>, vector<16xf32>, vector<16xf32>, vector<16xf32>
      }
      %scan3A_655 = arith.constant 32 : i32
      %add3A_656 = arith.addf %scan3A_654#0, %scan3A_654#1 : vector<16xf32>
      %add3A_657 = arith.addf %scan3A_654#2, %scan3A_654#3 : vector<16xf32>
      %add3A_658 = arith.addf %add3A_656, %add3A_657 : vector<16xf32>
      %swap3A_659 = arith.constant 15 : i32
      %swap3A_660 = arith.index_cast %swap3A_659 : i32 to index
      %swap3A_661 = arith.constant 0 : index
      %swap3A_662 = tpu.vector_load %arg18[%swap3A_660, %swap3A_661] {strides = array<i32>} : memref<16x16xf32, #tpu.memory_space<vmem>>, vector<16xf32>,
      tpu.vector_store %arg18[%swap3A_660, %swap3A_661], %add3A_658 {strides = array<i32>} : memref<16x16xf32, #tpu.memory_space<vmem>>, vector<16xf32>,
      %add3A_663 = arith.constant 4 : i32
      %add3A_664 = arith.addi %add3A_635, %add3A_663 : i32
      %lt3A_665 = arith.constant 128 : i32
      %lt3A_666 = arith.cmpi slt, %add3A_664, %lt3A_665 : i32
      %convert_element_type3A_667 = arith.extui %lt3A_666 : i1 to i32
      %cond3A_668 = arith.constant 0 : i32
      %cond3A_669 = arith.cmpi ne, %convert_element_type3A_667, %cond3A_668 : i32
      scf.if %cond3A_669 {
        %add3A_739 = arith.constant 4 : i32
        %add3A_740 = arith.addi %add3A_635, %add3A_739 : i32
        %dma_start3A_741 = arith.constant 0 : i32
        %dma_start3A_742 = tpu.memref_slice %arg7[%add3A_740, %dma_start3A_741] : memref<128x1xi32, #tpu.memory_space<vmem>> -> memref<1x1xi32, #tpu.memory_space<vmem>>
        %dma_start3A_743 = tpu.memref_squeeze %dma_start3A_742 : memref<1x1xi32, #tpu.memory_space<vmem>> -> memref<1xi32, #tpu.memory_space<vmem>>
        %dma_start3A_744 = arith.constant 0 : i32
        %dma_start3A_745 = arith.constant 0 : i32
        %dma_start3A_746 = tpu.memref_slice %arg4[%dma_start3A_744, %dma_start3A_745] : memref<10000x8192xf32, #tpu.memory_space<hbm>> -> memref<10000x8192xf32, #tpu.memory_space<hbm>>
        tpu.enqueue_indirect_dma source(%dma_start3A_746 : memref<10000x8192xf32, #tpu.memory_space<hbm>>) target(%arg12 : memref<1x8192xf32, #tpu.memory_space<vmem>>) offsets(%dma_start3A_743 : memref<1xi32, #tpu.memory_space<vmem>>) semaphore(%arg22 : memref<!tpu.dma_semaphore, #tpu.memory_space<semaphore_mem>>)
        %dma_start3A_747 = arith.constant 0 : i32
        %dma_start3A_748 = tpu.memref_slice %arg8[%add3A_740, %dma_start3A_747] : memref<128x1xi32, #tpu.memory_space<vmem>> -> memref<1x1xi32, #tpu.memory_space<vmem>>
        %dma_start3A_749 = tpu.memref_squeeze %dma_start3A_748 : memref<1x1xi32, #tpu.memory_space<vmem>> -> memref<1xi32, #tpu.memory_space<vmem>>
        %dma_start3A_750 = arith.constant 0 : i32
        %dma_start3A_751 = arith.constant 0 : i32
        %dma_start3A_752 = tpu.memref_slice %arg5[%dma_start3A_750, %dma_start3A_751] : memref<8192x8192xf32, #tpu.memory_space<hbm>> -> memref<8192x8192xf32, #tpu.memory_space<hbm>>
        tpu.enqueue_indirect_dma source(%dma_start3A_752 : memref<8192x8192xf32, #tpu.memory_space<hbm>>) target(%arg16 : memref<1x8192xf32, #tpu.memory_space<vmem>>) offsets(%dma_start3A_749 : memref<1xi32, #tpu.memory_space<vmem>>) semaphore(%arg26 : memref<!tpu.dma_semaphore, #tpu.memory_space<semaphore_mem>>)
      } else {
      }
      %broadcast_in_dim3A_670 = arith.constant 0.000000e+00 : f32
      %broadcast_in_dim3A_671 = vector.broadcast %broadcast_in_dim3A_670 : f32 to vector<16xf32>
      %broadcast_in_dim3A_672 = arith.constant 0 : i32
      %broadcast_in_dim3A_673 = vector.broadcast %broadcast_in_dim3A_672 : i32 to vector<16xi32>
      %gather3A = tpu.vector_load_idx %arg18[%iota3A, %broadcast_in_dim3A_673] : memref<16x16xf32, #tpu.memory_space<vmem>>[vector<16xi32>, vector<16xi32>], vector<16xf32>,
      %add3A_674 = arith.addf %broadcast_in_dim3A_671, %gather3A : vector<16xf32>
      %broadcast_in_dim3A_675 = arith.constant 1 : i32
      %broadcast_in_dim3A_676 = vector.broadcast %broadcast_in_dim3A_675 : i32 to vector<16xi32>
      %gather3A_677 = tpu.vector_load_idx %arg18[%iota3A, %broadcast_in_dim3A_676] : memref<16x16xf32, #tpu.memory_space<vmem>>[vector<16xi32>, vector<16xi32>], vector<16xf32>,
      %add3A_678 = arith.addf %add3A_674, %gather3A_677 : vector<16xf32>
      %broadcast_in_dim3A_679 = arith.constant 2 : i32
      %broadcast_in_dim3A_680 = vector.broadcast %broadcast_in_dim3A_679 : i32 to vector<16xi32>
      %gather3A_681 = tpu.vector_load_idx %arg18[%iota3A, %broadcast_in_dim3A_680] : memref<16x16xf32, #tpu.memory_space<vmem>>[vector<16xi32>, vector<16xi32>], vector<16xf32>,
      %add3A_682 = arith.addf %add3A_678, %gather3A_681 : vector<16xf32>
      %broadcast_in_dim3A_683 = arith.constant 3 : i32
      %broadcast_in_dim3A_684 = vector.broadcast %broadcast_in_dim3A_683 : i32 to vector<16xi32>
      %gather3A_685 = tpu.vector_load_idx %arg18[%iota3A, %broadcast_in_dim3A_684] : memref<16x16xf32, #tpu.memory_space<vmem>>[vector<16xi32>, vector<16xi32>], vector<16xf32>,
      %add3A_686 = arith.addf %add3A_682, %gather3A_685 : vector<16xf32>
      %broadcast_in_dim3A_687 = arith.constant 4 : i32
      %broadcast_in_dim3A_688 = vector.broadcast %broadcast_in_dim3A_687 : i32 to vector<16xi32>
      %gather3A_689 = tpu.vector_load_idx %arg18[%iota3A, %broadcast_in_dim3A_688] : memref<16x16xf32, #tpu.memory_space<vmem>>[vector<16xi32>, vector<16xi32>], vector<16xf32>,
      %add3A_690 = arith.addf %add3A_686, %gather3A_689 : vector<16xf32>
      %broadcast_in_dim3A_691 = arith.constant 5 : i32
      %broadcast_in_dim3A_692 = vector.broadcast %broadcast_in_dim3A_691 : i32 to vector<16xi32>
      %gather3A_693 = tpu.vector_load_idx %arg18[%iota3A, %broadcast_in_dim3A_692] : memref<16x16xf32, #tpu.memory_space<vmem>>[vector<16xi32>, vector<16xi32>], vector<16xf32>,
      %add3A_694 = arith.addf %add3A_690, %gather3A_693 : vector<16xf32>
      %broadcast_in_dim3A_695 = arith.constant 6 : i32
      %broadcast_in_dim3A_696 = vector.broadcast %broadcast_in_dim3A_695 : i32 to vector<16xi32>
      %gather3A_697 = tpu.vector_load_idx %arg18[%iota3A, %broadcast_in_dim3A_696] : memref<16x16xf32, #tpu.memory_space<vmem>>[vector<16xi32>, vector<16xi32>], vector<16xf32>,
      %add3A_698 = arith.addf %add3A_694, %gather3A_697 : vector<16xf32>
      %broadcast_in_dim3A_699 = arith.constant 7 : i32
      %broadcast_in_dim3A_700 = vector.broadcast %broadcast_in_dim3A_699 : i32 to vector<16xi32>
      %gather3A_701 = tpu.vector_load_idx %arg18[%iota3A, %broadcast_in_dim3A_700] : memref<16x16xf32, #tpu.memory_space<vmem>>[vector<16xi32>, vector<16xi32>], vector<16xf32>,
      %add3A_702 = arith.addf %add3A_698, %gather3A_701 : vector<16xf32>
      %broadcast_in_dim3A_703 = arith.constant 8 : i32
      %broadcast_in_dim3A_704 = vector.broadcast %broadcast_in_dim3A_703 : i32 to vector<16xi32>
      %gather3A_705 = tpu.vector_load_idx %arg18[%iota3A, %broadcast_in_dim3A_704] : memref<16x16xf32, #tpu.memory_space<vmem>>[vector<16xi32>, vector<16xi32>], vector<16xf32>,
      %add3A_706 = arith.addf %add3A_702, %gather3A_705 : vector<16xf32>
      %broadcast_in_dim3A_707 = arith.constant 9 : i32
      %broadcast_in_dim3A_708 = vector.broadcast %broadcast_in_dim3A_707 : i32 to vector<16xi32>
      %gather3A_709 = tpu.vector_load_idx %arg18[%iota3A, %broadcast_in_dim3A_708] : memref<16x16xf32, #tpu.memory_space<vmem>>[vector<16xi32>, vector<16xi32>], vector<16xf32>,
      %add3A_710 = arith.addf %add3A_706, %gather3A_709 : vector<16xf32>
      %broadcast_in_dim3A_711 = arith.constant 10 : i32
      %broadcast_in_dim3A_712 = vector.broadcast %broadcast_in_dim3A_711 : i32 to vector<16xi32>
      %gather3A_713 = tpu.vector_load_idx %arg18[%iota3A, %broadcast_in_dim3A_712] : memref<16x16xf32, #tpu.memory_space<vmem>>[vector<16xi32>, vector<16xi32>], vector<16xf32>,
      %add3A_714 = arith.addf %add3A_710, %gather3A_713 : vector<16xf32>
      %broadcast_in_dim3A_715 = arith.constant 11 : i32
      %broadcast_in_dim3A_716 = vector.broadcast %broadcast_in_dim3A_715 : i32 to vector<16xi32>
      %gather3A_717 = tpu.vector_load_idx %arg18[%iota3A, %broadcast_in_dim3A_716] : memref<16x16xf32, #tpu.memory_space<vmem>>[vector<16xi32>, vector<16xi32>], vector<16xf32>,
      %add3A_718 = arith.addf %add3A_714, %gather3A_717 : vector<16xf32>
      %broadcast_in_dim3A_719 = arith.constant 12 : i32
      %broadcast_in_dim3A_720 = vector.broadcast %broadcast_in_dim3A_719 : i32 to vector<16xi32>
      %gather3A_721 = tpu.vector_load_idx %arg18[%iota3A, %broadcast_in_dim3A_720] : memref<16x16xf32, #tpu.memory_space<vmem>>[vector<16xi32>, vector<16xi32>], vector<16xf32>,
      %add3A_722 = arith.addf %add3A_718, %gather3A_721 : vector<16xf32>
      %broadcast_in_dim3A_723 = arith.constant 13 : i32
      %broadcast_in_dim3A_724 = vector.broadcast %broadcast_in_dim3A_723 : i32 to vector<16xi32>
      %gather3A_725 = tpu.vector_load_idx %arg18[%iota3A, %broadcast_in_dim3A_724] : memref<16x16xf32, #tpu.memory_space<vmem>>[vector<16xi32>, vector<16xi32>], vector<16xf32>,
      %add3A_726 = arith.addf %add3A_722, %gather3A_725 : vector<16xf32>
      %broadcast_in_dim3A_727 = arith.constant 14 : i32
      %broadcast_in_dim3A_728 = vector.broadcast %broadcast_in_dim3A_727 : i32 to vector<16xi32>
      %gather3A_729 = tpu.vector_load_idx %arg18[%iota3A, %broadcast_in_dim3A_728] : memref<16x16xf32, #tpu.memory_space<vmem>>[vector<16xi32>, vector<16xi32>], vector<16xf32>,
      %add3A_730 = arith.addf %add3A_726, %gather3A_729 : vector<16xf32>
      %broadcast_in_dim3A_731 = arith.constant 15 : i32
      %broadcast_in_dim3A_732 = vector.broadcast %broadcast_in_dim3A_731 : i32 to vector<16xi32>
      %gather3A_733 = tpu.vector_load_idx %arg18[%iota3A, %broadcast_in_dim3A_732] : memref<16x16xf32, #tpu.memory_space<vmem>>[vector<16xi32>, vector<16xi32>], vector<16xf32>,
      %add3A_734 = arith.addf %add3A_730, %gather3A_733 : vector<16xf32>
      %mul3A_735 = arith.constant 16 : i32
      %mul3A_736 = arith.muli %scan3A_67, %mul3A_735 : i32
      %swap3A_737 = arith.index_cast %mul3A_736 : i32 to index
      %swap3A_738 = tpu.vector_load %arg17[%swap3A_737] {strides = array<i32>} : memref<128xf32, #tpu.memory_space<vmem>>, vector<16xf32>,
      tpu.vector_store %arg17[%swap3A_737], %add3A_734 {strides = array<i32>} : memref<128xf32, #tpu.memory_space<vmem>>, vector<16xf32>,
    }
    %scan3A_64 = arith.constant 8 : i32
    %mul3A_65 = arith.constant 128 : i32
    %mul3A_66 = arith.muli %add3A, %mul3A_65 : i32
    "tpu.region"() ({
      %run_scoped3A = tpu.sem_alloc : memref<!tpu.dma_semaphore, #tpu.memory_space<semaphore_mem>>
      %dma_start3A_67 = tpu.memref_slice %arg6[%mul3A_66] : memref<4096xf32, #tpu.memory_space<hbm>> -> memref<128xf32, #tpu.memory_space<hbm>>
      %dma_start3A_68 = tpu.memref_slice %arg6[%mul3A_66] : memref<4096xf32, #tpu.memory_space<hbm>> -> memref<128xf32, #tpu.memory_space<hbm>>
      tpu.enqueue_dma source(%arg17 : memref<128xf32, #tpu.memory_space<vmem>>) target(%dma_start3A_68 : memref<128xf32, #tpu.memory_space<hbm>>) target_semaphore(%run_scoped3A : memref<!tpu.dma_semaphore, #tpu.memory_space<semaphore_mem>>)
      %dma_wait3A = tpu.memref_slice %arg6[%mul3A_66] : memref<4096xf32, #tpu.memory_space<hbm>> -> memref<128xf32, #tpu.memory_space<hbm>>
      %dma_wait3A_69 = tpu.memref_slice %arg6[%mul3A_66] : memref<4096xf32, #tpu.memory_space<hbm>> -> memref<128xf32, #tpu.memory_space<hbm>>
      tpu.wait_dma2 semaphore(%run_scoped3A : memref<!tpu.dma_semaphore, #tpu.memory_space<semaphore_mem>>) src(%arg17 : memref<128xf32, #tpu.memory_space<vmem>>) dst(%dma_wait3A_69 : memref<128xf32, #tpu.memory_space<hbm>>)
      tpu.yield
    }) : () -> ()
    return
  }
}

</mosaic_0001>

<sc_bundles>
// kernel: kernel.3.cloned.1.call-start
scs
__scs_entry_jumppad:
0x0: {  	(pc) =	sbr.rel $0x88, $3  }
0x1: {  	(tag) =	ssettag $0x0;
	lr =	simm.s32 $0x1  }
0x2: {  	[smem:$0x3F9D] =	sst lr;
	_ =	strace $0xD0000000  }
0x3: {  	_ = 	snop  }
0x4: {  	_ = 	snop  }
0x5: {  	_ = 	snop  }
0x6: {  	_ = 	snop  }
0x7: {  	_ = 	snop  }
__scs_overlays_trampoline_lowered:
0x8: {  	[smem:$0x3FAC] =	sst s0  }
0x9: {  	[smem:$0x3FAD] =	sst s1  }
0xa: {  	[smem:$0x3FAE] =	sst s2  }
0xb: {  	[smem:$0x3FAF] =	sst s3  }
0xc: {  	[smem:$0x3FB0] =	sst s4  }
0xd: {  	[smem:$0x3FB1] =	sst s5  }
0xe: {  	[smem:$0x3FB2] =	sst s6  }
0xf: {  	[smem:$0x3FB3] =	sst s7  }
0x10: {  	[smem:$0x3FB4] =	sst s8  }
0x11: {  	[smem:$0x3FB5] =	sst s9;
	s0 =	simm.s32 @!p0 $0x0  }
0x12: {  	s1 =	sld [smem:$0x3F9B];
	s0 =	simm.s32 @p0 $0x1  }
0x13: {  	[smem:$0x3FB6] =	sst s0;
	s0 =	simm.s32 @!p1 $0x0  }
0x14: {  	s2 =	sld [smem:$0x3F9A];
	s0 =	simm.s32 @p1 $0x1  }
0x15: {  	[smem:$0x3FB7] =	sst s0;
	s0 =	simm.s32 @!p2 $0x0  }
0x16: {  	s3 =	sld [smem:$0x3FDB];
	s0 =	simm.s32 @p2 $0x1  }
0x17: {  	s4 =	simm.s32 $0x1BF5;
	[smem:$0x3FB9] =	sst s0  }
0x18: {  	s0 =	sld [smem:$0x3F9C];
	_ =	swait.ge [sflag:s4], $0x0  }
0x19: {  	s7 =	sld [smem:$0x3F9D]  }
0x1a: {  	s8 =	sadd.s32 $0xFFFFE003, lr  }
0x1b: {  	s9 =	sadd.s32 $0xFFFFFEF7, lr;
	s5 =	simm.s32 $0xFFFFFFFF;
	p2 =	slt.u32 s8, $0xFFFFF086  }
0x1c: {  	p1 =	slt.u32 s9, $0xF7A;
	s5 =	simm.s32 @!p2 $0x0  }
0x1d: {  	s5 =	simm.s32 @p1 $0x1;
	p0 =	seq.s32 s7, s2  }
0x1e: {  	s7 =	smul.u32 @!p0 $0xF7A, s2;
	p2 =	seq.s32 @!p0 s5, $0x0  }
0x1f: {  	s9 =	smul.u32 $0xF7A, s1;
	s8 =	simm.s32 @!p0 $0x1BF5;
	p2 =	por !p2, p0  }
0x20: {  	[sflag:s8] =	ssyncset.s32 @!p0 $0xFFFFF086;
	s6 =	sadd.s32 @!p0 s3, s7;
	s7 =	simm.s32 @!p0 $0x108  }
0x21: {  	s3 =	sadd.s32 s3, s9;
	s6 =	sadd.s32 @!p0 $0x88, s6;
	s7 =	simm.s32 @p2 $0x1082  }
0x22: {  	[simem:s7], [sflag:s8] =	dma.local @!p0 [hbm:s6], $0xF7A  }
0x23: {  	s9 =	sor.u32 $0xD0000000, s2;
	s6 =	simm.s32 $0x108;
	_ =	swait.ge @!p0 [sflag:s8], $0x0  }
0x24: {  	s3 =	sadd.s32 $0x88, s3;
	s6 =	simm.s32 @!p1 $0x1082;
	[sflag:s4] =	ssyncset.s32 $0xFFFFF086  }
0x25: {  	[simem:s6], [sflag:s4] =	dma.local [hbm:s3], $0xF7A  }
0x26: {  	[smem:$0x3F9D] =	sst s1;
	(tag) =	ssettag s2;
	_ =	strace s9  }
0x27: {  	s1 =	sld [smem:$0x3FAD]  }
0x28: {  	s2 =	sld [smem:$0x3FAE]  }
0x29: {  	s4 =	sld [smem:$0x3FB0]  }
0x2a: {  	p0 =	seq.s32 s5, $0x0;
	s5 =	sld [smem:$0x3FB1]  }
0x2b: {  	s6 =	sld [smem:$0x3FB2]  }
0x2c: {  	s7 =	sld [smem:$0x3FB3]  }
0x2d: {  	s3 =	simm.s32 $0x108;
	s8 =	sld [smem:$0x3FB4]  }
0x2e: {  	s3 =	simm.s32 @!p0 $0x1082;
	s9 =	sld [smem:$0x3FB5]  }
0x2f: {  	lr =	sadd.s32 s0, s3;
	s0 =	sld [smem:$0x3FAC]  }
0x30: {  	s3 =	sld [smem:$0x3FAF]  }
0x31: {  	[smem:$0x3FB8] =	sst s10  }
0x32: {  	s10 =	sld [smem:$0x3FB6];
	_ =	sdelay $0x3  }
0x33: {  	p0 =	seq.s32 s10, $0x1;
	s10 =	sld [smem:$0x3FB8];
	_ =	sdelay $0x3  }
0x34: {  	[smem:$0x3FB8] =	sst s10  }
0x35: {  	s10 =	sld [smem:$0x3FB7];
	_ =	sdelay $0x3  }
0x36: {  	p1 =	seq.s32 s10, $0x1;
	s10 =	sld [smem:$0x3FB8];
	_ =	sdelay $0x3  }
0x37: {  	[smem:$0x3FB8] =	sst s10  }
0x38: {  	s10 =	sld [smem:$0x3FB9]  }
0x39: {  	_ = 	snop;
	(pc) =	sbr.ind lr, $3  }
0x3a: {  	_ = 	snop  }
0x3b: {  	_ = 	snop  }
0x3c: {  	p2 =	seq.s32 s10, $0x1;
	s10 =	sld [smem:$0x3FB8]  }
0x3d: {  	_ =	shalt  }
0x3e: {  	_ =	shalt  }
0x3f: {  	_ =	shalt  }
0x40: {  	_ =	shalt  }
0x41: {  	_ =	shalt  }
0x42: {  	_ =	shalt  }
0x43: {  	_ =	shalt  }
0x44: {  	_ =	shalt  }
0x45: {  	_ =	shalt  }
0x46: {  	_ =	shalt  }
0x47: {  	_ =	shalt  }
0x48: {  	_ =	shalt  }
0x49: {  	_ =	shalt  }
0x4a: {  	_ =	shalt  }
0x4b: {  	_ =	shalt  }
0x4c: {  	_ =	shalt  }
0x4d: {  	_ =	shalt  }
0x4e: {  	_ =	shalt  }
0x4f: {  	_ =	shalt  }
0x50: {  	_ =	shalt  }
0x51: {  	_ =	shalt  }
0x52: {  	_ =	shalt  }
0x53: {  	_ =	shalt  }
0x54: {  	_ =	shalt  }
0x55: {  	_ =	shalt  }
0x56: {  	_ =	shalt  }
0x57: {  	_ =	shalt  }
0x58: {  	_ =	shalt  }
0x59: {  	_ =	shalt  }
0x5a: {  	_ =	shalt  }
0x5b: {  	_ =	shalt  }
0x5c: {  	_ =	shalt  }
0x5d: {  	_ =	shalt  }
0x5e: {  	_ =	shalt  }
0x5f: {  	_ =	shalt  }
0x60: {  	_ =	shalt  }
0x61: {  	_ =	shalt  }
0x62: {  	_ =	shalt  }
0x63: {  	_ =	shalt  }
0x64: {  	_ =	shalt  }
0x65: {  	_ =	shalt  }
0x66: {  	_ =	shalt  }
0x67: {  	_ =	shalt  }
0x68: {  	_ =	shalt  }
0x69: {  	_ =	shalt  }
0x6a: {  	_ =	shalt  }
0x6b: {  	_ =	shalt  }
0x6c: {  	_ =	shalt  }
0x6d: {  	_ =	shalt  }
0x6e: {  	_ =	shalt  }
0x6f: {  	_ =	shalt  }
0x70: {  	_ =	shalt  }
0x71: {  	_ =	shalt  }
0x72: {  	_ =	shalt  }
0x73: {  	_ =	shalt  }
0x74: {  	_ =	shalt  }
0x75: {  	_ =	shalt  }
0x76: {  	_ =	shalt  }
0x77: {  	_ =	shalt  }
0x78: {  	_ =	shalt  }
0x79: {  	_ =	shalt  }
0x7a: {  	_ =	shalt  }
0x7b: {  	_ =	shalt  }
0x7c: {  	_ =	shalt  }
0x7d: {  	_ =	shalt  }
0x7e: {  	_ =	shalt  }
0x7f: {  	_ =	shalt  }
0x80: {  	_ =	shalt  }
0x81: {  	_ =	shalt  }
0x82: {  	_ =	shalt  }
0x83: {  	_ =	shalt  }
0x84: {  	_ =	shalt  }
0x85: {  	_ =	shalt  }
0x86: {  	_ =	shalt  }
0x87: {  	_ =	shalt  }
.Lfunc_end0:
.L_simem_size_0:
called_computation_lowered:
.L_overlay_start_0:
0x88: {  	s2 =	sld [smem:$0x3FD9]  }
0x89: {  	s3 =	sld [smem:$0x3FFE];
	_ =	sdelay $0x1  }
0x8a: {  	s1 =	srdreg.scid  }
0x8b: {  	s0 =	sand.u32 $0x1, s1  }
0x8c: {  	s17 =	sshll.u32 s0, $0xA;
	s2 =	sadd.s32 s3, s2  }
0x8d: {  	s2 =	sadd.s32 s2, s17  }
0x8e: {  	[smem:$0x3FC4] =	sst s2  }
0x8f: {  	_ = 	snop  }
0x90: {  	s2 =	sld [smem:$0x3FC7]  }
0x91: {  	s18 =	sld [smem:$0x3FC6]  }
0x92: {  	s4 =	sld [smem:$0x3FD0];
	(tm) =	ssettm $0x1  }
0x93: {  	s5 =	sld [smem:$0x3FFB];
	_ =	sdelay $0x3  }
0x94: {  	_ =	strace s5  }
0x95: {  	s5 =	sld [smem:$0x3FFC];
	_ =	sdelay $0x3  }
0x96: {  	_ =	strace s5  }
0x97: {  	s5 =	sld [smem:$0x3FFD];
	_ =	sdelay $0x3  }
0x98: {  	_ =	strace s5  }
0x99: {  	_ =	strace $0x8FFFFFFF  }
0x9a: {  	s19 =	sld [smem:$0x3FDB];
	_ =	sdelay $0x1  }
0x9b: {  	s6 =	simm.s32 $_scs_section_size  }
0x9c: {  	s7 =	simm.s32 $_size__tile_overlayer_lowered;
	s8 =	simm.s32 $_tile_overlayer_lowered  }
0x9d: {  	s22 =	simm.s32 $0x1BFF;
	s21 =	sshll.u32 s8, $0x1;
	s5 =	sadd.s32 s6, s19  }
0x9e: {  	s9 =	simm.s32 $0x0;
	s20 =	sshll.u32 s7, $0x1;
	s7 =	sadd.s32 s21, s5  }
0x9f: {  	[timem:s9], [sflag:s22] =	dma.local [hbm:s7], s20  }
0xa0: {  	_ =	swait.ge [sflag:s22], s20  }
0xa1: {  	s6 =	ssub.s32 $0x0, s20;
	[sflag:s22] =	ssyncset.done $0x0  }
0xa2: {  	[sflag:s22] =	ssyncadd.s32 s6;
	_ =	sdelay $0x1  }
0xa3: {  	s23 =	simm.s32 $0x1B8B  }
0xa4: {  	_ =	swait.ge [sflag:s23], $0x1  }
0xa5: {  	[sflag:s23] =	ssyncset.done $0x0  }
0xa6: {  	s25 =	simm.s32 $0x1B8E;
	s24 =	sld [smem:$0x3FFE];
	[sflag:s23] =	ssyncadd.s32 $0xFFFFFFFF  }
0xa7: {  	s26 =	simm.s32 $execute0_lowered;
	[smem:$0x3FD2] =	sst s25  }
0xa8: {  	s7 =	sshll.u32 s26, $0x1;
	_ =	strace $0x80000046;
	[dreg:$0x1] =	wrdreg $0xFFFFFFFF  }
0xa9: {  	s28 =	simm.s32 $_size_execute0_lowered;
	s5 =	sadd.s32 s5, s7;
	[dreg:$0x0] =	wrdreg $0x0  }
0xaa: {  	s7 =	sshll.u32 s28, $0x1;
	[dreg:$0x2] =	wrdreg s5  }
0xab: {  	[dreg:$0x3] =	wrdreg s7  }
0xac: {  	[dreg:$0x4] =	wrdreg $0xC0  }
0xad: {  	_ =	task [dreg:s9], $0x5FFFF  }
0xae: {  	[dreg:$0x1] =	wrdreg $0xFFFFFFFF  }
0xaf: {  	[dreg:$0x0] =	wrdreg $0x60  }
0xb0: {  	[dreg:$0x2] =	wrdreg s24  }
0xb1: {  	[dreg:$0x3] =	wrdreg s2  }
0xb2: {  	[dreg:$0x4] =	wrdreg s18  }
0xb3: {  	[dreg:$0x5] =	wrdreg s4  }
0xb4: {  	[dreg:$0x6] =	wrdreg $0x9  }
0xb5: {  	_ =	task.clear_ibuf [dreg:s9], $0x7FFFF;
	_ =	strace $0x90000046  }
0xb6: {  	s29 =	simm.s32 $0x9;
	_ =	strace $0x80000048  }
0xb7: {  	_ =	swait.ge [sflag:s29], $0x1  }
0xb8: {  	[sflag:s29] =	ssyncadd.s32 $0xFFFFFFFF  }
0xb9: {  	_ =	strace $0x90000048  }
0xba: {  	_ =	sfence  }
0xbb: {  	s30 =	sld [smem:$0x0];
	_ =	sdelay $0x2  }
0xbc: {  	s31 =	sshll.u32 s1, $0xD;
	s1 =	sshrl.u32 s1, $0x2  }
0xbd: {  	s3 =	sand.u32 $0x4000, s31;
	s1 =	sadd.s32 s1, s30  }
0xbe: {  	s0 =	sor.u32 s3, s0;
	s1 =	sshll.u32 s1, $0x11  }
0xbf: {  	s0 =	sor.u32 s1, s0  }
0xc0: {  	s0 =	sadd.s32 $0x8F2B, s0  }
0xc1: {  	[sflag:s0] =	ssyncadd.remote.s32 $0x1  }
0xc2: {  	_ =	sfence.sel $0xFFFF  }
0xc3: {  	[dreg:$0x0] =	wrdreg $0xFFFFFFFF;
	(pc) =	sbr.abs _section_cstart, $3  }
0xc4: {  	[dreg:$0x1] =	wrdreg $0xFFFFFFFF  }
0xc5: {  	_ =	task.clear_ibuf [dreg:s9], $0x2FFFF;
	_ =	strace $0x9FFFFFFF  }
0xc6: {  	(tm) =	ssettm $0x7FFFFFFF  }
0xc7: {  	_ =	shalt  }
tec
execute0_lowered:
.L_overlay_start_1:
0x0: {  	(tag) =	ssettag $0x1  }
0x1: {  	s0 =	rddreg [dreg:$0x0]  }
0x2: {  	s1 =	rddreg [dreg:$0x1]  }
0x3: {  	s2 =	srdreg.scid;
	s3 =	rddreg [dreg:$0x2]  }
0x4: {  	s5 =	stileid.u32;
	s4 =	rddreg [dreg:$0x3]  }
0x5: {  	s13 =	simm.s32 $0x0;
	s14 =	simm.s32 $0x9;
	s17 =	simm.s32 $0x15800  }
0x6: {  	s18 =	simm.s32 $0xE000;
	s19 =	simm.s32 $0xE800;
	s20 =	simm.s32 $0xF000  }
0x7: {  	s21 =	simm.s32 $0xF800;
	s22 =	simm.s32 $0x16000;
	s28 =	simm.s32 $0x5  }
0x8: {  	s29 =	simm.s32 $0x2;
	s30 =	simm.s32 $0x6;
	s31 =	simm.s32 $0x3  }
0x9: {  	s16 =	simm.s32 $0x8;
	s15 =	simm.s32 $0x0;
	s2 =	sand.u32 $0x1, s2  }
0xa: {  	s5 =	sshll.u32 s5, $0x8;
	[smem:$0x7FF] =	sst s13;
	s7 =	sadd.s32 $0x800, s1  }
0xb: {  	s8 =	sadd.s32 $0x1000, s1;
	s9 =	sadd.s32 $0x1800, s1;
	s10 =	sadd.s32 $0x800, s3  }
0xc: {  	s11 =	sadd.s32 $0x1000, s3;
	s6 =	sshll.u32 s2, $0x7;
	s2 =	ssub.s32 $0x2, s2  }
0xd: {  	s12 =	sadd.s32 $0x1800, s3;
	s5 =	sor.u32 s6, s5;
	s23 =	sshrl.u32 s2, $0x1  }
0xe: {  	_ =	strace $0x80000047;
	s6 =	sshll.u32 s5, $0x4;
	s2 =	ssub.s32 s2, s23  }
0xf: {  	s25 =	sshrl.u32 s5, $0x3;
	s0 =	sadd.s32 s6, s0;
	s26 =	smax.u32 s2, $0x1  }
0x10: {  	s23 =	simm.s32 $0x16800;
	s24 =	sadd.s32 $0x400, s0;
	[dreg:$0x8] =	wrdreg s26  }
0x11: {  	s5 =	simm.s32 $0x18080;
	s0 =	sadd.s32 $0x10400, s0;
	[dreg:$0x5] =	wrdreg s24  }
0x12: {  	s2 =	simm.s32 $0x7;
	s26 =	simm.s32 $0x1;
	[dreg:$0x6] =	wrdreg s0  }
0x13: {  	v0 =	vlaneseq.u32;
	s0 =	sadd.s32 s4, s25;
	s4 =	simm.s32 $0x15000;
	s24 =	simm.s32 $0x17000  }
0x14: {  	v1 =	vimm.s32 $0x0;
	vm0 =	vmmov $0xffff;
	v2 =	vmul.u32 $0x8, v0;
	s25 =	simm.s32 $0x17800;
	[dreg:$0x7] =	wrdreg s0;
	s0 =	simm.s32 $0x4  }
.LBB2_1:
0x15: {  	[dreg:$0x9] =	wrdreg s15  }
0x16: {  	s6 =	rddreg [dreg:$0x5]  }
0x17: {  	[tilespmem:s13], [sflag:$0x9] =	stream.linear.gather [hbm4b:s6+s13], $0x4000, $0x38;
	[tilespmem:$0x18880] =	vst v63  }
0x18: {  	_ =	swait.ge [sflag:s14], $0x4000  }
0x19: {  	[sflag:s14] =	ssyncset.done $0x0  }
0x1a: {  	s15 =	simm.s32 $0x4000;
	s6 =	rddreg [dreg:$0x6];
	[sflag:s14] =	ssyncadd.s32 $0xFFFFC000  }
0x1b: {  	[tilespmem:s15], [sflag:$0x9] =	stream.linear.gather [hbm4b:s6+s13], $0x4000, $0x38;
	[tilespmem:$0x18880] =	vst v63  }
0x1c: {  	_ =	swait.ge [sflag:s14], $0x4000  }
0x1d: {  	[sflag:s14] =	ssyncset.done $0x0  }
0x1e: {  	[sflag:s14] =	ssyncadd.s32 $0xFFFFC000  }
0x1f: {  	v3 =	vld.msk [tilespmem:$0x0], $0x1;
	_ =	sdelay $0x4  }
0x20: {  	v4 =	vshll.u32 v3, $0x6  }
0x21: {  	v3 =	vand.u32 $0x7, v3;
	v4 =	vand.u32 $0xFFFFFE00, v4  }
0x22: {  	v3 =	vor.u32 v3, v4  }
0x23: {  	v3 =	vperm.xlane v3, v1;
	_ =	sdelay $0x1  }
0x24: {  	v3 =	vadd.s32 v2, v3;
	_ =	sdelay $0x3  }
0x25: {  	s14 =	simm.s32 $0x8000  }
0x26: {  	[tilespmem:s14], [sflag:$0x1] =	stream.indirect_vreg.gather [hbm4b:s1+s13], $0x80, v3, vm0, $0xb8;
	[tilespmem:$0x18880] =	vst v63  }
0x27: {  	s15 =	simm.s32 $0x8800  }
0x28: {  	[tilespmem:s15], [sflag:$0x1] =	stream.indirect_vreg.gather [hbm4b:s7+s13], $0x80, v3, vm0, $0xb8;
	[tilespmem:$0x18880] =	vst v63  }
0x29: {  	s14 =	simm.s32 $0x9000  }
0x2a: {  	[tilespmem:s14], [sflag:$0x1] =	stream.indirect_vreg.gather [hbm4b:s8+s13], $0x80, v3, vm0, $0xb8;
	[tilespmem:$0x18880] =	vst v63  }
0x2b: {  	s15 =	simm.s32 $0x9800  }
0x2c: {  	[tilespmem:s15], [sflag:$0x1] =	stream.indirect_vreg.gather [hbm4b:s9+s13], $0x80, v3, vm0, $0xb8;
	[tilespmem:$0x18880] =	vst v63  }
0x2d: {  	v3 =	vld.msk [tilespmem:$0x4000], $0x1;
	_ =	sdelay $0x4  }
0x2e: {  	v57 =	vshll.u32 v3, $0x6  }
0x2f: {  	v3 =	vand.u32 $0x7, v3;
	v4 =	vand.u32 $0xFFFFFE00, v57  }
0x30: {  	v3 =	vor.u32 v3, v4  }
0x31: {  	v3 =	vperm.xlane v3, v1;
	_ =	sdelay $0x1  }
0x32: {  	v3 =	vadd.s32 v2, v3;
	_ =	sdelay $0x3  }
0x33: {  	s14 =	simm.s32 $0x10000  }
0x34: {  	[tilespmem:s14], [sflag:$0x5] =	stream.indirect_vreg.gather [hbm4b:s3+s13], $0x80, v3, vm0, $0xb8;
	[tilespmem:$0x18880] =	vst v63  }
0x35: {  	s15 =	simm.s32 $0x10800  }
0x36: {  	[tilespmem:s15], [sflag:$0x5] =	stream.indirect_vreg.gather [hbm4b:s10+s13], $0x80, v3, vm0, $0xb8;
	[tilespmem:$0x18880] =	vst v63  }
0x37: {  	s14 =	simm.s32 $0x11000  }
0x38: {  	[tilespmem:s14], [sflag:$0x5] =	stream.indirect_vreg.gather [hbm4b:s11+s13], $0x80, v3, vm0, $0xb8;
	[tilespmem:$0x18880] =	vst v63  }
0x39: {  	s15 =	simm.s32 $0x11800  }
0x3a: {  	[tilespmem:s15], [sflag:$0x5] =	stream.indirect_vreg.gather [hbm4b:s12+s13], $0x80, v3, vm0, $0xb8;
	[tilespmem:$0x18880] =	vst v63  }
0x3b: {  	v3 =	vld.msk [tilespmem:$0x80], $0x1;
	_ =	sdelay $0x4  }
0x3c: {  	v58 =	vshll.u32 v3, $0x6  }
0x3d: {  	v3 =	vand.u32 $0x7, v3;
	v4 =	vand.u32 $0xFFFFFE00, v58  }
0x3e: {  	v3 =	vor.u32 v3, v4  }
0x3f: {  	v3 =	vperm.xlane v3, v1;
	_ =	sdelay $0x1  }
0x40: {  	v3 =	vadd.s32 v2, v3;
	_ =	sdelay $0x3  }
0x41: {  	s14 =	simm.s32 $0xA000  }
0x42: {  	[tilespmem:s14], [sflag:$0x2] =	stream.indirect_vreg.gather [hbm4b:s1+s13], $0x80, v3, vm0, $0xb8;
	[tilespmem:$0x18880] =	vst v63  }
0x43: {  	s15 =	simm.s32 $0xA800  }
0x44: {  	[tilespmem:s15], [sflag:$0x2] =	stream.indirect_vreg.gather [hbm4b:s7+s13], $0x80, v3, vm0, $0xb8;
	[tilespmem:$0x18880] =	vst v63  }
0x45: {  	s14 =	simm.s32 $0xB000  }
0x46: {  	[tilespmem:s14], [sflag:$0x2] =	stream.indirect_vreg.gather [hbm4b:s8+s13], $0x80, v3, vm0, $0xb8;
	[tilespmem:$0x18880] =	vst v63  }
0x47: {  	s15 =	simm.s32 $0xB800  }
0x48: {  	[tilespmem:s15], [sflag:$0x2] =	stream.indirect_vreg.gather [hbm4b:s9+s13], $0x80, v3, vm0, $0xb8;
	[tilespmem:$0x18880] =	vst v63  }
0x49: {  	v3 =	vld.msk [tilespmem:$0x4080], $0x1;
	_ =	sdelay $0x4  }
0x4a: {  	v59 =	vshll.u32 v3, $0x6  }
0x4b: {  	v3 =	vand.u32 $0x7, v3;
	v4 =	vand.u32 $0xFFFFFE00, v59  }
0x4c: {  	v3 =	vor.u32 v3, v4  }
0x4d: {  	v3 =	vperm.xlane v3, v1;
	_ =	sdelay $0x1  }
0x4e: {  	v3 =	vadd.s32 v2, v3;
	_ =	sdelay $0x3  }
0x4f: {  	s14 =	simm.s32 $0x12000  }
0x50: {  	[tilespmem:s14], [sflag:$0x6] =	stream.indirect_vreg.gather [hbm4b:s3+s13], $0x80, v3, vm0, $0xb8;
	[tilespmem:$0x18880] =	vst v63  }
0x51: {  	s15 =	simm.s32 $0x12800  }
0x52: {  	[tilespmem:s15], [sflag:$0x6] =	stream.indirect_vreg.gather [hbm4b:s10+s13], $0x80, v3, vm0, $0xb8;
	[tilespmem:$0x18880] =	vst v63  }
0x53: {  	s14 =	simm.s32 $0x13000  }
0x54: {  	[tilespmem:s14], [sflag:$0x6] =	stream.indirect_vreg.gather [hbm4b:s11+s13], $0x80, v3, vm0, $0xb8;
	[tilespmem:$0x18880] =	vst v63  }
0x55: {  	s15 =	simm.s32 $0x13800  }
0x56: {  	[tilespmem:s15], [sflag:$0x6] =	stream.indirect_vreg.gather [hbm4b:s12+s13], $0x80, v3, vm0, $0xb8;
	[tilespmem:$0x18880] =	vst v63  }
0x57: {  	v3 =	vld.msk [tilespmem:$0x100], $0x1;
	_ =	sdelay $0x4  }
0x58: {  	v60 =	vshll.u32 v3, $0x6  }
0x59: {  	v3 =	vand.u32 $0x7, v3;
	v4 =	vand.u32 $0xFFFFFE00, v60  }
0x5a: {  	v3 =	vor.u32 v3, v4  }
0x5b: {  	v3 =	vperm.xlane v3, v1;
	_ =	sdelay $0x1  }
0x5c: {  	v3 =	vadd.s32 v2, v3;
	_ =	sdelay $0x3  }
0x5d: {  	s14 =	simm.s32 $0xC000  }
0x5e: {  	[tilespmem:s14], [sflag:$0x3] =	stream.indirect_vreg.gather [hbm4b:s1+s13], $0x80, v3, vm0, $0xb8;
	[tilespmem:$0x18880] =	vst v63  }
0x5f: {  	s15 =	simm.s32 $0xC800  }
0x60: {  	[tilespmem:s15], [sflag:$0x3] =	stream.indirect_vreg.gather [hbm4b:s7+s13], $0x80, v3, vm0, $0xb8;
	[tilespmem:$0x18880] =	vst v63  }
0x61: {  	s14 =	simm.s32 $0xD000  }
0x62: {  	[tilespmem:s14], [sflag:$0x3] =	stream.indirect_vreg.gather [hbm4b:s8+s13], $0x80, v3, vm0, $0xb8;
	[tilespmem:$0x18880] =	vst v63  }
0x63: {  	s15 =	simm.s32 $0xD800  }
0x64: {  	[tilespmem:s15], [sflag:$0x3] =	stream.indirect_vreg.gather [hbm4b:s9+s13], $0x80, v3, vm0, $0xb8;
	[tilespmem:$0x18880] =	vst v63  }
0x65: {  	v3 =	vld.msk [tilespmem:$0x4100], $0x1;
	_ =	sdelay $0x4  }
0x66: {  	v61 =	vshll.u32 v3, $0x6  }
0x67: {  	v3 =	vand.u32 $0x7, v3;
	v4 =	vand.u32 $0xFFFFFE00, v61  }
0x68: {  	v3 =	vor.u32 v3, v4  }
0x69: {  	v3 =	vperm.xlane v3, v1;
	_ =	sdelay $0x1  }
0x6a: {  	v3 =	vadd.s32 v2, v3;
	_ =	sdelay $0x3  }
0x6b: {  	s14 =	simm.s32 $0x14000  }
0x6c: {  	[tilespmem:s14], [sflag:$0x7] =	stream.indirect_vreg.gather [hbm4b:s3+s13], $0x80, v3, vm0, $0xb8;
	[tilespmem:$0x18880] =	vst v63  }
0x6d: {  	s15 =	simm.s32 $0x14800  }
0x6e: {  	[tilespmem:s15], [sflag:$0x7] =	stream.indirect_vreg.gather [hbm4b:s10+s13], $0x80, v3, vm0, $0xb8;
	[tilespmem:$0x18880] =	vst v63  }
0x6f: {  	_ = 	snop  }
0x70: {  	[tilespmem:s4], [sflag:$0x7] =	stream.indirect_vreg.gather [hbm4b:s11+s13], $0x80, v3, vm0, $0xb8;
	[tilespmem:$0x18880] =	vst v63  }
0x71: {  	_ = 	snop  }
0x72: {  	[tilespmem:s17], [sflag:$0x7] =	stream.indirect_vreg.gather [hbm4b:s12+s13], $0x80, v3, vm0, $0xb8;
	[tilespmem:$0x18880] =	vst v63  }
0x73: {  	v3 =	vld.msk [tilespmem:$0x180], $0x1;
	_ =	sdelay $0x4  }
0x74: {  	v62 =	vshll.u32 v3, $0x6  }
0x75: {  	v3 =	vand.u32 $0x7, v3;
	v4 =	vand.u32 $0xFFFFFE00, v62  }
0x76: {  	v3 =	vor.u32 v3, v4  }
0x77: {  	v3 =	vperm.xlane v3, v1;
	_ =	sdelay $0x1  }
0x78: {  	v3 =	vadd.s32 v2, v3;
	_ =	sdelay $0x4  }
0x79: {  	[tilespmem:s18], [sflag:$0x4] =	stream.indirect_vreg.gather [hbm4b:s1+s13], $0x80, v3, vm0, $0xb8;
	[tilespmem:$0x18880] =	vst v63  }
0x7a: {  	_ = 	snop  }
0x7b: {  	[tilespmem:s19], [sflag:$0x4] =	stream.indirect_vreg.gather [hbm4b:s7+s13], $0x80, v3, vm0, $0xb8;
	[tilespmem:$0x18880] =	vst v63  }
0x7c: {  	_ = 	snop  }
0x7d: {  	[tilespmem:s20], [sflag:$0x4] =	stream.indirect_vreg.gather [hbm4b:s8+s13], $0x80, v3, vm0, $0xb8;
	[tilespmem:$0x18880] =	vst v63  }
0x7e: {  	_ = 	snop  }
0x7f: {  	[tilespmem:s21], [sflag:$0x4] =	stream.indirect_vreg.gather [hbm4b:s9+s13], $0x80, v3, vm0, $0xb8;
	[tilespmem:$0x18880] =	vst v63  }
0x80: {  	v3 =	vld.msk [tilespmem:$0x4180], $0x1;
	_ =	sdelay $0x4  }
0x81: {  	v63 =	vshll.u32 v3, $0x6  }
0x82: {  	v3 =	vand.u32 $0x7, v3;
	v4 =	vand.u32 $0xFFFFFE00, v63  }
0x83: {  	v3 =	vor.u32 v3, v4  }
0x84: {  	v3 =	vperm.xlane v3, v1;
	_ =	sdelay $0x1  }
0x85: {  	v3 =	vadd.s32 v2, v3;
	_ =	sdelay $0x4  }
0x86: {  	[tilespmem:s22], [sflag:$0x8] =	stream.indirect_vreg.gather [hbm4b:s3+s13], $0x80, v3, vm0, $0xb8;
	[tilespmem:$0x18880] =	vst v63  }
0x87: {  	_ = 	snop  }
0x88: {  	[tilespmem:s23], [sflag:$0x8] =	stream.indirect_vreg.gather [hbm4b:s10+s13], $0x80, v3, vm0, $0xb8;
	[tilespmem:$0x18880] =	vst v63  }
0x89: {  	_ = 	snop  }
0x8a: {  	[tilespmem:s24], [sflag:$0x8] =	stream.indirect_vreg.gather [hbm4b:s11+s13], $0x80, v3, vm0, $0xb8;
	[tilespmem:$0x18880] =	vst v63  }
0x8b: {  	s6 =	simm.s32 $0x0  }
0x8c: {  	[tilespmem:s25], [sflag:$0x8] =	stream.indirect_vreg.gather [hbm4b:s12+s13], $0x80, v3, vm0, $0xb8;
	[tilespmem:$0x18880] =	vst v63  }
.LBB2_2:
0x8d: {  	_ =	swait.ge [sflag:s26], $0x2000  }
0x8e: {  	[sflag:s26] =	ssyncset.done $0x0  }
0x8f: {  	[sflag:s26] =	ssyncadd.s32 $0xFFFFE000  }
0x90: {  	_ =	swait.ge [sflag:s28], $0x2000  }
0x91: {  	[sflag:s28] =	ssyncset.done $0x0  }
0x92: {  	s13 =	simm.s32 $0x0;
	[sflag:s28] =	ssyncadd.s32 $0xFFFFE000  }
0x93: {  	v7 =	vld [tilespmem:s13+$0x8030]  }
0x94: {  	v8 =	vld [tilespmem:s13+$0x10030]  }
0x95: {  	v9 =	vld [tilespmem:s13+$0x8070]  }
0x96: {  	v13 =	vld [tilespmem:s13+$0x10070]  }
0x97: {  	v3 =	vld [tilespmem:s13+$0x80B0]  }
0x98: {  	v4 =	vld [tilespmem:s13+$0x100B0]  }
0x99: {  	v15 =	vld [tilespmem:s13+$0x8020]  }
0x9a: {  	v18 =	vld [tilespmem:s13+$0x10020]  }
0x9b: {  	v19 =	vld [tilespmem:s13+$0x8060]  }
0x9c: {  	v20 =	vld [tilespmem:s13+$0x10060]  }
0x9d: {  	v5 =	vld [tilespmem:s13+$0x80A0]  }
0x9e: {  	v6 =	vld [tilespmem:s13+$0x100A0]  }
0x9f: {  	v21 =	vld [tilespmem:s13+$0x8010]  }
0xa0: {  	v22 =	vld [tilespmem:s13+$0x10010]  }
0xa1: {  	v23 =	vld [tilespmem:s13+$0x8050]  }
0xa2: {  	v24 =	vld [tilespmem:s13+$0x10050]  }
0xa3: {  	v16 =	vld [tilespmem:s13+$0x8090]  }
0xa4: {  	v17 =	vld [tilespmem:s13+$0x10090]  }
0xa5: {  	v25 =	vld [tilespmem:s13+$0x8000]  }
0xa6: {  	v26 =	vld [tilespmem:s13+$0x10000]  }
0xa7: {  	v27 =	vld [tilespmem:s13+$0x8040]  }
0xa8: {  	v29 =	vld [tilespmem:s13+$0x10040]  }
0xa9: {  	v28 =	vld [tilespmem:s13+$0x8080]  }
0xaa: {  	v12 =	vimm.f32 $0.0e+00;
	v30 =	vld [tilespmem:s13+$0x10080]  }
0xab: {  	s14 =	simm.s32 $0x400;
	v14 =	vimm.f32 $0.0e+00;
	v10 =	vimm.f32 $0.0e+00;
	v11 =	vimm.f32 $0.0e+00;
	v31 =	vld [tilespmem:s13+$0x80C0]  }
.LBB2_3:
0xac: {  	p0 =	sne.s32 s14, $0x7C00;
	v32 =	vld [tilespmem:s13+$0x100C0]  }
0xad: {  	v33 =	vmul.f32 v8, v7;
	v34 =	vmul.f32 v13, v9;
	v8 =	vld [tilespmem:s13+$0x80D0]  }
0xae: {  	v15 =	vmul.f32 v18, v15;
	v18 =	vmul.f32 v20, v19;
	v9 =	vld [tilespmem:s13+$0x100D0]  }
0xaf: {  	v13 =	vmul.f32 v22, v21;
	v19 =	vmul.f32 v24, v23;
	v20 =	vld [tilespmem:s13+$0x80E0]  }
0xb0: {  	v7 =	vmul.f32 v26, v25;
	v21 =	vmul.f32 v29, v27;
	v22 =	vld [tilespmem:s13+$0x100E0]  }
0xb1: {  	v23 =	vmul.f32 v30, v28;
	v24 =	vmul.f32 v32, v31;
	v25 =	vld [tilespmem:s13+$0x80F0]  }
0xb2: {  	v16 =	vmul.f32 v17, v16;
	v12 =	vadd.f32 v7, v12;
	v14 =	vadd.f32 v21, v14;
	v17 =	vld [tilespmem:s13+$0x100F0];
	s13 =	sshra.s32 s14, $0x2  }
0xb3: {  	v10 =	vadd.f32 v23, v10;
	v7 =	vld [tilespmem:s13+$0x8030];
	v11 =	vadd.f32 v24, v11;
	v21 =	vmul.f32 v9, v8  }
0xb4: {  	v5 =	vmul.f32 v6, v5;
	v12 =	vadd.f32 v13, v12;
	v14 =	vadd.f32 v19, v14;
	v8 =	vld [tilespmem:s13+$0x10030]  }
0xb5: {  	v6 =	vadd.f32 v16, v10;
	v9 =	vld [tilespmem:s13+$0x8070];
	v10 =	vadd.f32 v21, v11;
	v11 =	vmul.f32 v22, v20  }
0xb6: {  	v12 =	vadd.f32 v15, v12;
	v14 =	vadd.f32 v18, v14;
	v16 =	vmul.f32 v4, v3;
	v13 =	vld [tilespmem:s13+$0x10070]  }
0xb7: {  	v5 =	vadd.f32 v5, v6;
	v3 =	vld [tilespmem:s13+$0x80B0];
	v6 =	vadd.f32 v11, v10;
	v11 =	vmul.f32 v17, v25  }
0xb8: {  	v12 =	vadd.f32 v33, v12;
	v14 =	vadd.f32 v34, v14;
	v4 =	vld [tilespmem:s13+$0x100B0]  }
0xb9: {  	v10 =	vadd.f32 v16, v5;
	v15 =	vld [tilespmem:s13+$0x8020];
	v11 =	vadd.f32 v11, v6  }
0xba: {  	v18 =	vld [tilespmem:s13+$0x10020]  }
0xbb: {  	v19 =	vld [tilespmem:s13+$0x8060]  }
0xbc: {  	v20 =	vld [tilespmem:s13+$0x10060]  }
0xbd: {  	v5 =	vld [tilespmem:s13+$0x80A0]  }
0xbe: {  	v6 =	vld [tilespmem:s13+$0x100A0]  }
0xbf: {  	v21 =	vld [tilespmem:s13+$0x8010]  }
0xc0: {  	v22 =	vld [tilespmem:s13+$0x10010]  }
0xc1: {  	v23 =	vld [tilespmem:s13+$0x8050]  }
0xc2: {  	v24 =	vld [tilespmem:s13+$0x10050]  }
0xc3: {  	v16 =	vld [tilespmem:s13+$0x8090]  }
0xc4: {  	v17 =	vld [tilespmem:s13+$0x10090]  }
0xc5: {  	v25 =	vld [tilespmem:s13+$0x8000]  }
0xc6: {  	v26 =	vld [tilespmem:s13+$0x10000]  }
.Ltmp0:
0xc7: {  	v27 =	vld [tilespmem:s13+$0x8040];
	(pc) =	sbr.rel @p0 .LBB2_3-.Ltmp0, $4  }
0xc8: {  	v29 =	vld [tilespmem:s13+$0x10040]  }
0xc9: {  	v28 =	vld [tilespmem:s13+$0x8080]  }
0xca: {  	v30 =	vld [tilespmem:s13+$0x10080]  }
0xcb: {  	s14 =	sadd.s32 $0x400, s14;
	v31 =	vld [tilespmem:s13+$0x80C0]  }
0xcc: {  	v32 =	vld [tilespmem:s13+$0x100C0];
	v7 =	vmul.f32 v8, v7  }
0xcd: {  	v8 =	vmul.f32 v13, v9;
	v9 =	vld [tilespmem:s13+$0x80D0];
	v13 =	vmul.f32 v18, v15  }
0xce: {  	v15 =	vmul.f32 v20, v19;
	v18 =	vld [tilespmem:s13+$0x100D0];
	v19 =	vmul.f32 v22, v21  }
0xcf: {  	v20 =	vmul.f32 v24, v23;
	v21 =	vld [tilespmem:s13+$0x80E0];
	v22 =	vmul.f32 v26, v25  }
0xd0: {  	v24 =	vld [tilespmem:s13+$0x100E0];
	v16 =	vmul.f32 v17, v16;
	v23 =	vmul.f32 v29, v27  }
0xd1: {  	v17 =	vld [tilespmem:s13+$0x100F0];
	v25 =	vmul.f32 v30, v28;
	v26 =	vmul.f32 v32, v31  }
0xd2: {  	v27 =	vld [tilespmem:s13+$0x80F0];
	v12 =	vadd.f32 v22, v12;
	v14 =	vadd.f32 v23, v14  }
0xd3: {  	v10 =	vadd.f32 v25, v10;
	v9 =	vmul.f32 v18, v9;
	v11 =	vadd.f32 v26, v11  }
0xd4: {  	v5 =	vmul.f32 v6, v5;
	v12 =	vadd.f32 v19, v12;
	v14 =	vadd.f32 v20, v14  }
0xd5: {  	v6 =	vadd.f32 v16, v10;
	v10 =	vmul.f32 v24, v21;
	v9 =	vadd.f32 v9, v11  }
0xd6: {  	v3 =	vmul.f32 v4, v3;
	v11 =	vadd.f32 v13, v12;
	v12 =	vadd.f32 v15, v14  }
0xd7: {  	v4 =	vadd.f32 v5, v6;
	v6 =	vmul.f32 v17, v27;
	v5 =	vadd.f32 v10, v9  }
0xd8: {  	v7 =	vadd.f32 v7, v11;
	v8 =	vadd.f32 v8, v12  }
0xd9: {  	v3 =	vadd.f32 v3, v4;
	v4 =	vadd.f32 v6, v5;
	_ =	sdelay $0x1  }
0xda: {  	v5 =	vadd.f32 v8, v7;
	v3 =	vadd.f32 v4, v3;
	_ =	sdelay $0x1  }
0xdb: {  	v3 =	vadd.f32 v3, v5  }
0xdc: {  	s13 =	sshll.u32 s6, $0xB  }
0xdd: {  	s14 =	sor.u32 $0x200, s13;
	[tilespmem:$0x18080] =	vst v3  }
0xde: {  	v3 =	vld.msk [tilespmem:s14+$0x0], $0x1;
	_ =	sdelay $0x4  }
0xdf: {  	v4 =	vshll.u32 v3, $0x6  }
0xe0: {  	v3 =	vand.u32 $0x7, v3;
	v4 =	vand.u32 $0xFFFFFE00, v4  }
0xe1: {  	v3 =	vor.u32 v3, v4  }
0xe2: {  	v3 =	vperm.xlane v3, v1;
	_ =	sdelay $0x1  }
0xe3: {  	v3 =	vadd.s32 v2, v3;
	_ =	sdelay $0x3  }
0xe4: {  	s15 =	simm.s32 $0x8000;
	s14 =	simm.s32 $0x0  }
0xe5: {  	[tilespmem:s15], [sflag:$0x1] =	stream.indirect_vreg.gather [hbm4b:s1+s14], $0x80, v3, vm0, $0xb8;
	[tilespmem:$0x18880] =	vst v63  }
0xe6: {  	s15 =	simm.s32 $0x8800  }
0xe7: {  	[tilespmem:s15], [sflag:$0x1] =	stream.indirect_vreg.gather [hbm4b:s7+s14], $0x80, v3, vm0, $0xb8;
	[tilespmem:$0x18880] =	vst v63  }
0xe8: {  	s15 =	simm.s32 $0x9000  }
0xe9: {  	[tilespmem:s15], [sflag:$0x1] =	stream.indirect_vreg.gather [hbm4b:s8+s14], $0x80, v3, vm0, $0xb8;
	[tilespmem:$0x18880] =	vst v63  }
0xea: {  	s15 =	simm.s32 $0x9800  }
0xeb: {  	[tilespmem:s15], [sflag:$0x1] =	stream.indirect_vreg.gather [hbm4b:s9+s14], $0x80, v3, vm0, $0xb8;
	[tilespmem:$0x18880] =	vst v63  }
0xec: {  	v3 =	vld.msk [tilespmem:s13+$0x4200], $0x1;
	_ =	sdelay $0x4  }
0xed: {  	v4 =	vshll.u32 v3, $0x6  }
0xee: {  	v3 =	vand.u32 $0x7, v3;
	v4 =	vand.u32 $0xFFFFFE00, v4  }
0xef: {  	v3 =	vor.u32 v3, v4  }
0xf0: {  	v3 =	vperm.xlane v3, v1;
	_ =	sdelay $0x1  }
0xf1: {  	v3 =	vadd.s32 v2, v3;
	_ =	sdelay $0x3  }
0xf2: {  	s15 =	simm.s32 $0x10000  }
0xf3: {  	[tilespmem:s15], [sflag:$0x5] =	stream.indirect_vreg.gather [hbm4b:s3+s14], $0x80, v3, vm0, $0xb8;
	[tilespmem:$0x18880] =	vst v63  }
0xf4: {  	s15 =	simm.s32 $0x10800  }
0xf5: {  	[tilespmem:s15], [sflag:$0x5] =	stream.indirect_vreg.gather [hbm4b:s10+s14], $0x80, v3, vm0, $0xb8;
	[tilespmem:$0x18880] =	vst v63  }
0xf6: {  	s15 =	simm.s32 $0x11000  }
0xf7: {  	[tilespmem:s15], [sflag:$0x5] =	stream.indirect_vreg.gather [hbm4b:s11+s14], $0x80, v3, vm0, $0xb8;
	[tilespmem:$0x18880] =	vst v63  }
0xf8: {  	s15 =	simm.s32 $0x11800  }
0xf9: {  	[tilespmem:s15], [sflag:$0x5] =	stream.indirect_vreg.gather [hbm4b:s12+s14], $0x80, v3, vm0, $0xb8;
	[tilespmem:$0x18880] =	vst v63  }
0xfa: {  	_ =	swait.ge [sflag:s29], $0x2000  }
0xfb: {  	[sflag:s29] =	ssyncset.done $0x0  }
0xfc: {  	[sflag:s29] =	ssyncadd.s32 $0xFFFFE000  }
0xfd: {  	_ =	swait.ge [sflag:s30], $0x2000  }
0xfe: {  	[sflag:s30] =	ssyncset.done $0x0  }
0xff: {  	s14 =	simm.s32 $0x0;
	[sflag:s30] =	ssyncadd.s32 $0xFFFFE000  }
0x100: {  	v7 =	vld [tilespmem:s14+$0xA030]  }
0x101: {  	v8 =	vld [tilespmem:s14+$0x12030]  }
0x102: {  	v9 =	vld [tilespmem:s14+$0xA070]  }
0x103: {  	v13 =	vld [tilespmem:s14+$0x12070]  }
0x104: {  	v3 =	vld [tilespmem:s14+$0xA0B0]  }
0x105: {  	v4 =	vld [tilespmem:s14+$0x120B0]  }
0x106: {  	v15 =	vld [tilespmem:s14+$0xA020]  }
0x107: {  	v18 =	vld [tilespmem:s14+$0x12020]  }
0x108: {  	v19 =	vld [tilespmem:s14+$0xA060]  }
0x109: {  	v20 =	vld [tilespmem:s14+$0x12060]  }
0x10a: {  	v5 =	vld [tilespmem:s14+$0xA0A0]  }
0x10b: {  	v6 =	vld [tilespmem:s14+$0x120A0]  }
0x10c: {  	v21 =	vld [tilespmem:s14+$0xA010]  }
0x10d: {  	v22 =	vld [tilespmem:s14+$0x12010]  }
0x10e: {  	v23 =	vld [tilespmem:s14+$0xA050]  }
0x10f: {  	v24 =	vld [tilespmem:s14+$0x12050]  }
0x110: {  	v16 =	vld [tilespmem:s14+$0xA090]  }
0x111: {  	v17 =	vld [tilespmem:s14+$0x12090]  }
0x112: {  	v25 =	vld [tilespmem:s14+$0xA000]  }
0x113: {  	v26 =	vld [tilespmem:s14+$0x12000]  }
0x114: {  	v27 =	vld [tilespmem:s14+$0xA040]  }
0x115: {  	v29 =	vld [tilespmem:s14+$0x12040]  }
0x116: {  	v28 =	vld [tilespmem:s14+$0xA080]  }
0x117: {  	v14 =	vimm.f32 $0.0e+00;
	v30 =	vld [tilespmem:s14+$0x12080]  }
0x118: {  	v12 =	vimm.f32 $0.0e+00;
	v10 =	vimm.f32 $0.0e+00;
	v11 =	vimm.f32 $0.0e+00;
	s15 =	simm.s32 $0x400;
	v31 =	vld [tilespmem:s14+$0xA0C0]  }
.LBB2_5:
0x119: {  	p0 =	sne.s32 s15, $0x7C00;
	v32 =	vld [tilespmem:s14+$0x120C0]  }
0x11a: {  	v33 =	vmul.f32 v8, v7;
	v34 =	vmul.f32 v13, v9;
	v8 =	vld [tilespmem:s14+$0xA0D0]  }
0x11b: {  	v15 =	vmul.f32 v18, v15;
	v18 =	vmul.f32 v20, v19;
	v9 =	vld [tilespmem:s14+$0x120D0]  }
0x11c: {  	v13 =	vmul.f32 v22, v21;
	v19 =	vmul.f32 v24, v23;
	v20 =	vld [tilespmem:s14+$0xA0E0]  }
0x11d: {  	v7 =	vmul.f32 v26, v25;
	v21 =	vmul.f32 v29, v27;
	v22 =	vld [tilespmem:s14+$0x120E0]  }
0x11e: {  	v23 =	vmul.f32 v30, v28;
	v24 =	vmul.f32 v32, v31;
	v25 =	vld [tilespmem:s14+$0xA0F0]  }
0x11f: {  	v16 =	vmul.f32 v17, v16;
	v12 =	vadd.f32 v7, v12;
	v14 =	vadd.f32 v21, v14;
	v17 =	vld [tilespmem:s14+$0x120F0];
	s14 =	sshra.s32 s15, $0x2  }
0x120: {  	v10 =	vadd.f32 v23, v10;
	v7 =	vld [tilespmem:s14+$0xA030];
	v11 =	vadd.f32 v24, v11;
	v21 =	vmul.f32 v9, v8  }
0x121: {  	v5 =	vmul.f32 v6, v5;
	v12 =	vadd.f32 v13, v12;
	v14 =	vadd.f32 v19, v14;
	v8 =	vld [tilespmem:s14+$0x12030]  }
0x122: {  	v6 =	vadd.f32 v16, v10;
	v9 =	vld [tilespmem:s14+$0xA070];
	v10 =	vadd.f32 v21, v11;
	v11 =	vmul.f32 v22, v20  }
0x123: {  	v12 =	vadd.f32 v15, v12;
	v14 =	vadd.f32 v18, v14;
	v16 =	vmul.f32 v4, v3;
	v13 =	vld [tilespmem:s14+$0x12070]  }
0x124: {  	v5 =	vadd.f32 v5, v6;
	v3 =	vld [tilespmem:s14+$0xA0B0];
	v6 =	vadd.f32 v11, v10;
	v11 =	vmul.f32 v17, v25  }
0x125: {  	v12 =	vadd.f32 v33, v12;
	v14 =	vadd.f32 v34, v14;
	v4 =	vld [tilespmem:s14+$0x120B0]  }
0x126: {  	v10 =	vadd.f32 v16, v5;
	v15 =	vld [tilespmem:s14+$0xA020];
	v11 =	vadd.f32 v11, v6  }
0x127: {  	v18 =	vld [tilespmem:s14+$0x12020]  }
0x128: {  	v19 =	vld [tilespmem:s14+$0xA060]  }
0x129: {  	v20 =	vld [tilespmem:s14+$0x12060]  }
0x12a: {  	v5 =	vld [tilespmem:s14+$0xA0A0]  }
0x12b: {  	v6 =	vld [tilespmem:s14+$0x120A0]  }
0x12c: {  	v21 =	vld [tilespmem:s14+$0xA010]  }
0x12d: {  	v22 =	vld [tilespmem:s14+$0x12010]  }
0x12e: {  	v23 =	vld [tilespmem:s14+$0xA050]  }
0x12f: {  	v24 =	vld [tilespmem:s14+$0x12050]  }
0x130: {  	v16 =	vld [tilespmem:s14+$0xA090]  }
0x131: {  	v17 =	vld [tilespmem:s14+$0x12090]  }
0x132: {  	v25 =	vld [tilespmem:s14+$0xA000]  }
0x133: {  	v26 =	vld [tilespmem:s14+$0x12000]  }
.Ltmp1:
0x134: {  	v27 =	vld [tilespmem:s14+$0xA040];
	(pc) =	sbr.rel @p0 .LBB2_5-.Ltmp1, $4  }
0x135: {  	v29 =	vld [tilespmem:s14+$0x12040]  }
0x136: {  	v28 =	vld [tilespmem:s14+$0xA080]  }
0x137: {  	v30 =	vld [tilespmem:s14+$0x12080]  }
0x138: {  	s15 =	sadd.s32 $0x400, s15;
	v31 =	vld [tilespmem:s14+$0xA0C0]  }
0x139: {  	v32 =	vld [tilespmem:s14+$0x120C0];
	v7 =	vmul.f32 v8, v7  }
0x13a: {  	v8 =	vmul.f32 v13, v9;
	v9 =	vld [tilespmem:s14+$0xA0D0];
	v13 =	vmul.f32 v18, v15  }
0x13b: {  	v15 =	vmul.f32 v20, v19;
	v18 =	vld [tilespmem:s14+$0x120D0];
	v19 =	vmul.f32 v22, v21  }
0x13c: {  	v20 =	vmul.f32 v24, v23;
	v21 =	vld [tilespmem:s14+$0xA0E0];
	v22 =	vmul.f32 v26, v25  }
0x13d: {  	v24 =	vld [tilespmem:s14+$0x120E0];
	v16 =	vmul.f32 v17, v16;
	v23 =	vmul.f32 v29, v27  }
0x13e: {  	v17 =	vld [tilespmem:s14+$0x120F0];
	v25 =	vmul.f32 v30, v28;
	v26 =	vmul.f32 v32, v31  }
0x13f: {  	v27 =	vld [tilespmem:s14+$0xA0F0];
	v12 =	vadd.f32 v22, v12;
	v14 =	vadd.f32 v23, v14  }
0x140: {  	v10 =	vadd.f32 v25, v10;
	v9 =	vmul.f32 v18, v9;
	v11 =	vadd.f32 v26, v11  }
0x141: {  	v5 =	vmul.f32 v6, v5;
	v12 =	vadd.f32 v19, v12;
	v14 =	vadd.f32 v20, v14  }
0x142: {  	v6 =	vadd.f32 v16, v10;
	v10 =	vmul.f32 v24, v21;
	v9 =	vadd.f32 v9, v11  }
0x143: {  	v3 =	vmul.f32 v4, v3;
	v11 =	vadd.f32 v13, v12;
	v12 =	vadd.f32 v15, v14  }
0x144: {  	v4 =	vadd.f32 v5, v6;
	v6 =	vmul.f32 v17, v27;
	v5 =	vadd.f32 v10, v9  }
0x145: {  	v7 =	vadd.f32 v7, v11;
	v8 =	vadd.f32 v8, v12  }
0x146: {  	v3 =	vadd.f32 v3, v4;
	v4 =	vadd.f32 v6, v5;
	_ =	sdelay $0x1  }
0x147: {  	v5 =	vadd.f32 v8, v7;
	v3 =	vadd.f32 v4, v3;
	_ =	sdelay $0x1  }
0x148: {  	v3 =	vadd.f32 v3, v5;
	_ =	sdelay $0x1  }
0x149: {  	s15 =	sor.u32 $0x280, s13;
	[tilespmem:$0x18100] =	vst v3  }
0x14a: {  	v3 =	vld.msk [tilespmem:s15+$0x0], $0x1;
	_ =	sdelay $0x4  }
0x14b: {  	v4 =	vshll.u32 v3, $0x6  }
0x14c: {  	v3 =	vand.u32 $0x7, v3;
	v4 =	vand.u32 $0xFFFFFE00, v4  }
0x14d: {  	v3 =	vor.u32 v3, v4  }
0x14e: {  	v3 =	vperm.xlane v3, v1;
	_ =	sdelay $0x1  }
0x14f: {  	v3 =	vadd.s32 v2, v3;
	_ =	sdelay $0x3  }
0x150: {  	s14 =	simm.s32 $0x0;
	s15 =	simm.s32 $0xA000  }
0x151: {  	[tilespmem:s15], [sflag:$0x2] =	stream.indirect_vreg.gather [hbm4b:s1+s14], $0x80, v3, vm0, $0xb8;
	[tilespmem:$0x18880] =	vst v63  }
0x152: {  	s15 =	simm.s32 $0xA800  }
0x153: {  	[tilespmem:s15], [sflag:$0x2] =	stream.indirect_vreg.gather [hbm4b:s7+s14], $0x80, v3, vm0, $0xb8;
	[tilespmem:$0x18880] =	vst v63  }
0x154: {  	s15 =	simm.s32 $0xB000  }
0x155: {  	[tilespmem:s15], [sflag:$0x2] =	stream.indirect_vreg.gather [hbm4b:s8+s14], $0x80, v3, vm0, $0xb8;
	[tilespmem:$0x18880] =	vst v63  }
0x156: {  	s15 =	simm.s32 $0xB800  }
0x157: {  	[tilespmem:s15], [sflag:$0x2] =	stream.indirect_vreg.gather [hbm4b:s9+s14], $0x80, v3, vm0, $0xb8;
	[tilespmem:$0x18880] =	vst v63  }
0x158: {  	v3 =	vld.msk [tilespmem:s13+$0x4280], $0x1;
	_ =	sdelay $0x4  }
0x159: {  	v4 =	vshll.u32 v3, $0x6  }
0x15a: {  	v3 =	vand.u32 $0x7, v3;
	v4 =	vand.u32 $0xFFFFFE00, v4  }
0x15b: {  	v3 =	vor.u32 v3, v4  }
0x15c: {  	v3 =	vperm.xlane v3, v1;
	_ =	sdelay $0x1  }
0x15d: {  	v3 =	vadd.s32 v2, v3;
	_ =	sdelay $0x3  }
0x15e: {  	s15 =	simm.s32 $0x12000  }
0x15f: {  	[tilespmem:s15], [sflag:$0x6] =	stream.indirect_vreg.gather [hbm4b:s3+s14], $0x80, v3, vm0, $0xb8;
	[tilespmem:$0x18880] =	vst v63  }
0x160: {  	s15 =	simm.s32 $0x12800  }
0x161: {  	[tilespmem:s15], [sflag:$0x6] =	stream.indirect_vreg.gather [hbm4b:s10+s14], $0x80, v3, vm0, $0xb8;
	[tilespmem:$0x18880] =	vst v63  }
0x162: {  	s15 =	simm.s32 $0x13000  }
0x163: {  	[tilespmem:s15], [sflag:$0x6] =	stream.indirect_vreg.gather [hbm4b:s11+s14], $0x80, v3, vm0, $0xb8;
	[tilespmem:$0x18880] =	vst v63  }
0x164: {  	s15 =	simm.s32 $0x13800  }
0x165: {  	[tilespmem:s15], [sflag:$0x6] =	stream.indirect_vreg.gather [hbm4b:s12+s14], $0x80, v3, vm0, $0xb8;
	[tilespmem:$0x18880] =	vst v63  }
0x166: {  	_ =	swait.ge [sflag:s31], $0x2000  }
0x167: {  	[sflag:s31] =	ssyncset.done $0x0  }
0x168: {  	[sflag:s31] =	ssyncadd.s32 $0xFFFFE000  }
0x169: {  	_ =	swait.ge [sflag:s2], $0x2000  }
0x16a: {  	[sflag:s2] =	ssyncset.done $0x0  }
0x16b: {  	s14 =	simm.s32 $0x0;
	[sflag:s2] =	ssyncadd.s32 $0xFFFFE000  }
0x16c: {  	v7 =	vld [tilespmem:s14+$0xC030]  }
0x16d: {  	v8 =	vld [tilespmem:s14+$0x14030]  }
0x16e: {  	v9 =	vld [tilespmem:s14+$0xC070]  }
0x16f: {  	v13 =	vld [tilespmem:s14+$0x14070]  }
0x170: {  	v3 =	vld [tilespmem:s14+$0xC0B0]  }
0x171: {  	v4 =	vld [tilespmem:s14+$0x140B0]  }
0x172: {  	v15 =	vld [tilespmem:s14+$0xC020]  }
0x173: {  	v18 =	vld [tilespmem:s14+$0x14020]  }
0x174: {  	v19 =	vld [tilespmem:s14+$0xC060]  }
0x175: {  	v20 =	vld [tilespmem:s14+$0x14060]  }
0x176: {  	v5 =	vld [tilespmem:s14+$0xC0A0]  }
0x177: {  	v6 =	vld [tilespmem:s14+$0x140A0]  }
0x178: {  	v21 =	vld [tilespmem:s14+$0xC010]  }
0x179: {  	v22 =	vld [tilespmem:s14+$0x14010]  }
0x17a: {  	v23 =	vld [tilespmem:s14+$0xC050]  }
0x17b: {  	v24 =	vld [tilespmem:s14+$0x14050]  }
0x17c: {  	v16 =	vld [tilespmem:s14+$0xC090]  }
0x17d: {  	v17 =	vld [tilespmem:s14+$0x14090]  }
0x17e: {  	v25 =	vld [tilespmem:s14+$0xC000]  }
0x17f: {  	v26 =	vld [tilespmem:s14+$0x14000]  }
0x180: {  	v27 =	vld [tilespmem:s14+$0xC040]  }
0x181: {  	v29 =	vld [tilespmem:s14+$0x14040]  }
0x182: {  	v28 =	vld [tilespmem:s14+$0xC080]  }
0x183: {  	v14 =	vimm.f32 $0.0e+00;
	v30 =	vld [tilespmem:s14+$0x14080]  }
0x184: {  	v12 =	vimm.f32 $0.0e+00;
	v10 =	vimm.f32 $0.0e+00;
	v11 =	vimm.f32 $0.0e+00;
	s15 =	simm.s32 $0x400;
	v31 =	vld [tilespmem:s14+$0xC0C0]  }
.LBB2_7:
0x185: {  	p0 =	sne.s32 s15, $0x7C00;
	v32 =	vld [tilespmem:s14+$0x140C0]  }
0x186: {  	v33 =	vmul.f32 v8, v7;
	v34 =	vmul.f32 v13, v9;
	v8 =	vld [tilespmem:s14+$0xC0D0]  }
0x187: {  	v15 =	vmul.f32 v18, v15;
	v18 =	vmul.f32 v20, v19;
	v9 =	vld [tilespmem:s14+$0x140D0]  }
0x188: {  	v13 =	vmul.f32 v22, v21;
	v19 =	vmul.f32 v24, v23;
	v20 =	vld [tilespmem:s14+$0xC0E0]  }
0x189: {  	v7 =	vmul.f32 v26, v25;
	v21 =	vmul.f32 v29, v27;
	v22 =	vld [tilespmem:s14+$0x140E0]  }
0x18a: {  	v23 =	vmul.f32 v30, v28;
	v24 =	vmul.f32 v32, v31;
	v25 =	vld [tilespmem:s14+$0xC0F0]  }
0x18b: {  	v16 =	vmul.f32 v17, v16;
	v12 =	vadd.f32 v7, v12;
	v14 =	vadd.f32 v21, v14;
	v17 =	vld [tilespmem:s14+$0x140F0];
	s14 =	sshra.s32 s15, $0x2  }
0x18c: {  	v10 =	vadd.f32 v23, v10;
	v7 =	vld [tilespmem:s14+$0xC030];
	v11 =	vadd.f32 v24, v11;
	v21 =	vmul.f32 v9, v8  }
0x18d: {  	v5 =	vmul.f32 v6, v5;
	v12 =	vadd.f32 v13, v12;
	v14 =	vadd.f32 v19, v14;
	v8 =	vld [tilespmem:s14+$0x14030]  }
0x18e: {  	v6 =	vadd.f32 v16, v10;
	v9 =	vld [tilespmem:s14+$0xC070];
	v10 =	vadd.f32 v21, v11;
	v11 =	vmul.f32 v22, v20  }
0x18f: {  	v12 =	vadd.f32 v15, v12;
	v14 =	vadd.f32 v18, v14;
	v16 =	vmul.f32 v4, v3;
	v13 =	vld [tilespmem:s14+$0x14070]  }
0x190: {  	v5 =	vadd.f32 v5, v6;
	v3 =	vld [tilespmem:s14+$0xC0B0];
	v6 =	vadd.f32 v11, v10;
	v11 =	vmul.f32 v17, v25  }
0x191: {  	v12 =	vadd.f32 v33, v12;
	v14 =	vadd.f32 v34, v14;
	v4 =	vld [tilespmem:s14+$0x140B0]  }
0x192: {  	v10 =	vadd.f32 v16, v5;
	v15 =	vld [tilespmem:s14+$0xC020];
	v11 =	vadd.f32 v11, v6  }
0x193: {  	v18 =	vld [tilespmem:s14+$0x14020]  }
0x194: {  	v19 =	vld [tilespmem:s14+$0xC060]  }
0x195: {  	v20 =	vld [tilespmem:s14+$0x14060]  }
0x196: {  	v5 =	vld [tilespmem:s14+$0xC0A0]  }
0x197: {  	v6 =	vld [tilespmem:s14+$0x140A0]  }
0x198: {  	v21 =	vld [tilespmem:s14+$0xC010]  }
0x199: {  	v22 =	vld [tilespmem:s14+$0x14010]  }
0x19a: {  	v23 =	vld [tilespmem:s14+$0xC050]  }
0x19b: {  	v24 =	vld [tilespmem:s14+$0x14050]  }
0x19c: {  	v16 =	vld [tilespmem:s14+$0xC090]  }
0x19d: {  	v17 =	vld [tilespmem:s14+$0x14090]  }
0x19e: {  	v25 =	vld [tilespmem:s14+$0xC000]  }
0x19f: {  	v26 =	vld [tilespmem:s14+$0x14000]  }
.Ltmp2:
0x1a0: {  	v27 =	vld [tilespmem:s14+$0xC040];
	(pc) =	sbr.rel @p0 .LBB2_7-.Ltmp2, $4  }
0x1a1: {  	v29 =	vld [tilespmem:s14+$0x14040]  }
0x1a2: {  	v28 =	vld [tilespmem:s14+$0xC080]  }
0x1a3: {  	v30 =	vld [tilespmem:s14+$0x14080]  }
0x1a4: {  	s15 =	sadd.s32 $0x400, s15;
	v31 =	vld [tilespmem:s14+$0xC0C0]  }
0x1a5: {  	v32 =	vld [tilespmem:s14+$0x140C0];
	v7 =	vmul.f32 v8, v7  }
0x1a6: {  	v8 =	vmul.f32 v13, v9;
	v9 =	vld [tilespmem:s14+$0xC0D0];
	v13 =	vmul.f32 v18, v15  }
0x1a7: {  	v15 =	vmul.f32 v20, v19;
	v18 =	vld [tilespmem:s14+$0x140D0];
	v19 =	vmul.f32 v22, v21  }
0x1a8: {  	v20 =	vmul.f32 v24, v23;
	v21 =	vld [tilespmem:s14+$0xC0E0];
	v22 =	vmul.f32 v26, v25  }
0x1a9: {  	v24 =	vld [tilespmem:s14+$0x140E0];
	v16 =	vmul.f32 v17, v16;
	v23 =	vmul.f32 v29, v27  }
0x1aa: {  	v17 =	vld [tilespmem:s14+$0x140F0];
	v25 =	vmul.f32 v30, v28;
	v26 =	vmul.f32 v32, v31  }
0x1ab: {  	v27 =	vld [tilespmem:s14+$0xC0F0];
	v12 =	vadd.f32 v22, v12;
	v14 =	vadd.f32 v23, v14  }
0x1ac: {  	v10 =	vadd.f32 v25, v10;
	v9 =	vmul.f32 v18, v9;
	v11 =	vadd.f32 v26, v11  }
0x1ad: {  	v5 =	vmul.f32 v6, v5;
	v12 =	vadd.f32 v19, v12;
	v14 =	vadd.f32 v20, v14  }
0x1ae: {  	v6 =	vadd.f32 v16, v10;
	v10 =	vmul.f32 v24, v21;
	v9 =	vadd.f32 v9, v11  }
0x1af: {  	v3 =	vmul.f32 v4, v3;
	v11 =	vadd.f32 v13, v12;
	v12 =	vadd.f32 v15, v14  }
0x1b0: {  	v4 =	vadd.f32 v5, v6;
	v6 =	vmul.f32 v17, v27;
	v5 =	vadd.f32 v10, v9  }
0x1b1: {  	v7 =	vadd.f32 v7, v11;
	v8 =	vadd.f32 v8, v12  }
0x1b2: {  	v3 =	vadd.f32 v3, v4;
	v4 =	vadd.f32 v6, v5;
	_ =	sdelay $0x1  }
0x1b3: {  	v5 =	vadd.f32 v8, v7;
	v3 =	vadd.f32 v4, v3;
	_ =	sdelay $0x1  }
0x1b4: {  	v3 =	vadd.f32 v3, v5;
	_ =	sdelay $0x1  }
0x1b5: {  	s15 =	sor.u32 $0x300, s13;
	[tilespmem:$0x18180] =	vst v3  }
0x1b6: {  	v3 =	vld.msk [tilespmem:s15+$0x0], $0x1;
	_ =	sdelay $0x4  }
0x1b7: {  	v4 =	vshll.u32 v3, $0x6  }
0x1b8: {  	v3 =	vand.u32 $0x7, v3;
	v4 =	vand.u32 $0xFFFFFE00, v4  }
0x1b9: {  	v3 =	vor.u32 v3, v4  }
0x1ba: {  	v3 =	vperm.xlane v3, v1;
	_ =	sdelay $0x1  }
0x1bb: {  	v3 =	vadd.s32 v2, v3;
	_ =	sdelay $0x3  }
0x1bc: {  	s14 =	simm.s32 $0x0;
	s15 =	simm.s32 $0xC000  }
0x1bd: {  	[tilespmem:s15], [sflag:$0x3] =	stream.indirect_vreg.gather [hbm4b:s1+s14], $0x80, v3, vm0, $0xb8;
	[tilespmem:$0x18880] =	vst v63  }
0x1be: {  	s15 =	simm.s32 $0xC800  }
0x1bf: {  	[tilespmem:s15], [sflag:$0x3] =	stream.indirect_vreg.gather [hbm4b:s7+s14], $0x80, v3, vm0, $0xb8;
	[tilespmem:$0x18880] =	vst v63  }
0x1c0: {  	s15 =	simm.s32 $0xD000  }
0x1c1: {  	[tilespmem:s15], [sflag:$0x3] =	stream.indirect_vreg.gather [hbm4b:s8+s14], $0x80, v3, vm0, $0xb8;
	[tilespmem:$0x18880] =	vst v63  }
0x1c2: {  	s15 =	simm.s32 $0xD800  }
0x1c3: {  	[tilespmem:s15], [sflag:$0x3] =	stream.indirect_vreg.gather [hbm4b:s9+s14], $0x80, v3, vm0, $0xb8;
	[tilespmem:$0x18880] =	vst v63  }
0x1c4: {  	v3 =	vld.msk [tilespmem:s13+$0x4300], $0x1;
	_ =	sdelay $0x4  }
0x1c5: {  	v4 =	vshll.u32 v3, $0x6  }
0x1c6: {  	v3 =	vand.u32 $0x7, v3;
	v4 =	vand.u32 $0xFFFFFE00, v4  }
0x1c7: {  	v3 =	vor.u32 v3, v4  }
0x1c8: {  	v3 =	vperm.xlane v3, v1;
	_ =	sdelay $0x1  }
0x1c9: {  	v3 =	vadd.s32 v2, v3;
	_ =	sdelay $0x3  }
0x1ca: {  	s15 =	simm.s32 $0x14000  }
0x1cb: {  	[tilespmem:s15], [sflag:$0x7] =	stream.indirect_vreg.gather [hbm4b:s3+s14], $0x80, v3, vm0, $0xb8;
	[tilespmem:$0x18880] =	vst v63  }
0x1cc: {  	s15 =	simm.s32 $0x14800  }
0x1cd: {  	[tilespmem:s15], [sflag:$0x7] =	stream.indirect_vreg.gather [hbm4b:s10+s14], $0x80, v3, vm0, $0xb8;
	[tilespmem:$0x18880] =	vst v63  }
0x1ce: {  	_ = 	snop  }
0x1cf: {  	[tilespmem:s4], [sflag:$0x7] =	stream.indirect_vreg.gather [hbm4b:s11+s14], $0x80, v3, vm0, $0xb8;
	[tilespmem:$0x18880] =	vst v63  }
0x1d0: {  	_ = 	snop  }
0x1d1: {  	[tilespmem:s17], [sflag:$0x7] =	stream.indirect_vreg.gather [hbm4b:s12+s14], $0x80, v3, vm0, $0xb8;
	[tilespmem:$0x18880] =	vst v63  }
0x1d2: {  	_ =	swait.ge [sflag:s0], $0x2000  }
0x1d3: {  	[sflag:s0] =	ssyncset.done $0x0  }
0x1d4: {  	[sflag:s0] =	ssyncadd.s32 $0xFFFFE000  }
0x1d5: {  	_ =	swait.ge [sflag:s16], $0x2000  }
0x1d6: {  	[sflag:s16] =	ssyncset.done $0x0  }
0x1d7: {  	s14 =	simm.s32 $0x0;
	[sflag:s16] =	ssyncadd.s32 $0xFFFFE000  }
0x1d8: {  	v7 =	vld [tilespmem:s14+$0xE030]  }
0x1d9: {  	v8 =	vld [tilespmem:s14+$0x16030]  }
0x1da: {  	v9 =	vld [tilespmem:s14+$0xE070]  }
0x1db: {  	v13 =	vld [tilespmem:s14+$0x16070]  }
0x1dc: {  	v3 =	vld [tilespmem:s14+$0xE0B0]  }
0x1dd: {  	v4 =	vld [tilespmem:s14+$0x160B0]  }
0x1de: {  	v15 =	vld [tilespmem:s14+$0xE020]  }
0x1df: {  	v18 =	vld [tilespmem:s14+$0x16020]  }
0x1e0: {  	v19 =	vld [tilespmem:s14+$0xE060]  }
0x1e1: {  	v20 =	vld [tilespmem:s14+$0x16060]  }
0x1e2: {  	v5 =	vld [tilespmem:s14+$0xE0A0]  }
0x1e3: {  	v6 =	vld [tilespmem:s14+$0x160A0]  }
0x1e4: {  	v21 =	vld [tilespmem:s14+$0xE010]  }
0x1e5: {  	v22 =	vld [tilespmem:s14+$0x16010]  }
0x1e6: {  	v23 =	vld [tilespmem:s14+$0xE050]  }
0x1e7: {  	v24 =	vld [tilespmem:s14+$0x16050]  }
0x1e8: {  	v16 =	vld [tilespmem:s14+$0xE090]  }
0x1e9: {  	v17 =	vld [tilespmem:s14+$0x16090]  }
0x1ea: {  	v25 =	vld [tilespmem:s14+$0xE000]  }
0x1eb: {  	v26 =	vld [tilespmem:s14+$0x16000]  }
0x1ec: {  	v27 =	vld [tilespmem:s14+$0xE040]  }
0x1ed: {  	v29 =	vld [tilespmem:s14+$0x16040]  }
0x1ee: {  	v28 =	vld [tilespmem:s14+$0xE080]  }
0x1ef: {  	v14 =	vimm.f32 $0.0e+00;
	v30 =	vld [tilespmem:s14+$0x16080]  }
0x1f0: {  	v12 =	vimm.f32 $0.0e+00;
	v10 =	vimm.f32 $0.0e+00;
	v11 =	vimm.f32 $0.0e+00;
	s15 =	simm.s32 $0x400;
	v31 =	vld [tilespmem:s14+$0xE0C0]  }
.LBB2_9:
0x1f1: {  	p0 =	sne.s32 s15, $0x7C00;
	v32 =	vld [tilespmem:s14+$0x160C0]  }
0x1f2: {  	v33 =	vmul.f32 v8, v7;
	v34 =	vmul.f32 v13, v9;
	v8 =	vld [tilespmem:s14+$0xE0D0]  }
0x1f3: {  	v15 =	vmul.f32 v18, v15;
	v18 =	vmul.f32 v20, v19;
	v9 =	vld [tilespmem:s14+$0x160D0]  }
0x1f4: {  	v13 =	vmul.f32 v22, v21;
	v19 =	vmul.f32 v24, v23;
	v20 =	vld [tilespmem:s14+$0xE0E0]  }
0x1f5: {  	v7 =	vmul.f32 v26, v25;
	v21 =	vmul.f32 v29, v27;
	v22 =	vld [tilespmem:s14+$0x160E0]  }
0x1f6: {  	v23 =	vmul.f32 v30, v28;
	v24 =	vmul.f32 v32, v31;
	v25 =	vld [tilespmem:s14+$0xE0F0]  }
0x1f7: {  	v16 =	vmul.f32 v17, v16;
	v12 =	vadd.f32 v7, v12;
	v14 =	vadd.f32 v21, v14;
	v17 =	vld [tilespmem:s14+$0x160F0];
	s14 =	sshra.s32 s15, $0x2  }
0x1f8: {  	v10 =	vadd.f32 v23, v10;
	v7 =	vld [tilespmem:s14+$0xE030];
	v11 =	vadd.f32 v24, v11;
	v21 =	vmul.f32 v9, v8  }
0x1f9: {  	v5 =	vmul.f32 v6, v5;
	v12 =	vadd.f32 v13, v12;
	v14 =	vadd.f32 v19, v14;
	v8 =	vld [tilespmem:s14+$0x16030]  }
0x1fa: {  	v6 =	vadd.f32 v16, v10;
	v9 =	vld [tilespmem:s14+$0xE070];
	v10 =	vadd.f32 v21, v11;
	v11 =	vmul.f32 v22, v20  }
0x1fb: {  	v12 =	vadd.f32 v15, v12;
	v14 =	vadd.f32 v18, v14;
	v16 =	vmul.f32 v4, v3;
	v13 =	vld [tilespmem:s14+$0x16070]  }
0x1fc: {  	v5 =	vadd.f32 v5, v6;
	v3 =	vld [tilespmem:s14+$0xE0B0];
	v6 =	vadd.f32 v11, v10;
	v11 =	vmul.f32 v17, v25  }
0x1fd: {  	v12 =	vadd.f32 v33, v12;
	v14 =	vadd.f32 v34, v14;
	v4 =	vld [tilespmem:s14+$0x160B0]  }
0x1fe: {  	v10 =	vadd.f32 v16, v5;
	v15 =	vld [tilespmem:s14+$0xE020];
	v11 =	vadd.f32 v11, v6  }
0x1ff: {  	v18 =	vld [tilespmem:s14+$0x16020]  }
0x200: {  	v19 =	vld [tilespmem:s14+$0xE060]  }
0x201: {  	v20 =	vld [tilespmem:s14+$0x16060]  }
0x202: {  	v5 =	vld [tilespmem:s14+$0xE0A0]  }
0x203: {  	v6 =	vld [tilespmem:s14+$0x160A0]  }
0x204: {  	v21 =	vld [tilespmem:s14+$0xE010]  }
0x205: {  	v22 =	vld [tilespmem:s14+$0x16010]  }
0x206: {  	v23 =	vld [tilespmem:s14+$0xE050]  }
0x207: {  	v24 =	vld [tilespmem:s14+$0x16050]  }
0x208: {  	v16 =	vld [tilespmem:s14+$0xE090]  }
0x209: {  	v17 =	vld [tilespmem:s14+$0x16090]  }
0x20a: {  	v25 =	vld [tilespmem:s14+$0xE000]  }
0x20b: {  	v26 =	vld [tilespmem:s14+$0x16000]  }
.Ltmp3:
0x20c: {  	v27 =	vld [tilespmem:s14+$0xE040];
	(pc) =	sbr.rel @p0 .LBB2_9-.Ltmp3, $4  }
0x20d: {  	v29 =	vld [tilespmem:s14+$0x16040]  }
0x20e: {  	v28 =	vld [tilespmem:s14+$0xE080]  }
0x20f: {  	v30 =	vld [tilespmem:s14+$0x16080]  }
0x210: {  	s15 =	sadd.s32 $0x400, s15;
	v31 =	vld [tilespmem:s14+$0xE0C0]  }
0x211: {  	v32 =	vld [tilespmem:s14+$0x160C0];
	v7 =	vmul.f32 v8, v7  }
0x212: {  	v8 =	vmul.f32 v13, v9;
	v9 =	vld [tilespmem:s14+$0xE0D0];
	v13 =	vmul.f32 v18, v15  }
0x213: {  	v15 =	vmul.f32 v20, v19;
	v18 =	vld [tilespmem:s14+$0x160D0];
	v19 =	vmul.f32 v22, v21  }
0x214: {  	v20 =	vmul.f32 v24, v23;
	v21 =	vld [tilespmem:s14+$0xE0E0];
	v22 =	vmul.f32 v26, v25  }
0x215: {  	v24 =	vld [tilespmem:s14+$0x160E0];
	v16 =	vmul.f32 v17, v16;
	v23 =	vmul.f32 v29, v27  }
0x216: {  	v17 =	vld [tilespmem:s14+$0x160F0];
	v25 =	vmul.f32 v30, v28;
	v26 =	vmul.f32 v32, v31  }
0x217: {  	v27 =	vld [tilespmem:s14+$0xE0F0];
	v12 =	vadd.f32 v22, v12;
	v14 =	vadd.f32 v23, v14  }
0x218: {  	v10 =	vadd.f32 v25, v10;
	v9 =	vmul.f32 v18, v9;
	v11 =	vadd.f32 v26, v11  }
0x219: {  	v5 =	vmul.f32 v6, v5;
	v12 =	vadd.f32 v19, v12;
	v14 =	vadd.f32 v20, v14  }
0x21a: {  	v6 =	vadd.f32 v16, v10;
	v10 =	vmul.f32 v24, v21;
	v9 =	vadd.f32 v9, v11  }
0x21b: {  	v3 =	vmul.f32 v4, v3;
	v11 =	vadd.f32 v13, v12;
	v12 =	vadd.f32 v15, v14  }
0x21c: {  	v4 =	vadd.f32 v5, v6;
	v6 =	vmul.f32 v17, v27;
	v5 =	vadd.f32 v10, v9  }
0x21d: {  	v7 =	vadd.f32 v7, v11;
	v8 =	vadd.f32 v8, v12  }
0x21e: {  	v3 =	vadd.f32 v3, v4;
	v4 =	vadd.f32 v6, v5;
	_ =	sdelay $0x1  }
0x21f: {  	v5 =	vadd.f32 v8, v7;
	v3 =	vadd.f32 v4, v3;
	_ =	sdelay $0x1  }
0x220: {  	v3 =	vadd.f32 v3, v5;
	_ =	sdelay $0x1  }
0x221: {  	s15 =	sor.u32 $0x380, s13;
	[tilespmem:$0x18200] =	vst v3  }
0x222: {  	v3 =	vld.msk [tilespmem:s15+$0x0], $0x1;
	_ =	sdelay $0x4  }
0x223: {  	v4 =	vshll.u32 v3, $0x6  }
0x224: {  	v3 =	vand.u32 $0x7, v3;
	v4 =	vand.u32 $0xFFFFFE00, v4  }
0x225: {  	v3 =	vor.u32 v3, v4  }
0x226: {  	v3 =	vperm.xlane v3, v1;
	_ =	sdelay $0x1  }
0x227: {  	v3 =	vadd.s32 v2, v3;
	_ =	sdelay $0x3  }
0x228: {  	s15 =	simm.s32 $0x0  }
0x229: {  	[tilespmem:s18], [sflag:$0x4] =	stream.indirect_vreg.gather [hbm4b:s1+s15], $0x80, v3, vm0, $0xb8;
	[tilespmem:$0x18880] =	vst v63  }
0x22a: {  	_ = 	snop  }
0x22b: {  	[tilespmem:s19], [sflag:$0x4] =	stream.indirect_vreg.gather [hbm4b:s7+s15], $0x80, v3, vm0, $0xb8;
	[tilespmem:$0x18880] =	vst v63  }
0x22c: {  	_ = 	snop  }
0x22d: {  	[tilespmem:s20], [sflag:$0x4] =	stream.indirect_vreg.gather [hbm4b:s8+s15], $0x80, v3, vm0, $0xb8;
	[tilespmem:$0x18880] =	vst v63  }
0x22e: {  	_ = 	snop  }
0x22f: {  	[tilespmem:s21], [sflag:$0x4] =	stream.indirect_vreg.gather [hbm4b:s9+s15], $0x80, v3, vm0, $0xb8;
	[tilespmem:$0x18880] =	vst v63  }
0x230: {  	v3 =	vld.msk [tilespmem:s13+$0x4380], $0x1;
	_ =	sdelay $0x4  }
0x231: {  	v4 =	vshll.u32 v3, $0x6  }
0x232: {  	v3 =	vand.u32 $0x7, v3;
	v4 =	vand.u32 $0xFFFFFE00, v4  }
0x233: {  	v3 =	vor.u32 v3, v4  }
0x234: {  	v3 =	vperm.xlane v3, v1;
	_ =	sdelay $0x1  }
0x235: {  	v3 =	vadd.s32 v2, v3;
	_ =	sdelay $0x4  }
0x236: {  	[tilespmem:s22], [sflag:$0x8] =	stream.indirect_vreg.gather [hbm4b:s3+s15], $0x80, v3, vm0, $0xb8;
	[tilespmem:$0x18880] =	vst v63  }
0x237: {  	_ = 	snop  }
0x238: {  	[tilespmem:s23], [sflag:$0x8] =	stream.indirect_vreg.gather [hbm4b:s10+s15], $0x80, v3, vm0, $0xb8;
	[tilespmem:$0x18880] =	vst v63  }
0x239: {  	_ = 	snop  }
0x23a: {  	[tilespmem:s24], [sflag:$0x8] =	stream.indirect_vreg.gather [hbm4b:s11+s15], $0x80, v3, vm0, $0xb8;
	[tilespmem:$0x18880] =	vst v63  }
0x23b: {  	_ = 	snop  }
0x23c: {  	[tilespmem:s25], [sflag:$0x8] =	stream.indirect_vreg.gather [hbm4b:s12+s15], $0x80, v3, vm0, $0xb8;
	[tilespmem:$0x18880] =	vst v63  }
0x23d: {  	_ =	swait.ge [sflag:s26], $0x2000  }
0x23e: {  	[sflag:s26] =	ssyncset.done $0x0  }
0x23f: {  	[sflag:s26] =	ssyncadd.s32 $0xFFFFE000  }
0x240: {  	_ =	swait.ge [sflag:s28], $0x2000  }
0x241: {  	[sflag:s28] =	ssyncset.done $0x0  }
0x242: {  	s14 =	simm.s32 $0x0;
	[sflag:s28] =	ssyncadd.s32 $0xFFFFE000  }
0x243: {  	v7 =	vld [tilespmem:s14+$0x8030]  }
0x244: {  	v8 =	vld [tilespmem:s14+$0x10030]  }
0x245: {  	v9 =	vld [tilespmem:s14+$0x8070]  }
0x246: {  	v13 =	vld [tilespmem:s14+$0x10070]  }
0x247: {  	v3 =	vld [tilespmem:s14+$0x80B0]  }
0x248: {  	v4 =	vld [tilespmem:s14+$0x100B0]  }
0x249: {  	v15 =	vld [tilespmem:s14+$0x8020]  }
0x24a: {  	v18 =	vld [tilespmem:s14+$0x10020]  }
0x24b: {  	v19 =	vld [tilespmem:s14+$0x8060]  }
0x24c: {  	v20 =	vld [tilespmem:s14+$0x10060]  }
0x24d: {  	v5 =	vld [tilespmem:s14+$0x80A0]  }
0x24e: {  	v6 =	vld [tilespmem:s14+$0x100A0]  }
0x24f: {  	v21 =	vld [tilespmem:s14+$0x8010]  }
0x250: {  	v22 =	vld [tilespmem:s14+$0x10010]  }
0x251: {  	v23 =	vld [tilespmem:s14+$0x8050]  }
0x252: {  	v24 =	vld [tilespmem:s14+$0x10050]  }
0x253: {  	v16 =	vld [tilespmem:s14+$0x8090]  }
0x254: {  	v17 =	vld [tilespmem:s14+$0x10090]  }
0x255: {  	v25 =	vld [tilespmem:s14+$0x8000]  }
0x256: {  	v26 =	vld [tilespmem:s14+$0x10000]  }
0x257: {  	v27 =	vld [tilespmem:s14+$0x8040]  }
0x258: {  	v29 =	vld [tilespmem:s14+$0x10040]  }
0x259: {  	v28 =	vld [tilespmem:s14+$0x8080]  }
0x25a: {  	v14 =	vimm.f32 $0.0e+00;
	v30 =	vld [tilespmem:s14+$0x10080]  }
0x25b: {  	v12 =	vimm.f32 $0.0e+00;
	v10 =	vimm.f32 $0.0e+00;
	v11 =	vimm.f32 $0.0e+00;
	s15 =	simm.s32 $0x400;
	v31 =	vld [tilespmem:s14+$0x80C0]  }
.LBB2_11:
0x25c: {  	p0 =	sne.s32 s15, $0x7C00;
	v32 =	vld [tilespmem:s14+$0x100C0]  }
0x25d: {  	v33 =	vmul.f32 v8, v7;
	v34 =	vmul.f32 v13, v9;
	v8 =	vld [tilespmem:s14+$0x80D0]  }
0x25e: {  	v15 =	vmul.f32 v18, v15;
	v18 =	vmul.f32 v20, v19;
	v9 =	vld [tilespmem:s14+$0x100D0]  }
0x25f: {  	v13 =	vmul.f32 v22, v21;
	v19 =	vmul.f32 v24, v23;
	v20 =	vld [tilespmem:s14+$0x80E0]  }
0x260: {  	v7 =	vmul.f32 v26, v25;
	v21 =	vmul.f32 v29, v27;
	v22 =	vld [tilespmem:s14+$0x100E0]  }
0x261: {  	v23 =	vmul.f32 v30, v28;
	v24 =	vmul.f32 v32, v31;
	v25 =	vld [tilespmem:s14+$0x80F0]  }
0x262: {  	v16 =	vmul.f32 v17, v16;
	v12 =	vadd.f32 v7, v12;
	v14 =	vadd.f32 v21, v14;
	v17 =	vld [tilespmem:s14+$0x100F0];
	s14 =	sshra.s32 s15, $0x2  }
0x263: {  	v10 =	vadd.f32 v23, v10;
	v7 =	vld [tilespmem:s14+$0x8030];
	v11 =	vadd.f32 v24, v11;
	v21 =	vmul.f32 v9, v8  }
0x264: {  	v5 =	vmul.f32 v6, v5;
	v12 =	vadd.f32 v13, v12;
	v14 =	vadd.f32 v19, v14;
	v8 =	vld [tilespmem:s14+$0x10030]  }
0x265: {  	v6 =	vadd.f32 v16, v10;
	v9 =	vld [tilespmem:s14+$0x8070];
	v10 =	vadd.f32 v21, v11;
	v11 =	vmul.f32 v22, v20  }
0x266: {  	v12 =	vadd.f32 v15, v12;
	v14 =	vadd.f32 v18, v14;
	v16 =	vmul.f32 v4, v3;
	v13 =	vld [tilespmem:s14+$0x10070]  }
0x267: {  	v5 =	vadd.f32 v5, v6;
	v3 =	vld [tilespmem:s14+$0x80B0];
	v6 =	vadd.f32 v11, v10;
	v11 =	vmul.f32 v17, v25  }
0x268: {  	v12 =	vadd.f32 v33, v12;
	v14 =	vadd.f32 v34, v14;
	v4 =	vld [tilespmem:s14+$0x100B0]  }
0x269: {  	v10 =	vadd.f32 v16, v5;
	v15 =	vld [tilespmem:s14+$0x8020];
	v11 =	vadd.f32 v11, v6  }
0x26a: {  	v18 =	vld [tilespmem:s14+$0x10020]  }
0x26b: {  	v19 =	vld [tilespmem:s14+$0x8060]  }
0x26c: {  	v20 =	vld [tilespmem:s14+$0x10060]  }
0x26d: {  	v5 =	vld [tilespmem:s14+$0x80A0]  }
0x26e: {  	v6 =	vld [tilespmem:s14+$0x100A0]  }
0x26f: {  	v21 =	vld [tilespmem:s14+$0x8010]  }
0x270: {  	v22 =	vld [tilespmem:s14+$0x10010]  }
0x271: {  	v23 =	vld [tilespmem:s14+$0x8050]  }
0x272: {  	v24 =	vld [tilespmem:s14+$0x10050]  }
0x273: {  	v16 =	vld [tilespmem:s14+$0x8090]  }
0x274: {  	v17 =	vld [tilespmem:s14+$0x10090]  }
0x275: {  	v25 =	vld [tilespmem:s14+$0x8000]  }
0x276: {  	v26 =	vld [tilespmem:s14+$0x10000]  }
.Ltmp4:
0x277: {  	v27 =	vld [tilespmem:s14+$0x8040];
	(pc) =	sbr.rel @p0 .LBB2_11-.Ltmp4, $4  }
0x278: {  	v29 =	vld [tilespmem:s14+$0x10040]  }
0x279: {  	v28 =	vld [tilespmem:s14+$0x8080]  }
0x27a: {  	v30 =	vld [tilespmem:s14+$0x10080]  }
0x27b: {  	s15 =	sadd.s32 $0x400, s15;
	v31 =	vld [tilespmem:s14+$0x80C0]  }
0x27c: {  	v32 =	vld [tilespmem:s14+$0x100C0];
	v7 =	vmul.f32 v8, v7  }
0x27d: {  	v8 =	vmul.f32 v13, v9;
	v9 =	vld [tilespmem:s14+$0x80D0];
	v13 =	vmul.f32 v18, v15  }
0x27e: {  	v15 =	vmul.f32 v20, v19;
	v18 =	vld [tilespmem:s14+$0x100D0];
	v19 =	vmul.f32 v22, v21  }
0x27f: {  	v20 =	vmul.f32 v24, v23;
	v21 =	vld [tilespmem:s14+$0x80E0];
	v22 =	vmul.f32 v26, v25  }
0x280: {  	v24 =	vld [tilespmem:s14+$0x100E0];
	v16 =	vmul.f32 v17, v16;
	v23 =	vmul.f32 v29, v27  }
0x281: {  	v17 =	vld [tilespmem:s14+$0x100F0];
	v25 =	vmul.f32 v30, v28;
	v26 =	vmul.f32 v32, v31  }
0x282: {  	v27 =	vld [tilespmem:s14+$0x80F0];
	v12 =	vadd.f32 v22, v12;
	v14 =	vadd.f32 v23, v14  }
0x283: {  	v10 =	vadd.f32 v25, v10;
	v9 =	vmul.f32 v18, v9;
	v11 =	vadd.f32 v26, v11  }
0x284: {  	v5 =	vmul.f32 v6, v5;
	v12 =	vadd.f32 v19, v12;
	v14 =	vadd.f32 v20, v14  }
0x285: {  	v6 =	vadd.f32 v16, v10;
	v10 =	vmul.f32 v24, v21;
	v9 =	vadd.f32 v9, v11  }
0x286: {  	v3 =	vmul.f32 v4, v3;
	v11 =	vadd.f32 v13, v12;
	v12 =	vadd.f32 v15, v14  }
0x287: {  	v4 =	vadd.f32 v5, v6;
	v6 =	vmul.f32 v17, v27;
	v5 =	vadd.f32 v10, v9  }
0x288: {  	v7 =	vadd.f32 v7, v11;
	v8 =	vadd.f32 v8, v12  }
0x289: {  	v3 =	vadd.f32 v3, v4;
	v4 =	vadd.f32 v6, v5;
	_ =	sdelay $0x1  }
0x28a: {  	v5 =	vadd.f32 v8, v7;
	v3 =	vadd.f32 v4, v3;
	_ =	sdelay $0x1  }
0x28b: {  	v3 =	vadd.f32 v3, v5;
	_ =	sdelay $0x1  }
0x28c: {  	s15 =	sor.u32 $0x400, s13;
	[tilespmem:$0x18280] =	vst v3  }
0x28d: {  	v3 =	vld.msk [tilespmem:s15+$0x0], $0x1;
	_ =	sdelay $0x4  }
0x28e: {  	v4 =	vshll.u32 v3, $0x6  }
0x28f: {  	v3 =	vand.u32 $0x7, v3;
	v4 =	vand.u32 $0xFFFFFE00, v4  }
0x290: {  	v3 =	vor.u32 v3, v4  }
0x291: {  	v3 =	vperm.xlane v3, v1;
	_ =	sdelay $0x1  }
0x292: {  	v3 =	vadd.s32 v2, v3;
	_ =	sdelay $0x3  }
0x293: {  	s14 =	simm.s32 $0x0;
	s15 =	simm.s32 $0x8000  }
0x294: {  	[tilespmem:s15], [sflag:$0x1] =	stream.indirect_vreg.gather [hbm4b:s1+s14], $0x80, v3, vm0, $0xb8;
	[tilespmem:$0x18880] =	vst v63  }
0x295: {  	s15 =	simm.s32 $0x8800  }
0x296: {  	[tilespmem:s15], [sflag:$0x1] =	stream.indirect_vreg.gather [hbm4b:s7+s14], $0x80, v3, vm0, $0xb8;
	[tilespmem:$0x18880] =	vst v63  }
0x297: {  	s15 =	simm.s32 $0x9000  }
0x298: {  	[tilespmem:s15], [sflag:$0x1] =	stream.indirect_vreg.gather [hbm4b:s8+s14], $0x80, v3, vm0, $0xb8;
	[tilespmem:$0x18880] =	vst v63  }
0x299: {  	s15 =	simm.s32 $0x9800  }
0x29a: {  	[tilespmem:s15], [sflag:$0x1] =	stream.indirect_vreg.gather [hbm4b:s9+s14], $0x80, v3, vm0, $0xb8;
	[tilespmem:$0x18880] =	vst v63  }
0x29b: {  	v3 =	vld.msk [tilespmem:s13+$0x4400], $0x1;
	_ =	sdelay $0x4  }
0x29c: {  	v4 =	vshll.u32 v3, $0x6  }
0x29d: {  	v3 =	vand.u32 $0x7, v3;
	v4 =	vand.u32 $0xFFFFFE00, v4  }
0x29e: {  	v3 =	vor.u32 v3, v4  }
0x29f: {  	v3 =	vperm.xlane v3, v1;
	_ =	sdelay $0x1  }
0x2a0: {  	v3 =	vadd.s32 v2, v3;
	_ =	sdelay $0x3  }
0x2a1: {  	s15 =	simm.s32 $0x10000  }
0x2a2: {  	[tilespmem:s15], [sflag:$0x5] =	stream.indirect_vreg.gather [hbm4b:s3+s14], $0x80, v3, vm0, $0xb8;
	[tilespmem:$0x18880] =	vst v63  }
0x2a3: {  	s15 =	simm.s32 $0x10800  }
0x2a4: {  	[tilespmem:s15], [sflag:$0x5] =	stream.indirect_vreg.gather [hbm4b:s10+s14], $0x80, v3, vm0, $0xb8;
	[tilespmem:$0x18880] =	vst v63  }
0x2a5: {  	s15 =	simm.s32 $0x11000  }
0x2a6: {  	[tilespmem:s15], [sflag:$0x5] =	stream.indirect_vreg.gather [hbm4b:s11+s14], $0x80, v3, vm0, $0xb8;
	[tilespmem:$0x18880] =	vst v63  }
0x2a7: {  	s15 =	simm.s32 $0x11800  }
0x2a8: {  	[tilespmem:s15], [sflag:$0x5] =	stream.indirect_vreg.gather [hbm4b:s12+s14], $0x80, v3, vm0, $0xb8;
	[tilespmem:$0x18880] =	vst v63  }
0x2a9: {  	_ =	swait.ge [sflag:s29], $0x2000  }
0x2aa: {  	[sflag:s29] =	ssyncset.done $0x0  }
0x2ab: {  	[sflag:s29] =	ssyncadd.s32 $0xFFFFE000  }
0x2ac: {  	_ =	swait.ge [sflag:s30], $0x2000  }
0x2ad: {  	[sflag:s30] =	ssyncset.done $0x0  }
0x2ae: {  	s14 =	simm.s32 $0x0;
	[sflag:s30] =	ssyncadd.s32 $0xFFFFE000  }
0x2af: {  	v7 =	vld [tilespmem:s14+$0xA030]  }
0x2b0: {  	v8 =	vld [tilespmem:s14+$0x12030]  }
0x2b1: {  	v9 =	vld [tilespmem:s14+$0xA070]  }
0x2b2: {  	v13 =	vld [tilespmem:s14+$0x12070]  }
0x2b3: {  	v3 =	vld [tilespmem:s14+$0xA0B0]  }
0x2b4: {  	v4 =	vld [tilespmem:s14+$0x120B0]  }
0x2b5: {  	v15 =	vld [tilespmem:s14+$0xA020]  }
0x2b6: {  	v18 =	vld [tilespmem:s14+$0x12020]  }
0x2b7: {  	v19 =	vld [tilespmem:s14+$0xA060]  }
0x2b8: {  	v20 =	vld [tilespmem:s14+$0x12060]  }
0x2b9: {  	v5 =	vld [tilespmem:s14+$0xA0A0]  }
0x2ba: {  	v6 =	vld [tilespmem:s14+$0x120A0]  }
0x2bb: {  	v21 =	vld [tilespmem:s14+$0xA010]  }
0x2bc: {  	v22 =	vld [tilespmem:s14+$0x12010]  }
0x2bd: {  	v23 =	vld [tilespmem:s14+$0xA050]  }
0x2be: {  	v24 =	vld [tilespmem:s14+$0x12050]  }
0x2bf: {  	v16 =	vld [tilespmem:s14+$0xA090]  }
0x2c0: {  	v17 =	vld [tilespmem:s14+$0x12090]  }
0x2c1: {  	v25 =	vld [tilespmem:s14+$0xA000]  }
0x2c2: {  	v26 =	vld [tilespmem:s14+$0x12000]  }
0x2c3: {  	v27 =	vld [tilespmem:s14+$0xA040]  }
0x2c4: {  	v29 =	vld [tilespmem:s14+$0x12040]  }
0x2c5: {  	v28 =	vld [tilespmem:s14+$0xA080]  }
0x2c6: {  	v14 =	vimm.f32 $0.0e+00;
	v30 =	vld [tilespmem:s14+$0x12080]  }
0x2c7: {  	v12 =	vimm.f32 $0.0e+00;
	v10 =	vimm.f32 $0.0e+00;
	v11 =	vimm.f32 $0.0e+00;
	s15 =	simm.s32 $0x400;
	v31 =	vld [tilespmem:s14+$0xA0C0]  }
.LBB2_13:
0x2c8: {  	p0 =	sne.s32 s15, $0x7C00;
	v32 =	vld [tilespmem:s14+$0x120C0]  }
0x2c9: {  	v33 =	vmul.f32 v8, v7;
	v34 =	vmul.f32 v13, v9;
	v8 =	vld [tilespmem:s14+$0xA0D0]  }
0x2ca: {  	v15 =	vmul.f32 v18, v15;
	v18 =	vmul.f32 v20, v19;
	v9 =	vld [tilespmem:s14+$0x120D0]  }
0x2cb: {  	v13 =	vmul.f32 v22, v21;
	v19 =	vmul.f32 v24, v23;
	v20 =	vld [tilespmem:s14+$0xA0E0]  }
0x2cc: {  	v7 =	vmul.f32 v26, v25;
	v21 =	vmul.f32 v29, v27;
	v22 =	vld [tilespmem:s14+$0x120E0]  }
0x2cd: {  	v23 =	vmul.f32 v30, v28;
	v24 =	vmul.f32 v32, v31;
	v25 =	vld [tilespmem:s14+$0xA0F0]  }
0x2ce: {  	v16 =	vmul.f32 v17, v16;
	v12 =	vadd.f32 v7, v12;
	v14 =	vadd.f32 v21, v14;
	v17 =	vld [tilespmem:s14+$0x120F0];
	s14 =	sshra.s32 s15, $0x2  }
0x2cf: {  	v10 =	vadd.f32 v23, v10;
	v7 =	vld [tilespmem:s14+$0xA030];
	v11 =	vadd.f32 v24, v11;
	v21 =	vmul.f32 v9, v8  }
0x2d0: {  	v5 =	vmul.f32 v6, v5;
	v12 =	vadd.f32 v13, v12;
	v14 =	vadd.f32 v19, v14;
	v8 =	vld [tilespmem:s14+$0x12030]  }
0x2d1: {  	v6 =	vadd.f32 v16, v10;
	v9 =	vld [tilespmem:s14+$0xA070];
	v10 =	vadd.f32 v21, v11;
	v11 =	vmul.f32 v22, v20  }
0x2d2: {  	v12 =	vadd.f32 v15, v12;
	v14 =	vadd.f32 v18, v14;
	v16 =	vmul.f32 v4, v3;
	v13 =	vld [tilespmem:s14+$0x12070]  }
0x2d3: {  	v5 =	vadd.f32 v5, v6;
	v3 =	vld [tilespmem:s14+$0xA0B0];
	v6 =	vadd.f32 v11, v10;
	v11 =	vmul.f32 v17, v25  }
0x2d4: {  	v12 =	vadd.f32 v33, v12;
	v14 =	vadd.f32 v34, v14;
	v4 =	vld [tilespmem:s14+$0x120B0]  }
0x2d5: {  	v10 =	vadd.f32 v16, v5;
	v15 =	vld [tilespmem:s14+$0xA020];
	v11 =	vadd.f32 v11, v6  }
0x2d6: {  	v18 =	vld [tilespmem:s14+$0x12020]  }
0x2d7: {  	v19 =	vld [tilespmem:s14+$0xA060]  }
0x2d8: {  	v20 =	vld [tilespmem:s14+$0x12060]  }
0x2d9: {  	v5 =	vld [tilespmem:s14+$0xA0A0]  }
0x2da: {  	v6 =	vld [tilespmem:s14+$0x120A0]  }
0x2db: {  	v21 =	vld [tilespmem:s14+$0xA010]  }
0x2dc: {  	v22 =	vld [tilespmem:s14+$0x12010]  }
0x2dd: {  	v23 =	vld [tilespmem:s14+$0xA050]  }
0x2de: {  	v24 =	vld [tilespmem:s14+$0x12050]  }
0x2df: {  	v16 =	vld [tilespmem:s14+$0xA090]  }
0x2e0: {  	v17 =	vld [tilespmem:s14+$0x12090]  }
0x2e1: {  	v25 =	vld [tilespmem:s14+$0xA000]  }
0x2e2: {  	v26 =	vld [tilespmem:s14+$0x12000]  }
.Ltmp5:
0x2e3: {  	v27 =	vld [tilespmem:s14+$0xA040];
	(pc) =	sbr.rel @p0 .LBB2_13-.Ltmp5, $4  }
0x2e4: {  	v29 =	vld [tilespmem:s14+$0x12040]  }
0x2e5: {  	v28 =	vld [tilespmem:s14+$0xA080]  }
0x2e6: {  	v30 =	vld [tilespmem:s14+$0x12080]  }
0x2e7: {  	s15 =	sadd.s32 $0x400, s15;
	v31 =	vld [tilespmem:s14+$0xA0C0]  }
0x2e8: {  	v32 =	vld [tilespmem:s14+$0x120C0];
	v7 =	vmul.f32 v8, v7  }
0x2e9: {  	v8 =	vmul.f32 v13, v9;
	v9 =	vld [tilespmem:s14+$0xA0D0];
	v13 =	vmul.f32 v18, v15  }
0x2ea: {  	v15 =	vmul.f32 v20, v19;
	v18 =	vld [tilespmem:s14+$0x120D0];
	v19 =	vmul.f32 v22, v21  }
0x2eb: {  	v20 =	vmul.f32 v24, v23;
	v21 =	vld [tilespmem:s14+$0xA0E0];
	v22 =	vmul.f32 v26, v25  }
0x2ec: {  	v24 =	vld [tilespmem:s14+$0x120E0];
	v16 =	vmul.f32 v17, v16;
	v23 =	vmul.f32 v29, v27  }
0x2ed: {  	v17 =	vld [tilespmem:s14+$0x120F0];
	v25 =	vmul.f32 v30, v28;
	v26 =	vmul.f32 v32, v31  }
0x2ee: {  	v27 =	vld [tilespmem:s14+$0xA0F0];
	v12 =	vadd.f32 v22, v12;
	v14 =	vadd.f32 v23, v14  }
0x2ef: {  	v10 =	vadd.f32 v25, v10;
	v9 =	vmul.f32 v18, v9;
	v11 =	vadd.f32 v26, v11  }
0x2f0: {  	v5 =	vmul.f32 v6, v5;
	v12 =	vadd.f32 v19, v12;
	v14 =	vadd.f32 v20, v14  }
0x2f1: {  	v6 =	vadd.f32 v16, v10;
	v10 =	vmul.f32 v24, v21;
	v9 =	vadd.f32 v9, v11  }
0x2f2: {  	v3 =	vmul.f32 v4, v3;
	v11 =	vadd.f32 v13, v12;
	v12 =	vadd.f32 v15, v14  }
0x2f3: {  	v4 =	vadd.f32 v5, v6;
	v6 =	vmul.f32 v17, v27;
	v5 =	vadd.f32 v10, v9  }
0x2f4: {  	v7 =	vadd.f32 v7, v11;
	v8 =	vadd.f32 v8, v12  }
0x2f5: {  	v3 =	vadd.f32 v3, v4;
	v4 =	vadd.f32 v6, v5;
	_ =	sdelay $0x1  }
0x2f6: {  	v5 =	vadd.f32 v8, v7;
	v3 =	vadd.f32 v4, v3;
	_ =	sdelay $0x1  }
0x2f7: {  	v3 =	vadd.f32 v3, v5;
	_ =	sdelay $0x1  }
0x2f8: {  	s15 =	sor.u32 $0x480, s13;
	[tilespmem:$0x18300] =	vst v3  }
0x2f9: {  	v3 =	vld.msk [tilespmem:s15+$0x0], $0x1;
	_ =	sdelay $0x4  }
0x2fa: {  	v4 =	vshll.u32 v3, $0x6  }
0x2fb: {  	v3 =	vand.u32 $0x7, v3;
	v4 =	vand.u32 $0xFFFFFE00, v4  }
0x2fc: {  	v3 =	vor.u32 v3, v4  }
0x2fd: {  	v3 =	vperm.xlane v3, v1;
	_ =	sdelay $0x1  }
0x2fe: {  	v3 =	vadd.s32 v2, v3;
	_ =	sdelay $0x3  }
0x2ff: {  	s14 =	simm.s32 $0x0;
	s15 =	simm.s32 $0xA000  }
0x300: {  	[tilespmem:s15], [sflag:$0x2] =	stream.indirect_vreg.gather [hbm4b:s1+s14], $0x80, v3, vm0, $0xb8;
	[tilespmem:$0x18880] =	vst v63  }
0x301: {  	s15 =	simm.s32 $0xA800  }
0x302: {  	[tilespmem:s15], [sflag:$0x2] =	stream.indirect_vreg.gather [hbm4b:s7+s14], $0x80, v3, vm0, $0xb8;
	[tilespmem:$0x18880] =	vst v63  }
0x303: {  	s15 =	simm.s32 $0xB000  }
0x304: {  	[tilespmem:s15], [sflag:$0x2] =	stream.indirect_vreg.gather [hbm4b:s8+s14], $0x80, v3, vm0, $0xb8;
	[tilespmem:$0x18880] =	vst v63  }
0x305: {  	s15 =	simm.s32 $0xB800  }
0x306: {  	[tilespmem:s15], [sflag:$0x2] =	stream.indirect_vreg.gather [hbm4b:s9+s14], $0x80, v3, vm0, $0xb8;
	[tilespmem:$0x18880] =	vst v63  }
0x307: {  	v3 =	vld.msk [tilespmem:s13+$0x4480], $0x1;
	_ =	sdelay $0x4  }
0x308: {  	v4 =	vshll.u32 v3, $0x6  }
0x309: {  	v3 =	vand.u32 $0x7, v3;
	v4 =	vand.u32 $0xFFFFFE00, v4  }
0x30a: {  	v3 =	vor.u32 v3, v4  }
0x30b: {  	v3 =	vperm.xlane v3, v1;
	_ =	sdelay $0x1  }
0x30c: {  	v3 =	vadd.s32 v2, v3;
	_ =	sdelay $0x3  }
0x30d: {  	s15 =	simm.s32 $0x12000  }
0x30e: {  	[tilespmem:s15], [sflag:$0x6] =	stream.indirect_vreg.gather [hbm4b:s3+s14], $0x80, v3, vm0, $0xb8;
	[tilespmem:$0x18880] =	vst v63  }
0x30f: {  	s15 =	simm.s32 $0x12800  }
0x310: {  	[tilespmem:s15], [sflag:$0x6] =	stream.indirect_vreg.gather [hbm4b:s10+s14], $0x80, v3, vm0, $0xb8;
	[tilespmem:$0x18880] =	vst v63  }
0x311: {  	s15 =	simm.s32 $0x13000  }
0x312: {  	[tilespmem:s15], [sflag:$0x6] =	stream.indirect_vreg.gather [hbm4b:s11+s14], $0x80, v3, vm0, $0xb8;
	[tilespmem:$0x18880] =	vst v63  }
0x313: {  	s15 =	simm.s32 $0x13800  }
0x314: {  	[tilespmem:s15], [sflag:$0x6] =	stream.indirect_vreg.gather [hbm4b:s12+s14], $0x80, v3, vm0, $0xb8;
	[tilespmem:$0x18880] =	vst v63  }
0x315: {  	_ =	swait.ge [sflag:s31], $0x2000  }
0x316: {  	[sflag:s31] =	ssyncset.done $0x0  }
0x317: {  	[sflag:s31] =	ssyncadd.s32 $0xFFFFE000  }
0x318: {  	_ =	swait.ge [sflag:s2], $0x2000  }
0x319: {  	[sflag:s2] =	ssyncset.done $0x0  }
0x31a: {  	s14 =	simm.s32 $0x0;
	[sflag:s2] =	ssyncadd.s32 $0xFFFFE000  }
0x31b: {  	v7 =	vld [tilespmem:s14+$0xC030]  }
0x31c: {  	v8 =	vld [tilespmem:s14+$0x14030]  }
0x31d: {  	v9 =	vld [tilespmem:s14+$0xC070]  }
0x31e: {  	v13 =	vld [tilespmem:s14+$0x14070]  }
0x31f: {  	v3 =	vld [tilespmem:s14+$0xC0B0]  }
0x320: {  	v4 =	vld [tilespmem:s14+$0x140B0]  }
0x321: {  	v15 =	vld [tilespmem:s14+$0xC020]  }
0x322: {  	v18 =	vld [tilespmem:s14+$0x14020]  }
0x323: {  	v19 =	vld [tilespmem:s14+$0xC060]  }
0x324: {  	v20 =	vld [tilespmem:s14+$0x14060]  }
0x325: {  	v5 =	vld [tilespmem:s14+$0xC0A0]  }
0x326: {  	v6 =	vld [tilespmem:s14+$0x140A0]  }
0x327: {  	v21 =	vld [tilespmem:s14+$0xC010]  }
0x328: {  	v22 =	vld [tilespmem:s14+$0x14010]  }
0x329: {  	v23 =	vld [tilespmem:s14+$0xC050]  }
0x32a: {  	v24 =	vld [tilespmem:s14+$0x14050]  }
0x32b: {  	v16 =	vld [tilespmem:s14+$0xC090]  }
0x32c: {  	v17 =	vld [tilespmem:s14+$0x14090]  }
0x32d: {  	v25 =	vld [tilespmem:s14+$0xC000]  }
0x32e: {  	v26 =	vld [tilespmem:s14+$0x14000]  }
0x32f: {  	v27 =	vld [tilespmem:s14+$0xC040]  }
0x330: {  	v29 =	vld [tilespmem:s14+$0x14040]  }
0x331: {  	v28 =	vld [tilespmem:s14+$0xC080]  }
0x332: {  	v14 =	vimm.f32 $0.0e+00;
	v30 =	vld [tilespmem:s14+$0x14080]  }
0x333: {  	v12 =	vimm.f32 $0.0e+00;
	v10 =	vimm.f32 $0.0e+00;
	v11 =	vimm.f32 $0.0e+00;
	s15 =	simm.s32 $0x400;
	v31 =	vld [tilespmem:s14+$0xC0C0]  }
.LBB2_15:
0x334: {  	p0 =	sne.s32 s15, $0x7C00;
	v32 =	vld [tilespmem:s14+$0x140C0]  }
0x335: {  	v33 =	vmul.f32 v8, v7;
	v34 =	vmul.f32 v13, v9;
	v8 =	vld [tilespmem:s14+$0xC0D0]  }
0x336: {  	v15 =	vmul.f32 v18, v15;
	v18 =	vmul.f32 v20, v19;
	v9 =	vld [tilespmem:s14+$0x140D0]  }
0x337: {  	v13 =	vmul.f32 v22, v21;
	v19 =	vmul.f32 v24, v23;
	v20 =	vld [tilespmem:s14+$0xC0E0]  }
0x338: {  	v7 =	vmul.f32 v26, v25;
	v21 =	vmul.f32 v29, v27;
	v22 =	vld [tilespmem:s14+$0x140E0]  }
0x339: {  	v23 =	vmul.f32 v30, v28;
	v24 =	vmul.f32 v32, v31;
	v25 =	vld [tilespmem:s14+$0xC0F0]  }
0x33a: {  	v16 =	vmul.f32 v17, v16;
	v12 =	vadd.f32 v7, v12;
	v14 =	vadd.f32 v21, v14;
	v17 =	vld [tilespmem:s14+$0x140F0];
	s14 =	sshra.s32 s15, $0x2  }
0x33b: {  	v10 =	vadd.f32 v23, v10;
	v7 =	vld [tilespmem:s14+$0xC030];
	v11 =	vadd.f32 v24, v11;
	v21 =	vmul.f32 v9, v8  }
0x33c: {  	v5 =	vmul.f32 v6, v5;
	v12 =	vadd.f32 v13, v12;
	v14 =	vadd.f32 v19, v14;
	v8 =	vld [tilespmem:s14+$0x14030]  }
0x33d: {  	v6 =	vadd.f32 v16, v10;
	v9 =	vld [tilespmem:s14+$0xC070];
	v10 =	vadd.f32 v21, v11;
	v11 =	vmul.f32 v22, v20  }
0x33e: {  	v12 =	vadd.f32 v15, v12;
	v14 =	vadd.f32 v18, v14;
	v16 =	vmul.f32 v4, v3;
	v13 =	vld [tilespmem:s14+$0x14070]  }
0x33f: {  	v5 =	vadd.f32 v5, v6;
	v3 =	vld [tilespmem:s14+$0xC0B0];
	v6 =	vadd.f32 v11, v10;
	v11 =	vmul.f32 v17, v25  }
0x340: {  	v12 =	vadd.f32 v33, v12;
	v14 =	vadd.f32 v34, v14;
	v4 =	vld [tilespmem:s14+$0x140B0]  }
0x341: {  	v10 =	vadd.f32 v16, v5;
	v15 =	vld [tilespmem:s14+$0xC020];
	v11 =	vadd.f32 v11, v6  }
0x342: {  	v18 =	vld [tilespmem:s14+$0x14020]  }
0x343: {  	v19 =	vld [tilespmem:s14+$0xC060]  }
0x344: {  	v20 =	vld [tilespmem:s14+$0x14060]  }
0x345: {  	v5 =	vld [tilespmem:s14+$0xC0A0]  }
0x346: {  	v6 =	vld [tilespmem:s14+$0x140A0]  }
0x347: {  	v21 =	vld [tilespmem:s14+$0xC010]  }
0x348: {  	v22 =	vld [tilespmem:s14+$0x14010]  }
0x349: {  	v23 =	vld [tilespmem:s14+$0xC050]  }
0x34a: {  	v24 =	vld [tilespmem:s14+$0x14050]  }
0x34b: {  	v16 =	vld [tilespmem:s14+$0xC090]  }
0x34c: {  	v17 =	vld [tilespmem:s14+$0x14090]  }
0x34d: {  	v25 =	vld [tilespmem:s14+$0xC000]  }
0x34e: {  	v26 =	vld [tilespmem:s14+$0x14000]  }
.Ltmp6:
0x34f: {  	v27 =	vld [tilespmem:s14+$0xC040];
	(pc) =	sbr.rel @p0 .LBB2_15-.Ltmp6, $4  }
0x350: {  	v29 =	vld [tilespmem:s14+$0x14040]  }
0x351: {  	v28 =	vld [tilespmem:s14+$0xC080]  }
0x352: {  	v30 =	vld [tilespmem:s14+$0x14080]  }
0x353: {  	s15 =	sadd.s32 $0x400, s15;
	v31 =	vld [tilespmem:s14+$0xC0C0]  }
0x354: {  	v32 =	vld [tilespmem:s14+$0x140C0];
	v7 =	vmul.f32 v8, v7  }
0x355: {  	v8 =	vmul.f32 v13, v9;
	v9 =	vld [tilespmem:s14+$0xC0D0];
	v13 =	vmul.f32 v18, v15  }
0x356: {  	v15 =	vmul.f32 v20, v19;
	v18 =	vld [tilespmem:s14+$0x140D0];
	v19 =	vmul.f32 v22, v21  }
0x357: {  	v20 =	vmul.f32 v24, v23;
	v21 =	vld [tilespmem:s14+$0xC0E0];
	v22 =	vmul.f32 v26, v25  }
0x358: {  	v24 =	vld [tilespmem:s14+$0x140E0];
	v16 =	vmul.f32 v17, v16;
	v23 =	vmul.f32 v29, v27  }
0x359: {  	v17 =	vld [tilespmem:s14+$0x140F0];
	v25 =	vmul.f32 v30, v28;
	v26 =	vmul.f32 v32, v31  }
0x35a: {  	v27 =	vld [tilespmem:s14+$0xC0F0];
	v12 =	vadd.f32 v22, v12;
	v14 =	vadd.f32 v23, v14  }
0x35b: {  	v10 =	vadd.f32 v25, v10;
	v9 =	vmul.f32 v18, v9;
	v11 =	vadd.f32 v26, v11  }
0x35c: {  	v5 =	vmul.f32 v6, v5;
	v12 =	vadd.f32 v19, v12;
	v14 =	vadd.f32 v20, v14  }
0x35d: {  	v6 =	vadd.f32 v16, v10;
	v10 =	vmul.f32 v24, v21;
	v9 =	vadd.f32 v9, v11  }
0x35e: {  	v3 =	vmul.f32 v4, v3;
	v11 =	vadd.f32 v13, v12;
	v12 =	vadd.f32 v15, v14  }
0x35f: {  	v4 =	vadd.f32 v5, v6;
	v6 =	vmul.f32 v17, v27;
	v5 =	vadd.f32 v10, v9  }
0x360: {  	v7 =	vadd.f32 v7, v11;
	v8 =	vadd.f32 v8, v12  }
0x361: {  	v3 =	vadd.f32 v3, v4;
	v4 =	vadd.f32 v6, v5;
	_ =	sdelay $0x1  }
0x362: {  	v5 =	vadd.f32 v8, v7;
	v3 =	vadd.f32 v4, v3;
	_ =	sdelay $0x1  }
0x363: {  	v3 =	vadd.f32 v3, v5;
	_ =	sdelay $0x1  }
0x364: {  	s15 =	sor.u32 $0x500, s13;
	[tilespmem:$0x18380] =	vst v3  }
0x365: {  	v3 =	vld.msk [tilespmem:s15+$0x0], $0x1;
	_ =	sdelay $0x4  }
0x366: {  	v4 =	vshll.u32 v3, $0x6  }
0x367: {  	v3 =	vand.u32 $0x7, v3;
	v4 =	vand.u32 $0xFFFFFE00, v4  }
0x368: {  	v3 =	vor.u32 v3, v4  }
0x369: {  	v3 =	vperm.xlane v3, v1;
	_ =	sdelay $0x1  }
0x36a: {  	v3 =	vadd.s32 v2, v3;
	_ =	sdelay $0x3  }
0x36b: {  	s14 =	simm.s32 $0x0;
	s15 =	simm.s32 $0xC000  }
0x36c: {  	[tilespmem:s15], [sflag:$0x3] =	stream.indirect_vreg.gather [hbm4b:s1+s14], $0x80, v3, vm0, $0xb8;
	[tilespmem:$0x18880] =	vst v63  }
0x36d: {  	s15 =	simm.s32 $0xC800  }
0x36e: {  	[tilespmem:s15], [sflag:$0x3] =	stream.indirect_vreg.gather [hbm4b:s7+s14], $0x80, v3, vm0, $0xb8;
	[tilespmem:$0x18880] =	vst v63  }
0x36f: {  	s15 =	simm.s32 $0xD000  }
0x370: {  	[tilespmem:s15], [sflag:$0x3] =	stream.indirect_vreg.gather [hbm4b:s8+s14], $0x80, v3, vm0, $0xb8;
	[tilespmem:$0x18880] =	vst v63  }
0x371: {  	s15 =	simm.s32 $0xD800  }
0x372: {  	[tilespmem:s15], [sflag:$0x3] =	stream.indirect_vreg.gather [hbm4b:s9+s14], $0x80, v3, vm0, $0xb8;
	[tilespmem:$0x18880] =	vst v63  }
0x373: {  	v3 =	vld.msk [tilespmem:s13+$0x4500], $0x1;
	_ =	sdelay $0x4  }
0x374: {  	v4 =	vshll.u32 v3, $0x6  }
0x375: {  	v3 =	vand.u32 $0x7, v3;
	v4 =	vand.u32 $0xFFFFFE00, v4  }
0x376: {  	v3 =	vor.u32 v3, v4  }
0x377: {  	v3 =	vperm.xlane v3, v1;
	_ =	sdelay $0x1  }
0x378: {  	v3 =	vadd.s32 v2, v3;
	_ =	sdelay $0x3  }
0x379: {  	s15 =	simm.s32 $0x14000  }
0x37a: {  	[tilespmem:s15], [sflag:$0x7] =	stream.indirect_vreg.gather [hbm4b:s3+s14], $0x80, v3, vm0, $0xb8;
	[tilespmem:$0x18880] =	vst v63  }
0x37b: {  	s15 =	simm.s32 $0x14800  }
0x37c: {  	[tilespmem:s15], [sflag:$0x7] =	stream.indirect_vreg.gather [hbm4b:s10+s14], $0x80, v3, vm0, $0xb8;
	[tilespmem:$0x18880] =	vst v63  }
0x37d: {  	_ = 	snop  }
0x37e: {  	[tilespmem:s4], [sflag:$0x7] =	stream.indirect_vreg.gather [hbm4b:s11+s14], $0x80, v3, vm0, $0xb8;
	[tilespmem:$0x18880] =	vst v63  }
0x37f: {  	_ = 	snop  }
0x380: {  	[tilespmem:s17], [sflag:$0x7] =	stream.indirect_vreg.gather [hbm4b:s12+s14], $0x80, v3, vm0, $0xb8;
	[tilespmem:$0x18880] =	vst v63  }
0x381: {  	_ =	swait.ge [sflag:s0], $0x2000  }
0x382: {  	[sflag:s0] =	ssyncset.done $0x0  }
0x383: {  	[sflag:s0] =	ssyncadd.s32 $0xFFFFE000  }
0x384: {  	_ =	swait.ge [sflag:s16], $0x2000  }
0x385: {  	[sflag:s16] =	ssyncset.done $0x0  }
0x386: {  	s14 =	simm.s32 $0x0;
	[sflag:s16] =	ssyncadd.s32 $0xFFFFE000  }
0x387: {  	v7 =	vld [tilespmem:s14+$0xE030]  }
0x388: {  	v8 =	vld [tilespmem:s14+$0x16030]  }
0x389: {  	v9 =	vld [tilespmem:s14+$0xE070]  }
0x38a: {  	v13 =	vld [tilespmem:s14+$0x16070]  }
0x38b: {  	v3 =	vld [tilespmem:s14+$0xE0B0]  }
0x38c: {  	v4 =	vld [tilespmem:s14+$0x160B0]  }
0x38d: {  	v15 =	vld [tilespmem:s14+$0xE020]  }
0x38e: {  	v18 =	vld [tilespmem:s14+$0x16020]  }
0x38f: {  	v19 =	vld [tilespmem:s14+$0xE060]  }
0x390: {  	v20 =	vld [tilespmem:s14+$0x16060]  }
0x391: {  	v5 =	vld [tilespmem:s14+$0xE0A0]  }
0x392: {  	v6 =	vld [tilespmem:s14+$0x160A0]  }
0x393: {  	v21 =	vld [tilespmem:s14+$0xE010]  }
0x394: {  	v22 =	vld [tilespmem:s14+$0x16010]  }
0x395: {  	v23 =	vld [tilespmem:s14+$0xE050]  }
0x396: {  	v24 =	vld [tilespmem:s14+$0x16050]  }
0x397: {  	v16 =	vld [tilespmem:s14+$0xE090]  }
0x398: {  	v17 =	vld [tilespmem:s14+$0x16090]  }
0x399: {  	v25 =	vld [tilespmem:s14+$0xE000]  }
0x39a: {  	v26 =	vld [tilespmem:s14+$0x16000]  }
0x39b: {  	v27 =	vld [tilespmem:s14+$0xE040]  }
0x39c: {  	v29 =	vld [tilespmem:s14+$0x16040]  }
0x39d: {  	v28 =	vld [tilespmem:s14+$0xE080]  }
0x39e: {  	v14 =	vimm.f32 $0.0e+00;
	v30 =	vld [tilespmem:s14+$0x16080]  }
0x39f: {  	v12 =	vimm.f32 $0.0e+00;
	v10 =	vimm.f32 $0.0e+00;
	v11 =	vimm.f32 $0.0e+00;
	s15 =	simm.s32 $0x400;
	v31 =	vld [tilespmem:s14+$0xE0C0]  }
.LBB2_17:
0x3a0: {  	p0 =	sne.s32 s15, $0x7C00;
	v32 =	vld [tilespmem:s14+$0x160C0]  }
0x3a1: {  	v33 =	vmul.f32 v8, v7;
	v34 =	vmul.f32 v13, v9;
	v8 =	vld [tilespmem:s14+$0xE0D0]  }
0x3a2: {  	v15 =	vmul.f32 v18, v15;
	v18 =	vmul.f32 v20, v19;
	v9 =	vld [tilespmem:s14+$0x160D0]  }
0x3a3: {  	v13 =	vmul.f32 v22, v21;
	v19 =	vmul.f32 v24, v23;
	v20 =	vld [tilespmem:s14+$0xE0E0]  }
0x3a4: {  	v7 =	vmul.f32 v26, v25;
	v21 =	vmul.f32 v29, v27;
	v22 =	vld [tilespmem:s14+$0x160E0]  }
0x3a5: {  	v23 =	vmul.f32 v30, v28;
	v24 =	vmul.f32 v32, v31;
	v25 =	vld [tilespmem:s14+$0xE0F0]  }
0x3a6: {  	v16 =	vmul.f32 v17, v16;
	v12 =	vadd.f32 v7, v12;
	v14 =	vadd.f32 v21, v14;
	v17 =	vld [tilespmem:s14+$0x160F0];
	s14 =	sshra.s32 s15, $0x2  }
0x3a7: {  	v10 =	vadd.f32 v23, v10;
	v7 =	vld [tilespmem:s14+$0xE030];
	v11 =	vadd.f32 v24, v11;
	v21 =	vmul.f32 v9, v8  }
0x3a8: {  	v5 =	vmul.f32 v6, v5;
	v12 =	vadd.f32 v13, v12;
	v14 =	vadd.f32 v19, v14;
	v8 =	vld [tilespmem:s14+$0x16030]  }
0x3a9: {  	v6 =	vadd.f32 v16, v10;
	v9 =	vld [tilespmem:s14+$0xE070];
	v10 =	vadd.f32 v21, v11;
	v11 =	vmul.f32 v22, v20  }
0x3aa: {  	v12 =	vadd.f32 v15, v12;
	v14 =	vadd.f32 v18, v14;
	v16 =	vmul.f32 v4, v3;
	v13 =	vld [tilespmem:s14+$0x16070]  }
0x3ab: {  	v5 =	vadd.f32 v5, v6;
	v3 =	vld [tilespmem:s14+$0xE0B0];
	v6 =	vadd.f32 v11, v10;
	v11 =	vmul.f32 v17, v25  }
0x3ac: {  	v12 =	vadd.f32 v33, v12;
	v14 =	vadd.f32 v34, v14;
	v4 =	vld [tilespmem:s14+$0x160B0]  }
0x3ad: {  	v10 =	vadd.f32 v16, v5;
	v15 =	vld [tilespmem:s14+$0xE020];
	v11 =	vadd.f32 v11, v6  }
0x3ae: {  	v18 =	vld [tilespmem:s14+$0x16020]  }
0x3af: {  	v19 =	vld [tilespmem:s14+$0xE060]  }
0x3b0: {  	v20 =	vld [tilespmem:s14+$0x16060]  }
0x3b1: {  	v5 =	vld [tilespmem:s14+$0xE0A0]  }
0x3b2: {  	v6 =	vld [tilespmem:s14+$0x160A0]  }
0x3b3: {  	v21 =	vld [tilespmem:s14+$0xE010]  }
0x3b4: {  	v22 =	vld [tilespmem:s14+$0x16010]  }
0x3b5: {  	v23 =	vld [tilespmem:s14+$0xE050]  }
0x3b6: {  	v24 =	vld [tilespmem:s14+$0x16050]  }
0x3b7: {  	v16 =	vld [tilespmem:s14+$0xE090]  }
0x3b8: {  	v17 =	vld [tilespmem:s14+$0x16090]  }
0x3b9: {  	v25 =	vld [tilespmem:s14+$0xE000]  }
0x3ba: {  	v26 =	vld [tilespmem:s14+$0x16000]  }
.Ltmp7:
0x3bb: {  	v27 =	vld [tilespmem:s14+$0xE040];
	(pc) =	sbr.rel @p0 .LBB2_17-.Ltmp7, $4  }
0x3bc: {  	v29 =	vld [tilespmem:s14+$0x16040]  }
0x3bd: {  	v28 =	vld [tilespmem:s14+$0xE080]  }
0x3be: {  	v30 =	vld [tilespmem:s14+$0x16080]  }
0x3bf: {  	s15 =	sadd.s32 $0x400, s15;
	v31 =	vld [tilespmem:s14+$0xE0C0]  }
0x3c0: {  	v32 =	vld [tilespmem:s14+$0x160C0];
	v7 =	vmul.f32 v8, v7  }
0x3c1: {  	v8 =	vmul.f32 v13, v9;
	v9 =	vld [tilespmem:s14+$0xE0D0];
	v13 =	vmul.f32 v18, v15  }
0x3c2: {  	v15 =	vmul.f32 v20, v19;
	v18 =	vld [tilespmem:s14+$0x160D0];
	v19 =	vmul.f32 v22, v21  }
0x3c3: {  	v20 =	vmul.f32 v24, v23;
	v21 =	vld [tilespmem:s14+$0xE0E0];
	v22 =	vmul.f32 v26, v25  }
0x3c4: {  	v24 =	vld [tilespmem:s14+$0x160E0];
	v16 =	vmul.f32 v17, v16;
	v23 =	vmul.f32 v29, v27  }
0x3c5: {  	v17 =	vld [tilespmem:s14+$0x160F0];
	v25 =	vmul.f32 v30, v28;
	v26 =	vmul.f32 v32, v31  }
0x3c6: {  	v27 =	vld [tilespmem:s14+$0xE0F0];
	v12 =	vadd.f32 v22, v12;
	v14 =	vadd.f32 v23, v14  }
0x3c7: {  	v10 =	vadd.f32 v25, v10;
	v9 =	vmul.f32 v18, v9;
	v11 =	vadd.f32 v26, v11  }
0x3c8: {  	v5 =	vmul.f32 v6, v5;
	v12 =	vadd.f32 v19, v12;
	v14 =	vadd.f32 v20, v14  }
0x3c9: {  	v6 =	vadd.f32 v16, v10;
	v10 =	vmul.f32 v24, v21;
	v9 =	vadd.f32 v9, v11  }
0x3ca: {  	v3 =	vmul.f32 v4, v3;
	v11 =	vadd.f32 v13, v12;
	v12 =	vadd.f32 v15, v14  }
0x3cb: {  	v4 =	vadd.f32 v5, v6;
	v6 =	vmul.f32 v17, v27;
	v5 =	vadd.f32 v10, v9  }
0x3cc: {  	v7 =	vadd.f32 v7, v11;
	v8 =	vadd.f32 v8, v12  }
0x3cd: {  	v3 =	vadd.f32 v3, v4;
	v4 =	vadd.f32 v6, v5;
	_ =	sdelay $0x1  }
0x3ce: {  	v5 =	vadd.f32 v8, v7;
	v3 =	vadd.f32 v4, v3;
	_ =	sdelay $0x1  }
0x3cf: {  	v3 =	vadd.f32 v3, v5;
	_ =	sdelay $0x1  }
0x3d0: {  	s15 =	sor.u32 $0x580, s13;
	[tilespmem:$0x18400] =	vst v3  }
0x3d1: {  	v3 =	vld.msk [tilespmem:s15+$0x0], $0x1;
	_ =	sdelay $0x4  }
0x3d2: {  	v4 =	vshll.u32 v3, $0x6  }
0x3d3: {  	v3 =	vand.u32 $0x7, v3;
	v4 =	vand.u32 $0xFFFFFE00, v4  }
0x3d4: {  	v3 =	vor.u32 v3, v4  }
0x3d5: {  	v3 =	vperm.xlane v3, v1;
	_ =	sdelay $0x1  }
0x3d6: {  	v3 =	vadd.s32 v2, v3;
	_ =	sdelay $0x3  }
0x3d7: {  	s15 =	simm.s32 $0x0  }
0x3d8: {  	[tilespmem:s18], [sflag:$0x4] =	stream.indirect_vreg.gather [hbm4b:s1+s15], $0x80, v3, vm0, $0xb8;
	[tilespmem:$0x18880] =	vst v63  }
0x3d9: {  	_ = 	snop  }
0x3da: {  	[tilespmem:s19], [sflag:$0x4] =	stream.indirect_vreg.gather [hbm4b:s7+s15], $0x80, v3, vm0, $0xb8;
	[tilespmem:$0x18880] =	vst v63  }
0x3db: {  	_ = 	snop  }
0x3dc: {  	[tilespmem:s20], [sflag:$0x4] =	stream.indirect_vreg.gather [hbm4b:s8+s15], $0x80, v3, vm0, $0xb8;
	[tilespmem:$0x18880] =	vst v63  }
0x3dd: {  	_ = 	snop  }
0x3de: {  	[tilespmem:s21], [sflag:$0x4] =	stream.indirect_vreg.gather [hbm4b:s9+s15], $0x80, v3, vm0, $0xb8;
	[tilespmem:$0x18880] =	vst v63  }
0x3df: {  	v3 =	vld.msk [tilespmem:s13+$0x4580], $0x1;
	_ =	sdelay $0x4  }
0x3e0: {  	v4 =	vshll.u32 v3, $0x6  }
0x3e1: {  	v3 =	vand.u32 $0x7, v3;
	v4 =	vand.u32 $0xFFFFFE00, v4  }
0x3e2: {  	v3 =	vor.u32 v3, v4  }
0x3e3: {  	v3 =	vperm.xlane v3, v1;
	_ =	sdelay $0x1  }
0x3e4: {  	v3 =	vadd.s32 v2, v3;
	_ =	sdelay $0x4  }
0x3e5: {  	[tilespmem:s22], [sflag:$0x8] =	stream.indirect_vreg.gather [hbm4b:s3+s15], $0x80, v3, vm0, $0xb8;
	[tilespmem:$0x18880] =	vst v63  }
0x3e6: {  	_ = 	snop  }
0x3e7: {  	[tilespmem:s23], [sflag:$0x8] =	stream.indirect_vreg.gather [hbm4b:s10+s15], $0x80, v3, vm0, $0xb8;
	[tilespmem:$0x18880] =	vst v63  }
0x3e8: {  	_ = 	snop  }
0x3e9: {  	[tilespmem:s24], [sflag:$0x8] =	stream.indirect_vreg.gather [hbm4b:s11+s15], $0x80, v3, vm0, $0xb8;
	[tilespmem:$0x18880] =	vst v63  }
0x3ea: {  	_ = 	snop  }
0x3eb: {  	[tilespmem:s25], [sflag:$0x8] =	stream.indirect_vreg.gather [hbm4b:s12+s15], $0x80, v3, vm0, $0xb8;
	[tilespmem:$0x18880] =	vst v63  }
0x3ec: {  	_ =	swait.ge [sflag:s26], $0x2000  }
0x3ed: {  	[sflag:s26] =	ssyncset.done $0x0  }
0x3ee: {  	[sflag:s26] =	ssyncadd.s32 $0xFFFFE000  }
0x3ef: {  	_ =	swait.ge [sflag:s28], $0x2000  }
0x3f0: {  	[sflag:s28] =	ssyncset.done $0x0  }
0x3f1: {  	s14 =	simm.s32 $0x0;
	[sflag:s28] =	ssyncadd.s32 $0xFFFFE000  }
0x3f2: {  	v7 =	vld [tilespmem:s14+$0x8030]  }
0x3f3: {  	v8 =	vld [tilespmem:s14+$0x10030]  }
0x3f4: {  	v9 =	vld [tilespmem:s14+$0x8070]  }
0x3f5: {  	v13 =	vld [tilespmem:s14+$0x10070]  }
0x3f6: {  	v3 =	vld [tilespmem:s14+$0x80B0]  }
0x3f7: {  	v4 =	vld [tilespmem:s14+$0x100B0]  }
0x3f8: {  	v15 =	vld [tilespmem:s14+$0x8020]  }
0x3f9: {  	v18 =	vld [tilespmem:s14+$0x10020]  }
0x3fa: {  	v19 =	vld [tilespmem:s14+$0x8060]  }
0x3fb: {  	v20 =	vld [tilespmem:s14+$0x10060]  }
0x3fc: {  	v5 =	vld [tilespmem:s14+$0x80A0]  }
0x3fd: {  	v6 =	vld [tilespmem:s14+$0x100A0]  }
0x3fe: {  	v21 =	vld [tilespmem:s14+$0x8010]  }
0x3ff: {  	v22 =	vld [tilespmem:s14+$0x10010]  }
0x400: {  	v23 =	vld [tilespmem:s14+$0x8050]  }
0x401: {  	v24 =	vld [tilespmem:s14+$0x10050]  }
0x402: {  	v16 =	vld [tilespmem:s14+$0x8090]  }
0x403: {  	v17 =	vld [tilespmem:s14+$0x10090]  }
0x404: {  	v25 =	vld [tilespmem:s14+$0x8000]  }
0x405: {  	v26 =	vld [tilespmem:s14+$0x10000]  }
0x406: {  	v27 =	vld [tilespmem:s14+$0x8040]  }
0x407: {  	v29 =	vld [tilespmem:s14+$0x10040]  }
0x408: {  	v28 =	vld [tilespmem:s14+$0x8080]  }
0x409: {  	v14 =	vimm.f32 $0.0e+00;
	v30 =	vld [tilespmem:s14+$0x10080]  }
0x40a: {  	v12 =	vimm.f32 $0.0e+00;
	v10 =	vimm.f32 $0.0e+00;
	v11 =	vimm.f32 $0.0e+00;
	s15 =	simm.s32 $0x400;
	v31 =	vld [tilespmem:s14+$0x80C0]  }
.LBB2_19:
0x40b: {  	p0 =	sne.s32 s15, $0x7C00;
	v32 =	vld [tilespmem:s14+$0x100C0]  }
0x40c: {  	v33 =	vmul.f32 v8, v7;
	v34 =	vmul.f32 v13, v9;
	v8 =	vld [tilespmem:s14+$0x80D0]  }
0x40d: {  	v15 =	vmul.f32 v18, v15;
	v18 =	vmul.f32 v20, v19;
	v9 =	vld [tilespmem:s14+$0x100D0]  }
0x40e: {  	v13 =	vmul.f32 v22, v21;
	v19 =	vmul.f32 v24, v23;
	v20 =	vld [tilespmem:s14+$0x80E0]  }
0x40f: {  	v7 =	vmul.f32 v26, v25;
	v21 =	vmul.f32 v29, v27;
	v22 =	vld [tilespmem:s14+$0x100E0]  }
0x410: {  	v23 =	vmul.f32 v30, v28;
	v24 =	vmul.f32 v32, v31;
	v25 =	vld [tilespmem:s14+$0x80F0]  }
0x411: {  	v16 =	vmul.f32 v17, v16;
	v12 =	vadd.f32 v7, v12;
	v14 =	vadd.f32 v21, v14;
	v17 =	vld [tilespmem:s14+$0x100F0];
	s14 =	sshra.s32 s15, $0x2  }
0x412: {  	v10 =	vadd.f32 v23, v10;
	v7 =	vld [tilespmem:s14+$0x8030];
	v11 =	vadd.f32 v24, v11;
	v21 =	vmul.f32 v9, v8  }
0x413: {  	v5 =	vmul.f32 v6, v5;
	v12 =	vadd.f32 v13, v12;
	v14 =	vadd.f32 v19, v14;
	v8 =	vld [tilespmem:s14+$0x10030]  }
0x414: {  	v6 =	vadd.f32 v16, v10;
	v9 =	vld [tilespmem:s14+$0x8070];
	v10 =	vadd.f32 v21, v11;
	v11 =	vmul.f32 v22, v20  }
0x415: {  	v12 =	vadd.f32 v15, v12;
	v14 =	vadd.f32 v18, v14;
	v16 =	vmul.f32 v4, v3;
	v13 =	vld [tilespmem:s14+$0x10070]  }
0x416: {  	v5 =	vadd.f32 v5, v6;
	v3 =	vld [tilespmem:s14+$0x80B0];
	v6 =	vadd.f32 v11, v10;
	v11 =	vmul.f32 v17, v25  }
0x417: {  	v12 =	vadd.f32 v33, v12;
	v14 =	vadd.f32 v34, v14;
	v4 =	vld [tilespmem:s14+$0x100B0]  }
0x418: {  	v10 =	vadd.f32 v16, v5;
	v15 =	vld [tilespmem:s14+$0x8020];
	v11 =	vadd.f32 v11, v6  }
0x419: {  	v18 =	vld [tilespmem:s14+$0x10020]  }
0x41a: {  	v19 =	vld [tilespmem:s14+$0x8060]  }
0x41b: {  	v20 =	vld [tilespmem:s14+$0x10060]  }
0x41c: {  	v5 =	vld [tilespmem:s14+$0x80A0]  }
0x41d: {  	v6 =	vld [tilespmem:s14+$0x100A0]  }
0x41e: {  	v21 =	vld [tilespmem:s14+$0x8010]  }
0x41f: {  	v22 =	vld [tilespmem:s14+$0x10010]  }
0x420: {  	v23 =	vld [tilespmem:s14+$0x8050]  }
0x421: {  	v24 =	vld [tilespmem:s14+$0x10050]  }
0x422: {  	v16 =	vld [tilespmem:s14+$0x8090]  }
0x423: {  	v17 =	vld [tilespmem:s14+$0x10090]  }
0x424: {  	v25 =	vld [tilespmem:s14+$0x8000]  }
0x425: {  	v26 =	vld [tilespmem:s14+$0x10000]  }
.Ltmp8:
0x426: {  	v27 =	vld [tilespmem:s14+$0x8040];
	(pc) =	sbr.rel @p0 .LBB2_19-.Ltmp8, $4  }
0x427: {  	v29 =	vld [tilespmem:s14+$0x10040]  }
0x428: {  	v28 =	vld [tilespmem:s14+$0x8080]  }
0x429: {  	v30 =	vld [tilespmem:s14+$0x10080]  }
0x42a: {  	s15 =	sadd.s32 $0x400, s15;
	v31 =	vld [tilespmem:s14+$0x80C0]  }
0x42b: {  	v32 =	vld [tilespmem:s14+$0x100C0];
	v7 =	vmul.f32 v8, v7  }
0x42c: {  	v8 =	vmul.f32 v13, v9;
	v9 =	vld [tilespmem:s14+$0x80D0];
	v13 =	vmul.f32 v18, v15  }
0x42d: {  	v15 =	vmul.f32 v20, v19;
	v18 =	vld [tilespmem:s14+$0x100D0];
	v19 =	vmul.f32 v22, v21  }
0x42e: {  	v20 =	vmul.f32 v24, v23;
	v21 =	vld [tilespmem:s14+$0x80E0];
	v22 =	vmul.f32 v26, v25  }
0x42f: {  	v24 =	vld [tilespmem:s14+$0x100E0];
	v16 =	vmul.f32 v17, v16;
	v23 =	vmul.f32 v29, v27  }
0x430: {  	v17 =	vld [tilespmem:s14+$0x100F0];
	v25 =	vmul.f32 v30, v28;
	v26 =	vmul.f32 v32, v31  }
0x431: {  	v27 =	vld [tilespmem:s14+$0x80F0];
	v12 =	vadd.f32 v22, v12;
	v14 =	vadd.f32 v23, v14  }
0x432: {  	v10 =	vadd.f32 v25, v10;
	v9 =	vmul.f32 v18, v9;
	v11 =	vadd.f32 v26, v11  }
0x433: {  	v5 =	vmul.f32 v6, v5;
	v12 =	vadd.f32 v19, v12;
	v14 =	vadd.f32 v20, v14  }
0x434: {  	v6 =	vadd.f32 v16, v10;
	v10 =	vmul.f32 v24, v21;
	v9 =	vadd.f32 v9, v11  }
0x435: {  	v3 =	vmul.f32 v4, v3;
	v11 =	vadd.f32 v13, v12;
	v12 =	vadd.f32 v15, v14  }
0x436: {  	v4 =	vadd.f32 v5, v6;
	v6 =	vmul.f32 v17, v27;
	v5 =	vadd.f32 v10, v9  }
0x437: {  	v7 =	vadd.f32 v7, v11;
	v8 =	vadd.f32 v8, v12  }
0x438: {  	v3 =	vadd.f32 v3, v4;
	v4 =	vadd.f32 v6, v5;
	_ =	sdelay $0x1  }
0x439: {  	v5 =	vadd.f32 v8, v7;
	v3 =	vadd.f32 v4, v3;
	_ =	sdelay $0x1  }
0x43a: {  	v3 =	vadd.f32 v3, v5;
	_ =	sdelay $0x1  }
0x43b: {  	s15 =	sor.u32 $0x600, s13;
	[tilespmem:$0x18480] =	vst v3  }
0x43c: {  	v3 =	vld.msk [tilespmem:s15+$0x0], $0x1;
	_ =	sdelay $0x4  }
0x43d: {  	v4 =	vshll.u32 v3, $0x6  }
0x43e: {  	v3 =	vand.u32 $0x7, v3;
	v4 =	vand.u32 $0xFFFFFE00, v4  }
0x43f: {  	v3 =	vor.u32 v3, v4  }
0x440: {  	v3 =	vperm.xlane v3, v1;
	_ =	sdelay $0x1  }
0x441: {  	v3 =	vadd.s32 v2, v3;
	_ =	sdelay $0x3  }
0x442: {  	s14 =	simm.s32 $0x0;
	s15 =	simm.s32 $0x8000  }
0x443: {  	[tilespmem:s15], [sflag:$0x1] =	stream.indirect_vreg.gather [hbm4b:s1+s14], $0x80, v3, vm0, $0xb8;
	[tilespmem:$0x18880] =	vst v63  }
0x444: {  	s15 =	simm.s32 $0x8800  }
0x445: {  	[tilespmem:s15], [sflag:$0x1] =	stream.indirect_vreg.gather [hbm4b:s7+s14], $0x80, v3, vm0, $0xb8;
	[tilespmem:$0x18880] =	vst v63  }
0x446: {  	s15 =	simm.s32 $0x9000  }
0x447: {  	[tilespmem:s15], [sflag:$0x1] =	stream.indirect_vreg.gather [hbm4b:s8+s14], $0x80, v3, vm0, $0xb8;
	[tilespmem:$0x18880] =	vst v63  }
0x448: {  	s15 =	simm.s32 $0x9800  }
0x449: {  	[tilespmem:s15], [sflag:$0x1] =	stream.indirect_vreg.gather [hbm4b:s9+s14], $0x80, v3, vm0, $0xb8;
	[tilespmem:$0x18880] =	vst v63  }
0x44a: {  	v3 =	vld.msk [tilespmem:s13+$0x4600], $0x1;
	_ =	sdelay $0x4  }
0x44b: {  	v4 =	vshll.u32 v3, $0x6  }
0x44c: {  	v3 =	vand.u32 $0x7, v3;
	v4 =	vand.u32 $0xFFFFFE00, v4  }
0x44d: {  	v3 =	vor.u32 v3, v4  }
0x44e: {  	v3 =	vperm.xlane v3, v1;
	_ =	sdelay $0x1  }
0x44f: {  	v3 =	vadd.s32 v2, v3;
	_ =	sdelay $0x3  }
0x450: {  	s15 =	simm.s32 $0x10000  }
0x451: {  	[tilespmem:s15], [sflag:$0x5] =	stream.indirect_vreg.gather [hbm4b:s3+s14], $0x80, v3, vm0, $0xb8;
	[tilespmem:$0x18880] =	vst v63  }
0x452: {  	s15 =	simm.s32 $0x10800  }
0x453: {  	[tilespmem:s15], [sflag:$0x5] =	stream.indirect_vreg.gather [hbm4b:s10+s14], $0x80, v3, vm0, $0xb8;
	[tilespmem:$0x18880] =	vst v63  }
0x454: {  	s15 =	simm.s32 $0x11000  }
0x455: {  	[tilespmem:s15], [sflag:$0x5] =	stream.indirect_vreg.gather [hbm4b:s11+s14], $0x80, v3, vm0, $0xb8;
	[tilespmem:$0x18880] =	vst v63  }
0x456: {  	s15 =	simm.s32 $0x11800  }
0x457: {  	[tilespmem:s15], [sflag:$0x5] =	stream.indirect_vreg.gather [hbm4b:s12+s14], $0x80, v3, vm0, $0xb8;
	[tilespmem:$0x18880] =	vst v63  }
0x458: {  	_ =	swait.ge [sflag:s29], $0x2000  }
0x459: {  	[sflag:s29] =	ssyncset.done $0x0  }
0x45a: {  	[sflag:s29] =	ssyncadd.s32 $0xFFFFE000  }
0x45b: {  	_ =	swait.ge [sflag:s30], $0x2000  }
0x45c: {  	[sflag:s30] =	ssyncset.done $0x0  }
0x45d: {  	s14 =	simm.s32 $0x0;
	[sflag:s30] =	ssyncadd.s32 $0xFFFFE000  }
0x45e: {  	v7 =	vld [tilespmem:s14+$0xA030]  }
0x45f: {  	v8 =	vld [tilespmem:s14+$0x12030]  }
0x460: {  	v9 =	vld [tilespmem:s14+$0xA070]  }
0x461: {  	v13 =	vld [tilespmem:s14+$0x12070]  }
0x462: {  	v3 =	vld [tilespmem:s14+$0xA0B0]  }
0x463: {  	v4 =	vld [tilespmem:s14+$0x120B0]  }
0x464: {  	v15 =	vld [tilespmem:s14+$0xA020]  }
0x465: {  	v18 =	vld [tilespmem:s14+$0x12020]  }
0x466: {  	v19 =	vld [tilespmem:s14+$0xA060]  }
0x467: {  	v20 =	vld [tilespmem:s14+$0x12060]  }
0x468: {  	v5 =	vld [tilespmem:s14+$0xA0A0]  }
0x469: {  	v6 =	vld [tilespmem:s14+$0x120A0]  }
0x46a: {  	v21 =	vld [tilespmem:s14+$0xA010]  }
0x46b: {  	v22 =	vld [tilespmem:s14+$0x12010]  }
0x46c: {  	v23 =	vld [tilespmem:s14+$0xA050]  }
0x46d: {  	v24 =	vld [tilespmem:s14+$0x12050]  }
0x46e: {  	v16 =	vld [tilespmem:s14+$0xA090]  }
0x46f: {  	v17 =	vld [tilespmem:s14+$0x12090]  }
0x470: {  	v25 =	vld [tilespmem:s14+$0xA000]  }
0x471: {  	v26 =	vld [tilespmem:s14+$0x12000]  }
0x472: {  	v27 =	vld [tilespmem:s14+$0xA040]  }
0x473: {  	v29 =	vld [tilespmem:s14+$0x12040]  }
0x474: {  	v28 =	vld [tilespmem:s14+$0xA080]  }
0x475: {  	v14 =	vimm.f32 $0.0e+00;
	v30 =	vld [tilespmem:s14+$0x12080]  }
0x476: {  	v12 =	vimm.f32 $0.0e+00;
	v10 =	vimm.f32 $0.0e+00;
	v11 =	vimm.f32 $0.0e+00;
	s15 =	simm.s32 $0x400;
	v31 =	vld [tilespmem:s14+$0xA0C0]  }
.LBB2_21:
0x477: {  	p0 =	sne.s32 s15, $0x7C00;
	v32 =	vld [tilespmem:s14+$0x120C0]  }
0x478: {  	v33 =	vmul.f32 v8, v7;
	v34 =	vmul.f32 v13, v9;
	v8 =	vld [tilespmem:s14+$0xA0D0]  }
0x479: {  	v15 =	vmul.f32 v18, v15;
	v18 =	vmul.f32 v20, v19;
	v9 =	vld [tilespmem:s14+$0x120D0]  }
0x47a: {  	v13 =	vmul.f32 v22, v21;
	v19 =	vmul.f32 v24, v23;
	v20 =	vld [tilespmem:s14+$0xA0E0]  }
0x47b: {  	v7 =	vmul.f32 v26, v25;
	v21 =	vmul.f32 v29, v27;
	v22 =	vld [tilespmem:s14+$0x120E0]  }
0x47c: {  	v23 =	vmul.f32 v30, v28;
	v24 =	vmul.f32 v32, v31;
	v25 =	vld [tilespmem:s14+$0xA0F0]  }
0x47d: {  	v16 =	vmul.f32 v17, v16;
	v12 =	vadd.f32 v7, v12;
	v14 =	vadd.f32 v21, v14;
	v17 =	vld [tilespmem:s14+$0x120F0];
	s14 =	sshra.s32 s15, $0x2  }
0x47e: {  	v10 =	vadd.f32 v23, v10;
	v7 =	vld [tilespmem:s14+$0xA030];
	v11 =	vadd.f32 v24, v11;
	v21 =	vmul.f32 v9, v8  }
0x47f: {  	v5 =	vmul.f32 v6, v5;
	v12 =	vadd.f32 v13, v12;
	v14 =	vadd.f32 v19, v14;
	v8 =	vld [tilespmem:s14+$0x12030]  }
0x480: {  	v6 =	vadd.f32 v16, v10;
	v9 =	vld [tilespmem:s14+$0xA070];
	v10 =	vadd.f32 v21, v11;
	v11 =	vmul.f32 v22, v20  }
0x481: {  	v12 =	vadd.f32 v15, v12;
	v14 =	vadd.f32 v18, v14;
	v16 =	vmul.f32 v4, v3;
	v13 =	vld [tilespmem:s14+$0x12070]  }
0x482: {  	v5 =	vadd.f32 v5, v6;
	v3 =	vld [tilespmem:s14+$0xA0B0];
	v6 =	vadd.f32 v11, v10;
	v11 =	vmul.f32 v17, v25  }
0x483: {  	v12 =	vadd.f32 v33, v12;
	v14 =	vadd.f32 v34, v14;
	v4 =	vld [tilespmem:s14+$0x120B0]  }
0x484: {  	v10 =	vadd.f32 v16, v5;
	v15 =	vld [tilespmem:s14+$0xA020];
	v11 =	vadd.f32 v11, v6  }
0x485: {  	v18 =	vld [tilespmem:s14+$0x12020]  }
0x486: {  	v19 =	vld [tilespmem:s14+$0xA060]  }
0x487: {  	v20 =	vld [tilespmem:s14+$0x12060]  }
0x488: {  	v5 =	vld [tilespmem:s14+$0xA0A0]  }
0x489: {  	v6 =	vld [tilespmem:s14+$0x120A0]  }
0x48a: {  	v21 =	vld [tilespmem:s14+$0xA010]  }
0x48b: {  	v22 =	vld [tilespmem:s14+$0x12010]  }
0x48c: {  	v23 =	vld [tilespmem:s14+$0xA050]  }
0x48d: {  	v24 =	vld [tilespmem:s14+$0x12050]  }
0x48e: {  	v16 =	vld [tilespmem:s14+$0xA090]  }
0x48f: {  	v17 =	vld [tilespmem:s14+$0x12090]  }
0x490: {  	v25 =	vld [tilespmem:s14+$0xA000]  }
0x491: {  	v26 =	vld [tilespmem:s14+$0x12000]  }
.Ltmp9:
0x492: {  	v27 =	vld [tilespmem:s14+$0xA040];
	(pc) =	sbr.rel @p0 .LBB2_21-.Ltmp9, $4  }
0x493: {  	v29 =	vld [tilespmem:s14+$0x12040]  }
0x494: {  	v28 =	vld [tilespmem:s14+$0xA080]  }
0x495: {  	v30 =	vld [tilespmem:s14+$0x12080]  }
0x496: {  	s15 =	sadd.s32 $0x400, s15;
	v31 =	vld [tilespmem:s14+$0xA0C0]  }
0x497: {  	v32 =	vld [tilespmem:s14+$0x120C0];
	v7 =	vmul.f32 v8, v7  }
0x498: {  	v8 =	vmul.f32 v13, v9;
	v9 =	vld [tilespmem:s14+$0xA0D0];
	v13 =	vmul.f32 v18, v15  }
0x499: {  	v15 =	vmul.f32 v20, v19;
	v18 =	vld [tilespmem:s14+$0x120D0];
	v19 =	vmul.f32 v22, v21  }
0x49a: {  	v20 =	vmul.f32 v24, v23;
	v21 =	vld [tilespmem:s14+$0xA0E0];
	v22 =	vmul.f32 v26, v25  }
0x49b: {  	v24 =	vld [tilespmem:s14+$0x120E0];
	v16 =	vmul.f32 v17, v16;
	v23 =	vmul.f32 v29, v27  }
0x49c: {  	v17 =	vld [tilespmem:s14+$0x120F0];
	v25 =	vmul.f32 v30, v28;
	v26 =	vmul.f32 v32, v31  }
0x49d: {  	v27 =	vld [tilespmem:s14+$0xA0F0];
	v12 =	vadd.f32 v22, v12;
	v14 =	vadd.f32 v23, v14  }
0x49e: {  	v10 =	vadd.f32 v25, v10;
	v9 =	vmul.f32 v18, v9;
	v11 =	vadd.f32 v26, v11  }
0x49f: {  	v5 =	vmul.f32 v6, v5;
	v12 =	vadd.f32 v19, v12;
	v14 =	vadd.f32 v20, v14  }
0x4a0: {  	v6 =	vadd.f32 v16, v10;
	v10 =	vmul.f32 v24, v21;
	v9 =	vadd.f32 v9, v11  }
0x4a1: {  	v3 =	vmul.f32 v4, v3;
	v11 =	vadd.f32 v13, v12;
	v12 =	vadd.f32 v15, v14  }
0x4a2: {  	v4 =	vadd.f32 v5, v6;
	v6 =	vmul.f32 v17, v27;
	v5 =	vadd.f32 v10, v9  }
0x4a3: {  	v7 =	vadd.f32 v7, v11;
	v8 =	vadd.f32 v8, v12  }
0x4a4: {  	v3 =	vadd.f32 v3, v4;
	v4 =	vadd.f32 v6, v5;
	_ =	sdelay $0x1  }
0x4a5: {  	v5 =	vadd.f32 v8, v7;
	v3 =	vadd.f32 v4, v3;
	_ =	sdelay $0x1  }
0x4a6: {  	v3 =	vadd.f32 v3, v5;
	_ =	sdelay $0x1  }
0x4a7: {  	s15 =	sor.u32 $0x680, s13;
	[tilespmem:$0x18500] =	vst v3  }
0x4a8: {  	v3 =	vld.msk [tilespmem:s15+$0x0], $0x1;
	_ =	sdelay $0x4  }
0x4a9: {  	v4 =	vshll.u32 v3, $0x6  }
0x4aa: {  	v3 =	vand.u32 $0x7, v3;
	v4 =	vand.u32 $0xFFFFFE00, v4  }
0x4ab: {  	v3 =	vor.u32 v3, v4  }
0x4ac: {  	v3 =	vperm.xlane v3, v1;
	_ =	sdelay $0x1  }
0x4ad: {  	v3 =	vadd.s32 v2, v3;
	_ =	sdelay $0x3  }
0x4ae: {  	s14 =	simm.s32 $0x0;
	s15 =	simm.s32 $0xA000  }
0x4af: {  	[tilespmem:s15], [sflag:$0x2] =	stream.indirect_vreg.gather [hbm4b:s1+s14], $0x80, v3, vm0, $0xb8;
	[tilespmem:$0x18880] =	vst v63  }
0x4b0: {  	s15 =	simm.s32 $0xA800  }
0x4b1: {  	[tilespmem:s15], [sflag:$0x2] =	stream.indirect_vreg.gather [hbm4b:s7+s14], $0x80, v3, vm0, $0xb8;
	[tilespmem:$0x18880] =	vst v63  }
0x4b2: {  	s15 =	simm.s32 $0xB000  }
0x4b3: {  	[tilespmem:s15], [sflag:$0x2] =	stream.indirect_vreg.gather [hbm4b:s8+s14], $0x80, v3, vm0, $0xb8;
	[tilespmem:$0x18880] =	vst v63  }
0x4b4: {  	s15 =	simm.s32 $0xB800  }
0x4b5: {  	[tilespmem:s15], [sflag:$0x2] =	stream.indirect_vreg.gather [hbm4b:s9+s14], $0x80, v3, vm0, $0xb8;
	[tilespmem:$0x18880] =	vst v63  }
0x4b6: {  	v3 =	vld.msk [tilespmem:s13+$0x4680], $0x1;
	_ =	sdelay $0x4  }
0x4b7: {  	v4 =	vshll.u32 v3, $0x6  }
0x4b8: {  	v3 =	vand.u32 $0x7, v3;
	v4 =	vand.u32 $0xFFFFFE00, v4  }
0x4b9: {  	v3 =	vor.u32 v3, v4  }
0x4ba: {  	v3 =	vperm.xlane v3, v1;
	_ =	sdelay $0x1  }
0x4bb: {  	v3 =	vadd.s32 v2, v3;
	_ =	sdelay $0x3  }
0x4bc: {  	s15 =	simm.s32 $0x12000  }
0x4bd: {  	[tilespmem:s15], [sflag:$0x6] =	stream.indirect_vreg.gather [hbm4b:s3+s14], $0x80, v3, vm0, $0xb8;
	[tilespmem:$0x18880] =	vst v63  }
0x4be: {  	s15 =	simm.s32 $0x12800  }
0x4bf: {  	[tilespmem:s15], [sflag:$0x6] =	stream.indirect_vreg.gather [hbm4b:s10+s14], $0x80, v3, vm0, $0xb8;
	[tilespmem:$0x18880] =	vst v63  }
0x4c0: {  	s15 =	simm.s32 $0x13000  }
0x4c1: {  	[tilespmem:s15], [sflag:$0x6] =	stream.indirect_vreg.gather [hbm4b:s11+s14], $0x80, v3, vm0, $0xb8;
	[tilespmem:$0x18880] =	vst v63  }
0x4c2: {  	s15 =	simm.s32 $0x13800  }
0x4c3: {  	[tilespmem:s15], [sflag:$0x6] =	stream.indirect_vreg.gather [hbm4b:s12+s14], $0x80, v3, vm0, $0xb8;
	[tilespmem:$0x18880] =	vst v63  }
0x4c4: {  	_ =	swait.ge [sflag:s31], $0x2000  }
0x4c5: {  	[sflag:s31] =	ssyncset.done $0x0  }
0x4c6: {  	[sflag:s31] =	ssyncadd.s32 $0xFFFFE000  }
0x4c7: {  	_ =	swait.ge [sflag:s2], $0x2000  }
0x4c8: {  	[sflag:s2] =	ssyncset.done $0x0  }
0x4c9: {  	s14 =	simm.s32 $0x0;
	[sflag:s2] =	ssyncadd.s32 $0xFFFFE000  }
0x4ca: {  	v7 =	vld [tilespmem:s14+$0xC030]  }
0x4cb: {  	v8 =	vld [tilespmem:s14+$0x14030]  }
0x4cc: {  	v9 =	vld [tilespmem:s14+$0xC070]  }
0x4cd: {  	v13 =	vld [tilespmem:s14+$0x14070]  }
0x4ce: {  	v3 =	vld [tilespmem:s14+$0xC0B0]  }
0x4cf: {  	v4 =	vld [tilespmem:s14+$0x140B0]  }
0x4d0: {  	v15 =	vld [tilespmem:s14+$0xC020]  }
0x4d1: {  	v18 =	vld [tilespmem:s14+$0x14020]  }
0x4d2: {  	v19 =	vld [tilespmem:s14+$0xC060]  }
0x4d3: {  	v20 =	vld [tilespmem:s14+$0x14060]  }
0x4d4: {  	v5 =	vld [tilespmem:s14+$0xC0A0]  }
0x4d5: {  	v6 =	vld [tilespmem:s14+$0x140A0]  }
0x4d6: {  	v21 =	vld [tilespmem:s14+$0xC010]  }
0x4d7: {  	v22 =	vld [tilespmem:s14+$0x14010]  }
0x4d8: {  	v23 =	vld [tilespmem:s14+$0xC050]  }
0x4d9: {  	v24 =	vld [tilespmem:s14+$0x14050]  }
0x4da: {  	v16 =	vld [tilespmem:s14+$0xC090]  }
0x4db: {  	v17 =	vld [tilespmem:s14+$0x14090]  }
0x4dc: {  	v25 =	vld [tilespmem:s14+$0xC000]  }
0x4dd: {  	v26 =	vld [tilespmem:s14+$0x14000]  }
0x4de: {  	v27 =	vld [tilespmem:s14+$0xC040]  }
0x4df: {  	v29 =	vld [tilespmem:s14+$0x14040]  }
0x4e0: {  	v28 =	vld [tilespmem:s14+$0xC080]  }
0x4e1: {  	v14 =	vimm.f32 $0.0e+00;
	v30 =	vld [tilespmem:s14+$0x14080]  }
0x4e2: {  	v12 =	vimm.f32 $0.0e+00;
	v10 =	vimm.f32 $0.0e+00;
	v11 =	vimm.f32 $0.0e+00;
	s15 =	simm.s32 $0x400;
	v31 =	vld [tilespmem:s14+$0xC0C0]  }
.LBB2_23:
0x4e3: {  	p0 =	sne.s32 s15, $0x7C00;
	v32 =	vld [tilespmem:s14+$0x140C0]  }
0x4e4: {  	v33 =	vmul.f32 v8, v7;
	v34 =	vmul.f32 v13, v9;
	v8 =	vld [tilespmem:s14+$0xC0D0]  }
0x4e5: {  	v15 =	vmul.f32 v18, v15;
	v18 =	vmul.f32 v20, v19;
	v9 =	vld [tilespmem:s14+$0x140D0]  }
0x4e6: {  	v13 =	vmul.f32 v22, v21;
	v19 =	vmul.f32 v24, v23;
	v20 =	vld [tilespmem:s14+$0xC0E0]  }
0x4e7: {  	v7 =	vmul.f32 v26, v25;
	v21 =	vmul.f32 v29, v27;
	v22 =	vld [tilespmem:s14+$0x140E0]  }
0x4e8: {  	v23 =	vmul.f32 v30, v28;
	v24 =	vmul.f32 v32, v31;
	v25 =	vld [tilespmem:s14+$0xC0F0]  }
0x4e9: {  	v16 =	vmul.f32 v17, v16;
	v12 =	vadd.f32 v7, v12;
	v14 =	vadd.f32 v21, v14;
	v17 =	vld [tilespmem:s14+$0x140F0];
	s14 =	sshra.s32 s15, $0x2  }
0x4ea: {  	v10 =	vadd.f32 v23, v10;
	v7 =	vld [tilespmem:s14+$0xC030];
	v11 =	vadd.f32 v24, v11;
	v21 =	vmul.f32 v9, v8  }
0x4eb: {  	v5 =	vmul.f32 v6, v5;
	v12 =	vadd.f32 v13, v12;
	v14 =	vadd.f32 v19, v14;
	v8 =	vld [tilespmem:s14+$0x14030]  }
0x4ec: {  	v6 =	vadd.f32 v16, v10;
	v9 =	vld [tilespmem:s14+$0xC070];
	v10 =	vadd.f32 v21, v11;
	v11 =	vmul.f32 v22, v20  }
0x4ed: {  	v12 =	vadd.f32 v15, v12;
	v14 =	vadd.f32 v18, v14;
	v16 =	vmul.f32 v4, v3;
	v13 =	vld [tilespmem:s14+$0x14070]  }
0x4ee: {  	v5 =	vadd.f32 v5, v6;
	v3 =	vld [tilespmem:s14+$0xC0B0];
	v6 =	vadd.f32 v11, v10;
	v11 =	vmul.f32 v17, v25  }
0x4ef: {  	v12 =	vadd.f32 v33, v12;
	v14 =	vadd.f32 v34, v14;
	v4 =	vld [tilespmem:s14+$0x140B0]  }
0x4f0: {  	v10 =	vadd.f32 v16, v5;
	v15 =	vld [tilespmem:s14+$0xC020];
	v11 =	vadd.f32 v11, v6  }
0x4f1: {  	v18 =	vld [tilespmem:s14+$0x14020]  }
0x4f2: {  	v19 =	vld [tilespmem:s14+$0xC060]  }
0x4f3: {  	v20 =	vld [tilespmem:s14+$0x14060]  }
0x4f4: {  	v5 =	vld [tilespmem:s14+$0xC0A0]  }
0x4f5: {  	v6 =	vld [tilespmem:s14+$0x140A0]  }
0x4f6: {  	v21 =	vld [tilespmem:s14+$0xC010]  }
0x4f7: {  	v22 =	vld [tilespmem:s14+$0x14010]  }
0x4f8: {  	v23 =	vld [tilespmem:s14+$0xC050]  }
0x4f9: {  	v24 =	vld [tilespmem:s14+$0x14050]  }
0x4fa: {  	v16 =	vld [tilespmem:s14+$0xC090]  }
0x4fb: {  	v17 =	vld [tilespmem:s14+$0x14090]  }
0x4fc: {  	v25 =	vld [tilespmem:s14+$0xC000]  }
0x4fd: {  	v26 =	vld [tilespmem:s14+$0x14000]  }
.Ltmp10:
0x4fe: {  	v27 =	vld [tilespmem:s14+$0xC040];
	(pc) =	sbr.rel @p0 .LBB2_23-.Ltmp10, $4  }
0x4ff: {  	v29 =	vld [tilespmem:s14+$0x14040]  }
0x500: {  	v28 =	vld [tilespmem:s14+$0xC080]  }
0x501: {  	v30 =	vld [tilespmem:s14+$0x14080]  }
0x502: {  	s15 =	sadd.s32 $0x400, s15;
	v31 =	vld [tilespmem:s14+$0xC0C0]  }
0x503: {  	v32 =	vld [tilespmem:s14+$0x140C0];
	v7 =	vmul.f32 v8, v7  }
0x504: {  	v8 =	vmul.f32 v13, v9;
	v9 =	vld [tilespmem:s14+$0xC0D0];
	v13 =	vmul.f32 v18, v15  }
0x505: {  	v15 =	vmul.f32 v20, v19;
	v18 =	vld [tilespmem:s14+$0x140D0];
	v19 =	vmul.f32 v22, v21  }
0x506: {  	v20 =	vmul.f32 v24, v23;
	v21 =	vld [tilespmem:s14+$0xC0E0];
	v22 =	vmul.f32 v26, v25  }
0x507: {  	v24 =	vld [tilespmem:s14+$0x140E0];
	v16 =	vmul.f32 v17, v16;
	v23 =	vmul.f32 v29, v27  }
0x508: {  	v17 =	vld [tilespmem:s14+$0x140F0];
	v25 =	vmul.f32 v30, v28;
	v26 =	vmul.f32 v32, v31  }
0x509: {  	v27 =	vld [tilespmem:s14+$0xC0F0];
	v12 =	vadd.f32 v22, v12;
	v14 =	vadd.f32 v23, v14  }
0x50a: {  	v10 =	vadd.f32 v25, v10;
	v9 =	vmul.f32 v18, v9;
	v11 =	vadd.f32 v26, v11  }
0x50b: {  	v5 =	vmul.f32 v6, v5;
	v12 =	vadd.f32 v19, v12;
	v14 =	vadd.f32 v20, v14  }
0x50c: {  	v6 =	vadd.f32 v16, v10;
	v10 =	vmul.f32 v24, v21;
	v9 =	vadd.f32 v9, v11  }
0x50d: {  	v3 =	vmul.f32 v4, v3;
	v11 =	vadd.f32 v13, v12;
	v12 =	vadd.f32 v15, v14  }
0x50e: {  	v4 =	vadd.f32 v5, v6;
	v6 =	vmul.f32 v17, v27;
	v5 =	vadd.f32 v10, v9  }
0x50f: {  	v7 =	vadd.f32 v7, v11;
	v8 =	vadd.f32 v8, v12  }
0x510: {  	v3 =	vadd.f32 v3, v4;
	v4 =	vadd.f32 v6, v5;
	_ =	sdelay $0x1  }
0x511: {  	v5 =	vadd.f32 v8, v7;
	v3 =	vadd.f32 v4, v3;
	_ =	sdelay $0x1  }
0x512: {  	v3 =	vadd.f32 v3, v5;
	_ =	sdelay $0x1  }
0x513: {  	s15 =	sor.u32 $0x700, s13;
	[tilespmem:$0x18580] =	vst v3  }
0x514: {  	v3 =	vld.msk [tilespmem:s15+$0x0], $0x1;
	_ =	sdelay $0x4  }
0x515: {  	v4 =	vshll.u32 v3, $0x6  }
0x516: {  	v3 =	vand.u32 $0x7, v3;
	v4 =	vand.u32 $0xFFFFFE00, v4  }
0x517: {  	v3 =	vor.u32 v3, v4  }
0x518: {  	v3 =	vperm.xlane v3, v1;
	_ =	sdelay $0x1  }
0x519: {  	v3 =	vadd.s32 v2, v3;
	_ =	sdelay $0x3  }
0x51a: {  	s14 =	simm.s32 $0x0;
	s15 =	simm.s32 $0xC000  }
0x51b: {  	[tilespmem:s15], [sflag:$0x3] =	stream.indirect_vreg.gather [hbm4b:s1+s14], $0x80, v3, vm0, $0xb8;
	[tilespmem:$0x18880] =	vst v63  }
0x51c: {  	s15 =	simm.s32 $0xC800  }
0x51d: {  	[tilespmem:s15], [sflag:$0x3] =	stream.indirect_vreg.gather [hbm4b:s7+s14], $0x80, v3, vm0, $0xb8;
	[tilespmem:$0x18880] =	vst v63  }
0x51e: {  	s15 =	simm.s32 $0xD000  }
0x51f: {  	[tilespmem:s15], [sflag:$0x3] =	stream.indirect_vreg.gather [hbm4b:s8+s14], $0x80, v3, vm0, $0xb8;
	[tilespmem:$0x18880] =	vst v63  }
0x520: {  	s15 =	simm.s32 $0xD800  }
0x521: {  	[tilespmem:s15], [sflag:$0x3] =	stream.indirect_vreg.gather [hbm4b:s9+s14], $0x80, v3, vm0, $0xb8;
	[tilespmem:$0x18880] =	vst v63  }
0x522: {  	v3 =	vld.msk [tilespmem:s13+$0x4700], $0x1;
	_ =	sdelay $0x4  }
0x523: {  	v4 =	vshll.u32 v3, $0x6  }
0x524: {  	v3 =	vand.u32 $0x7, v3;
	v4 =	vand.u32 $0xFFFFFE00, v4  }
0x525: {  	v3 =	vor.u32 v3, v4  }
0x526: {  	v3 =	vperm.xlane v3, v1;
	_ =	sdelay $0x1  }
0x527: {  	v3 =	vadd.s32 v2, v3;
	_ =	sdelay $0x3  }
0x528: {  	s15 =	simm.s32 $0x14000  }
0x529: {  	[tilespmem:s15], [sflag:$0x7] =	stream.indirect_vreg.gather [hbm4b:s3+s14], $0x80, v3, vm0, $0xb8;
	[tilespmem:$0x18880] =	vst v63  }
0x52a: {  	s15 =	simm.s32 $0x14800  }
0x52b: {  	[tilespmem:s15], [sflag:$0x7] =	stream.indirect_vreg.gather [hbm4b:s10+s14], $0x80, v3, vm0, $0xb8;
	[tilespmem:$0x18880] =	vst v63  }
0x52c: {  	_ = 	snop  }
0x52d: {  	[tilespmem:s4], [sflag:$0x7] =	stream.indirect_vreg.gather [hbm4b:s11+s14], $0x80, v3, vm0, $0xb8;
	[tilespmem:$0x18880] =	vst v63  }
0x52e: {  	_ = 	snop  }
0x52f: {  	[tilespmem:s17], [sflag:$0x7] =	stream.indirect_vreg.gather [hbm4b:s12+s14], $0x80, v3, vm0, $0xb8;
	[tilespmem:$0x18880] =	vst v63  }
0x530: {  	_ =	swait.ge [sflag:s0], $0x2000  }
0x531: {  	[sflag:s0] =	ssyncset.done $0x0  }
0x532: {  	[sflag:s0] =	ssyncadd.s32 $0xFFFFE000  }
0x533: {  	_ =	swait.ge [sflag:s16], $0x2000  }
0x534: {  	[sflag:s16] =	ssyncset.done $0x0  }
0x535: {  	s14 =	simm.s32 $0x0;
	[sflag:s16] =	ssyncadd.s32 $0xFFFFE000  }
0x536: {  	v7 =	vld [tilespmem:s14+$0xE030]  }
0x537: {  	v8 =	vld [tilespmem:s14+$0x16030]  }
0x538: {  	v9 =	vld [tilespmem:s14+$0xE070]  }
0x539: {  	v13 =	vld [tilespmem:s14+$0x16070]  }
0x53a: {  	v3 =	vld [tilespmem:s14+$0xE0B0]  }
0x53b: {  	v4 =	vld [tilespmem:s14+$0x160B0]  }
0x53c: {  	v15 =	vld [tilespmem:s14+$0xE020]  }
0x53d: {  	v18 =	vld [tilespmem:s14+$0x16020]  }
0x53e: {  	v19 =	vld [tilespmem:s14+$0xE060]  }
0x53f: {  	v20 =	vld [tilespmem:s14+$0x16060]  }
0x540: {  	v5 =	vld [tilespmem:s14+$0xE0A0]  }
0x541: {  	v6 =	vld [tilespmem:s14+$0x160A0]  }
0x542: {  	v21 =	vld [tilespmem:s14+$0xE010]  }
0x543: {  	v22 =	vld [tilespmem:s14+$0x16010]  }
0x544: {  	v23 =	vld [tilespmem:s14+$0xE050]  }
0x545: {  	v24 =	vld [tilespmem:s14+$0x16050]  }
0x546: {  	v16 =	vld [tilespmem:s14+$0xE090]  }
0x547: {  	v17 =	vld [tilespmem:s14+$0x16090]  }
0x548: {  	v25 =	vld [tilespmem:s14+$0xE000]  }
0x549: {  	v26 =	vld [tilespmem:s14+$0x16000]  }
0x54a: {  	v27 =	vld [tilespmem:s14+$0xE040]  }
0x54b: {  	v29 =	vld [tilespmem:s14+$0x16040]  }
0x54c: {  	v28 =	vld [tilespmem:s14+$0xE080]  }
0x54d: {  	v14 =	vimm.f32 $0.0e+00;
	v30 =	vld [tilespmem:s14+$0x16080]  }
0x54e: {  	v12 =	vimm.f32 $0.0e+00;
	v10 =	vimm.f32 $0.0e+00;
	v11 =	vimm.f32 $0.0e+00;
	s15 =	simm.s32 $0x400;
	v31 =	vld [tilespmem:s14+$0xE0C0]  }
.LBB2_25:
0x54f: {  	p0 =	sne.s32 s15, $0x7C00;
	v32 =	vld [tilespmem:s14+$0x160C0]  }
0x550: {  	v33 =	vmul.f32 v8, v7;
	v34 =	vmul.f32 v13, v9;
	v8 =	vld [tilespmem:s14+$0xE0D0]  }
0x551: {  	v15 =	vmul.f32 v18, v15;
	v18 =	vmul.f32 v20, v19;
	v9 =	vld [tilespmem:s14+$0x160D0]  }
0x552: {  	v13 =	vmul.f32 v22, v21;
	v19 =	vmul.f32 v24, v23;
	v20 =	vld [tilespmem:s14+$0xE0E0]  }
0x553: {  	v7 =	vmul.f32 v26, v25;
	v21 =	vmul.f32 v29, v27;
	v22 =	vld [tilespmem:s14+$0x160E0]  }
0x554: {  	v23 =	vmul.f32 v30, v28;
	v24 =	vmul.f32 v32, v31;
	v25 =	vld [tilespmem:s14+$0xE0F0]  }
0x555: {  	v16 =	vmul.f32 v17, v16;
	v12 =	vadd.f32 v7, v12;
	v14 =	vadd.f32 v21, v14;
	v17 =	vld [tilespmem:s14+$0x160F0];
	s14 =	sshra.s32 s15, $0x2  }
0x556: {  	v10 =	vadd.f32 v23, v10;
	v7 =	vld [tilespmem:s14+$0xE030];
	v11 =	vadd.f32 v24, v11;
	v21 =	vmul.f32 v9, v8  }
0x557: {  	v5 =	vmul.f32 v6, v5;
	v12 =	vadd.f32 v13, v12;
	v14 =	vadd.f32 v19, v14;
	v8 =	vld [tilespmem:s14+$0x16030]  }
0x558: {  	v6 =	vadd.f32 v16, v10;
	v9 =	vld [tilespmem:s14+$0xE070];
	v10 =	vadd.f32 v21, v11;
	v11 =	vmul.f32 v22, v20  }
0x559: {  	v12 =	vadd.f32 v15, v12;
	v14 =	vadd.f32 v18, v14;
	v16 =	vmul.f32 v4, v3;
	v13 =	vld [tilespmem:s14+$0x16070]  }
0x55a: {  	v5 =	vadd.f32 v5, v6;
	v3 =	vld [tilespmem:s14+$0xE0B0];
	v6 =	vadd.f32 v11, v10;
	v11 =	vmul.f32 v17, v25  }
0x55b: {  	v12 =	vadd.f32 v33, v12;
	v14 =	vadd.f32 v34, v14;
	v4 =	vld [tilespmem:s14+$0x160B0]  }
0x55c: {  	v10 =	vadd.f32 v16, v5;
	v15 =	vld [tilespmem:s14+$0xE020];
	v11 =	vadd.f32 v11, v6  }
0x55d: {  	v18 =	vld [tilespmem:s14+$0x16020]  }
0x55e: {  	v19 =	vld [tilespmem:s14+$0xE060]  }
0x55f: {  	v20 =	vld [tilespmem:s14+$0x16060]  }
0x560: {  	v5 =	vld [tilespmem:s14+$0xE0A0]  }
0x561: {  	v6 =	vld [tilespmem:s14+$0x160A0]  }
0x562: {  	v21 =	vld [tilespmem:s14+$0xE010]  }
0x563: {  	v22 =	vld [tilespmem:s14+$0x16010]  }
0x564: {  	v23 =	vld [tilespmem:s14+$0xE050]  }
0x565: {  	v24 =	vld [tilespmem:s14+$0x16050]  }
0x566: {  	v16 =	vld [tilespmem:s14+$0xE090]  }
0x567: {  	v17 =	vld [tilespmem:s14+$0x16090]  }
0x568: {  	v25 =	vld [tilespmem:s14+$0xE000]  }
0x569: {  	v26 =	vld [tilespmem:s14+$0x16000]  }
.Ltmp11:
0x56a: {  	v27 =	vld [tilespmem:s14+$0xE040];
	(pc) =	sbr.rel @p0 .LBB2_25-.Ltmp11, $4  }
0x56b: {  	v29 =	vld [tilespmem:s14+$0x16040]  }
0x56c: {  	v28 =	vld [tilespmem:s14+$0xE080]  }
0x56d: {  	v30 =	vld [tilespmem:s14+$0x16080]  }
0x56e: {  	s15 =	sadd.s32 $0x400, s15;
	v31 =	vld [tilespmem:s14+$0xE0C0]  }
0x56f: {  	v32 =	vld [tilespmem:s14+$0x160C0];
	v7 =	vmul.f32 v8, v7  }
0x570: {  	v8 =	vmul.f32 v13, v9;
	v9 =	vld [tilespmem:s14+$0xE0D0];
	v13 =	vmul.f32 v18, v15  }
0x571: {  	v15 =	vmul.f32 v20, v19;
	v18 =	vld [tilespmem:s14+$0x160D0];
	v19 =	vmul.f32 v22, v21  }
0x572: {  	v20 =	vmul.f32 v24, v23;
	v21 =	vld [tilespmem:s14+$0xE0E0];
	v22 =	vmul.f32 v26, v25  }
0x573: {  	v24 =	vld [tilespmem:s14+$0x160E0];
	v16 =	vmul.f32 v17, v16;
	v23 =	vmul.f32 v29, v27  }
0x574: {  	v17 =	vld [tilespmem:s14+$0x160F0];
	v25 =	vmul.f32 v30, v28;
	v26 =	vmul.f32 v32, v31  }
0x575: {  	v27 =	vld [tilespmem:s14+$0xE0F0];
	v12 =	vadd.f32 v22, v12;
	v14 =	vadd.f32 v23, v14  }
0x576: {  	v10 =	vadd.f32 v25, v10;
	v9 =	vmul.f32 v18, v9;
	v11 =	vadd.f32 v26, v11  }
0x577: {  	v5 =	vmul.f32 v6, v5;
	v12 =	vadd.f32 v19, v12;
	v14 =	vadd.f32 v20, v14  }
0x578: {  	v6 =	vadd.f32 v16, v10;
	v10 =	vmul.f32 v24, v21;
	v9 =	vadd.f32 v9, v11  }
0x579: {  	v3 =	vmul.f32 v4, v3;
	v11 =	vadd.f32 v13, v12;
	v12 =	vadd.f32 v15, v14  }
0x57a: {  	v4 =	vadd.f32 v5, v6;
	v6 =	vmul.f32 v17, v27;
	v5 =	vadd.f32 v10, v9  }
0x57b: {  	v7 =	vadd.f32 v7, v11;
	v8 =	vadd.f32 v8, v12  }
0x57c: {  	v3 =	vadd.f32 v3, v4;
	v4 =	vadd.f32 v6, v5;
	_ =	sdelay $0x1  }
0x57d: {  	v5 =	vadd.f32 v8, v7;
	v3 =	vadd.f32 v4, v3;
	_ =	sdelay $0x1  }
0x57e: {  	v3 =	vadd.f32 v3, v5;
	_ =	sdelay $0x1  }
0x57f: {  	s15 =	sor.u32 $0x780, s13;
	[tilespmem:$0x18600] =	vst v3  }
0x580: {  	v3 =	vld.msk [tilespmem:s15+$0x0], $0x1;
	_ =	sdelay $0x4  }
0x581: {  	v4 =	vshll.u32 v3, $0x6  }
0x582: {  	v3 =	vand.u32 $0x7, v3;
	v4 =	vand.u32 $0xFFFFFE00, v4  }
0x583: {  	v3 =	vor.u32 v3, v4  }
0x584: {  	v3 =	vperm.xlane v3, v1;
	_ =	sdelay $0x1  }
0x585: {  	v3 =	vadd.s32 v2, v3;
	_ =	sdelay $0x3  }
0x586: {  	s15 =	simm.s32 $0x0  }
0x587: {  	[tilespmem:s18], [sflag:$0x4] =	stream.indirect_vreg.gather [hbm4b:s1+s15], $0x80, v3, vm0, $0xb8;
	[tilespmem:$0x18880] =	vst v63  }
0x588: {  	_ = 	snop  }
0x589: {  	[tilespmem:s19], [sflag:$0x4] =	stream.indirect_vreg.gather [hbm4b:s7+s15], $0x80, v3, vm0, $0xb8;
	[tilespmem:$0x18880] =	vst v63  }
0x58a: {  	_ = 	snop  }
0x58b: {  	[tilespmem:s20], [sflag:$0x4] =	stream.indirect_vreg.gather [hbm4b:s8+s15], $0x80, v3, vm0, $0xb8;
	[tilespmem:$0x18880] =	vst v63  }
0x58c: {  	_ = 	snop  }
0x58d: {  	[tilespmem:s21], [sflag:$0x4] =	stream.indirect_vreg.gather [hbm4b:s9+s15], $0x80, v3, vm0, $0xb8;
	[tilespmem:$0x18880] =	vst v63  }
0x58e: {  	v3 =	vld.msk [tilespmem:s13+$0x4780], $0x1;
	_ =	sdelay $0x4  }
0x58f: {  	v4 =	vshll.u32 v3, $0x6  }
0x590: {  	v3 =	vand.u32 $0x7, v3;
	v4 =	vand.u32 $0xFFFFFE00, v4  }
0x591: {  	v3 =	vor.u32 v3, v4  }
0x592: {  	v3 =	vperm.xlane v3, v1;
	_ =	sdelay $0x1  }
0x593: {  	v3 =	vadd.s32 v2, v3;
	_ =	sdelay $0x4  }
0x594: {  	[tilespmem:s22], [sflag:$0x8] =	stream.indirect_vreg.gather [hbm4b:s3+s15], $0x80, v3, vm0, $0xb8;
	[tilespmem:$0x18880] =	vst v63  }
0x595: {  	_ = 	snop  }
0x596: {  	[tilespmem:s23], [sflag:$0x8] =	stream.indirect_vreg.gather [hbm4b:s10+s15], $0x80, v3, vm0, $0xb8;
	[tilespmem:$0x18880] =	vst v63  }
0x597: {  	_ = 	snop  }
0x598: {  	[tilespmem:s24], [sflag:$0x8] =	stream.indirect_vreg.gather [hbm4b:s11+s15], $0x80, v3, vm0, $0xb8;
	[tilespmem:$0x18880] =	vst v63  }
0x599: {  	_ = 	snop  }
0x59a: {  	[tilespmem:s25], [sflag:$0x8] =	stream.indirect_vreg.gather [hbm4b:s12+s15], $0x80, v3, vm0, $0xb8;
	[tilespmem:$0x18880] =	vst v63  }
0x59b: {  	_ =	swait.ge [sflag:s26], $0x2000  }
0x59c: {  	[sflag:s26] =	ssyncset.done $0x0  }
0x59d: {  	[sflag:s26] =	ssyncadd.s32 $0xFFFFE000  }
0x59e: {  	_ =	swait.ge [sflag:s28], $0x2000  }
0x59f: {  	[sflag:s28] =	ssyncset.done $0x0  }
0x5a0: {  	s14 =	simm.s32 $0x0;
	[sflag:s28] =	ssyncadd.s32 $0xFFFFE000  }
0x5a1: {  	v7 =	vld [tilespmem:s14+$0x8030]  }
0x5a2: {  	v8 =	vld [tilespmem:s14+$0x10030]  }
0x5a3: {  	v9 =	vld [tilespmem:s14+$0x8070]  }
0x5a4: {  	v13 =	vld [tilespmem:s14+$0x10070]  }
0x5a5: {  	v3 =	vld [tilespmem:s14+$0x80B0]  }
0x5a6: {  	v4 =	vld [tilespmem:s14+$0x100B0]  }
0x5a7: {  	v15 =	vld [tilespmem:s14+$0x8020]  }
0x5a8: {  	v18 =	vld [tilespmem:s14+$0x10020]  }
0x5a9: {  	v19 =	vld [tilespmem:s14+$0x8060]  }
0x5aa: {  	v20 =	vld [tilespmem:s14+$0x10060]  }
0x5ab: {  	v5 =	vld [tilespmem:s14+$0x80A0]  }
0x5ac: {  	v6 =	vld [tilespmem:s14+$0x100A0]  }
0x5ad: {  	v21 =	vld [tilespmem:s14+$0x8010]  }
0x5ae: {  	v22 =	vld [tilespmem:s14+$0x10010]  }
0x5af: {  	v23 =	vld [tilespmem:s14+$0x8050]  }
0x5b0: {  	v24 =	vld [tilespmem:s14+$0x10050]  }
0x5b1: {  	v16 =	vld [tilespmem:s14+$0x8090]  }
0x5b2: {  	v17 =	vld [tilespmem:s14+$0x10090]  }
0x5b3: {  	v25 =	vld [tilespmem:s14+$0x8000]  }
0x5b4: {  	v26 =	vld [tilespmem:s14+$0x10000]  }
0x5b5: {  	v27 =	vld [tilespmem:s14+$0x8040]  }
0x5b6: {  	v29 =	vld [tilespmem:s14+$0x10040]  }
0x5b7: {  	v28 =	vld [tilespmem:s14+$0x8080]  }
0x5b8: {  	v14 =	vimm.f32 $0.0e+00;
	v30 =	vld [tilespmem:s14+$0x10080]  }
0x5b9: {  	v12 =	vimm.f32 $0.0e+00;
	v10 =	vimm.f32 $0.0e+00;
	v11 =	vimm.f32 $0.0e+00;
	s15 =	simm.s32 $0x400;
	v31 =	vld [tilespmem:s14+$0x80C0]  }
.LBB2_27:
0x5ba: {  	p0 =	sne.s32 s15, $0x7C00;
	v32 =	vld [tilespmem:s14+$0x100C0]  }
0x5bb: {  	v33 =	vmul.f32 v8, v7;
	v34 =	vmul.f32 v13, v9;
	v8 =	vld [tilespmem:s14+$0x80D0]  }
0x5bc: {  	v15 =	vmul.f32 v18, v15;
	v18 =	vmul.f32 v20, v19;
	v9 =	vld [tilespmem:s14+$0x100D0]  }
0x5bd: {  	v13 =	vmul.f32 v22, v21;
	v19 =	vmul.f32 v24, v23;
	v20 =	vld [tilespmem:s14+$0x80E0]  }
0x5be: {  	v7 =	vmul.f32 v26, v25;
	v21 =	vmul.f32 v29, v27;
	v22 =	vld [tilespmem:s14+$0x100E0]  }
0x5bf: {  	v23 =	vmul.f32 v30, v28;
	v24 =	vmul.f32 v32, v31;
	v25 =	vld [tilespmem:s14+$0x80F0]  }
0x5c0: {  	v16 =	vmul.f32 v17, v16;
	v12 =	vadd.f32 v7, v12;
	v14 =	vadd.f32 v21, v14;
	v17 =	vld [tilespmem:s14+$0x100F0];
	s14 =	sshra.s32 s15, $0x2  }
0x5c1: {  	v10 =	vadd.f32 v23, v10;
	v7 =	vld [tilespmem:s14+$0x8030];
	v11 =	vadd.f32 v24, v11;
	v21 =	vmul.f32 v9, v8  }
0x5c2: {  	v5 =	vmul.f32 v6, v5;
	v12 =	vadd.f32 v13, v12;
	v14 =	vadd.f32 v19, v14;
	v8 =	vld [tilespmem:s14+$0x10030]  }
0x5c3: {  	v6 =	vadd.f32 v16, v10;
	v9 =	vld [tilespmem:s14+$0x8070];
	v10 =	vadd.f32 v21, v11;
	v11 =	vmul.f32 v22, v20  }
0x5c4: {  	v12 =	vadd.f32 v15, v12;
	v14 =	vadd.f32 v18, v14;
	v16 =	vmul.f32 v4, v3;
	v13 =	vld [tilespmem:s14+$0x10070]  }
0x5c5: {  	v5 =	vadd.f32 v5, v6;
	v3 =	vld [tilespmem:s14+$0x80B0];
	v6 =	vadd.f32 v11, v10;
	v11 =	vmul.f32 v17, v25  }
0x5c6: {  	v12 =	vadd.f32 v33, v12;
	v14 =	vadd.f32 v34, v14;
	v4 =	vld [tilespmem:s14+$0x100B0]  }
0x5c7: {  	v10 =	vadd.f32 v16, v5;
	v15 =	vld [tilespmem:s14+$0x8020];
	v11 =	vadd.f32 v11, v6  }
0x5c8: {  	v18 =	vld [tilespmem:s14+$0x10020]  }
0x5c9: {  	v19 =	vld [tilespmem:s14+$0x8060]  }
0x5ca: {  	v20 =	vld [tilespmem:s14+$0x10060]  }
0x5cb: {  	v5 =	vld [tilespmem:s14+$0x80A0]  }
0x5cc: {  	v6 =	vld [tilespmem:s14+$0x100A0]  }
0x5cd: {  	v21 =	vld [tilespmem:s14+$0x8010]  }
0x5ce: {  	v22 =	vld [tilespmem:s14+$0x10010]  }
0x5cf: {  	v23 =	vld [tilespmem:s14+$0x8050]  }
0x5d0: {  	v24 =	vld [tilespmem:s14+$0x10050]  }
0x5d1: {  	v16 =	vld [tilespmem:s14+$0x8090]  }
0x5d2: {  	v17 =	vld [tilespmem:s14+$0x10090]  }
0x5d3: {  	v25 =	vld [tilespmem:s14+$0x8000]  }
0x5d4: {  	v26 =	vld [tilespmem:s14+$0x10000]  }
.Ltmp12:
0x5d5: {  	v27 =	vld [tilespmem:s14+$0x8040];
	(pc) =	sbr.rel @p0 .LBB2_27-.Ltmp12, $4  }
0x5d6: {  	v29 =	vld [tilespmem:s14+$0x10040]  }
0x5d7: {  	v28 =	vld [tilespmem:s14+$0x8080]  }
0x5d8: {  	v30 =	vld [tilespmem:s14+$0x10080]  }
0x5d9: {  	s15 =	sadd.s32 $0x400, s15;
	v31 =	vld [tilespmem:s14+$0x80C0]  }
0x5da: {  	v32 =	vld [tilespmem:s14+$0x100C0];
	v7 =	vmul.f32 v8, v7  }
0x5db: {  	v8 =	vmul.f32 v13, v9;
	v9 =	vld [tilespmem:s14+$0x80D0];
	v13 =	vmul.f32 v18, v15  }
0x5dc: {  	v15 =	vmul.f32 v20, v19;
	v18 =	vld [tilespmem:s14+$0x100D0];
	v19 =	vmul.f32 v22, v21  }
0x5dd: {  	v20 =	vmul.f32 v24, v23;
	v21 =	vld [tilespmem:s14+$0x80E0];
	v22 =	vmul.f32 v26, v25  }
0x5de: {  	v24 =	vld [tilespmem:s14+$0x100E0];
	v16 =	vmul.f32 v17, v16;
	v23 =	vmul.f32 v29, v27  }
0x5df: {  	v17 =	vld [tilespmem:s14+$0x100F0];
	v25 =	vmul.f32 v30, v28;
	v26 =	vmul.f32 v32, v31  }
0x5e0: {  	v27 =	vld [tilespmem:s14+$0x80F0];
	v12 =	vadd.f32 v22, v12;
	v14 =	vadd.f32 v23, v14  }
0x5e1: {  	v10 =	vadd.f32 v25, v10;
	v9 =	vmul.f32 v18, v9;
	v11 =	vadd.f32 v26, v11  }
0x5e2: {  	v5 =	vmul.f32 v6, v5;
	v12 =	vadd.f32 v19, v12;
	v14 =	vadd.f32 v20, v14  }
0x5e3: {  	v6 =	vadd.f32 v16, v10;
	v10 =	vmul.f32 v24, v21;
	v9 =	vadd.f32 v9, v11  }
0x5e4: {  	v3 =	vmul.f32 v4, v3;
	v11 =	vadd.f32 v13, v12;
	v12 =	vadd.f32 v15, v14  }
0x5e5: {  	v4 =	vadd.f32 v5, v6;
	v6 =	vmul.f32 v17, v27;
	v5 =	vadd.f32 v10, v9  }
0x5e6: {  	v7 =	vadd.f32 v7, v11;
	v8 =	vadd.f32 v8, v12  }
0x5e7: {  	v3 =	vadd.f32 v3, v4;
	v4 =	vadd.f32 v6, v5;
	_ =	sdelay $0x1  }
0x5e8: {  	v5 =	vadd.f32 v8, v7;
	v3 =	vadd.f32 v4, v3;
	_ =	sdelay $0x1  }
0x5e9: {  	v3 =	vadd.f32 v3, v5;
	_ =	sdelay $0x1  }
0x5ea: {  	p0 =	seq.s32 s6, $0x7;
	[tilespmem:$0x18680] =	vst v3  }
0x5eb: {  	v3 =	vld.msk @!p0 [tilespmem:s13+$0x800], $0x1;
	_ =	sdelay $0x4  }
0x5ec: {  	v4 =	vshll.u32 @!p0 v3, $0x6  }
0x5ed: {  	v3 =	vand.u32 @!p0 $0x7, v3;
	v4 =	vand.u32 @!p0 $0xFFFFFE00, v4  }
0x5ee: {  	v5 =	vlaneseq.u32 @!p0;
	v3 =	vor.u32 @!p0 v3, v4;
	v4 =	vimm.s32 @!p0 $0x0  }
0x5ef: {  	v5 =	vmul.u32 @!p0 $0x8, v5;
	v3 =	vperm.xlane @!p0 v3, v4;
	_ =	sdelay $0x1  }
0x5f0: {  	v3 =	vadd.s32 @!p0 v5, v3;
	_ =	sdelay $0x3  }
0x5f1: {  	vm1 =	vmmov @!p0 $0xffff;
	s14 =	simm.s32 @!p0 $0x0;
	s15 =	simm.s32 @!p0 $0x8000  }
0x5f2: {  	[tilespmem:s15], [sflag:$0x1] =	stream.indirect_vreg.gather @!p0 [hbm4b:s1+s14], $0x80, v3, vm1, $0xb8;
	[tilespmem:$0x18880] =	vst v63  }
0x5f3: {  	s15 =	simm.s32 @!p0 $0x8800  }
0x5f4: {  	[tilespmem:s15], [sflag:$0x1] =	stream.indirect_vreg.gather @!p0 [hbm4b:s7+s14], $0x80, v3, vm1, $0xb8;
	[tilespmem:$0x18880] =	vst v63  }
0x5f5: {  	s15 =	simm.s32 @!p0 $0x9000  }
0x5f6: {  	[tilespmem:s15], [sflag:$0x1] =	stream.indirect_vreg.gather @!p0 [hbm4b:s8+s14], $0x80, v3, vm1, $0xb8;
	[tilespmem:$0x18880] =	vst v63  }
0x5f7: {  	s15 =	simm.s32 @!p0 $0x9800  }
0x5f8: {  	[tilespmem:s15], [sflag:$0x1] =	stream.indirect_vreg.gather @!p0 [hbm4b:s9+s14], $0x80, v3, vm1, $0xb8;
	[tilespmem:$0x18880] =	vst v63  }
0x5f9: {  	v3 =	vld.msk @!p0 [tilespmem:s13+$0x4800], $0x1;
	_ =	sdelay $0x4  }
0x5fa: {  	v6 =	vshll.u32 @!p0 v3, $0x6  }
0x5fb: {  	v3 =	vand.u32 @!p0 $0x7, v3;
	v6 =	vand.u32 @!p0 $0xFFFFFE00, v6  }
0x5fc: {  	v3 =	vor.u32 @!p0 v3, v6  }
0x5fd: {  	v3 =	vperm.xlane @!p0 v3, v4;
	_ =	sdelay $0x1  }
0x5fe: {  	v3 =	vadd.s32 @!p0 v5, v3;
	_ =	sdelay $0x3  }
0x5ff: {  	s15 =	simm.s32 @!p0 $0x10000  }
0x600: {  	[tilespmem:s15], [sflag:$0x5] =	stream.indirect_vreg.gather @!p0 [hbm4b:s3+s14], $0x80, v3, vm1, $0xb8;
	[tilespmem:$0x18880] =	vst v63  }
0x601: {  	s15 =	simm.s32 @!p0 $0x10800  }
0x602: {  	[tilespmem:s15], [sflag:$0x5] =	stream.indirect_vreg.gather @!p0 [hbm4b:s10+s14], $0x80, v3, vm1, $0xb8;
	[tilespmem:$0x18880] =	vst v63  }
0x603: {  	s15 =	simm.s32 @!p0 $0x11000  }
0x604: {  	[tilespmem:s15], [sflag:$0x5] =	stream.indirect_vreg.gather @!p0 [hbm4b:s11+s14], $0x80, v3, vm1, $0xb8;
	[tilespmem:$0x18880] =	vst v63  }
0x605: {  	s15 =	simm.s32 @!p0 $0x11800  }
0x606: {  	[tilespmem:s15], [sflag:$0x5] =	stream.indirect_vreg.gather @!p0 [hbm4b:s12+s14], $0x80, v3, vm1, $0xb8;
	[tilespmem:$0x18880] =	vst v63  }
0x607: {  	_ =	swait.ge [sflag:s29], $0x2000  }
0x608: {  	[sflag:s29] =	ssyncset.done $0x0  }
0x609: {  	[sflag:s29] =	ssyncadd.s32 $0xFFFFE000  }
0x60a: {  	_ =	swait.ge [sflag:s30], $0x2000  }
0x60b: {  	[sflag:s30] =	ssyncset.done $0x0  }
0x60c: {  	s14 =	simm.s32 $0x0;
	[sflag:s30] =	ssyncadd.s32 $0xFFFFE000  }
0x60d: {  	v7 =	vld [tilespmem:s14+$0xA030]  }
0x60e: {  	v8 =	vld [tilespmem:s14+$0x12030]  }
0x60f: {  	v9 =	vld [tilespmem:s14+$0xA070]  }
0x610: {  	v13 =	vld [tilespmem:s14+$0x12070]  }
0x611: {  	v3 =	vld [tilespmem:s14+$0xA0B0]  }
0x612: {  	v4 =	vld [tilespmem:s14+$0x120B0]  }
0x613: {  	v15 =	vld [tilespmem:s14+$0xA020]  }
0x614: {  	v18 =	vld [tilespmem:s14+$0x12020]  }
0x615: {  	v19 =	vld [tilespmem:s14+$0xA060]  }
0x616: {  	v20 =	vld [tilespmem:s14+$0x12060]  }
0x617: {  	v5 =	vld [tilespmem:s14+$0xA0A0]  }
0x618: {  	v6 =	vld [tilespmem:s14+$0x120A0]  }
0x619: {  	v21 =	vld [tilespmem:s14+$0xA010]  }
0x61a: {  	v22 =	vld [tilespmem:s14+$0x12010]  }
0x61b: {  	v23 =	vld [tilespmem:s14+$0xA050]  }
0x61c: {  	v24 =	vld [tilespmem:s14+$0x12050]  }
0x61d: {  	v16 =	vld [tilespmem:s14+$0xA090]  }
0x61e: {  	v17 =	vld [tilespmem:s14+$0x12090]  }
0x61f: {  	v25 =	vld [tilespmem:s14+$0xA000]  }
0x620: {  	v26 =	vld [tilespmem:s14+$0x12000]  }
0x621: {  	v27 =	vld [tilespmem:s14+$0xA040]  }
0x622: {  	v29 =	vld [tilespmem:s14+$0x12040]  }
0x623: {  	v28 =	vld [tilespmem:s14+$0xA080]  }
0x624: {  	v14 =	vimm.f32 $0.0e+00;
	v30 =	vld [tilespmem:s14+$0x12080]  }
0x625: {  	v12 =	vimm.f32 $0.0e+00;
	v10 =	vimm.f32 $0.0e+00;
	v11 =	vimm.f32 $0.0e+00;
	s15 =	simm.s32 $0x400;
	v31 =	vld [tilespmem:s14+$0xA0C0]  }
.LBB2_29:
0x626: {  	p1 =	sne.s32 s15, $0x7C00;
	v32 =	vld [tilespmem:s14+$0x120C0]  }
0x627: {  	v33 =	vmul.f32 v8, v7;
	v34 =	vmul.f32 v13, v9;
	v8 =	vld [tilespmem:s14+$0xA0D0]  }
0x628: {  	v15 =	vmul.f32 v18, v15;
	v18 =	vmul.f32 v20, v19;
	v9 =	vld [tilespmem:s14+$0x120D0]  }
0x629: {  	v13 =	vmul.f32 v22, v21;
	v19 =	vmul.f32 v24, v23;
	v20 =	vld [tilespmem:s14+$0xA0E0]  }
0x62a: {  	v7 =	vmul.f32 v26, v25;
	v21 =	vmul.f32 v29, v27;
	v22 =	vld [tilespmem:s14+$0x120E0]  }
0x62b: {  	v23 =	vmul.f32 v30, v28;
	v24 =	vmul.f32 v32, v31;
	v25 =	vld [tilespmem:s14+$0xA0F0]  }
0x62c: {  	v16 =	vmul.f32 v17, v16;
	v12 =	vadd.f32 v7, v12;
	v14 =	vadd.f32 v21, v14;
	v17 =	vld [tilespmem:s14+$0x120F0];
	s14 =	sshra.s32 s15, $0x2  }
0x62d: {  	v10 =	vadd.f32 v23, v10;
	v7 =	vld [tilespmem:s14+$0xA030];
	v11 =	vadd.f32 v24, v11;
	v21 =	vmul.f32 v9, v8  }
0x62e: {  	v5 =	vmul.f32 v6, v5;
	v12 =	vadd.f32 v13, v12;
	v14 =	vadd.f32 v19, v14;
	v8 =	vld [tilespmem:s14+$0x12030]  }
0x62f: {  	v6 =	vadd.f32 v16, v10;
	v9 =	vld [tilespmem:s14+$0xA070];
	v10 =	vadd.f32 v21, v11;
	v11 =	vmul.f32 v22, v20  }
0x630: {  	v12 =	vadd.f32 v15, v12;
	v14 =	vadd.f32 v18, v14;
	v16 =	vmul.f32 v4, v3;
	v13 =	vld [tilespmem:s14+$0x12070]  }
0x631: {  	v5 =	vadd.f32 v5, v6;
	v3 =	vld [tilespmem:s14+$0xA0B0];
	v6 =	vadd.f32 v11, v10;
	v11 =	vmul.f32 v17, v25  }
0x632: {  	v12 =	vadd.f32 v33, v12;
	v14 =	vadd.f32 v34, v14;
	v4 =	vld [tilespmem:s14+$0x120B0]  }
0x633: {  	v10 =	vadd.f32 v16, v5;
	v15 =	vld [tilespmem:s14+$0xA020];
	v11 =	vadd.f32 v11, v6  }
0x634: {  	v18 =	vld [tilespmem:s14+$0x12020]  }
0x635: {  	v19 =	vld [tilespmem:s14+$0xA060]  }
0x636: {  	v20 =	vld [tilespmem:s14+$0x12060]  }
0x637: {  	v5 =	vld [tilespmem:s14+$0xA0A0]  }
0x638: {  	v6 =	vld [tilespmem:s14+$0x120A0]  }
0x639: {  	v21 =	vld [tilespmem:s14+$0xA010]  }
0x63a: {  	v22 =	vld [tilespmem:s14+$0x12010]  }
0x63b: {  	v23 =	vld [tilespmem:s14+$0xA050]  }
0x63c: {  	v24 =	vld [tilespmem:s14+$0x12050]  }
0x63d: {  	v16 =	vld [tilespmem:s14+$0xA090]  }
0x63e: {  	v17 =	vld [tilespmem:s14+$0x12090]  }
0x63f: {  	v25 =	vld [tilespmem:s14+$0xA000]  }
0x640: {  	v26 =	vld [tilespmem:s14+$0x12000]  }
.Ltmp13:
0x641: {  	v27 =	vld [tilespmem:s14+$0xA040];
	(pc) =	sbr.rel @p1 .LBB2_29-.Ltmp13, $4  }
0x642: {  	v29 =	vld [tilespmem:s14+$0x12040]  }
0x643: {  	v28 =	vld [tilespmem:s14+$0xA080]  }
0x644: {  	v30 =	vld [tilespmem:s14+$0x12080]  }
0x645: {  	s15 =	sadd.s32 $0x400, s15;
	v31 =	vld [tilespmem:s14+$0xA0C0]  }
0x646: {  	v32 =	vld [tilespmem:s14+$0x120C0];
	v7 =	vmul.f32 v8, v7  }
0x647: {  	v8 =	vmul.f32 v13, v9;
	v9 =	vld [tilespmem:s14+$0xA0D0];
	v13 =	vmul.f32 v18, v15  }
0x648: {  	v15 =	vmul.f32 v20, v19;
	v18 =	vld [tilespmem:s14+$0x120D0];
	v19 =	vmul.f32 v22, v21  }
0x649: {  	v20 =	vmul.f32 v24, v23;
	v21 =	vld [tilespmem:s14+$0xA0E0];
	v22 =	vmul.f32 v26, v25  }
0x64a: {  	v24 =	vld [tilespmem:s14+$0x120E0];
	v16 =	vmul.f32 v17, v16;
	v23 =	vmul.f32 v29, v27  }
0x64b: {  	v17 =	vld [tilespmem:s14+$0x120F0];
	v25 =	vmul.f32 v30, v28;
	v26 =	vmul.f32 v32, v31  }
0x64c: {  	v27 =	vld [tilespmem:s14+$0xA0F0];
	v12 =	vadd.f32 v22, v12;
	v14 =	vadd.f32 v23, v14  }
0x64d: {  	v10 =	vadd.f32 v25, v10;
	v9 =	vmul.f32 v18, v9;
	v11 =	vadd.f32 v26, v11  }
0x64e: {  	v5 =	vmul.f32 v6, v5;
	v12 =	vadd.f32 v19, v12;
	v14 =	vadd.f32 v20, v14  }
0x64f: {  	v6 =	vadd.f32 v16, v10;
	v10 =	vmul.f32 v24, v21;
	v9 =	vadd.f32 v9, v11  }
0x650: {  	v3 =	vmul.f32 v4, v3;
	v11 =	vadd.f32 v13, v12;
	v12 =	vadd.f32 v15, v14  }
0x651: {  	v4 =	vadd.f32 v5, v6;
	v6 =	vmul.f32 v17, v27;
	v5 =	vadd.f32 v10, v9  }
0x652: {  	v7 =	vadd.f32 v7, v11;
	v8 =	vadd.f32 v8, v12  }
0x653: {  	v3 =	vadd.f32 v3, v4;
	v4 =	vadd.f32 v6, v5;
	_ =	sdelay $0x1  }
0x654: {  	v5 =	vadd.f32 v8, v7;
	v3 =	vadd.f32 v4, v3;
	_ =	sdelay $0x1  }
0x655: {  	v3 =	vadd.f32 v3, v5;
	_ =	sdelay $0x1  }
0x656: {  	[tilespmem:$0x18700] =	vst v3  }
0x657: {  	v3 =	vld.msk @!p0 [tilespmem:s13+$0x880], $0x1;
	_ =	sdelay $0x4  }
0x658: {  	v4 =	vshll.u32 @!p0 v3, $0x6  }
0x659: {  	v3 =	vand.u32 @!p0 $0x7, v3;
	v4 =	vand.u32 @!p0 $0xFFFFFE00, v4  }
0x65a: {  	v5 =	vlaneseq.u32 @!p0;
	v3 =	vor.u32 @!p0 v3, v4;
	v4 =	vimm.s32 @!p0 $0x0  }
0x65b: {  	v5 =	vmul.u32 @!p0 $0x8, v5;
	v3 =	vperm.xlane @!p0 v3, v4;
	_ =	sdelay $0x1  }
0x65c: {  	v3 =	vadd.s32 @!p0 v5, v3;
	_ =	sdelay $0x3  }
0x65d: {  	s15 =	simm.s32 @!p0 $0xA000;
	s14 =	simm.s32 @!p0 $0x0  }
0x65e: {  	[tilespmem:s15], [sflag:$0x2] =	stream.indirect_vreg.gather @!p0 [hbm4b:s1+s14], $0x80, v3, vm1, $0xb8;
	[tilespmem:$0x18880] =	vst v63  }
0x65f: {  	s15 =	simm.s32 @!p0 $0xA800  }
0x660: {  	[tilespmem:s15], [sflag:$0x2] =	stream.indirect_vreg.gather @!p0 [hbm4b:s7+s14], $0x80, v3, vm1, $0xb8;
	[tilespmem:$0x18880] =	vst v63  }
0x661: {  	s15 =	simm.s32 @!p0 $0xB000  }
0x662: {  	[tilespmem:s15], [sflag:$0x2] =	stream.indirect_vreg.gather @!p0 [hbm4b:s8+s14], $0x80, v3, vm1, $0xb8;
	[tilespmem:$0x18880] =	vst v63  }
0x663: {  	s15 =	simm.s32 @!p0 $0xB800  }
0x664: {  	[tilespmem:s15], [sflag:$0x2] =	stream.indirect_vreg.gather @!p0 [hbm4b:s9+s14], $0x80, v3, vm1, $0xb8;
	[tilespmem:$0x18880] =	vst v63  }
0x665: {  	v3 =	vld.msk @!p0 [tilespmem:s13+$0x4880], $0x1;
	_ =	sdelay $0x4  }
0x666: {  	v6 =	vshll.u32 @!p0 v3, $0x6  }
0x667: {  	v3 =	vand.u32 @!p0 $0x7, v3;
	v6 =	vand.u32 @!p0 $0xFFFFFE00, v6  }
0x668: {  	v3 =	vor.u32 @!p0 v3, v6  }
0x669: {  	v3 =	vperm.xlane @!p0 v3, v4;
	_ =	sdelay $0x1  }
0x66a: {  	v3 =	vadd.s32 @!p0 v5, v3;
	_ =	sdelay $0x3  }
0x66b: {  	s15 =	simm.s32 @!p0 $0x12000  }
0x66c: {  	[tilespmem:s15], [sflag:$0x6] =	stream.indirect_vreg.gather @!p0 [hbm4b:s3+s14], $0x80, v3, vm1, $0xb8;
	[tilespmem:$0x18880] =	vst v63  }
0x66d: {  	s15 =	simm.s32 @!p0 $0x12800  }
0x66e: {  	[tilespmem:s15], [sflag:$0x6] =	stream.indirect_vreg.gather @!p0 [hbm4b:s10+s14], $0x80, v3, vm1, $0xb8;
	[tilespmem:$0x18880] =	vst v63  }
0x66f: {  	s15 =	simm.s32 @!p0 $0x13000  }
0x670: {  	[tilespmem:s15], [sflag:$0x6] =	stream.indirect_vreg.gather @!p0 [hbm4b:s11+s14], $0x80, v3, vm1, $0xb8;
	[tilespmem:$0x18880] =	vst v63  }
0x671: {  	s15 =	simm.s32 @!p0 $0x13800  }
0x672: {  	[tilespmem:s15], [sflag:$0x6] =	stream.indirect_vreg.gather @!p0 [hbm4b:s12+s14], $0x80, v3, vm1, $0xb8;
	[tilespmem:$0x18880] =	vst v63  }
0x673: {  	_ =	swait.ge [sflag:s31], $0x2000  }
0x674: {  	[sflag:s31] =	ssyncset.done $0x0  }
0x675: {  	[sflag:s31] =	ssyncadd.s32 $0xFFFFE000  }
0x676: {  	_ =	swait.ge [sflag:s2], $0x2000  }
0x677: {  	[sflag:s2] =	ssyncset.done $0x0  }
0x678: {  	s14 =	simm.s32 $0x0;
	[sflag:s2] =	ssyncadd.s32 $0xFFFFE000  }
0x679: {  	v7 =	vld [tilespmem:s14+$0xC030]  }
0x67a: {  	v8 =	vld [tilespmem:s14+$0x14030]  }
0x67b: {  	v9 =	vld [tilespmem:s14+$0xC070]  }
0x67c: {  	v13 =	vld [tilespmem:s14+$0x14070]  }
0x67d: {  	v3 =	vld [tilespmem:s14+$0xC0B0]  }
0x67e: {  	v4 =	vld [tilespmem:s14+$0x140B0]  }
0x67f: {  	v15 =	vld [tilespmem:s14+$0xC020]  }
0x680: {  	v18 =	vld [tilespmem:s14+$0x14020]  }
0x681: {  	v19 =	vld [tilespmem:s14+$0xC060]  }
0x682: {  	v20 =	vld [tilespmem:s14+$0x14060]  }
0x683: {  	v5 =	vld [tilespmem:s14+$0xC0A0]  }
0x684: {  	v6 =	vld [tilespmem:s14+$0x140A0]  }
0x685: {  	v21 =	vld [tilespmem:s14+$0xC010]  }
0x686: {  	v22 =	vld [tilespmem:s14+$0x14010]  }
0x687: {  	v23 =	vld [tilespmem:s14+$0xC050]  }
0x688: {  	v24 =	vld [tilespmem:s14+$0x14050]  }
0x689: {  	v16 =	vld [tilespmem:s14+$0xC090]  }
0x68a: {  	v17 =	vld [tilespmem:s14+$0x14090]  }
0x68b: {  	v25 =	vld [tilespmem:s14+$0xC000]  }
0x68c: {  	v26 =	vld [tilespmem:s14+$0x14000]  }
0x68d: {  	v27 =	vld [tilespmem:s14+$0xC040]  }
0x68e: {  	v29 =	vld [tilespmem:s14+$0x14040]  }
0x68f: {  	v28 =	vld [tilespmem:s14+$0xC080]  }
0x690: {  	v14 =	vimm.f32 $0.0e+00;
	v30 =	vld [tilespmem:s14+$0x14080]  }
0x691: {  	v12 =	vimm.f32 $0.0e+00;
	v10 =	vimm.f32 $0.0e+00;
	v11 =	vimm.f32 $0.0e+00;
	s15 =	simm.s32 $0x400;
	v31 =	vld [tilespmem:s14+$0xC0C0]  }
.LBB2_31:
0x692: {  	p1 =	sne.s32 s15, $0x7C00;
	v32 =	vld [tilespmem:s14+$0x140C0]  }
0x693: {  	v33 =	vmul.f32 v8, v7;
	v34 =	vmul.f32 v13, v9;
	v8 =	vld [tilespmem:s14+$0xC0D0]  }
0x694: {  	v15 =	vmul.f32 v18, v15;
	v18 =	vmul.f32 v20, v19;
	v9 =	vld [tilespmem:s14+$0x140D0]  }
0x695: {  	v13 =	vmul.f32 v22, v21;
	v19 =	vmul.f32 v24, v23;
	v20 =	vld [tilespmem:s14+$0xC0E0]  }
0x696: {  	v7 =	vmul.f32 v26, v25;
	v21 =	vmul.f32 v29, v27;
	v22 =	vld [tilespmem:s14+$0x140E0]  }
0x697: {  	v23 =	vmul.f32 v30, v28;
	v24 =	vmul.f32 v32, v31;
	v25 =	vld [tilespmem:s14+$0xC0F0]  }
0x698: {  	v16 =	vmul.f32 v17, v16;
	v12 =	vadd.f32 v7, v12;
	v14 =	vadd.f32 v21, v14;
	v17 =	vld [tilespmem:s14+$0x140F0];
	s14 =	sshra.s32 s15, $0x2  }
0x699: {  	v10 =	vadd.f32 v23, v10;
	v7 =	vld [tilespmem:s14+$0xC030];
	v11 =	vadd.f32 v24, v11;
	v21 =	vmul.f32 v9, v8  }
0x69a: {  	v5 =	vmul.f32 v6, v5;
	v12 =	vadd.f32 v13, v12;
	v14 =	vadd.f32 v19, v14;
	v8 =	vld [tilespmem:s14+$0x14030]  }
0x69b: {  	v6 =	vadd.f32 v16, v10;
	v9 =	vld [tilespmem:s14+$0xC070];
	v10 =	vadd.f32 v21, v11;
	v11 =	vmul.f32 v22, v20  }
0x69c: {  	v12 =	vadd.f32 v15, v12;
	v14 =	vadd.f32 v18, v14;
	v16 =	vmul.f32 v4, v3;
	v13 =	vld [tilespmem:s14+$0x14070]  }
0x69d: {  	v5 =	vadd.f32 v5, v6;
	v3 =	vld [tilespmem:s14+$0xC0B0];
	v6 =	vadd.f32 v11, v10;
	v11 =	vmul.f32 v17, v25  }
0x69e: {  	v12 =	vadd.f32 v33, v12;
	v14 =	vadd.f32 v34, v14;
	v4 =	vld [tilespmem:s14+$0x140B0]  }
0x69f: {  	v10 =	vadd.f32 v16, v5;
	v15 =	vld [tilespmem:s14+$0xC020];
	v11 =	vadd.f32 v11, v6  }
0x6a0: {  	v18 =	vld [tilespmem:s14+$0x14020]  }
0x6a1: {  	v19 =	vld [tilespmem:s14+$0xC060]  }
0x6a2: {  	v20 =	vld [tilespmem:s14+$0x14060]  }
0x6a3: {  	v5 =	vld [tilespmem:s14+$0xC0A0]  }
0x6a4: {  	v6 =	vld [tilespmem:s14+$0x140A0]  }
0x6a5: {  	v21 =	vld [tilespmem:s14+$0xC010]  }
0x6a6: {  	v22 =	vld [tilespmem:s14+$0x14010]  }
0x6a7: {  	v23 =	vld [tilespmem:s14+$0xC050]  }
0x6a8: {  	v24 =	vld [tilespmem:s14+$0x14050]  }
0x6a9: {  	v16 =	vld [tilespmem:s14+$0xC090]  }
0x6aa: {  	v17 =	vld [tilespmem:s14+$0x14090]  }
0x6ab: {  	v25 =	vld [tilespmem:s14+$0xC000]  }
0x6ac: {  	v26 =	vld [tilespmem:s14+$0x14000]  }
.Ltmp14:
0x6ad: {  	v27 =	vld [tilespmem:s14+$0xC040];
	(pc) =	sbr.rel @p1 .LBB2_31-.Ltmp14, $4  }
0x6ae: {  	v29 =	vld [tilespmem:s14+$0x14040]  }
0x6af: {  	v28 =	vld [tilespmem:s14+$0xC080]  }
0x6b0: {  	v30 =	vld [tilespmem:s14+$0x14080]  }
0x6b1: {  	s15 =	sadd.s32 $0x400, s15;
	v31 =	vld [tilespmem:s14+$0xC0C0]  }
0x6b2: {  	v32 =	vld [tilespmem:s14+$0x140C0];
	v7 =	vmul.f32 v8, v7  }
0x6b3: {  	v8 =	vmul.f32 v13, v9;
	v9 =	vld [tilespmem:s14+$0xC0D0];
	v13 =	vmul.f32 v18, v15  }
0x6b4: {  	v15 =	vmul.f32 v20, v19;
	v18 =	vld [tilespmem:s14+$0x140D0];
	v19 =	vmul.f32 v22, v21  }
0x6b5: {  	v20 =	vmul.f32 v24, v23;
	v21 =	vld [tilespmem:s14+$0xC0E0];
	v22 =	vmul.f32 v26, v25  }
0x6b6: {  	v24 =	vld [tilespmem:s14+$0x140E0];
	v16 =	vmul.f32 v17, v16;
	v23 =	vmul.f32 v29, v27  }
0x6b7: {  	v17 =	vld [tilespmem:s14+$0x140F0];
	v25 =	vmul.f32 v30, v28;
	v26 =	vmul.f32 v32, v31  }
0x6b8: {  	v27 =	vld [tilespmem:s14+$0xC0F0];
	v12 =	vadd.f32 v22, v12;
	v14 =	vadd.f32 v23, v14  }
0x6b9: {  	v10 =	vadd.f32 v25, v10;
	v9 =	vmul.f32 v18, v9;
	v11 =	vadd.f32 v26, v11  }
0x6ba: {  	v5 =	vmul.f32 v6, v5;
	v12 =	vadd.f32 v19, v12;
	v14 =	vadd.f32 v20, v14  }
0x6bb: {  	v6 =	vadd.f32 v16, v10;
	v10 =	vmul.f32 v24, v21;
	v9 =	vadd.f32 v9, v11  }
0x6bc: {  	v3 =	vmul.f32 v4, v3;
	v11 =	vadd.f32 v13, v12;
	v12 =	vadd.f32 v15, v14  }
0x6bd: {  	v4 =	vadd.f32 v5, v6;
	v6 =	vmul.f32 v17, v27;
	v5 =	vadd.f32 v10, v9  }
0x6be: {  	v7 =	vadd.f32 v7, v11;
	v8 =	vadd.f32 v8, v12  }
0x6bf: {  	v3 =	vadd.f32 v3, v4;
	v4 =	vadd.f32 v6, v5;
	_ =	sdelay $0x1  }
0x6c0: {  	v5 =	vadd.f32 v8, v7;
	v3 =	vadd.f32 v4, v3;
	_ =	sdelay $0x1  }
0x6c1: {  	v3 =	vadd.f32 v3, v5;
	_ =	sdelay $0x1  }
0x6c2: {  	[tilespmem:$0x18780] =	vst v3  }
0x6c3: {  	v3 =	vld.msk @!p0 [tilespmem:s13+$0x900], $0x1;
	_ =	sdelay $0x4  }
0x6c4: {  	v4 =	vshll.u32 @!p0 v3, $0x6  }
0x6c5: {  	v3 =	vand.u32 @!p0 $0x7, v3;
	v4 =	vand.u32 @!p0 $0xFFFFFE00, v4  }
0x6c6: {  	v5 =	vlaneseq.u32 @!p0;
	v3 =	vor.u32 @!p0 v3, v4;
	v4 =	vimm.s32 @!p0 $0x0  }
0x6c7: {  	v5 =	vmul.u32 @!p0 $0x8, v5;
	v3 =	vperm.xlane @!p0 v3, v4;
	_ =	sdelay $0x1  }
0x6c8: {  	v3 =	vadd.s32 @!p0 v5, v3;
	_ =	sdelay $0x3  }
0x6c9: {  	s15 =	simm.s32 @!p0 $0xC000;
	s14 =	simm.s32 @!p0 $0x0  }
0x6ca: {  	[tilespmem:s15], [sflag:$0x3] =	stream.indirect_vreg.gather @!p0 [hbm4b:s1+s14], $0x80, v3, vm1, $0xb8;
	[tilespmem:$0x18880] =	vst v63  }
0x6cb: {  	s15 =	simm.s32 @!p0 $0xC800  }
0x6cc: {  	[tilespmem:s15], [sflag:$0x3] =	stream.indirect_vreg.gather @!p0 [hbm4b:s7+s14], $0x80, v3, vm1, $0xb8;
	[tilespmem:$0x18880] =	vst v63  }
0x6cd: {  	s15 =	simm.s32 @!p0 $0xD000  }
0x6ce: {  	[tilespmem:s15], [sflag:$0x3] =	stream.indirect_vreg.gather @!p0 [hbm4b:s8+s14], $0x80, v3, vm1, $0xb8;
	[tilespmem:$0x18880] =	vst v63  }
0x6cf: {  	s15 =	simm.s32 @!p0 $0xD800  }
0x6d0: {  	[tilespmem:s15], [sflag:$0x3] =	stream.indirect_vreg.gather @!p0 [hbm4b:s9+s14], $0x80, v3, vm1, $0xb8;
	[tilespmem:$0x18880] =	vst v63  }
0x6d1: {  	v3 =	vld.msk @!p0 [tilespmem:s13+$0x4900], $0x1;
	_ =	sdelay $0x4  }
0x6d2: {  	v6 =	vshll.u32 @!p0 v3, $0x6  }
0x6d3: {  	v3 =	vand.u32 @!p0 $0x7, v3;
	v6 =	vand.u32 @!p0 $0xFFFFFE00, v6  }
0x6d4: {  	v3 =	vor.u32 @!p0 v3, v6  }
0x6d5: {  	v3 =	vperm.xlane @!p0 v3, v4;
	_ =	sdelay $0x1  }
0x6d6: {  	v3 =	vadd.s32 @!p0 v5, v3;
	_ =	sdelay $0x3  }
0x6d7: {  	s15 =	simm.s32 @!p0 $0x14000  }
0x6d8: {  	[tilespmem:s15], [sflag:$0x7] =	stream.indirect_vreg.gather @!p0 [hbm4b:s3+s14], $0x80, v3, vm1, $0xb8;
	[tilespmem:$0x18880] =	vst v63  }
0x6d9: {  	s15 =	simm.s32 @!p0 $0x14800  }
0x6da: {  	[tilespmem:s15], [sflag:$0x7] =	stream.indirect_vreg.gather @!p0 [hbm4b:s10+s14], $0x80, v3, vm1, $0xb8;
	[tilespmem:$0x18880] =	vst v63  }
0x6db: {  	s15 =	simm.s32 @!p0 $0x15000  }
0x6dc: {  	[tilespmem:s15], [sflag:$0x7] =	stream.indirect_vreg.gather @!p0 [hbm4b:s11+s14], $0x80, v3, vm1, $0xb8;
	[tilespmem:$0x18880] =	vst v63  }
0x6dd: {  	s15 =	simm.s32 @!p0 $0x15800  }
0x6de: {  	[tilespmem:s15], [sflag:$0x7] =	stream.indirect_vreg.gather @!p0 [hbm4b:s12+s14], $0x80, v3, vm1, $0xb8;
	[tilespmem:$0x18880] =	vst v63  }
0x6df: {  	_ =	swait.ge [sflag:s0], $0x2000  }
0x6e0: {  	[sflag:s0] =	ssyncset.done $0x0  }
0x6e1: {  	[sflag:s0] =	ssyncadd.s32 $0xFFFFE000  }
0x6e2: {  	_ =	swait.ge [sflag:s16], $0x2000  }
0x6e3: {  	[sflag:s16] =	ssyncset.done $0x0  }
0x6e4: {  	s14 =	simm.s32 $0x0;
	[sflag:s16] =	ssyncadd.s32 $0xFFFFE000  }
0x6e5: {  	v7 =	vld [tilespmem:s14+$0xE030]  }
0x6e6: {  	v8 =	vld [tilespmem:s14+$0x16030]  }
0x6e7: {  	v9 =	vld [tilespmem:s14+$0xE070]  }
0x6e8: {  	v13 =	vld [tilespmem:s14+$0x16070]  }
0x6e9: {  	v3 =	vld [tilespmem:s14+$0xE0B0]  }
0x6ea: {  	v4 =	vld [tilespmem:s14+$0x160B0]  }
0x6eb: {  	v15 =	vld [tilespmem:s14+$0xE020]  }
0x6ec: {  	v18 =	vld [tilespmem:s14+$0x16020]  }
0x6ed: {  	v19 =	vld [tilespmem:s14+$0xE060]  }
0x6ee: {  	v20 =	vld [tilespmem:s14+$0x16060]  }
0x6ef: {  	v5 =	vld [tilespmem:s14+$0xE0A0]  }
0x6f0: {  	v6 =	vld [tilespmem:s14+$0x160A0]  }
0x6f1: {  	v21 =	vld [tilespmem:s14+$0xE010]  }
0x6f2: {  	v22 =	vld [tilespmem:s14+$0x16010]  }
0x6f3: {  	v23 =	vld [tilespmem:s14+$0xE050]  }
0x6f4: {  	v24 =	vld [tilespmem:s14+$0x16050]  }
0x6f5: {  	v16 =	vld [tilespmem:s14+$0xE090]  }
0x6f6: {  	v17 =	vld [tilespmem:s14+$0x16090]  }
0x6f7: {  	v25 =	vld [tilespmem:s14+$0xE000]  }
0x6f8: {  	v26 =	vld [tilespmem:s14+$0x16000]  }
0x6f9: {  	v27 =	vld [tilespmem:s14+$0xE040]  }
0x6fa: {  	v29 =	vld [tilespmem:s14+$0x16040]  }
0x6fb: {  	v28 =	vld [tilespmem:s14+$0xE080]  }
0x6fc: {  	v14 =	vimm.f32 $0.0e+00;
	v30 =	vld [tilespmem:s14+$0x16080]  }
0x6fd: {  	v12 =	vimm.f32 $0.0e+00;
	v10 =	vimm.f32 $0.0e+00;
	v11 =	vimm.f32 $0.0e+00;
	s15 =	simm.s32 $0x400;
	v31 =	vld [tilespmem:s14+$0xE0C0]  }
.LBB2_33:
0x6fe: {  	p1 =	sne.s32 s15, $0x7C00;
	v32 =	vld [tilespmem:s14+$0x160C0]  }
0x6ff: {  	v33 =	vmul.f32 v8, v7;
	v34 =	vmul.f32 v13, v9;
	v8 =	vld [tilespmem:s14+$0xE0D0]  }
0x700: {  	v15 =	vmul.f32 v18, v15;
	v18 =	vmul.f32 v20, v19;
	v9 =	vld [tilespmem:s14+$0x160D0]  }
0x701: {  	v13 =	vmul.f32 v22, v21;
	v19 =	vmul.f32 v24, v23;
	v20 =	vld [tilespmem:s14+$0xE0E0]  }
0x702: {  	v7 =	vmul.f32 v26, v25;
	v21 =	vmul.f32 v29, v27;
	v22 =	vld [tilespmem:s14+$0x160E0]  }
0x703: {  	v23 =	vmul.f32 v30, v28;
	v24 =	vmul.f32 v32, v31;
	v25 =	vld [tilespmem:s14+$0xE0F0]  }
0x704: {  	v16 =	vmul.f32 v17, v16;
	v12 =	vadd.f32 v7, v12;
	v14 =	vadd.f32 v21, v14;
	v17 =	vld [tilespmem:s14+$0x160F0];
	s14 =	sshra.s32 s15, $0x2  }
0x705: {  	v10 =	vadd.f32 v23, v10;
	v7 =	vld [tilespmem:s14+$0xE030];
	v11 =	vadd.f32 v24, v11;
	v21 =	vmul.f32 v9, v8  }
0x706: {  	v5 =	vmul.f32 v6, v5;
	v12 =	vadd.f32 v13, v12;
	v14 =	vadd.f32 v19, v14;
	v8 =	vld [tilespmem:s14+$0x16030]  }
0x707: {  	v6 =	vadd.f32 v16, v10;
	v9 =	vld [tilespmem:s14+$0xE070];
	v10 =	vadd.f32 v21, v11;
	v11 =	vmul.f32 v22, v20  }
0x708: {  	v12 =	vadd.f32 v15, v12;
	v14 =	vadd.f32 v18, v14;
	v16 =	vmul.f32 v4, v3;
	v13 =	vld [tilespmem:s14+$0x16070]  }
0x709: {  	v5 =	vadd.f32 v5, v6;
	v3 =	vld [tilespmem:s14+$0xE0B0];
	v6 =	vadd.f32 v11, v10;
	v11 =	vmul.f32 v17, v25  }
0x70a: {  	v12 =	vadd.f32 v33, v12;
	v14 =	vadd.f32 v34, v14;
	v4 =	vld [tilespmem:s14+$0x160B0]  }
0x70b: {  	v10 =	vadd.f32 v16, v5;
	v15 =	vld [tilespmem:s14+$0xE020];
	v11 =	vadd.f32 v11, v6  }
0x70c: {  	v18 =	vld [tilespmem:s14+$0x16020]  }
0x70d: {  	v19 =	vld [tilespmem:s14+$0xE060]  }
0x70e: {  	v20 =	vld [tilespmem:s14+$0x16060]  }
0x70f: {  	v5 =	vld [tilespmem:s14+$0xE0A0]  }
0x710: {  	v6 =	vld [tilespmem:s14+$0x160A0]  }
0x711: {  	v21 =	vld [tilespmem:s14+$0xE010]  }
0x712: {  	v22 =	vld [tilespmem:s14+$0x16010]  }
0x713: {  	v23 =	vld [tilespmem:s14+$0xE050]  }
0x714: {  	v24 =	vld [tilespmem:s14+$0x16050]  }
0x715: {  	v16 =	vld [tilespmem:s14+$0xE090]  }
0x716: {  	v17 =	vld [tilespmem:s14+$0x16090]  }
0x717: {  	v25 =	vld [tilespmem:s14+$0xE000]  }
0x718: {  	v26 =	vld [tilespmem:s14+$0x16000]  }
.Ltmp15:
0x719: {  	v27 =	vld [tilespmem:s14+$0xE040];
	(pc) =	sbr.rel @p1 .LBB2_33-.Ltmp15, $4  }
0x71a: {  	v29 =	vld [tilespmem:s14+$0x16040]  }
0x71b: {  	v28 =	vld [tilespmem:s14+$0xE080]  }
0x71c: {  	v30 =	vld [tilespmem:s14+$0x16080]  }
0x71d: {  	s15 =	sadd.s32 $0x400, s15;
	v31 =	vld [tilespmem:s14+$0xE0C0]  }
0x71e: {  	v32 =	vld [tilespmem:s14+$0x160C0]  }
0x71f: {  	v7 =	vmul.f32 v8, v7;
	v55 =	vmul.f32 v13, v9;
	v56 =	vld [tilespmem:s14+$0xE0D0]  }
0x720: {  	v57 =	vmul.f32 v18, v15;
	v58 =	vmul.f32 v20, v19;
	v59 =	vld [tilespmem:s14+$0x160D0]  }
0x721: {  	v60 =	vmul.f32 v22, v21;
	v61 =	vmul.f32 v24, v23;
	v62 =	vld [tilespmem:s14+$0xE0E0]  }
0x722: {  	v63 =	vmul.f32 v26, v25;
	v34 =	vld [tilespmem:s14+$0x160E0];
	v33 =	vmul.f32 v29, v27  }
0x723: {  	v37 =	vld [tilespmem:s14+$0xE0F0];
	v35 =	vmul.f32 v30, v28;
	v36 =	vmul.f32 v32, v31  }
0x724: {  	v16 =	vmul.f32 v17, v16;
	v38 =	vld [tilespmem:s14+$0x160F0];
	v12 =	vadd.f32 v63, v12;
	v14 =	vadd.f32 v33, v14  }
0x725: {  	v10 =	vadd.f32 v35, v10;
	v9 =	vmul.f32 v59, v56;
	v11 =	vadd.f32 v36, v11  }
0x726: {  	v5 =	vmul.f32 v6, v5;
	v12 =	vadd.f32 v60, v12;
	v14 =	vadd.f32 v61, v14  }
0x727: {  	v40 =	vmul.f32 v34, v62;
	v39 =	vadd.f32 v16, v10;
	v9 =	vadd.f32 v9, v11  }
0x728: {  	v3 =	vmul.f32 v4, v3;
	v41 =	vadd.f32 v57, v12;
	v42 =	vadd.f32 v58, v14  }
0x729: {  	v45 =	vmul.f32 v38, v37;
	v43 =	vadd.f32 v5, v39;
	v44 =	vadd.f32 v40, v9  }
0x72a: {  	v7 =	vadd.f32 v7, v41;
	v8 =	vadd.f32 v55, v42  }
0x72b: {  	v3 =	vadd.f32 v3, v43;
	v46 =	vadd.f32 v45, v44;
	_ =	sdelay $0x1  }
0x72c: {  	v47 =	vadd.f32 v8, v7;
	v3 =	vadd.f32 v46, v3;
	_ =	sdelay $0x1  }
0x72d: {  	v3 =	vadd.f32 v3, v47;
	_ =	sdelay $0x1  }
0x72e: {  	[tilespmem:$0x18800] =	vst v3  }
0x72f: {  	v3 =	vld.msk @!p0 [tilespmem:s13+$0x980], $0x1;
	_ =	sdelay $0x4  }
0x730: {  	v4 =	vshll.u32 @!p0 v3, $0x6  }
0x731: {  	v3 =	vand.u32 @!p0 $0x7, v3;
	v4 =	vand.u32 @!p0 $0xFFFFFE00, v4  }
0x732: {  	v5 =	vlaneseq.u32 @!p0;
	v3 =	vor.u32 @!p0 v3, v4;
	v4 =	vimm.s32 @!p0 $0x0  }
0x733: {  	v5 =	vmul.u32 @!p0 $0x8, v5;
	v3 =	vperm.xlane @!p0 v3, v4;
	_ =	sdelay $0x1  }
0x734: {  	v3 =	vadd.s32 @!p0 v5, v3;
	_ =	sdelay $0x3  }
0x735: {  	s14 =	simm.s32 @!p0 $0x0;
	s15 =	simm.s32 @!p0 $0xE000  }
0x736: {  	[tilespmem:s15], [sflag:$0x4] =	stream.indirect_vreg.gather @!p0 [hbm4b:s1+s14], $0x80, v3, vm1, $0xb8;
	[tilespmem:$0x18880] =	vst v63  }
0x737: {  	s15 =	simm.s32 @!p0 $0xE800  }
0x738: {  	[tilespmem:s15], [sflag:$0x4] =	stream.indirect_vreg.gather @!p0 [hbm4b:s7+s14], $0x80, v3, vm1, $0xb8;
	[tilespmem:$0x18880] =	vst v63  }
0x739: {  	s15 =	simm.s32 @!p0 $0xF000  }
0x73a: {  	[tilespmem:s15], [sflag:$0x4] =	stream.indirect_vreg.gather @!p0 [hbm4b:s8+s14], $0x80, v3, vm1, $0xb8;
	[tilespmem:$0x18880] =	vst v63  }
0x73b: {  	s15 =	simm.s32 @!p0 $0xF800  }
0x73c: {  	[tilespmem:s15], [sflag:$0x4] =	stream.indirect_vreg.gather @!p0 [hbm4b:s9+s14], $0x80, v3, vm1, $0xb8;
	[tilespmem:$0x18880] =	vst v63  }
0x73d: {  	v3 =	vld.msk @!p0 [tilespmem:s13+$0x4980], $0x1;
	_ =	sdelay $0x4  }
0x73e: {  	v6 =	vshll.u32 @!p0 v3, $0x6  }
0x73f: {  	v3 =	vand.u32 @!p0 $0x7, v3;
	v6 =	vand.u32 @!p0 $0xFFFFFE00, v6  }
0x740: {  	v3 =	vor.u32 @!p0 v3, v6  }
0x741: {  	v3 =	vperm.xlane @!p0 v3, v4;
	_ =	sdelay $0x1  }
0x742: {  	v3 =	vadd.s32 @!p0 v5, v3;
	_ =	sdelay $0x3  }
0x743: {  	s13 =	simm.s32 @!p0 $0x16000  }
0x744: {  	[tilespmem:s13], [sflag:$0x8] =	stream.indirect_vreg.gather @!p0 [hbm4b:s3+s14], $0x80, v3, vm1, $0xb8;
	[tilespmem:$0x18880] =	vst v63  }
0x745: {  	v48 =	vmul.u32 $0x80, v0;
	s13 =	simm.s32 @!p0 $0x16800  }
0x746: {  	[tilespmem:s13], [sflag:$0x8] =	stream.indirect_vreg.gather @!p0 [hbm4b:s10+s14], $0x80, v3, vm1, $0xb8;
	[tilespmem:$0x18880] =	vst v63  }
0x747: {  	s13 =	simm.s32 @!p0 $0x17000  }
0x748: {  	v49 =	vor.u32 $0x1, v48;
	[tilespmem:s13], [sflag:$0x8] =	stream.indirect_vreg.gather @!p0 [hbm4b:s11+s14], $0x80, v3, vm1, $0xb8;
	[tilespmem:$0x18880] =	vst v63  }
0x749: {  	s13 =	simm.s32 @!p0 $0x17800  }
0x74a: {  	[tilespmem:s13], [sflag:$0x8] =	stream.indirect_vreg.gather @!p0 [hbm4b:s12+s14], $0x80, v3, vm1, $0xb8;
	v3 =	vor.u32 $0x2, v48;
	[tilespmem:$0x18880] =	vst v63  }
0x74b: {  	v50 =	vld.idx.msk [tilespmem:v48+s5+$0x0], $0xffff  }
0x74c: {  	v51 =	vor.u32 $0x3, v48  }
0x74d: {  	v5 =	vld.idx.msk [tilespmem:v49+s5+$0x0], $0xffff  }
0x74e: {  	v52 =	vor.u32 $0x4, v48  }
0x74f: {  	v3 =	vld.idx.msk [tilespmem:v3+s5+$0x0], $0xffff  }
0x750: {  	v53 =	vor.u32 $0x5, v48;
	v6 =	vadd.f32 $0.0e+00, v50  }
0x751: {  	v7 =	vld.idx.msk [tilespmem:v51+s5+$0x0], $0xffff  }
0x752: {  	v54 =	vor.u32 $0x6, v48;
	v5 =	vadd.f32 v5, v6  }
0x753: {  	v8 =	vld.idx.msk [tilespmem:v52+s5+$0x0], $0xffff  }
0x754: {  	v55 =	vor.u32 $0x7, v48;
	v3 =	vadd.f32 v3, v5  }
0x755: {  	v9 =	vld.idx.msk [tilespmem:v53+s5+$0x0], $0xffff  }
0x756: {  	v56 =	vor.u32 $0x8, v48;
	v3 =	vadd.f32 v7, v3  }
0x757: {  	v6 =	vld.idx.msk [tilespmem:v54+s5+$0x0], $0xffff  }
0x758: {  	v57 =	vor.u32 $0x9, v48;
	v3 =	vadd.f32 v8, v3  }
0x759: {  	v5 =	vld.idx.msk [tilespmem:v55+s5+$0x0], $0xffff  }
0x75a: {  	v58 =	vor.u32 $0xA, v48;
	v3 =	vadd.f32 v9, v3  }
0x75b: {  	v7 =	vld.idx.msk [tilespmem:v56+s5+$0x0], $0xffff  }
0x75c: {  	v59 =	vor.u32 $0xB, v48;
	v3 =	vadd.f32 v6, v3  }
0x75d: {  	v8 =	vld.idx.msk [tilespmem:v57+s5+$0x0], $0xffff  }
0x75e: {  	v60 =	vor.u32 $0xC, v48;
	v3 =	vadd.f32 v5, v3  }
0x75f: {  	v9 =	vld.idx.msk [tilespmem:v58+s5+$0x0], $0xffff  }
0x760: {  	v61 =	vor.u32 $0xD, v48;
	v3 =	vadd.f32 v7, v3  }
0x761: {  	v6 =	vld.idx.msk [tilespmem:v59+s5+$0x0], $0xffff  }
0x762: {  	v62 =	vor.u32 $0xE, v48;
	v3 =	vadd.f32 v8, v3  }
0x763: {  	v5 =	vld.idx.msk [tilespmem:v60+s5+$0x0], $0xffff  }
0x764: {  	v4 =	vor.u32 $0xF, v48;
	v3 =	vadd.f32 v9, v3  }
0x765: {  	v7 =	vld.idx.msk [tilespmem:v61+s5+$0x0], $0xffff  }
0x766: {  	v3 =	vadd.f32 v6, v3  }
0x767: {  	v63 =	vld.idx.msk [tilespmem:v62+s5+$0x0], $0xffff  }
0x768: {  	v3 =	vadd.f32 v5, v3  }
0x769: {  	v4 =	vld.idx.msk [tilespmem:v4+s5+$0x0], $0xffff  }
0x76a: {  	s15 =	sshll.u32 s6, $0x4;
	s6 =	sadd.s32 $0x1, s6;
	v3 =	vadd.f32 v7, v3  }
0x76b: {  	p0 =	sne.s32 s6, $0x8  }
.Ltmp16:
0x76c: {  	v3 =	vadd.f32 v63, v3;
	(pc) =	sbr.rel @p0 .LBB2_2-.Ltmp16, $4  }
0x76d: {  	_ = 	snop  }
0x76e: {  	v3 =	vadd.f32 v4, v3  }
0x76f: {  	s13 =	sand.u32 $0x3FFFFFF0, s15  }
0x770: {  	[tilespmem:s13+$0x18000] =	vst v3  }
0x771: {  	s13 =	simm.s32 $0x0;
	s6 =	rddreg [dreg:$0x7];
	s14 =	simm.s32 $0x18000  }
0x772: {  	[hbm4b:s6+s13] =	stream.linear.scatter [tilespmem:s14], [sflag:$0x9], $0x80, $0x38;
	[tilespmem:$0x18880] =	vst v63  }
0x773: {  	s14 =	simm.s32 $0x9  }
0x774: {  	_ =	swait.ge [sflag:s14], $0x80  }
0x775: {  	s15 =	rddreg [dreg:$0x9]  }
0x776: {  	s6 =	rddreg [dreg:$0x8];
	s15 =	sadd.s32 $0x1, s15  }
0x777: {  	p0 =	sne.s32 s15, s6  }
.Ltmp17:
0x778: {  	_ = 	snop;
	(pc) =	sbr.rel @p0 .LBB2_1-.Ltmp17, $3  }
0x779: {  	_ =	sdelay $0x1  }
0x77a: {  	[sflag:s14] =	ssyncset.done $0x0  }
0x77b: {  	[sflag:s14] =	ssyncadd.s32 $0xFFFFFF80  }
0x77c: {  	_ =	sfence.sel $0x180000  }
0x77d: {  	[bflag:$0x0] =	sbarrier.arrive $0xFFFF  }
0x77e: {  	_ =	strace $0x90000047  }
0x77f: {  	s0 =	stileid.u32;
	[bflag:$0x2] =	sbarrier.arrive $0xFFFF  }
0x780: {  	p0 =	sne.s32 s0, $0x0;
	s0 =	rddreg [dreg:$0x4]  }
0x781: {  	s0 =	sadd.s32 @!p0 $0x100000, s0  }
0x782: {  	[sflag:s0] =	ssyncadd.tile.s32 @!p0 $0x1;
	_ =	shalt  }
.Lfunc_end2:
_tile_overlayer_lowered:
.L_overlay_start_2:
0x783: {  	(tag) =	ssettag $0x2  }
0x784: {  	s0 =	rddreg [dreg:$0x0];
	s2 =	stileid.u32  }
0x785: {  	s1 =	rddreg [dreg:$0x1];
	p0 =	sne.s32 s2, $0x0  }
0x786: {  	s3 =	rddreg [dreg:$0x2];
	[bflag:$0x3] =	sbarrier.arrive $0xFFFF;
	s2 =	simm.s32 @!p0 $0x1C09  }
0x787: {  	[timem:s3], [sflag:s2] =	dma.local @!p0 [hbm:s0], s1  }
0x788: {  	s0 =	simm.s32 @!p0 $0x9  }
0x789: {  	_ =	swait.ge @!p0 [sflag:s0], s1  }
0x78a: {  	s1 =	ssub.s32 @!p0 $0x0, s1;
	[sflag:s0] =	ssyncset.done @!p0 $0x0  }
0x78b: {  	[sflag:s0] =	ssyncadd.s32 @!p0 s1  }
0x78c: {  	[bflag:$0x3] =	sbarrier.arrive $0xFFFF  }
0x78d: {  	_ =	shalt  }

</sc_bundles>
